<compile_context>
chip_gen: v7x
topology: tpu7x:2x2x1
jax: 0.10.2.dev20260603
libtpu: 0.0.44.dev20260713+nightly
codegen_flags: <defaults>
</compile_context>

<pallas_src>
import functools

import jax
import jax.numpy as jnp
from jax import lax
from jax.experimental import pallas as pl
from jax.experimental.pallas import tpu as pltpu
from jax.experimental.pallas import tpu_sc as plsc

_NUM_CORES = 2
_NUM_SUBCORES = 16
_LANES = 16
_NW = _NUM_CORES * _NUM_SUBCORES


def _index_body(d_ref, o_ref):
    d = d_ref[0]
    m = d.shape[-1]
    cs = jnp.sum(d, axis=0, keepdims=True)
    w = lax.broadcasted_iota(jnp.int32, (1, m), 1).astype(jnp.float32)
    s1 = jnp.sum(cs * w)
    s0 = jnp.sum(cs)
    scale = (s1 / s0) / jnp.float32(0.5 * m)
    idx = (scale * w).astype(jnp.int32)
    o_ref[0] = jnp.clip(idx, 0, m - 1)


def _compute_indices(distance):
    b, l, m = distance.shape
    out = pl.pallas_call(
        _index_body,
        grid=(b,),
        in_specs=[pl.BlockSpec((1, l, m), lambda i: (i, 0, 0))],
        out_specs=pl.BlockSpec((1, 1, m), lambda i: (i, 0, 0)),
        out_shape=jax.ShapeDtypeStruct((b, 1, m), jnp.int32),
    )(distance)
    return out.reshape(b * m)


def _make_sc_gather(B, L, M, R):
    rows_per_w = L // _NW
    cpb = rows_per_w // R
    nch = B * cpb
    csz = R * M

    mesh = plsc.VectorSubcoreMesh(
        core_axis_name="c", subcore_axis_name="s",
        num_cores=_NUM_CORES, num_subcores=_NUM_SUBCORES)

    @functools.partial(
        pl.kernel,
        mesh=mesh,
        compiler_params=pltpu.CompilerParams(needs_layout_passes=False),
        out_type=jax.ShapeDtypeStruct((B * L, M), jnp.float32),
        scratch_types=[
            pltpu.VMEM((B * M,), jnp.int32),
            pltpu.VMEM((R, M), jnp.float32),
            pltpu.VMEM((R, M), jnp.float32),
            pltpu.VMEM((R, M), jnp.float32),
            pltpu.VMEM((R, M), jnp.float32),
            pltpu.SemaphoreType.DMA,
            pltpu.SemaphoreType.DMA,
            pltpu.SemaphoreType.DMA,
            pltpu.SemaphoreType.DMA,
        ],
    )
    def sc_gather(d_hbm, idx_hbm, out_hbm, idx_v, in0, in1, out0, out1,
                  si0, si1, so0, so1):
        wid = lax.axis_index("s") * _NUM_CORES + lax.axis_index("c")
        row_base = wid * rows_per_w

        def chunk_off(t):
            bt = t // cpb
            ct = t % cpb
            return bt * L + row_base + ct * R

        def start_in(t, buf, sem):
            pltpu.make_async_copy(
                d_hbm.at[pl.ds(chunk_off(t), R)], buf, sem).start()

        def wait_in(t, buf, sem):
            pltpu.make_async_copy(
                d_hbm.at[pl.ds(chunk_off(t), R)], buf, sem).wait()

        def start_out(t, buf, sem):
            pltpu.make_async_copy(
                buf, out_hbm.at[pl.ds(chunk_off(t), R)], sem).start()

        def wait_out(t, buf, sem):
            pltpu.make_async_copy(
                buf, out_hbm.at[pl.ds(chunk_off(t), R)], sem).wait()

        pltpu.sync_copy(idx_hbm, idx_v)

        start_in(0, in0, si0)

        def do_chunk(t, inb, outb):
            bt = t // cpb
            ibase = bt * M

            def g_body(g4, carry):
                grp = 8
                for gg in range(4):
                    g = g4 * 4 + gg
                    col = idx_v[pl.ds(ibase + g * _LANES, _LANES)]
                    for r0 in range(0, R, grp):
                        vs = []
                        for r in range(r0, r0 + grp):
                            row = jnp.full((_LANES,), r, jnp.int32)
                            vs.append(plsc.load_gather(inb, [row, col]))
                        for i, r in enumerate(range(r0, r0 + grp)):
                            outb[r, pl.ds(g * _LANES, _LANES)] = vs[i]
                return carry

            lax.fori_loop(0, M // (4 * _LANES), g_body, 0)

        def loop_body(t, carry):
            def phase(inb, outb, sin, sout, nxt_in, nxt_sin):
                @pl.when(t >= 2)
                def _():
                    wait_out(t - 2, outb, sout)

                @pl.when(t + 1 < nch)
                def _():
                    start_in(t + 1, nxt_in, nxt_sin)

                wait_in(t, inb, sin)
                do_chunk(t, inb, outb)
                start_out(t, outb, sout)

            @pl.when(t % 2 == 0)
            def _():
                phase(in0, out0, si0, so0, in1, si1)

            @pl.when(t % 2 == 1)
            def _():
                phase(in1, out1, si1, so1, in0, si0)

            return carry

        lax.fori_loop(0, nch, loop_body, 0)
        wait_out(nch - 2, out0, so0)
        wait_out(nch - 1, out1, so1)

    return sc_gather


def kernel(distance):
    original_shape = distance.shape
    d3 = distance.reshape(-1, original_shape[-2], original_shape[-1])
    B, L, M = d3.shape
    idx_flat = _compute_indices(d3)
    gather = _make_sc_gather(B, L, M, R=32)
    out_flat = gather(d3.reshape(B * L, M), idx_flat)
    return out_flat.reshape(original_shape)

# --- scband reference (transcript-rebuilt; emitter-appended) ---
"""Pipeline reference for scband-distance-norm-86535001079919 (READ-ONLY COPY).

The authoritative reference and input builder live on the scoring server;
editing this copy changes nothing except your own understanding.
"""

import jax, jax.numpy as jnp
import numpy as np


def setup_inputs(seed: int = 0) -> dict:
    key = jax.random.key(seed)
    distance = jax.random.uniform(key, (8, 4096, 512), dtype=jnp.float32)
    return {"distance": distance}


def reference(distance):
    original_shape = distance.shape
    data_length = original_shape[-2]
    max_distance = original_shape[-1]
    range_max_distance = jnp.arange(max_distance, dtype=jnp.float32)
    d = distance.reshape(-1, data_length, max_distance)
    # sum over the data_length axis -> (B, max_distance)
    max_distance_sum = jnp.sum(d, axis=-2)
    # weighted mean distance per batch row -> (B,)
    mean_distance = jnp.sum(max_distance_sum * range_max_distance, axis=-1)
    mean_distance = mean_distance / jnp.sum(max_distance_sum, axis=-1)
    scales = mean_distance / (0.5 * jnp.float32(max_distance))
    # (B, max_distance) float indices
    new_indices = scales[:, None] * range_max_distance[None, :]
    new_indices = jnp.clip(new_indices.astype(jnp.int32), 0, max_distance)
    # broadcast over data_length: (B, L, max_distance)
    idx = jnp.broadcast_to(new_indices[:, None, :], d.shape)
    # tf.gather_nd(distance, indices, batch_dims=2) == index last dim per (b, l)
    normed_distance = jnp.take_along_axis(d, idx, axis=-1, mode="clip")
    return normed_distance.reshape(original_shape)

if __name__ == "__main__":
    import jax
    _d = setup_inputs()
    print(jax.jit(kernel)(*tuple(_d.values())))

</pallas_src>

<mosaic_0001>
#map = affine_map<(d0, d1) -> (0, 0)>
#map1 = affine_map<(d0, d1) -> (0)>
module attributes {stable_mosaic.version = 14 : i64} {
  func.func @sc_gather(%arg0: i32, %arg1: i32, %arg2: memref<32768x512xf32, #tpu.memory_space<hbm>>, %arg3: memref<4096xi32, #tpu.memory_space<hbm>>, %arg4: memref<32768x512xf32, #tpu.memory_space<hbm>>, %arg5: memref<4096xi32, #tpu.memory_space<vmem>>, %arg6: memref<32x512xf32, #tpu.memory_space<vmem>>, %arg7: memref<32x512xf32, #tpu.memory_space<vmem>>, %arg8: memref<32x512xf32, #tpu.memory_space<vmem>>, %arg9: memref<32x512xf32, #tpu.memory_space<vmem>>, %arg10: memref<!tpu.dma_semaphore, #tpu.memory_space<semaphore_mem>>, %arg11: memref<!tpu.dma_semaphore, #tpu.memory_space<semaphore_mem>>, %arg12: memref<!tpu.dma_semaphore, #tpu.memory_space<semaphore_mem>>, %arg13: memref<!tpu.dma_semaphore, #tpu.memory_space<semaphore_mem>>) attributes {dimension_semantics = [#tpu.dimension_semantics<core_parallel>, #tpu.dimension_semantics<subcore_parallel>], iteration_bounds = array<i64: 2, 16>, scalar_prefetch = 0 : i64, scratch_operands = 9 : i64, tpu.core_type = #tpu.core_type<sc_vector_subcore>, window_params = [{transform_indices = #map}, {transform_indices = #map1}, {transform_indices = #map}]} {
    %mul3A = arith.constant 2 : i32
    %mul3A_0 = arith.muli %arg1, %mul3A : i32
    %add3A = arith.addi %mul3A_0, %arg0 : i32
    %mul3A_1 = arith.constant 128 : i32
    %mul3A_2 = arith.muli %add3A, %mul3A_1 : i32
    "tpu.region"() ({
      %run_scoped3A = tpu.sem_alloc : memref<!tpu.dma_semaphore, #tpu.memory_space<semaphore_mem>>
      tpu.enqueue_dma source(%arg3 : memref<4096xi32, #tpu.memory_space<hbm>>) target(%arg5 : memref<4096xi32, #tpu.memory_space<vmem>>) target_semaphore(%run_scoped3A : memref<!tpu.dma_semaphore, #tpu.memory_space<semaphore_mem>>)
      tpu.wait_dma2 semaphore(%run_scoped3A : memref<!tpu.dma_semaphore, #tpu.memory_space<semaphore_mem>>) src(%arg3 : memref<4096xi32, #tpu.memory_space<hbm>>) dst(%arg5 : memref<4096xi32, #tpu.memory_space<vmem>>)
      tpu.yield
    }) : () -> ()
    %add3A_3 = arith.constant 0 : i32
    %add3A_4 = arith.addi %add3A_3, %mul3A_2 : i32
    %add3A_5 = arith.constant 0 : i32
    %add3A_6 = arith.addi %add3A_4, %add3A_5 : i32
    %dma_start3A = arith.constant 0 : i32
    %dma_start3A_7 = tpu.memref_slice %arg2[%add3A_6, %dma_start3A] : memref<32768x512xf32, #tpu.memory_space<hbm>> -> memref<32x512xf32, #tpu.memory_space<hbm>>
    %dma_start3A_8 = arith.constant 0 : i32
    %dma_start3A_9 = tpu.memref_slice %arg2[%add3A_6, %dma_start3A_8] : memref<32768x512xf32, #tpu.memory_space<hbm>> -> memref<32x512xf32, #tpu.memory_space<hbm>>
    tpu.enqueue_dma source(%dma_start3A_9 : memref<32x512xf32, #tpu.memory_space<hbm>>) target(%arg6 : memref<32x512xf32, #tpu.memory_space<vmem>>) target_semaphore(%arg10 : memref<!tpu.dma_semaphore, #tpu.memory_space<semaphore_mem>>)
    %scan3A = arith.constant 0 : i32
    %scan3A_10 = arith.constant 0 : i32
    %scan3A_11 = arith.constant 32 : i32
    %scan3A_12 = arith.addi %scan3A_10, %scan3A_11 : i32
    %scan3A_13 = arith.constant 1 : i32
    scf.for %scan3A_30 = %scan3A_10 to %scan3A_12 step %scan3A_13  : i32 {
      %jit3A = arith.constant 2 : i32
      %eq3A = arith.constant 0 : i32
      %eq3A_31 = arith.cmpi eq, %jit3A, %eq3A : i32
      %jit3A_32 = arith.constant 1 : i32
      %select_n3A = arith.select %eq3A_31, %jit3A_32, %jit3A : i32
      %rem3A = arith.remsi %scan3A_30, %select_n3A : i32
      %ne3A = arith.constant 0 : i32
      %ne3A_33 = arith.cmpi ne, %rem3A, %ne3A : i32
      %lt3A = arith.constant 0 : i32
      %lt3A_34 = arith.cmpi slt, %rem3A, %lt3A : i32
      %lt3A_35 = arith.constant 0 : i32
      %lt3A_36 = arith.cmpi slt, %select_n3A, %lt3A_35 : i32
      %ne3A_37 = arith.xori %lt3A_34, %lt3A_36 : i1
      %and3A = arith.andi %ne3A_37, %ne3A_33 : i1
      %add3A_38 = arith.addi %rem3A, %select_n3A : i32
      %select_n3A_39 = arith.select %and3A, %add3A_38, %rem3A : i32
      %eq3A_40 = arith.constant 0 : i32
      %eq3A_41 = arith.cmpi eq, %select_n3A_39, %eq3A_40 : i32
      %convert_element_type3A = arith.extui %eq3A_41 : i1 to i32
      %cond3A = arith.constant 0 : i32
      %cond3A_42 = arith.cmpi ne, %convert_element_type3A, %cond3A : i32
      scf.if %cond3A_42 {
        %ge3A = arith.constant 2 : i32
        %ge3A_64 = arith.cmpi sge, %scan3A_30, %ge3A : i32
        %convert_element_type3A_65 = arith.extui %ge3A_64 : i1 to i32
        %cond3A_66 = arith.constant 0 : i32
        %cond3A_67 = arith.cmpi ne, %convert_element_type3A_65, %cond3A_66 : i32
        scf.if %cond3A_67 {
          %sub3A_204 = arith.constant 2 : i32
          %sub3A_205 = arith.subi %scan3A_30, %sub3A_204 : i32
          %jit3A_206 = arith.constant 4 : i32
          %div3A_207 = arith.divsi %sub3A_205, %jit3A_206 : i32
          %sign3A_208 = arith.constant 0 : i32
          %sign3A_209 = arith.cmpi sgt, %sub3A_205, %sign3A_208 : i32
          %sign3A_210 = arith.extui %sign3A_209 : i1 to i32
          %sign3A_211 = arith.constant 0 : i32
          %sign3A_212 = arith.cmpi slt, %sub3A_205, %sign3A_211 : i32
          %sign3A_213 = arith.extui %sign3A_212 : i1 to i32
          %sign3A_214 = arith.subi %sign3A_210, %sign3A_213 : i32
          %sign3A_215 = arith.constant 0 : i32
          %sign3A_216 = arith.cmpi sgt, %jit3A_206, %sign3A_215 : i32
          %sign3A_217 = arith.extui %sign3A_216 : i1 to i32
          %sign3A_218 = arith.constant 0 : i32
          %sign3A_219 = arith.cmpi slt, %jit3A_206, %sign3A_218 : i32
          %sign3A_220 = arith.extui %sign3A_219 : i1 to i32
          %sign3A_221 = arith.subi %sign3A_217, %sign3A_220 : i32
          %ne3A_222 = arith.cmpi ne, %sign3A_214, %sign3A_221 : i32
          %rem3A_223 = arith.remsi %sub3A_205, %jit3A_206 : i32
          %ne3A_224 = arith.constant 0 : i32
          %ne3A_225 = arith.cmpi ne, %rem3A_223, %ne3A_224 : i32
          %and3A_226 = arith.andi %ne3A_222, %ne3A_225 : i1
          %sub3A_227 = arith.constant 1 : i32
          %sub3A_228 = arith.subi %div3A_207, %sub3A_227 : i32
          %select_n3A_229 = arith.select %and3A_226, %sub3A_228, %div3A_207 : i32
          %jit3A_230 = arith.constant 4 : i32
          %eq3A_231 = arith.constant 0 : i32
          %eq3A_232 = arith.cmpi eq, %jit3A_230, %eq3A_231 : i32
          %jit3A_233 = arith.constant 1 : i32
          %select_n3A_234 = arith.select %eq3A_232, %jit3A_233, %jit3A_230 : i32
          %rem3A_235 = arith.remsi %sub3A_205, %select_n3A_234 : i32
          %ne3A_236 = arith.constant 0 : i32
          %ne3A_237 = arith.cmpi ne, %rem3A_235, %ne3A_236 : i32
          %lt3A_238 = arith.constant 0 : i32
          %lt3A_239 = arith.cmpi slt, %rem3A_235, %lt3A_238 : i32
          %lt3A_240 = arith.constant 0 : i32
          %lt3A_241 = arith.cmpi slt, %select_n3A_234, %lt3A_240 : i32
          %ne3A_242 = arith.xori %lt3A_239, %lt3A_241 : i1
          %and3A_243 = arith.andi %ne3A_242, %ne3A_237 : i1
          %add3A_244 = arith.addi %rem3A_235, %select_n3A_234 : i32
          %select_n3A_245 = arith.select %and3A_243, %add3A_244, %rem3A_235 : i32
          %mul3A_246 = arith.constant 4096 : i32
          %mul3A_247 = arith.muli %select_n3A_229, %mul3A_246 : i32
          %add3A_248 = arith.addi %mul3A_247, %mul3A_2 : i32
          %mul3A_249 = arith.constant 32 : i32
          %mul3A_250 = arith.muli %select_n3A_245, %mul3A_249 : i32
          %add3A_251 = arith.addi %add3A_248, %mul3A_250 : i32
          %dma_wait3A_252 = arith.constant 0 : i32
          %dma_wait3A_253 = tpu.memref_slice %arg4[%add3A_251, %dma_wait3A_252] : memref<32768x512xf32, #tpu.memory_space<hbm>> -> memref<32x512xf32, #tpu.memory_space<hbm>>
          %dma_wait3A_254 = arith.constant 0 : i32
          %dma_wait3A_255 = tpu.memref_slice %arg4[%add3A_251, %dma_wait3A_254] : memref<32768x512xf32, #tpu.memory_space<hbm>> -> memref<32x512xf32, #tpu.memory_space<hbm>>
          tpu.wait_dma2 semaphore(%arg12 : memref<!tpu.dma_semaphore, #tpu.memory_space<semaphore_mem>>) src(%arg8 : memref<32x512xf32, #tpu.memory_space<vmem>>) dst(%dma_wait3A_255 : memref<32x512xf32, #tpu.memory_space<hbm>>)
        } else {
        }
        %add3A_68 = arith.constant 1 : i32
        %add3A_69 = arith.addi %scan3A_30, %add3A_68 : i32
        %lt3A_70 = arith.constant 32 : i32
        %lt3A_71 = arith.cmpi slt, %add3A_69, %lt3A_70 : i32
        %convert_element_type3A_72 = arith.extui %lt3A_71 : i1 to i32
        %cond3A_73 = arith.constant 0 : i32
        %cond3A_74 = arith.cmpi ne, %convert_element_type3A_72, %cond3A_73 : i32
        scf.if %cond3A_74 {
          %add3A_204 = arith.constant 1 : i32
          %add3A_205 = arith.addi %scan3A_30, %add3A_204 : i32
          %jit3A_206 = arith.constant 4 : i32
          %div3A_207 = arith.divsi %add3A_205, %jit3A_206 : i32
          %sign3A_208 = arith.constant 0 : i32
          %sign3A_209 = arith.cmpi sgt, %add3A_205, %sign3A_208 : i32
          %sign3A_210 = arith.extui %sign3A_209 : i1 to i32
          %sign3A_211 = arith.constant 0 : i32
          %sign3A_212 = arith.cmpi slt, %add3A_205, %sign3A_211 : i32
          %sign3A_213 = arith.extui %sign3A_212 : i1 to i32
          %sign3A_214 = arith.subi %sign3A_210, %sign3A_213 : i32
          %sign3A_215 = arith.constant 0 : i32
          %sign3A_216 = arith.cmpi sgt, %jit3A_206, %sign3A_215 : i32
          %sign3A_217 = arith.extui %sign3A_216 : i1 to i32
          %sign3A_218 = arith.constant 0 : i32
          %sign3A_219 = arith.cmpi slt, %jit3A_206, %sign3A_218 : i32
          %sign3A_220 = arith.extui %sign3A_219 : i1 to i32
          %sign3A_221 = arith.subi %sign3A_217, %sign3A_220 : i32
          %ne3A_222 = arith.cmpi ne, %sign3A_214, %sign3A_221 : i32
          %rem3A_223 = arith.remsi %add3A_205, %jit3A_206 : i32
          %ne3A_224 = arith.constant 0 : i32
          %ne3A_225 = arith.cmpi ne, %rem3A_223, %ne3A_224 : i32
          %and3A_226 = arith.andi %ne3A_222, %ne3A_225 : i1
          %sub3A_227 = arith.constant 1 : i32
          %sub3A_228 = arith.subi %div3A_207, %sub3A_227 : i32
          %select_n3A_229 = arith.select %and3A_226, %sub3A_228, %div3A_207 : i32
          %jit3A_230 = arith.constant 4 : i32
          %eq3A_231 = arith.constant 0 : i32
          %eq3A_232 = arith.cmpi eq, %jit3A_230, %eq3A_231 : i32
          %jit3A_233 = arith.constant 1 : i32
          %select_n3A_234 = arith.select %eq3A_232, %jit3A_233, %jit3A_230 : i32
          %rem3A_235 = arith.remsi %add3A_205, %select_n3A_234 : i32
          %ne3A_236 = arith.constant 0 : i32
          %ne3A_237 = arith.cmpi ne, %rem3A_235, %ne3A_236 : i32
          %lt3A_238 = arith.constant 0 : i32
          %lt3A_239 = arith.cmpi slt, %rem3A_235, %lt3A_238 : i32
          %lt3A_240 = arith.constant 0 : i32
          %lt3A_241 = arith.cmpi slt, %select_n3A_234, %lt3A_240 : i32
          %ne3A_242 = arith.xori %lt3A_239, %lt3A_241 : i1
          %and3A_243 = arith.andi %ne3A_242, %ne3A_237 : i1
          %add3A_244 = arith.addi %rem3A_235, %select_n3A_234 : i32
          %select_n3A_245 = arith.select %and3A_243, %add3A_244, %rem3A_235 : i32
          %mul3A_246 = arith.constant 4096 : i32
          %mul3A_247 = arith.muli %select_n3A_229, %mul3A_246 : i32
          %add3A_248 = arith.addi %mul3A_247, %mul3A_2 : i32
          %mul3A_249 = arith.constant 32 : i32
          %mul3A_250 = arith.muli %select_n3A_245, %mul3A_249 : i32
          %add3A_251 = arith.addi %add3A_248, %mul3A_250 : i32
          %dma_start3A_252 = arith.constant 0 : i32
          %dma_start3A_253 = tpu.memref_slice %arg2[%add3A_251, %dma_start3A_252] : memref<32768x512xf32, #tpu.memory_space<hbm>> -> memref<32x512xf32, #tpu.memory_space<hbm>>
          %dma_start3A_254 = arith.constant 0 : i32
          %dma_start3A_255 = tpu.memref_slice %arg2[%add3A_251, %dma_start3A_254] : memref<32768x512xf32, #tpu.memory_space<hbm>> -> memref<32x512xf32, #tpu.memory_space<hbm>>
          tpu.enqueue_dma source(%dma_start3A_255 : memref<32x512xf32, #tpu.memory_space<hbm>>) target(%arg7 : memref<32x512xf32, #tpu.memory_space<vmem>>) target_semaphore(%arg11 : memref<!tpu.dma_semaphore, #tpu.memory_space<semaphore_mem>>)
        } else {
        }
        %jit3A_75 = arith.constant 4 : i32
        %div3A = arith.divsi %scan3A_30, %jit3A_75 : i32
        %sign3A = arith.constant 0 : i32
        %sign3A_76 = arith.cmpi sgt, %scan3A_30, %sign3A : i32
        %sign3A_77 = arith.extui %sign3A_76 : i1 to i32
        %sign3A_78 = arith.constant 0 : i32
        %sign3A_79 = arith.cmpi slt, %scan3A_30, %sign3A_78 : i32
        %sign3A_80 = arith.extui %sign3A_79 : i1 to i32
        %sign3A_81 = arith.subi %sign3A_77, %sign3A_80 : i32
        %sign3A_82 = arith.constant 0 : i32
        %sign3A_83 = arith.cmpi sgt, %jit3A_75, %sign3A_82 : i32
        %sign3A_84 = arith.extui %sign3A_83 : i1 to i32
        %sign3A_85 = arith.constant 0 : i32
        %sign3A_86 = arith.cmpi slt, %jit3A_75, %sign3A_85 : i32
        %sign3A_87 = arith.extui %sign3A_86 : i1 to i32
        %sign3A_88 = arith.subi %sign3A_84, %sign3A_87 : i32
        %ne3A_89 = arith.cmpi ne, %sign3A_81, %sign3A_88 : i32
        %rem3A_90 = arith.remsi %scan3A_30, %jit3A_75 : i32
        %ne3A_91 = arith.constant 0 : i32
        %ne3A_92 = arith.cmpi ne, %rem3A_90, %ne3A_91 : i32
        %and3A_93 = arith.andi %ne3A_89, %ne3A_92 : i1
        %sub3A = arith.constant 1 : i32
        %sub3A_94 = arith.subi %div3A, %sub3A : i32
        %select_n3A_95 = arith.select %and3A_93, %sub3A_94, %div3A : i32
        %jit3A_96 = arith.constant 4 : i32
        %eq3A_97 = arith.constant 0 : i32
        %eq3A_98 = arith.cmpi eq, %jit3A_96, %eq3A_97 : i32
        %jit3A_99 = arith.constant 1 : i32
        %select_n3A_100 = arith.select %eq3A_98, %jit3A_99, %jit3A_96 : i32
        %rem3A_101 = arith.remsi %scan3A_30, %select_n3A_100 : i32
        %ne3A_102 = arith.constant 0 : i32
        %ne3A_103 = arith.cmpi ne, %rem3A_101, %ne3A_102 : i32
        %lt3A_104 = arith.constant 0 : i32
        %lt3A_105 = arith.cmpi slt, %rem3A_101, %lt3A_104 : i32
        %lt3A_106 = arith.constant 0 : i32
        %lt3A_107 = arith.cmpi slt, %select_n3A_100, %lt3A_106 : i32
        %ne3A_108 = arith.xori %lt3A_105, %lt3A_107 : i1
        %and3A_109 = arith.andi %ne3A_108, %ne3A_103 : i1
        %add3A_110 = arith.addi %rem3A_101, %select_n3A_100 : i32
        %select_n3A_111 = arith.select %and3A_109, %add3A_110, %rem3A_101 : i32
        %mul3A_112 = arith.constant 4096 : i32
        %mul3A_113 = arith.muli %select_n3A_95, %mul3A_112 : i32
        %add3A_114 = arith.addi %mul3A_113, %mul3A_2 : i32
        %mul3A_115 = arith.constant 32 : i32
        %mul3A_116 = arith.muli %select_n3A_111, %mul3A_115 : i32
        %add3A_117 = arith.addi %add3A_114, %mul3A_116 : i32
        %dma_wait3A_118 = arith.constant 0 : i32
        %dma_wait3A_119 = tpu.memref_slice %arg2[%add3A_117, %dma_wait3A_118] : memref<32768x512xf32, #tpu.memory_space<hbm>> -> memref<32x512xf32, #tpu.memory_space<hbm>>
        %dma_wait3A_120 = arith.constant 0 : i32
        %dma_wait3A_121 = tpu.memref_slice %arg2[%add3A_117, %dma_wait3A_120] : memref<32768x512xf32, #tpu.memory_space<hbm>> -> memref<32x512xf32, #tpu.memory_space<hbm>>
        tpu.wait_dma2 semaphore(%arg10 : memref<!tpu.dma_semaphore, #tpu.memory_space<semaphore_mem>>) src(%dma_wait3A_121 : memref<32x512xf32, #tpu.memory_space<hbm>>) dst(%arg6 : memref<32x512xf32, #tpu.memory_space<vmem>>)
        %jit3A_122 = arith.constant 4 : i32
        %div3A_123 = arith.divsi %scan3A_30, %jit3A_122 : i32
        %sign3A_124 = arith.constant 0 : i32
        %sign3A_125 = arith.cmpi sgt, %scan3A_30, %sign3A_124 : i32
        %sign3A_126 = arith.extui %sign3A_125 : i1 to i32
        %sign3A_127 = arith.constant 0 : i32
        %sign3A_128 = arith.cmpi slt, %scan3A_30, %sign3A_127 : i32
        %sign3A_129 = arith.extui %sign3A_128 : i1 to i32
        %sign3A_130 = arith.subi %sign3A_126, %sign3A_129 : i32
        %sign3A_131 = arith.constant 0 : i32
        %sign3A_132 = arith.cmpi sgt, %jit3A_122, %sign3A_131 : i32
        %sign3A_133 = arith.extui %sign3A_132 : i1 to i32
        %sign3A_134 = arith.constant 0 : i32
        %sign3A_135 = arith.cmpi slt, %jit3A_122, %sign3A_134 : i32
        %sign3A_136 = arith.extui %sign3A_135 : i1 to i32
        %sign3A_137 = arith.subi %sign3A_133, %sign3A_136 : i32
        %ne3A_138 = arith.cmpi ne, %sign3A_130, %sign3A_137 : i32
        %rem3A_139 = arith.remsi %scan3A_30, %jit3A_122 : i32
        %ne3A_140 = arith.constant 0 : i32
        %ne3A_141 = arith.cmpi ne, %rem3A_139, %ne3A_140 : i32
        %and3A_142 = arith.andi %ne3A_138, %ne3A_141 : i1
        %sub3A_143 = arith.constant 1 : i32
        %sub3A_144 = arith.subi %div3A_123, %sub3A_143 : i32
        %select_n3A_145 = arith.select %and3A_142, %sub3A_144, %div3A_123 : i32
        %mul3A_146 = arith.constant 512 : i32
        %mul3A_147 = arith.muli %select_n3A_145, %mul3A_146 : i32
        %scan3A_148 = arith.constant 0 : i32
        %scan3A_149 = arith.constant 0 : i32
        %scan3A_150 = arith.constant 8 : i32
        %scan3A_151 = arith.addi %scan3A_149, %scan3A_150 : i32
        %scan3A_152 = arith.constant 1 : i32
        scf.for %scan3A_204 = %scan3A_149 to %scan3A_151 step %scan3A_152  : i32 {
          %mul3A_205 = arith.constant 4 : i32
          %mul3A_206 = arith.muli %scan3A_204, %mul3A_205 : i32
          %add3A_207 = arith.constant 0 : i32
          %add3A_208 = arith.addi %mul3A_206, %add3A_207 : i32
          %mul3A_209 = arith.constant 16 : i32
          %mul3A_210 = arith.muli %add3A_208, %mul3A_209 : i32
          %add3A_211 = arith.addi %mul3A_147, %mul3A_210 : i32
          %get3A = arith.index_cast %add3A_211 : i32 to index
          %get3A_212 = tpu.vector_load %arg5[%get3A] {strides = array<i32>} : memref<4096xi32, #tpu.memory_space<vmem>>, vector<16xi32>,
          %broadcast_in_dim3A = arith.constant 0 : i32
          %broadcast_in_dim3A_213 = vector.broadcast %broadcast_in_dim3A : i32 to vector<16xi32>
          %gather3A = tpu.vector_load_idx %arg6[%broadcast_in_dim3A_213, %get3A_212] : memref<32x512xf32, #tpu.memory_space<vmem>>[vector<16xi32>, vector<16xi32>], vector<16xf32>,
          %broadcast_in_dim3A_214 = arith.constant 1 : i32
          %broadcast_in_dim3A_215 = vector.broadcast %broadcast_in_dim3A_214 : i32 to vector<16xi32>
          %gather3A_216 = tpu.vector_load_idx %arg6[%broadcast_in_dim3A_215, %get3A_212] : memref<32x512xf32, #tpu.memory_space<vmem>>[vector<16xi32>, vector<16xi32>], vector<16xf32>,
          %broadcast_in_dim3A_217 = arith.constant 2 : i32
          %broadcast_in_dim3A_218 = vector.broadcast %broadcast_in_dim3A_217 : i32 to vector<16xi32>
          %gather3A_219 = tpu.vector_load_idx %arg6[%broadcast_in_dim3A_218, %get3A_212] : memref<32x512xf32, #tpu.memory_space<vmem>>[vector<16xi32>, vector<16xi32>], vector<16xf32>,
          %broadcast_in_dim3A_220 = arith.constant 3 : i32
          %broadcast_in_dim3A_221 = vector.broadcast %broadcast_in_dim3A_220 : i32 to vector<16xi32>
          %gather3A_222 = tpu.vector_load_idx %arg6[%broadcast_in_dim3A_221, %get3A_212] : memref<32x512xf32, #tpu.memory_space<vmem>>[vector<16xi32>, vector<16xi32>], vector<16xf32>,
          %broadcast_in_dim3A_223 = arith.constant 4 : i32
          %broadcast_in_dim3A_224 = vector.broadcast %broadcast_in_dim3A_223 : i32 to vector<16xi32>
          %gather3A_225 = tpu.vector_load_idx %arg6[%broadcast_in_dim3A_224, %get3A_212] : memref<32x512xf32, #tpu.memory_space<vmem>>[vector<16xi32>, vector<16xi32>], vector<16xf32>,
          %broadcast_in_dim3A_226 = arith.constant 5 : i32
          %broadcast_in_dim3A_227 = vector.broadcast %broadcast_in_dim3A_226 : i32 to vector<16xi32>
          %gather3A_228 = tpu.vector_load_idx %arg6[%broadcast_in_dim3A_227, %get3A_212] : memref<32x512xf32, #tpu.memory_space<vmem>>[vector<16xi32>, vector<16xi32>], vector<16xf32>,
          %broadcast_in_dim3A_229 = arith.constant 6 : i32
          %broadcast_in_dim3A_230 = vector.broadcast %broadcast_in_dim3A_229 : i32 to vector<16xi32>
          %gather3A_231 = tpu.vector_load_idx %arg6[%broadcast_in_dim3A_230, %get3A_212] : memref<32x512xf32, #tpu.memory_space<vmem>>[vector<16xi32>, vector<16xi32>], vector<16xf32>,
          %broadcast_in_dim3A_232 = arith.constant 7 : i32
          %broadcast_in_dim3A_233 = vector.broadcast %broadcast_in_dim3A_232 : i32 to vector<16xi32>
          %gather3A_234 = tpu.vector_load_idx %arg6[%broadcast_in_dim3A_233, %get3A_212] : memref<32x512xf32, #tpu.memory_space<vmem>>[vector<16xi32>, vector<16xi32>], vector<16xf32>,
          %mul3A_235 = arith.constant 16 : i32
          %mul3A_236 = arith.muli %add3A_208, %mul3A_235 : i32
          %swap3A = arith.constant 0 : i32
          %swap3A_237 = arith.index_cast %swap3A : i32 to index
          %swap3A_238 = arith.index_cast %mul3A_236 : i32 to index
          %swap3A_239 = tpu.vector_load %arg8[%swap3A_237, %swap3A_238] {strides = array<i32>} : memref<32x512xf32, #tpu.memory_space<vmem>>, vector<16xf32>,
          tpu.vector_store %arg8[%swap3A_237, %swap3A_238], %gather3A {strides = array<i32>} : memref<32x512xf32, #tpu.memory_space<vmem>>, vector<16xf32>,
          %mul3A_240 = arith.constant 16 : i32
          %mul3A_241 = arith.muli %add3A_208, %mul3A_240 : i32
          %swap3A_242 = arith.constant 1 : i32
          %swap3A_243 = arith.index_cast %swap3A_242 : i32 to index
          %swap3A_244 = arith.index_cast %mul3A_241 : i32 to index
          %swap3A_245 = tpu.vector_load %arg8[%swap3A_243, %swap3A_244] {strides = array<i32>} : memref<32x512xf32, #tpu.memory_space<vmem>>, vector<16xf32>,
          tpu.vector_store %arg8[%swap3A_243, %swap3A_244], %gather3A_216 {strides = array<i32>} : memref<32x512xf32, #tpu.memory_space<vmem>>, vector<16xf32>,
          %mul3A_246 = arith.constant 16 : i32
          %mul3A_247 = arith.muli %add3A_208, %mul3A_246 : i32
          %swap3A_248 = arith.constant 2 : i32
          %swap3A_249 = arith.index_cast %swap3A_248 : i32 to index
          %swap3A_250 = arith.index_cast %mul3A_247 : i32 to index
          %swap3A_251 = tpu.vector_load %arg8[%swap3A_249, %swap3A_250] {strides = array<i32>} : memref<32x512xf32, #tpu.memory_space<vmem>>, vector<16xf32>,
          tpu.vector_store %arg8[%swap3A_249, %swap3A_250], %gather3A_219 {strides = array<i32>} : memref<32x512xf32, #tpu.memory_space<vmem>>, vector<16xf32>,
          %mul3A_252 = arith.constant 16 : i32
          %mul3A_253 = arith.muli %add3A_208, %mul3A_252 : i32
          %swap3A_254 = arith.constant 3 : i32
          %swap3A_255 = arith.index_cast %swap3A_254 : i32 to index
          %swap3A_256 = arith.index_cast %mul3A_253 : i32 to index
          %swap3A_257 = tpu.vector_load %arg8[%swap3A_255, %swap3A_256] {strides = array<i32>} : memref<32x512xf32, #tpu.memory_space<vmem>>, vector<16xf32>,
          tpu.vector_store %arg8[%swap3A_255, %swap3A_256], %gather3A_222 {strides = array<i32>} : memref<32x512xf32, #tpu.memory_space<vmem>>, vector<16xf32>,
          %mul3A_258 = arith.constant 16 : i32
          %mul3A_259 = arith.muli %add3A_208, %mul3A_258 : i32
          %swap3A_260 = arith.constant 4 : i32
          %swap3A_261 = arith.index_cast %swap3A_260 : i32 to index
          %swap3A_262 = arith.index_cast %mul3A_259 : i32 to index
          %swap3A_263 = tpu.vector_load %arg8[%swap3A_261, %swap3A_262] {strides = array<i32>} : memref<32x512xf32, #tpu.memory_space<vmem>>, vector<16xf32>,
          tpu.vector_store %arg8[%swap3A_261, %swap3A_262], %gather3A_225 {strides = array<i32>} : memref<32x512xf32, #tpu.memory_space<vmem>>, vector<16xf32>,
          %mul3A_264 = arith.constant 16 : i32
          %mul3A_265 = arith.muli %add3A_208, %mul3A_264 : i32
          %swap3A_266 = arith.constant 5 : i32
          %swap3A_267 = arith.index_cast %swap3A_266 : i32 to index
          %swap3A_268 = arith.index_cast %mul3A_265 : i32 to index
          %swap3A_269 = tpu.vector_load %arg8[%swap3A_267, %swap3A_268] {strides = array<i32>} : memref<32x512xf32, #tpu.memory_space<vmem>>, vector<16xf32>,
          tpu.vector_store %arg8[%swap3A_267, %swap3A_268], %gather3A_228 {strides = array<i32>} : memref<32x512xf32, #tpu.memory_space<vmem>>, vector<16xf32>,
          %mul3A_270 = arith.constant 16 : i32
          %mul3A_271 = arith.muli %add3A_208, %mul3A_270 : i32
          %swap3A_272 = arith.constant 6 : i32
          %swap3A_273 = arith.index_cast %swap3A_272 : i32 to index
          %swap3A_274 = arith.index_cast %mul3A_271 : i32 to index
          %swap3A_275 = tpu.vector_load %arg8[%swap3A_273, %swap3A_274] {strides = array<i32>} : memref<32x512xf32, #tpu.memory_space<vmem>>, vector<16xf32>,
          tpu.vector_store %arg8[%swap3A_273, %swap3A_274], %gather3A_231 {strides = array<i32>} : memref<32x512xf32, #tpu.memory_space<vmem>>, vector<16xf32>,
          %mul3A_276 = arith.constant 16 : i32
          %mul3A_277 = arith.muli %add3A_208, %mul3A_276 : i32
          %swap3A_278 = arith.constant 7 : i32
          %swap3A_279 = arith.index_cast %swap3A_278 : i32 to index
          %swap3A_280 = arith.index_cast %mul3A_277 : i32 to index
          %swap3A_281 = tpu.vector_load %arg8[%swap3A_279, %swap3A_280] {strides = array<i32>} : memref<32x512xf32, #tpu.memory_space<vmem>>, vector<16xf32>,
          tpu.vector_store %arg8[%swap3A_279, %swap3A_280], %gather3A_234 {strides = array<i32>} : memref<32x512xf32, #tpu.memory_space<vmem>>, vector<16xf32>,
          %broadcast_in_dim3A_282 = arith.constant 8 : i32
          %broadcast_in_dim3A_283 = vector.broadcast %broadcast_in_dim3A_282 : i32 to vector<16xi32>
          %gather3A_284 = tpu.vector_load_idx %arg6[%broadcast_in_dim3A_283, %get3A_212] : memref<32x512xf32, #tpu.memory_space<vmem>>[vector<16xi32>, vector<16xi32>], vector<16xf32>,
          %broadcast_in_dim3A_285 = arith.constant 9 : i32
          %broadcast_in_dim3A_286 = vector.broadcast %broadcast_in_dim3A_285 : i32 to vector<16xi32>
          %gather3A_287 = tpu.vector_load_idx %arg6[%broadcast_in_dim3A_286, %get3A_212] : memref<32x512xf32, #tpu.memory_space<vmem>>[vector<16xi32>, vector<16xi32>], vector<16xf32>,
          %broadcast_in_dim3A_288 = arith.constant 10 : i32
          %broadcast_in_dim3A_289 = vector.broadcast %broadcast_in_dim3A_288 : i32 to vector<16xi32>
          %gather3A_290 = tpu.vector_load_idx %arg6[%broadcast_in_dim3A_289, %get3A_212] : memref<32x512xf32, #tpu.memory_space<vmem>>[vector<16xi32>, vector<16xi32>], vector<16xf32>,
          %broadcast_in_dim3A_291 = arith.constant 11 : i32
          %broadcast_in_dim3A_292 = vector.broadcast %broadcast_in_dim3A_291 : i32 to vector<16xi32>
          %gather3A_293 = tpu.vector_load_idx %arg6[%broadcast_in_dim3A_292, %get3A_212] : memref<32x512xf32, #tpu.memory_space<vmem>>[vector<16xi32>, vector<16xi32>], vector<16xf32>,
          %broadcast_in_dim3A_294 = arith.constant 12 : i32
          %broadcast_in_dim3A_295 = vector.broadcast %broadcast_in_dim3A_294 : i32 to vector<16xi32>
          %gather3A_296 = tpu.vector_load_idx %arg6[%broadcast_in_dim3A_295, %get3A_212] : memref<32x512xf32, #tpu.memory_space<vmem>>[vector<16xi32>, vector<16xi32>], vector<16xf32>,
          %broadcast_in_dim3A_297 = arith.constant 13 : i32
          %broadcast_in_dim3A_298 = vector.broadcast %broadcast_in_dim3A_297 : i32 to vector<16xi32>
          %gather3A_299 = tpu.vector_load_idx %arg6[%broadcast_in_dim3A_298, %get3A_212] : memref<32x512xf32, #tpu.memory_space<vmem>>[vector<16xi32>, vector<16xi32>], vector<16xf32>,
          %broadcast_in_dim3A_300 = arith.constant 14 : i32
          %broadcast_in_dim3A_301 = vector.broadcast %broadcast_in_dim3A_300 : i32 to vector<16xi32>
          %gather3A_302 = tpu.vector_load_idx %arg6[%broadcast_in_dim3A_301, %get3A_212] : memref<32x512xf32, #tpu.memory_space<vmem>>[vector<16xi32>, vector<16xi32>], vector<16xf32>,
          %broadcast_in_dim3A_303 = arith.constant 15 : i32
          %broadcast_in_dim3A_304 = vector.broadcast %broadcast_in_dim3A_303 : i32 to vector<16xi32>
          %gather3A_305 = tpu.vector_load_idx %arg6[%broadcast_in_dim3A_304, %get3A_212] : memref<32x512xf32, #tpu.memory_space<vmem>>[vector<16xi32>, vector<16xi32>], vector<16xf32>,
          %mul3A_306 = arith.constant 16 : i32
          %mul3A_307 = arith.muli %add3A_208, %mul3A_306 : i32
          %swap3A_308 = arith.constant 8 : i32
          %swap3A_309 = arith.index_cast %swap3A_308 : i32 to index
          %swap3A_310 = arith.index_cast %mul3A_307 : i32 to index
          %swap3A_311 = tpu.vector_load %arg8[%swap3A_309, %swap3A_310] {strides = array<i32>} : memref<32x512xf32, #tpu.memory_space<vmem>>, vector<16xf32>,
          tpu.vector_store %arg8[%swap3A_309, %swap3A_310], %gather3A_284 {strides = array<i32>} : memref<32x512xf32, #tpu.memory_space<vmem>>, vector<16xf32>,
          %mul3A_312 = arith.constant 16 : i32
          %mul3A_313 = arith.muli %add3A_208, %mul3A_312 : i32
          %swap3A_314 = arith.constant 9 : i32
          %swap3A_315 = arith.index_cast %swap3A_314 : i32 to index
          %swap3A_316 = arith.index_cast %mul3A_313 : i32 to index
          %swap3A_317 = tpu.vector_load %arg8[%swap3A_315, %swap3A_316] {strides = array<i32>} : memref<32x512xf32, #tpu.memory_space<vmem>>, vector<16xf32>,
          tpu.vector_store %arg8[%swap3A_315, %swap3A_316], %gather3A_287 {strides = array<i32>} : memref<32x512xf32, #tpu.memory_space<vmem>>, vector<16xf32>,
          %mul3A_318 = arith.constant 16 : i32
          %mul3A_319 = arith.muli %add3A_208, %mul3A_318 : i32
          %swap3A_320 = arith.constant 10 : i32
          %swap3A_321 = arith.index_cast %swap3A_320 : i32 to index
          %swap3A_322 = arith.index_cast %mul3A_319 : i32 to index
          %swap3A_323 = tpu.vector_load %arg8[%swap3A_321, %swap3A_322] {strides = array<i32>} : memref<32x512xf32, #tpu.memory_space<vmem>>, vector<16xf32>,
          tpu.vector_store %arg8[%swap3A_321, %swap3A_322], %gather3A_290 {strides = array<i32>} : memref<32x512xf32, #tpu.memory_space<vmem>>, vector<16xf32>,
          %mul3A_324 = arith.constant 16 : i32
          %mul3A_325 = arith.muli %add3A_208, %mul3A_324 : i32
          %swap3A_326 = arith.constant 11 : i32
          %swap3A_327 = arith.index_cast %swap3A_326 : i32 to index
          %swap3A_328 = arith.index_cast %mul3A_325 : i32 to index
          %swap3A_329 = tpu.vector_load %arg8[%swap3A_327, %swap3A_328] {strides = array<i32>} : memref<32x512xf32, #tpu.memory_space<vmem>>, vector<16xf32>,
          tpu.vector_store %arg8[%swap3A_327, %swap3A_328], %gather3A_293 {strides = array<i32>} : memref<32x512xf32, #tpu.memory_space<vmem>>, vector<16xf32>,
          %mul3A_330 = arith.constant 16 : i32
          %mul3A_331 = arith.muli %add3A_208, %mul3A_330 : i32
          %swap3A_332 = arith.constant 12 : i32
          %swap3A_333 = arith.index_cast %swap3A_332 : i32 to index
          %swap3A_334 = arith.index_cast %mul3A_331 : i32 to index
          %swap3A_335 = tpu.vector_load %arg8[%swap3A_333, %swap3A_334] {strides = array<i32>} : memref<32x512xf32, #tpu.memory_space<vmem>>, vector<16xf32>,
          tpu.vector_store %arg8[%swap3A_333, %swap3A_334], %gather3A_296 {strides = array<i32>} : memref<32x512xf32, #tpu.memory_space<vmem>>, vector<16xf32>,
          %mul3A_336 = arith.constant 16 : i32
          %mul3A_337 = arith.muli %add3A_208, %mul3A_336 : i32
          %swap3A_338 = arith.constant 13 : i32
          %swap3A_339 = arith.index_cast %swap3A_338 : i32 to index
          %swap3A_340 = arith.index_cast %mul3A_337 : i32 to index
          %swap3A_341 = tpu.vector_load %arg8[%swap3A_339, %swap3A_340] {strides = array<i32>} : memref<32x512xf32, #tpu.memory_space<vmem>>, vector<16xf32>,
          tpu.vector_store %arg8[%swap3A_339, %swap3A_340], %gather3A_299 {strides = array<i32>} : memref<32x512xf32, #tpu.memory_space<vmem>>, vector<16xf32>,
          %mul3A_342 = arith.constant 16 : i32
          %mul3A_343 = arith.muli %add3A_208, %mul3A_342 : i32
          %swap3A_344 = arith.constant 14 : i32
          %swap3A_345 = arith.index_cast %swap3A_344 : i32 to index
          %swap3A_346 = arith.index_cast %mul3A_343 : i32 to index
          %swap3A_347 = tpu.vector_load %arg8[%swap3A_345, %swap3A_346] {strides = array<i32>} : memref<32x512xf32, #tpu.memory_space<vmem>>, vector<16xf32>,
          tpu.vector_store %arg8[%swap3A_345, %swap3A_346], %gather3A_302 {strides = array<i32>} : memref<32x512xf32, #tpu.memory_space<vmem>>, vector<16xf32>,
          %mul3A_348 = arith.constant 16 : i32
          %mul3A_349 = arith.muli %add3A_208, %mul3A_348 : i32
          %swap3A_350 = arith.constant 15 : i32
          %swap3A_351 = arith.index_cast %swap3A_350 : i32 to index
          %swap3A_352 = arith.index_cast %mul3A_349 : i32 to index
          %swap3A_353 = tpu.vector_load %arg8[%swap3A_351, %swap3A_352] {strides = array<i32>} : memref<32x512xf32, #tpu.memory_space<vmem>>, vector<16xf32>,
          tpu.vector_store %arg8[%swap3A_351, %swap3A_352], %gather3A_305 {strides = array<i32>} : memref<32x512xf32, #tpu.memory_space<vmem>>, vector<16xf32>,
          %broadcast_in_dim3A_354 = arith.constant 16 : i32
          %broadcast_in_dim3A_355 = vector.broadcast %broadcast_in_dim3A_354 : i32 to vector<16xi32>
          %gather3A_356 = tpu.vector_load_idx %arg6[%broadcast_in_dim3A_355, %get3A_212] : memref<32x512xf32, #tpu.memory_space<vmem>>[vector<16xi32>, vector<16xi32>], vector<16xf32>,
          %broadcast_in_dim3A_357 = arith.constant 17 : i32
          %broadcast_in_dim3A_358 = vector.broadcast %broadcast_in_dim3A_357 : i32 to vector<16xi32>
          %gather3A_359 = tpu.vector_load_idx %arg6[%broadcast_in_dim3A_358, %get3A_212] : memref<32x512xf32, #tpu.memory_space<vmem>>[vector<16xi32>, vector<16xi32>], vector<16xf32>,
          %broadcast_in_dim3A_360 = arith.constant 18 : i32
          %broadcast_in_dim3A_361 = vector.broadcast %broadcast_in_dim3A_360 : i32 to vector<16xi32>
          %gather3A_362 = tpu.vector_load_idx %arg6[%broadcast_in_dim3A_361, %get3A_212] : memref<32x512xf32, #tpu.memory_space<vmem>>[vector<16xi32>, vector<16xi32>], vector<16xf32>,
          %broadcast_in_dim3A_363 = arith.constant 19 : i32
          %broadcast_in_dim3A_364 = vector.broadcast %broadcast_in_dim3A_363 : i32 to vector<16xi32>
          %gather3A_365 = tpu.vector_load_idx %arg6[%broadcast_in_dim3A_364, %get3A_212] : memref<32x512xf32, #tpu.memory_space<vmem>>[vector<16xi32>, vector<16xi32>], vector<16xf32>,
          %broadcast_in_dim3A_366 = arith.constant 20 : i32
          %broadcast_in_dim3A_367 = vector.broadcast %broadcast_in_dim3A_366 : i32 to vector<16xi32>
          %gather3A_368 = tpu.vector_load_idx %arg6[%broadcast_in_dim3A_367, %get3A_212] : memref<32x512xf32, #tpu.memory_space<vmem>>[vector<16xi32>, vector<16xi32>], vector<16xf32>,
          %broadcast_in_dim3A_369 = arith.constant 21 : i32
          %broadcast_in_dim3A_370 = vector.broadcast %broadcast_in_dim3A_369 : i32 to vector<16xi32>
          %gather3A_371 = tpu.vector_load_idx %arg6[%broadcast_in_dim3A_370, %get3A_212] : memref<32x512xf32, #tpu.memory_space<vmem>>[vector<16xi32>, vector<16xi32>], vector<16xf32>,
          %broadcast_in_dim3A_372 = arith.constant 22 : i32
          %broadcast_in_dim3A_373 = vector.broadcast %broadcast_in_dim3A_372 : i32 to vector<16xi32>
          %gather3A_374 = tpu.vector_load_idx %arg6[%broadcast_in_dim3A_373, %get3A_212] : memref<32x512xf32, #tpu.memory_space<vmem>>[vector<16xi32>, vector<16xi32>], vector<16xf32>,
          %broadcast_in_dim3A_375 = arith.constant 23 : i32
          %broadcast_in_dim3A_376 = vector.broadcast %broadcast_in_dim3A_375 : i32 to vector<16xi32>
          %gather3A_377 = tpu.vector_load_idx %arg6[%broadcast_in_dim3A_376, %get3A_212] : memref<32x512xf32, #tpu.memory_space<vmem>>[vector<16xi32>, vector<16xi32>], vector<16xf32>,
          %mul3A_378 = arith.constant 16 : i32
          %mul3A_379 = arith.muli %add3A_208, %mul3A_378 : i32
          %swap3A_380 = arith.constant 16 : i32
          %swap3A_381 = arith.index_cast %swap3A_380 : i32 to index
          %swap3A_382 = arith.index_cast %mul3A_379 : i32 to index
          %swap3A_383 = tpu.vector_load %arg8[%swap3A_381, %swap3A_382] {strides = array<i32>} : memref<32x512xf32, #tpu.memory_space<vmem>>, vector<16xf32>,
          tpu.vector_store %arg8[%swap3A_381, %swap3A_382], %gather3A_356 {strides = array<i32>} : memref<32x512xf32, #tpu.memory_space<vmem>>, vector<16xf32>,
          %mul3A_384 = arith.constant 16 : i32
          %mul3A_385 = arith.muli %add3A_208, %mul3A_384 : i32
          %swap3A_386 = arith.constant 17 : i32
          %swap3A_387 = arith.index_cast %swap3A_386 : i32 to index
          %swap3A_388 = arith.index_cast %mul3A_385 : i32 to index
          %swap3A_389 = tpu.vector_load %arg8[%swap3A_387, %swap3A_388] {strides = array<i32>} : memref<32x512xf32, #tpu.memory_space<vmem>>, vector<16xf32>,
          tpu.vector_store %arg8[%swap3A_387, %swap3A_388], %gather3A_359 {strides = array<i32>} : memref<32x512xf32, #tpu.memory_space<vmem>>, vector<16xf32>,
          %mul3A_390 = arith.constant 16 : i32
          %mul3A_391 = arith.muli %add3A_208, %mul3A_390 : i32
          %swap3A_392 = arith.constant 18 : i32
          %swap3A_393 = arith.index_cast %swap3A_392 : i32 to index
          %swap3A_394 = arith.index_cast %mul3A_391 : i32 to index
          %swap3A_395 = tpu.vector_load %arg8[%swap3A_393, %swap3A_394] {strides = array<i32>} : memref<32x512xf32, #tpu.memory_space<vmem>>, vector<16xf32>,
          tpu.vector_store %arg8[%swap3A_393, %swap3A_394], %gather3A_362 {strides = array<i32>} : memref<32x512xf32, #tpu.memory_space<vmem>>, vector<16xf32>,
          %mul3A_396 = arith.constant 16 : i32
          %mul3A_397 = arith.muli %add3A_208, %mul3A_396 : i32
          %swap3A_398 = arith.constant 19 : i32
          %swap3A_399 = arith.index_cast %swap3A_398 : i32 to index
          %swap3A_400 = arith.index_cast %mul3A_397 : i32 to index
          %swap3A_401 = tpu.vector_load %arg8[%swap3A_399, %swap3A_400] {strides = array<i32>} : memref<32x512xf32, #tpu.memory_space<vmem>>, vector<16xf32>,
          tpu.vector_store %arg8[%swap3A_399, %swap3A_400], %gather3A_365 {strides = array<i32>} : memref<32x512xf32, #tpu.memory_space<vmem>>, vector<16xf32>,
          %mul3A_402 = arith.constant 16 : i32
          %mul3A_403 = arith.muli %add3A_208, %mul3A_402 : i32
          %swap3A_404 = arith.constant 20 : i32
          %swap3A_405 = arith.index_cast %swap3A_404 : i32 to index
          %swap3A_406 = arith.index_cast %mul3A_403 : i32 to index
          %swap3A_407 = tpu.vector_load %arg8[%swap3A_405, %swap3A_406] {strides = array<i32>} : memref<32x512xf32, #tpu.memory_space<vmem>>, vector<16xf32>,
          tpu.vector_store %arg8[%swap3A_405, %swap3A_406], %gather3A_368 {strides = array<i32>} : memref<32x512xf32, #tpu.memory_space<vmem>>, vector<16xf32>,
          %mul3A_408 = arith.constant 16 : i32
          %mul3A_409 = arith.muli %add3A_208, %mul3A_408 : i32
          %swap3A_410 = arith.constant 21 : i32
          %swap3A_411 = arith.index_cast %swap3A_410 : i32 to index
          %swap3A_412 = arith.index_cast %mul3A_409 : i32 to index
          %swap3A_413 = tpu.vector_load %arg8[%swap3A_411, %swap3A_412] {strides = array<i32>} : memref<32x512xf32, #tpu.memory_space<vmem>>, vector<16xf32>,
          tpu.vector_store %arg8[%swap3A_411, %swap3A_412], %gather3A_371 {strides = array<i32>} : memref<32x512xf32, #tpu.memory_space<vmem>>, vector<16xf32>,
          %mul3A_414 = arith.constant 16 : i32
          %mul3A_415 = arith.muli %add3A_208, %mul3A_414 : i32
          %swap3A_416 = arith.constant 22 : i32
          %swap3A_417 = arith.index_cast %swap3A_416 : i32 to index
          %swap3A_418 = arith.index_cast %mul3A_415 : i32 to index
          %swap3A_419 = tpu.vector_load %arg8[%swap3A_417, %swap3A_418] {strides = array<i32>} : memref<32x512xf32, #tpu.memory_space<vmem>>, vector<16xf32>,
          tpu.vector_store %arg8[%swap3A_417, %swap3A_418], %gather3A_374 {strides = array<i32>} : memref<32x512xf32, #tpu.memory_space<vmem>>, vector<16xf32>,
          %mul3A_420 = arith.constant 16 : i32
          %mul3A_421 = arith.muli %add3A_208, %mul3A_420 : i32
          %swap3A_422 = arith.constant 23 : i32
          %swap3A_423 = arith.index_cast %swap3A_422 : i32 to index
          %swap3A_424 = arith.index_cast %mul3A_421 : i32 to index
          %swap3A_425 = tpu.vector_load %arg8[%swap3A_423, %swap3A_424] {strides = array<i32>} : memref<32x512xf32, #tpu.memory_space<vmem>>, vector<16xf32>,
          tpu.vector_store %arg8[%swap3A_423, %swap3A_424], %gather3A_377 {strides = array<i32>} : memref<32x512xf32, #tpu.memory_space<vmem>>, vector<16xf32>,
          %broadcast_in_dim3A_426 = arith.constant 24 : i32
          %broadcast_in_dim3A_427 = vector.broadcast %broadcast_in_dim3A_426 : i32 to vector<16xi32>
          %gather3A_428 = tpu.vector_load_idx %arg6[%broadcast_in_dim3A_427, %get3A_212] : memref<32x512xf32, #tpu.memory_space<vmem>>[vector<16xi32>, vector<16xi32>], vector<16xf32>,
          %broadcast_in_dim3A_429 = arith.constant 25 : i32
          %broadcast_in_dim3A_430 = vector.broadcast %broadcast_in_dim3A_429 : i32 to vector<16xi32>
          %gather3A_431 = tpu.vector_load_idx %arg6[%broadcast_in_dim3A_430, %get3A_212] : memref<32x512xf32, #tpu.memory_space<vmem>>[vector<16xi32>, vector<16xi32>], vector<16xf32>,
          %broadcast_in_dim3A_432 = arith.constant 26 : i32
          %broadcast_in_dim3A_433 = vector.broadcast %broadcast_in_dim3A_432 : i32 to vector<16xi32>
          %gather3A_434 = tpu.vector_load_idx %arg6[%broadcast_in_dim3A_433, %get3A_212] : memref<32x512xf32, #tpu.memory_space<vmem>>[vector<16xi32>, vector<16xi32>], vector<16xf32>,
          %broadcast_in_dim3A_435 = arith.constant 27 : i32
          %broadcast_in_dim3A_436 = vector.broadcast %broadcast_in_dim3A_435 : i32 to vector<16xi32>
          %gather3A_437 = tpu.vector_load_idx %arg6[%broadcast_in_dim3A_436, %get3A_212] : memref<32x512xf32, #tpu.memory_space<vmem>>[vector<16xi32>, vector<16xi32>], vector<16xf32>,
          %broadcast_in_dim3A_438 = arith.constant 28 : i32
          %broadcast_in_dim3A_439 = vector.broadcast %broadcast_in_dim3A_438 : i32 to vector<16xi32>
          %gather3A_440 = tpu.vector_load_idx %arg6[%broadcast_in_dim3A_439, %get3A_212] : memref<32x512xf32, #tpu.memory_space<vmem>>[vector<16xi32>, vector<16xi32>], vector<16xf32>,
          %broadcast_in_dim3A_441 = arith.constant 29 : i32
          %broadcast_in_dim3A_442 = vector.broadcast %broadcast_in_dim3A_441 : i32 to vector<16xi32>
          %gather3A_443 = tpu.vector_load_idx %arg6[%broadcast_in_dim3A_442, %get3A_212] : memref<32x512xf32, #tpu.memory_space<vmem>>[vector<16xi32>, vector<16xi32>], vector<16xf32>,
          %broadcast_in_dim3A_444 = arith.constant 30 : i32
          %broadcast_in_dim3A_445 = vector.broadcast %broadcast_in_dim3A_444 : i32 to vector<16xi32>
          %gather3A_446 = tpu.vector_load_idx %arg6[%broadcast_in_dim3A_445, %get3A_212] : memref<32x512xf32, #tpu.memory_space<vmem>>[vector<16xi32>, vector<16xi32>], vector<16xf32>,
          %broadcast_in_dim3A_447 = arith.constant 31 : i32
          %broadcast_in_dim3A_448 = vector.broadcast %broadcast_in_dim3A_447 : i32 to vector<16xi32>
          %gather3A_449 = tpu.vector_load_idx %arg6[%broadcast_in_dim3A_448, %get3A_212] : memref<32x512xf32, #tpu.memory_space<vmem>>[vector<16xi32>, vector<16xi32>], vector<16xf32>,
          %mul3A_450 = arith.constant 16 : i32
          %mul3A_451 = arith.muli %add3A_208, %mul3A_450 : i32
          %swap3A_452 = arith.constant 24 : i32
          %swap3A_453 = arith.index_cast %swap3A_452 : i32 to index
          %swap3A_454 = arith.index_cast %mul3A_451 : i32 to index
          %swap3A_455 = tpu.vector_load %arg8[%swap3A_453, %swap3A_454] {strides = array<i32>} : memref<32x512xf32, #tpu.memory_space<vmem>>, vector<16xf32>,
          tpu.vector_store %arg8[%swap3A_453, %swap3A_454], %gather3A_428 {strides = array<i32>} : memref<32x512xf32, #tpu.memory_space<vmem>>, vector<16xf32>,
          %mul3A_456 = arith.constant 16 : i32
          %mul3A_457 = arith.muli %add3A_208, %mul3A_456 : i32
          %swap3A_458 = arith.constant 25 : i32
          %swap3A_459 = arith.index_cast %swap3A_458 : i32 to index
          %swap3A_460 = arith.index_cast %mul3A_457 : i32 to index
          %swap3A_461 = tpu.vector_load %arg8[%swap3A_459, %swap3A_460] {strides = array<i32>} : memref<32x512xf32, #tpu.memory_space<vmem>>, vector<16xf32>,
          tpu.vector_store %arg8[%swap3A_459, %swap3A_460], %gather3A_431 {strides = array<i32>} : memref<32x512xf32, #tpu.memory_space<vmem>>, vector<16xf32>,
          %mul3A_462 = arith.constant 16 : i32
          %mul3A_463 = arith.muli %add3A_208, %mul3A_462 : i32
          %swap3A_464 = arith.constant 26 : i32
          %swap3A_465 = arith.index_cast %swap3A_464 : i32 to index
          %swap3A_466 = arith.index_cast %mul3A_463 : i32 to index
          %swap3A_467 = tpu.vector_load %arg8[%swap3A_465, %swap3A_466] {strides = array<i32>} : memref<32x512xf32, #tpu.memory_space<vmem>>, vector<16xf32>,
          tpu.vector_store %arg8[%swap3A_465, %swap3A_466], %gather3A_434 {strides = array<i32>} : memref<32x512xf32, #tpu.memory_space<vmem>>, vector<16xf32>,
          %mul3A_468 = arith.constant 16 : i32
          %mul3A_469 = arith.muli %add3A_208, %mul3A_468 : i32
          %swap3A_470 = arith.constant 27 : i32
          %swap3A_471 = arith.index_cast %swap3A_470 : i32 to index
          %swap3A_472 = arith.index_cast %mul3A_469 : i32 to index
          %swap3A_473 = tpu.vector_load %arg8[%swap3A_471, %swap3A_472] {strides = array<i32>} : memref<32x512xf32, #tpu.memory_space<vmem>>, vector<16xf32>,
          tpu.vector_store %arg8[%swap3A_471, %swap3A_472], %gather3A_437 {strides = array<i32>} : memref<32x512xf32, #tpu.memory_space<vmem>>, vector<16xf32>,
          %mul3A_474 = arith.constant 16 : i32
          %mul3A_475 = arith.muli %add3A_208, %mul3A_474 : i32
          %swap3A_476 = arith.constant 28 : i32
          %swap3A_477 = arith.index_cast %swap3A_476 : i32 to index
          %swap3A_478 = arith.index_cast %mul3A_475 : i32 to index
          %swap3A_479 = tpu.vector_load %arg8[%swap3A_477, %swap3A_478] {strides = array<i32>} : memref<32x512xf32, #tpu.memory_space<vmem>>, vector<16xf32>,
          tpu.vector_store %arg8[%swap3A_477, %swap3A_478], %gather3A_440 {strides = array<i32>} : memref<32x512xf32, #tpu.memory_space<vmem>>, vector<16xf32>,
          %mul3A_480 = arith.constant 16 : i32
          %mul3A_481 = arith.muli %add3A_208, %mul3A_480 : i32
          %swap3A_482 = arith.constant 29 : i32
          %swap3A_483 = arith.index_cast %swap3A_482 : i32 to index
          %swap3A_484 = arith.index_cast %mul3A_481 : i32 to index
          %swap3A_485 = tpu.vector_load %arg8[%swap3A_483, %swap3A_484] {strides = array<i32>} : memref<32x512xf32, #tpu.memory_space<vmem>>, vector<16xf32>,
          tpu.vector_store %arg8[%swap3A_483, %swap3A_484], %gather3A_443 {strides = array<i32>} : memref<32x512xf32, #tpu.memory_space<vmem>>, vector<16xf32>,
          %mul3A_486 = arith.constant 16 : i32
          %mul3A_487 = arith.muli %add3A_208, %mul3A_486 : i32
          %swap3A_488 = arith.constant 30 : i32
          %swap3A_489 = arith.index_cast %swap3A_488 : i32 to index
          %swap3A_490 = arith.index_cast %mul3A_487 : i32 to index
          %swap3A_491 = tpu.vector_load %arg8[%swap3A_489, %swap3A_490] {strides = array<i32>} : memref<32x512xf32, #tpu.memory_space<vmem>>, vector<16xf32>,
          tpu.vector_store %arg8[%swap3A_489, %swap3A_490], %gather3A_446 {strides = array<i32>} : memref<32x512xf32, #tpu.memory_space<vmem>>, vector<16xf32>,
          %mul3A_492 = arith.constant 16 : i32
          %mul3A_493 = arith.muli %add3A_208, %mul3A_492 : i32
          %swap3A_494 = arith.constant 31 : i32
          %swap3A_495 = arith.index_cast %swap3A_494 : i32 to index
          %swap3A_496 = arith.index_cast %mul3A_493 : i32 to index
          %swap3A_497 = tpu.vector_load %arg8[%swap3A_495, %swap3A_496] {strides = array<i32>} : memref<32x512xf32, #tpu.memory_space<vmem>>, vector<16xf32>,
          tpu.vector_store %arg8[%swap3A_495, %swap3A_496], %gather3A_449 {strides = array<i32>} : memref<32x512xf32, #tpu.memory_space<vmem>>, vector<16xf32>,
          %mul3A_498 = arith.constant 4 : i32
          %mul3A_499 = arith.muli %scan3A_204, %mul3A_498 : i32
          %add3A_500 = arith.constant 1 : i32
          %add3A_501 = arith.addi %mul3A_499, %add3A_500 : i32
          %mul3A_502 = arith.constant 16 : i32
          %mul3A_503 = arith.muli %add3A_501, %mul3A_502 : i32
          %add3A_504 = arith.addi %mul3A_147, %mul3A_503 : i32
          %get3A_505 = arith.index_cast %add3A_504 : i32 to index
          %get3A_506 = tpu.vector_load %arg5[%get3A_505] {strides = array<i32>} : memref<4096xi32, #tpu.memory_space<vmem>>, vector<16xi32>,
          %broadcast_in_dim3A_507 = arith.constant 0 : i32
          %broadcast_in_dim3A_508 = vector.broadcast %broadcast_in_dim3A_507 : i32 to vector<16xi32>
          %gather3A_509 = tpu.vector_load_idx %arg6[%broadcast_in_dim3A_508, %get3A_506] : memref<32x512xf32, #tpu.memory_space<vmem>>[vector<16xi32>, vector<16xi32>], vector<16xf32>,
          %broadcast_in_dim3A_510 = arith.constant 1 : i32
          %broadcast_in_dim3A_511 = vector.broadcast %broadcast_in_dim3A_510 : i32 to vector<16xi32>
          %gather3A_512 = tpu.vector_load_idx %arg6[%broadcast_in_dim3A_511, %get3A_506] : memref<32x512xf32, #tpu.memory_space<vmem>>[vector<16xi32>, vector<16xi32>], vector<16xf32>,
          %broadcast_in_dim3A_513 = arith.constant 2 : i32
          %broadcast_in_dim3A_514 = vector.broadcast %broadcast_in_dim3A_513 : i32 to vector<16xi32>
          %gather3A_515 = tpu.vector_load_idx %arg6[%broadcast_in_dim3A_514, %get3A_506] : memref<32x512xf32, #tpu.memory_space<vmem>>[vector<16xi32>, vector<16xi32>], vector<16xf32>,
          %broadcast_in_dim3A_516 = arith.constant 3 : i32
          %broadcast_in_dim3A_517 = vector.broadcast %broadcast_in_dim3A_516 : i32 to vector<16xi32>
          %gather3A_518 = tpu.vector_load_idx %arg6[%broadcast_in_dim3A_517, %get3A_506] : memref<32x512xf32, #tpu.memory_space<vmem>>[vector<16xi32>, vector<16xi32>], vector<16xf32>,
          %broadcast_in_dim3A_519 = arith.constant 4 : i32
          %broadcast_in_dim3A_520 = vector.broadcast %broadcast_in_dim3A_519 : i32 to vector<16xi32>
          %gather3A_521 = tpu.vector_load_idx %arg6[%broadcast_in_dim3A_520, %get3A_506] : memref<32x512xf32, #tpu.memory_space<vmem>>[vector<16xi32>, vector<16xi32>], vector<16xf32>,
          %broadcast_in_dim3A_522 = arith.constant 5 : i32
          %broadcast_in_dim3A_523 = vector.broadcast %broadcast_in_dim3A_522 : i32 to vector<16xi32>
          %gather3A_524 = tpu.vector_load_idx %arg6[%broadcast_in_dim3A_523, %get3A_506] : memref<32x512xf32, #tpu.memory_space<vmem>>[vector<16xi32>, vector<16xi32>], vector<16xf32>,
          %broadcast_in_dim3A_525 = arith.constant 6 : i32
          %broadcast_in_dim3A_526 = vector.broadcast %broadcast_in_dim3A_525 : i32 to vector<16xi32>
          %gather3A_527 = tpu.vector_load_idx %arg6[%broadcast_in_dim3A_526, %get3A_506] : memref<32x512xf32, #tpu.memory_space<vmem>>[vector<16xi32>, vector<16xi32>], vector<16xf32>,
          %broadcast_in_dim3A_528 = arith.constant 7 : i32
          %broadcast_in_dim3A_529 = vector.broadcast %broadcast_in_dim3A_528 : i32 to vector<16xi32>
          %gather3A_530 = tpu.vector_load_idx %arg6[%broadcast_in_dim3A_529, %get3A_506] : memref<32x512xf32, #tpu.memory_space<vmem>>[vector<16xi32>, vector<16xi32>], vector<16xf32>,
          %mul3A_531 = arith.constant 16 : i32
          %mul3A_532 = arith.muli %add3A_501, %mul3A_531 : i32
          %swap3A_533 = arith.constant 0 : i32
          %swap3A_534 = arith.index_cast %swap3A_533 : i32 to index
          %swap3A_535 = arith.index_cast %mul3A_532 : i32 to index
          %swap3A_536 = tpu.vector_load %arg8[%swap3A_534, %swap3A_535] {strides = array<i32>} : memref<32x512xf32, #tpu.memory_space<vmem>>, vector<16xf32>,
          tpu.vector_store %arg8[%swap3A_534, %swap3A_535], %gather3A_509 {strides = array<i32>} : memref<32x512xf32, #tpu.memory_space<vmem>>, vector<16xf32>,
          %mul3A_537 = arith.constant 16 : i32
          %mul3A_538 = arith.muli %add3A_501, %mul3A_537 : i32
          %swap3A_539 = arith.constant 1 : i32
          %swap3A_540 = arith.index_cast %swap3A_539 : i32 to index
          %swap3A_541 = arith.index_cast %mul3A_538 : i32 to index
          %swap3A_542 = tpu.vector_load %arg8[%swap3A_540, %swap3A_541] {strides = array<i32>} : memref<32x512xf32, #tpu.memory_space<vmem>>, vector<16xf32>,
          tpu.vector_store %arg8[%swap3A_540, %swap3A_541], %gather3A_512 {strides = array<i32>} : memref<32x512xf32, #tpu.memory_space<vmem>>, vector<16xf32>,
          %mul3A_543 = arith.constant 16 : i32
          %mul3A_544 = arith.muli %add3A_501, %mul3A_543 : i32
          %swap3A_545 = arith.constant 2 : i32
          %swap3A_546 = arith.index_cast %swap3A_545 : i32 to index
          %swap3A_547 = arith.index_cast %mul3A_544 : i32 to index
          %swap3A_548 = tpu.vector_load %arg8[%swap3A_546, %swap3A_547] {strides = array<i32>} : memref<32x512xf32, #tpu.memory_space<vmem>>, vector<16xf32>,
          tpu.vector_store %arg8[%swap3A_546, %swap3A_547], %gather3A_515 {strides = array<i32>} : memref<32x512xf32, #tpu.memory_space<vmem>>, vector<16xf32>,
          %mul3A_549 = arith.constant 16 : i32
          %mul3A_550 = arith.muli %add3A_501, %mul3A_549 : i32
          %swap3A_551 = arith.constant 3 : i32
          %swap3A_552 = arith.index_cast %swap3A_551 : i32 to index
          %swap3A_553 = arith.index_cast %mul3A_550 : i32 to index
          %swap3A_554 = tpu.vector_load %arg8[%swap3A_552, %swap3A_553] {strides = array<i32>} : memref<32x512xf32, #tpu.memory_space<vmem>>, vector<16xf32>,
          tpu.vector_store %arg8[%swap3A_552, %swap3A_553], %gather3A_518 {strides = array<i32>} : memref<32x512xf32, #tpu.memory_space<vmem>>, vector<16xf32>,
          %mul3A_555 = arith.constant 16 : i32
          %mul3A_556 = arith.muli %add3A_501, %mul3A_555 : i32
          %swap3A_557 = arith.constant 4 : i32
          %swap3A_558 = arith.index_cast %swap3A_557 : i32 to index
          %swap3A_559 = arith.index_cast %mul3A_556 : i32 to index
          %swap3A_560 = tpu.vector_load %arg8[%swap3A_558, %swap3A_559] {strides = array<i32>} : memref<32x512xf32, #tpu.memory_space<vmem>>, vector<16xf32>,
          tpu.vector_store %arg8[%swap3A_558, %swap3A_559], %gather3A_521 {strides = array<i32>} : memref<32x512xf32, #tpu.memory_space<vmem>>, vector<16xf32>,
          %mul3A_561 = arith.constant 16 : i32
          %mul3A_562 = arith.muli %add3A_501, %mul3A_561 : i32
          %swap3A_563 = arith.constant 5 : i32
          %swap3A_564 = arith.index_cast %swap3A_563 : i32 to index
          %swap3A_565 = arith.index_cast %mul3A_562 : i32 to index
          %swap3A_566 = tpu.vector_load %arg8[%swap3A_564, %swap3A_565] {strides = array<i32>} : memref<32x512xf32, #tpu.memory_space<vmem>>, vector<16xf32>,
          tpu.vector_store %arg8[%swap3A_564, %swap3A_565], %gather3A_524 {strides = array<i32>} : memref<32x512xf32, #tpu.memory_space<vmem>>, vector<16xf32>,
          %mul3A_567 = arith.constant 16 : i32
          %mul3A_568 = arith.muli %add3A_501, %mul3A_567 : i32
          %swap3A_569 = arith.constant 6 : i32
          %swap3A_570 = arith.index_cast %swap3A_569 : i32 to index
          %swap3A_571 = arith.index_cast %mul3A_568 : i32 to index
          %swap3A_572 = tpu.vector_load %arg8[%swap3A_570, %swap3A_571] {strides = array<i32>} : memref<32x512xf32, #tpu.memory_space<vmem>>, vector<16xf32>,
          tpu.vector_store %arg8[%swap3A_570, %swap3A_571], %gather3A_527 {strides = array<i32>} : memref<32x512xf32, #tpu.memory_space<vmem>>, vector<16xf32>,
          %mul3A_573 = arith.constant 16 : i32
          %mul3A_574 = arith.muli %add3A_501, %mul3A_573 : i32
          %swap3A_575 = arith.constant 7 : i32
          %swap3A_576 = arith.index_cast %swap3A_575 : i32 to index
          %swap3A_577 = arith.index_cast %mul3A_574 : i32 to index
          %swap3A_578 = tpu.vector_load %arg8[%swap3A_576, %swap3A_577] {strides = array<i32>} : memref<32x512xf32, #tpu.memory_space<vmem>>, vector<16xf32>,
          tpu.vector_store %arg8[%swap3A_576, %swap3A_577], %gather3A_530 {strides = array<i32>} : memref<32x512xf32, #tpu.memory_space<vmem>>, vector<16xf32>,
          %broadcast_in_dim3A_579 = arith.constant 8 : i32
          %broadcast_in_dim3A_580 = vector.broadcast %broadcast_in_dim3A_579 : i32 to vector<16xi32>
          %gather3A_581 = tpu.vector_load_idx %arg6[%broadcast_in_dim3A_580, %get3A_506] : memref<32x512xf32, #tpu.memory_space<vmem>>[vector<16xi32>, vector<16xi32>], vector<16xf32>,
          %broadcast_in_dim3A_582 = arith.constant 9 : i32
          %broadcast_in_dim3A_583 = vector.broadcast %broadcast_in_dim3A_582 : i32 to vector<16xi32>
          %gather3A_584 = tpu.vector_load_idx %arg6[%broadcast_in_dim3A_583, %get3A_506] : memref<32x512xf32, #tpu.memory_space<vmem>>[vector<16xi32>, vector<16xi32>], vector<16xf32>,
          %broadcast_in_dim3A_585 = arith.constant 10 : i32
          %broadcast_in_dim3A_586 = vector.broadcast %broadcast_in_dim3A_585 : i32 to vector<16xi32>
          %gather3A_587 = tpu.vector_load_idx %arg6[%broadcast_in_dim3A_586, %get3A_506] : memref<32x512xf32, #tpu.memory_space<vmem>>[vector<16xi32>, vector<16xi32>], vector<16xf32>,
          %broadcast_in_dim3A_588 = arith.constant 11 : i32
          %broadcast_in_dim3A_589 = vector.broadcast %broadcast_in_dim3A_588 : i32 to vector<16xi32>
          %gather3A_590 = tpu.vector_load_idx %arg6[%broadcast_in_dim3A_589, %get3A_506] : memref<32x512xf32, #tpu.memory_space<vmem>>[vector<16xi32>, vector<16xi32>], vector<16xf32>,
          %broadcast_in_dim3A_591 = arith.constant 12 : i32
          %broadcast_in_dim3A_592 = vector.broadcast %broadcast_in_dim3A_591 : i32 to vector<16xi32>
          %gather3A_593 = tpu.vector_load_idx %arg6[%broadcast_in_dim3A_592, %get3A_506] : memref<32x512xf32, #tpu.memory_space<vmem>>[vector<16xi32>, vector<16xi32>], vector<16xf32>,
          %broadcast_in_dim3A_594 = arith.constant 13 : i32
          %broadcast_in_dim3A_595 = vector.broadcast %broadcast_in_dim3A_594 : i32 to vector<16xi32>
          %gather3A_596 = tpu.vector_load_idx %arg6[%broadcast_in_dim3A_595, %get3A_506] : memref<32x512xf32, #tpu.memory_space<vmem>>[vector<16xi32>, vector<16xi32>], vector<16xf32>,
          %broadcast_in_dim3A_597 = arith.constant 14 : i32
          %broadcast_in_dim3A_598 = vector.broadcast %broadcast_in_dim3A_597 : i32 to vector<16xi32>
          %gather3A_599 = tpu.vector_load_idx %arg6[%broadcast_in_dim3A_598, %get3A_506] : memref<32x512xf32, #tpu.memory_space<vmem>>[vector<16xi32>, vector<16xi32>], vector<16xf32>,
          %broadcast_in_dim3A_600 = arith.constant 15 : i32
          %broadcast_in_dim3A_601 = vector.broadcast %broadcast_in_dim3A_600 : i32 to vector<16xi32>
          %gather3A_602 = tpu.vector_load_idx %arg6[%broadcast_in_dim3A_601, %get3A_506] : memref<32x512xf32, #tpu.memory_space<vmem>>[vector<16xi32>, vector<16xi32>], vector<16xf32>,
          %mul3A_603 = arith.constant 16 : i32
          %mul3A_604 = arith.muli %add3A_501, %mul3A_603 : i32
          %swap3A_605 = arith.constant 8 : i32
          %swap3A_606 = arith.index_cast %swap3A_605 : i32 to index
          %swap3A_607 = arith.index_cast %mul3A_604 : i32 to index
          %swap3A_608 = tpu.vector_load %arg8[%swap3A_606, %swap3A_607] {strides = array<i32>} : memref<32x512xf32, #tpu.memory_space<vmem>>, vector<16xf32>,
          tpu.vector_store %arg8[%swap3A_606, %swap3A_607], %gather3A_581 {strides = array<i32>} : memref<32x512xf32, #tpu.memory_space<vmem>>, vector<16xf32>,
          %mul3A_609 = arith.constant 16 : i32
          %mul3A_610 = arith.muli %add3A_501, %mul3A_609 : i32
          %swap3A_611 = arith.constant 9 : i32
          %swap3A_612 = arith.index_cast %swap3A_611 : i32 to index
          %swap3A_613 = arith.index_cast %mul3A_610 : i32 to index
          %swap3A_614 = tpu.vector_load %arg8[%swap3A_612, %swap3A_613] {strides = array<i32>} : memref<32x512xf32, #tpu.memory_space<vmem>>, vector<16xf32>,
          tpu.vector_store %arg8[%swap3A_612, %swap3A_613], %gather3A_584 {strides = array<i32>} : memref<32x512xf32, #tpu.memory_space<vmem>>, vector<16xf32>,
          %mul3A_615 = arith.constant 16 : i32
          %mul3A_616 = arith.muli %add3A_501, %mul3A_615 : i32
          %swap3A_617 = arith.constant 10 : i32
          %swap3A_618 = arith.index_cast %swap3A_617 : i32 to index
          %swap3A_619 = arith.index_cast %mul3A_616 : i32 to index
          %swap3A_620 = tpu.vector_load %arg8[%swap3A_618, %swap3A_619] {strides = array<i32>} : memref<32x512xf32, #tpu.memory_space<vmem>>, vector<16xf32>,
          tpu.vector_store %arg8[%swap3A_618, %swap3A_619], %gather3A_587 {strides = array<i32>} : memref<32x512xf32, #tpu.memory_space<vmem>>, vector<16xf32>,
          %mul3A_621 = arith.constant 16 : i32
          %mul3A_622 = arith.muli %add3A_501, %mul3A_621 : i32
          %swap3A_623 = arith.constant 11 : i32
          %swap3A_624 = arith.index_cast %swap3A_623 : i32 to index
          %swap3A_625 = arith.index_cast %mul3A_622 : i32 to index
          %swap3A_626 = tpu.vector_load %arg8[%swap3A_624, %swap3A_625] {strides = array<i32>} : memref<32x512xf32, #tpu.memory_space<vmem>>, vector<16xf32>,
          tpu.vector_store %arg8[%swap3A_624, %swap3A_625], %gather3A_590 {strides = array<i32>} : memref<32x512xf32, #tpu.memory_space<vmem>>, vector<16xf32>,
          %mul3A_627 = arith.constant 16 : i32
          %mul3A_628 = arith.muli %add3A_501, %mul3A_627 : i32
          %swap3A_629 = arith.constant 12 : i32
          %swap3A_630 = arith.index_cast %swap3A_629 : i32 to index
          %swap3A_631 = arith.index_cast %mul3A_628 : i32 to index
          %swap3A_632 = tpu.vector_load %arg8[%swap3A_630, %swap3A_631] {strides = array<i32>} : memref<32x512xf32, #tpu.memory_space<vmem>>, vector<16xf32>,
          tpu.vector_store %arg8[%swap3A_630, %swap3A_631], %gather3A_593 {strides = array<i32>} : memref<32x512xf32, #tpu.memory_space<vmem>>, vector<16xf32>,
          %mul3A_633 = arith.constant 16 : i32
          %mul3A_634 = arith.muli %add3A_501, %mul3A_633 : i32
          %swap3A_635 = arith.constant 13 : i32
          %swap3A_636 = arith.index_cast %swap3A_635 : i32 to index
          %swap3A_637 = arith.index_cast %mul3A_634 : i32 to index
          %swap3A_638 = tpu.vector_load %arg8[%swap3A_636, %swap3A_637] {strides = array<i32>} : memref<32x512xf32, #tpu.memory_space<vmem>>, vector<16xf32>,
          tpu.vector_store %arg8[%swap3A_636, %swap3A_637], %gather3A_596 {strides = array<i32>} : memref<32x512xf32, #tpu.memory_space<vmem>>, vector<16xf32>,
          %mul3A_639 = arith.constant 16 : i32
          %mul3A_640 = arith.muli %add3A_501, %mul3A_639 : i32
          %swap3A_641 = arith.constant 14 : i32
          %swap3A_642 = arith.index_cast %swap3A_641 : i32 to index
          %swap3A_643 = arith.index_cast %mul3A_640 : i32 to index
          %swap3A_644 = tpu.vector_load %arg8[%swap3A_642, %swap3A_643] {strides = array<i32>} : memref<32x512xf32, #tpu.memory_space<vmem>>, vector<16xf32>,
          tpu.vector_store %arg8[%swap3A_642, %swap3A_643], %gather3A_599 {strides = array<i32>} : memref<32x512xf32, #tpu.memory_space<vmem>>, vector<16xf32>,
          %mul3A_645 = arith.constant 16 : i32
          %mul3A_646 = arith.muli %add3A_501, %mul3A_645 : i32
          %swap3A_647 = arith.constant 15 : i32
          %swap3A_648 = arith.index_cast %swap3A_647 : i32 to index
          %swap3A_649 = arith.index_cast %mul3A_646 : i32 to index
          %swap3A_650 = tpu.vector_load %arg8[%swap3A_648, %swap3A_649] {strides = array<i32>} : memref<32x512xf32, #tpu.memory_space<vmem>>, vector<16xf32>,
          tpu.vector_store %arg8[%swap3A_648, %swap3A_649], %gather3A_602 {strides = array<i32>} : memref<32x512xf32, #tpu.memory_space<vmem>>, vector<16xf32>,
          %broadcast_in_dim3A_651 = arith.constant 16 : i32
          %broadcast_in_dim3A_652 = vector.broadcast %broadcast_in_dim3A_651 : i32 to vector<16xi32>
          %gather3A_653 = tpu.vector_load_idx %arg6[%broadcast_in_dim3A_652, %get3A_506] : memref<32x512xf32, #tpu.memory_space<vmem>>[vector<16xi32>, vector<16xi32>], vector<16xf32>,
          %broadcast_in_dim3A_654 = arith.constant 17 : i32
          %broadcast_in_dim3A_655 = vector.broadcast %broadcast_in_dim3A_654 : i32 to vector<16xi32>
          %gather3A_656 = tpu.vector_load_idx %arg6[%broadcast_in_dim3A_655, %get3A_506] : memref<32x512xf32, #tpu.memory_space<vmem>>[vector<16xi32>, vector<16xi32>], vector<16xf32>,
          %broadcast_in_dim3A_657 = arith.constant 18 : i32
          %broadcast_in_dim3A_658 = vector.broadcast %broadcast_in_dim3A_657 : i32 to vector<16xi32>
          %gather3A_659 = tpu.vector_load_idx %arg6[%broadcast_in_dim3A_658, %get3A_506] : memref<32x512xf32, #tpu.memory_space<vmem>>[vector<16xi32>, vector<16xi32>], vector<16xf32>,
          %broadcast_in_dim3A_660 = arith.constant 19 : i32
          %broadcast_in_dim3A_661 = vector.broadcast %broadcast_in_dim3A_660 : i32 to vector<16xi32>
          %gather3A_662 = tpu.vector_load_idx %arg6[%broadcast_in_dim3A_661, %get3A_506] : memref<32x512xf32, #tpu.memory_space<vmem>>[vector<16xi32>, vector<16xi32>], vector<16xf32>,
          %broadcast_in_dim3A_663 = arith.constant 20 : i32
          %broadcast_in_dim3A_664 = vector.broadcast %broadcast_in_dim3A_663 : i32 to vector<16xi32>
          %gather3A_665 = tpu.vector_load_idx %arg6[%broadcast_in_dim3A_664, %get3A_506] : memref<32x512xf32, #tpu.memory_space<vmem>>[vector<16xi32>, vector<16xi32>], vector<16xf32>,
          %broadcast_in_dim3A_666 = arith.constant 21 : i32
          %broadcast_in_dim3A_667 = vector.broadcast %broadcast_in_dim3A_666 : i32 to vector<16xi32>
          %gather3A_668 = tpu.vector_load_idx %arg6[%broadcast_in_dim3A_667, %get3A_506] : memref<32x512xf32, #tpu.memory_space<vmem>>[vector<16xi32>, vector<16xi32>], vector<16xf32>,
          %broadcast_in_dim3A_669 = arith.constant 22 : i32
          %broadcast_in_dim3A_670 = vector.broadcast %broadcast_in_dim3A_669 : i32 to vector<16xi32>
          %gather3A_671 = tpu.vector_load_idx %arg6[%broadcast_in_dim3A_670, %get3A_506] : memref<32x512xf32, #tpu.memory_space<vmem>>[vector<16xi32>, vector<16xi32>], vector<16xf32>,
          %broadcast_in_dim3A_672 = arith.constant 23 : i32
          %broadcast_in_dim3A_673 = vector.broadcast %broadcast_in_dim3A_672 : i32 to vector<16xi32>
          %gather3A_674 = tpu.vector_load_idx %arg6[%broadcast_in_dim3A_673, %get3A_506] : memref<32x512xf32, #tpu.memory_space<vmem>>[vector<16xi32>, vector<16xi32>], vector<16xf32>,
          %mul3A_675 = arith.constant 16 : i32
          %mul3A_676 = arith.muli %add3A_501, %mul3A_675 : i32
          %swap3A_677 = arith.constant 16 : i32
          %swap3A_678 = arith.index_cast %swap3A_677 : i32 to index
          %swap3A_679 = arith.index_cast %mul3A_676 : i32 to index
          %swap3A_680 = tpu.vector_load %arg8[%swap3A_678, %swap3A_679] {strides = array<i32>} : memref<32x512xf32, #tpu.memory_space<vmem>>, vector<16xf32>,
          tpu.vector_store %arg8[%swap3A_678, %swap3A_679], %gather3A_653 {strides = array<i32>} : memref<32x512xf32, #tpu.memory_space<vmem>>, vector<16xf32>,
          %mul3A_681 = arith.constant 16 : i32
          %mul3A_682 = arith.muli %add3A_501, %mul3A_681 : i32
          %swap3A_683 = arith.constant 17 : i32
          %swap3A_684 = arith.index_cast %swap3A_683 : i32 to index
          %swap3A_685 = arith.index_cast %mul3A_682 : i32 to index
          %swap3A_686 = tpu.vector_load %arg8[%swap3A_684, %swap3A_685] {strides = array<i32>} : memref<32x512xf32, #tpu.memory_space<vmem>>, vector<16xf32>,
          tpu.vector_store %arg8[%swap3A_684, %swap3A_685], %gather3A_656 {strides = array<i32>} : memref<32x512xf32, #tpu.memory_space<vmem>>, vector<16xf32>,
          %mul3A_687 = arith.constant 16 : i32
          %mul3A_688 = arith.muli %add3A_501, %mul3A_687 : i32
          %swap3A_689 = arith.constant 18 : i32
          %swap3A_690 = arith.index_cast %swap3A_689 : i32 to index
          %swap3A_691 = arith.index_cast %mul3A_688 : i32 to index
          %swap3A_692 = tpu.vector_load %arg8[%swap3A_690, %swap3A_691] {strides = array<i32>} : memref<32x512xf32, #tpu.memory_space<vmem>>, vector<16xf32>,
          tpu.vector_store %arg8[%swap3A_690, %swap3A_691], %gather3A_659 {strides = array<i32>} : memref<32x512xf32, #tpu.memory_space<vmem>>, vector<16xf32>,
          %mul3A_693 = arith.constant 16 : i32
          %mul3A_694 = arith.muli %add3A_501, %mul3A_693 : i32
          %swap3A_695 = arith.constant 19 : i32
          %swap3A_696 = arith.index_cast %swap3A_695 : i32 to index
          %swap3A_697 = arith.index_cast %mul3A_694 : i32 to index
          %swap3A_698 = tpu.vector_load %arg8[%swap3A_696, %swap3A_697] {strides = array<i32>} : memref<32x512xf32, #tpu.memory_space<vmem>>, vector<16xf32>,
          tpu.vector_store %arg8[%swap3A_696, %swap3A_697], %gather3A_662 {strides = array<i32>} : memref<32x512xf32, #tpu.memory_space<vmem>>, vector<16xf32>,
          %mul3A_699 = arith.constant 16 : i32
          %mul3A_700 = arith.muli %add3A_501, %mul3A_699 : i32
          %swap3A_701 = arith.constant 20 : i32
          %swap3A_702 = arith.index_cast %swap3A_701 : i32 to index
          %swap3A_703 = arith.index_cast %mul3A_700 : i32 to index
          %swap3A_704 = tpu.vector_load %arg8[%swap3A_702, %swap3A_703] {strides = array<i32>} : memref<32x512xf32, #tpu.memory_space<vmem>>, vector<16xf32>,
          tpu.vector_store %arg8[%swap3A_702, %swap3A_703], %gather3A_665 {strides = array<i32>} : memref<32x512xf32, #tpu.memory_space<vmem>>, vector<16xf32>,
          %mul3A_705 = arith.constant 16 : i32
          %mul3A_706 = arith.muli %add3A_501, %mul3A_705 : i32
          %swap3A_707 = arith.constant 21 : i32
          %swap3A_708 = arith.index_cast %swap3A_707 : i32 to index
          %swap3A_709 = arith.index_cast %mul3A_706 : i32 to index
          %swap3A_710 = tpu.vector_load %arg8[%swap3A_708, %swap3A_709] {strides = array<i32>} : memref<32x512xf32, #tpu.memory_space<vmem>>, vector<16xf32>,
          tpu.vector_store %arg8[%swap3A_708, %swap3A_709], %gather3A_668 {strides = array<i32>} : memref<32x512xf32, #tpu.memory_space<vmem>>, vector<16xf32>,
          %mul3A_711 = arith.constant 16 : i32
          %mul3A_712 = arith.muli %add3A_501, %mul3A_711 : i32
          %swap3A_713 = arith.constant 22 : i32
          %swap3A_714 = arith.index_cast %swap3A_713 : i32 to index
          %swap3A_715 = arith.index_cast %mul3A_712 : i32 to index
          %swap3A_716 = tpu.vector_load %arg8[%swap3A_714, %swap3A_715] {strides = array<i32>} : memref<32x512xf32, #tpu.memory_space<vmem>>, vector<16xf32>,
          tpu.vector_store %arg8[%swap3A_714, %swap3A_715], %gather3A_671 {strides = array<i32>} : memref<32x512xf32, #tpu.memory_space<vmem>>, vector<16xf32>,
          %mul3A_717 = arith.constant 16 : i32
          %mul3A_718 = arith.muli %add3A_501, %mul3A_717 : i32
          %swap3A_719 = arith.constant 23 : i32
          %swap3A_720 = arith.index_cast %swap3A_719 : i32 to index
          %swap3A_721 = arith.index_cast %mul3A_718 : i32 to index
          %swap3A_722 = tpu.vector_load %arg8[%swap3A_720, %swap3A_721] {strides = array<i32>} : memref<32x512xf32, #tpu.memory_space<vmem>>, vector<16xf32>,
          tpu.vector_store %arg8[%swap3A_720, %swap3A_721], %gather3A_674 {strides = array<i32>} : memref<32x512xf32, #tpu.memory_space<vmem>>, vector<16xf32>,
          %broadcast_in_dim3A_723 = arith.constant 24 : i32
          %broadcast_in_dim3A_724 = vector.broadcast %broadcast_in_dim3A_723 : i32 to vector<16xi32>
          %gather3A_725 = tpu.vector_load_idx %arg6[%broadcast_in_dim3A_724, %get3A_506] : memref<32x512xf32, #tpu.memory_space<vmem>>[vector<16xi32>, vector<16xi32>], vector<16xf32>,
          %broadcast_in_dim3A_726 = arith.constant 25 : i32
          %broadcast_in_dim3A_727 = vector.broadcast %broadcast_in_dim3A_726 : i32 to vector<16xi32>
          %gather3A_728 = tpu.vector_load_idx %arg6[%broadcast_in_dim3A_727, %get3A_506] : memref<32x512xf32, #tpu.memory_space<vmem>>[vector<16xi32>, vector<16xi32>], vector<16xf32>,
          %broadcast_in_dim3A_729 = arith.constant 26 : i32
          %broadcast_in_dim3A_730 = vector.broadcast %broadcast_in_dim3A_729 : i32 to vector<16xi32>
          %gather3A_731 = tpu.vector_load_idx %arg6[%broadcast_in_dim3A_730, %get3A_506] : memref<32x512xf32, #tpu.memory_space<vmem>>[vector<16xi32>, vector<16xi32>], vector<16xf32>,
          %broadcast_in_dim3A_732 = arith.constant 27 : i32
          %broadcast_in_dim3A_733 = vector.broadcast %broadcast_in_dim3A_732 : i32 to vector<16xi32>
          %gather3A_734 = tpu.vector_load_idx %arg6[%broadcast_in_dim3A_733, %get3A_506] : memref<32x512xf32, #tpu.memory_space<vmem>>[vector<16xi32>, vector<16xi32>], vector<16xf32>,
          %broadcast_in_dim3A_735 = arith.constant 28 : i32
          %broadcast_in_dim3A_736 = vector.broadcast %broadcast_in_dim3A_735 : i32 to vector<16xi32>
          %gather3A_737 = tpu.vector_load_idx %arg6[%broadcast_in_dim3A_736, %get3A_506] : memref<32x512xf32, #tpu.memory_space<vmem>>[vector<16xi32>, vector<16xi32>], vector<16xf32>,
          %broadcast_in_dim3A_738 = arith.constant 29 : i32
          %broadcast_in_dim3A_739 = vector.broadcast %broadcast_in_dim3A_738 : i32 to vector<16xi32>
          %gather3A_740 = tpu.vector_load_idx %arg6[%broadcast_in_dim3A_739, %get3A_506] : memref<32x512xf32, #tpu.memory_space<vmem>>[vector<16xi32>, vector<16xi32>], vector<16xf32>,
          %broadcast_in_dim3A_741 = arith.constant 30 : i32
          %broadcast_in_dim3A_742 = vector.broadcast %broadcast_in_dim3A_741 : i32 to vector<16xi32>
          %gather3A_743 = tpu.vector_load_idx %arg6[%broadcast_in_dim3A_742, %get3A_506] : memref<32x512xf32, #tpu.memory_space<vmem>>[vector<16xi32>, vector<16xi32>], vector<16xf32>,
          %broadcast_in_dim3A_744 = arith.constant 31 : i32
          %broadcast_in_dim3A_745 = vector.broadcast %broadcast_in_dim3A_744 : i32 to vector<16xi32>
          %gather3A_746 = tpu.vector_load_idx %arg6[%broadcast_in_dim3A_745, %get3A_506] : memref<32x512xf32, #tpu.memory_space<vmem>>[vector<16xi32>, vector<16xi32>], vector<16xf32>,
          %mul3A_747 = arith.constant 16 : i32
          %mul3A_748 = arith.muli %add3A_501, %mul3A_747 : i32
          %swap3A_749 = arith.constant 24 : i32
          %swap3A_750 = arith.index_cast %swap3A_749 : i32 to index
          %swap3A_751 = arith.index_cast %mul3A_748 : i32 to index
          %swap3A_752 = tpu.vector_load %arg8[%swap3A_750, %swap3A_751] {strides = array<i32>} : memref<32x512xf32, #tpu.memory_space<vmem>>, vector<16xf32>,
          tpu.vector_store %arg8[%swap3A_750, %swap3A_751], %gather3A_725 {strides = array<i32>} : memref<32x512xf32, #tpu.memory_space<vmem>>, vector<16xf32>,
          %mul3A_753 = arith.constant 16 : i32
          %mul3A_754 = arith.muli %add3A_501, %mul3A_753 : i32
          %swap3A_755 = arith.constant 25 : i32
          %swap3A_756 = arith.index_cast %swap3A_755 : i32 to index
          %swap3A_757 = arith.index_cast %mul3A_754 : i32 to index
          %swap3A_758 = tpu.vector_load %arg8[%swap3A_756, %swap3A_757] {strides = array<i32>} : memref<32x512xf32, #tpu.memory_space<vmem>>, vector<16xf32>,
          tpu.vector_store %arg8[%swap3A_756, %swap3A_757], %gather3A_728 {strides = array<i32>} : memref<32x512xf32, #tpu.memory_space<vmem>>, vector<16xf32>,
          %mul3A_759 = arith.constant 16 : i32
          %mul3A_760 = arith.muli %add3A_501, %mul3A_759 : i32
          %swap3A_761 = arith.constant 26 : i32
          %swap3A_762 = arith.index_cast %swap3A_761 : i32 to index
          %swap3A_763 = arith.index_cast %mul3A_760 : i32 to index
          %swap3A_764 = tpu.vector_load %arg8[%swap3A_762, %swap3A_763] {strides = array<i32>} : memref<32x512xf32, #tpu.memory_space<vmem>>, vector<16xf32>,
          tpu.vector_store %arg8[%swap3A_762, %swap3A_763], %gather3A_731 {strides = array<i32>} : memref<32x512xf32, #tpu.memory_space<vmem>>, vector<16xf32>,
          %mul3A_765 = arith.constant 16 : i32
          %mul3A_766 = arith.muli %add3A_501, %mul3A_765 : i32
          %swap3A_767 = arith.constant 27 : i32
          %swap3A_768 = arith.index_cast %swap3A_767 : i32 to index
          %swap3A_769 = arith.index_cast %mul3A_766 : i32 to index
          %swap3A_770 = tpu.vector_load %arg8[%swap3A_768, %swap3A_769] {strides = array<i32>} : memref<32x512xf32, #tpu.memory_space<vmem>>, vector<16xf32>,
          tpu.vector_store %arg8[%swap3A_768, %swap3A_769], %gather3A_734 {strides = array<i32>} : memref<32x512xf32, #tpu.memory_space<vmem>>, vector<16xf32>,
          %mul3A_771 = arith.constant 16 : i32
          %mul3A_772 = arith.muli %add3A_501, %mul3A_771 : i32
          %swap3A_773 = arith.constant 28 : i32
          %swap3A_774 = arith.index_cast %swap3A_773 : i32 to index
          %swap3A_775 = arith.index_cast %mul3A_772 : i32 to index
          %swap3A_776 = tpu.vector_load %arg8[%swap3A_774, %swap3A_775] {strides = array<i32>} : memref<32x512xf32, #tpu.memory_space<vmem>>, vector<16xf32>,
          tpu.vector_store %arg8[%swap3A_774, %swap3A_775], %gather3A_737 {strides = array<i32>} : memref<32x512xf32, #tpu.memory_space<vmem>>, vector<16xf32>,
          %mul3A_777 = arith.constant 16 : i32
          %mul3A_778 = arith.muli %add3A_501, %mul3A_777 : i32
          %swap3A_779 = arith.constant 29 : i32
          %swap3A_780 = arith.index_cast %swap3A_779 : i32 to index
          %swap3A_781 = arith.index_cast %mul3A_778 : i32 to index
          %swap3A_782 = tpu.vector_load %arg8[%swap3A_780, %swap3A_781] {strides = array<i32>} : memref<32x512xf32, #tpu.memory_space<vmem>>, vector<16xf32>,
          tpu.vector_store %arg8[%swap3A_780, %swap3A_781], %gather3A_740 {strides = array<i32>} : memref<32x512xf32, #tpu.memory_space<vmem>>, vector<16xf32>,
          %mul3A_783 = arith.constant 16 : i32
          %mul3A_784 = arith.muli %add3A_501, %mul3A_783 : i32
          %swap3A_785 = arith.constant 30 : i32
          %swap3A_786 = arith.index_cast %swap3A_785 : i32 to index
          %swap3A_787 = arith.index_cast %mul3A_784 : i32 to index
          %swap3A_788 = tpu.vector_load %arg8[%swap3A_786, %swap3A_787] {strides = array<i32>} : memref<32x512xf32, #tpu.memory_space<vmem>>, vector<16xf32>,
          tpu.vector_store %arg8[%swap3A_786, %swap3A_787], %gather3A_743 {strides = array<i32>} : memref<32x512xf32, #tpu.memory_space<vmem>>, vector<16xf32>,
          %mul3A_789 = arith.constant 16 : i32
          %mul3A_790 = arith.muli %add3A_501, %mul3A_789 : i32
          %swap3A_791 = arith.constant 31 : i32
          %swap3A_792 = arith.index_cast %swap3A_791 : i32 to index
          %swap3A_793 = arith.index_cast %mul3A_790 : i32 to index
          %swap3A_794 = tpu.vector_load %arg8[%swap3A_792, %swap3A_793] {strides = array<i32>} : memref<32x512xf32, #tpu.memory_space<vmem>>, vector<16xf32>,
          tpu.vector_store %arg8[%swap3A_792, %swap3A_793], %gather3A_746 {strides = array<i32>} : memref<32x512xf32, #tpu.memory_space<vmem>>, vector<16xf32>,
          %mul3A_795 = arith.constant 4 : i32
          %mul3A_796 = arith.muli %scan3A_204, %mul3A_795 : i32
          %add3A_797 = arith.constant 2 : i32
          %add3A_798 = arith.addi %mul3A_796, %add3A_797 : i32
          %mul3A_799 = arith.constant 16 : i32
          %mul3A_800 = arith.muli %add3A_798, %mul3A_799 : i32
          %add3A_801 = arith.addi %mul3A_147, %mul3A_800 : i32
          %get3A_802 = arith.index_cast %add3A_801 : i32 to index
          %get3A_803 = tpu.vector_load %arg5[%get3A_802] {strides = array<i32>} : memref<4096xi32, #tpu.memory_space<vmem>>, vector<16xi32>,
          %broadcast_in_dim3A_804 = arith.constant 0 : i32
          %broadcast_in_dim3A_805 = vector.broadcast %broadcast_in_dim3A_804 : i32 to vector<16xi32>
          %gather3A_806 = tpu.vector_load_idx %arg6[%broadcast_in_dim3A_805, %get3A_803] : memref<32x512xf32, #tpu.memory_space<vmem>>[vector<16xi32>, vector<16xi32>], vector<16xf32>,
          %broadcast_in_dim3A_807 = arith.constant 1 : i32
          %broadcast_in_dim3A_808 = vector.broadcast %broadcast_in_dim3A_807 : i32 to vector<16xi32>
          %gather3A_809 = tpu.vector_load_idx %arg6[%broadcast_in_dim3A_808, %get3A_803] : memref<32x512xf32, #tpu.memory_space<vmem>>[vector<16xi32>, vector<16xi32>], vector<16xf32>,
          %broadcast_in_dim3A_810 = arith.constant 2 : i32
          %broadcast_in_dim3A_811 = vector.broadcast %broadcast_in_dim3A_810 : i32 to vector<16xi32>
          %gather3A_812 = tpu.vector_load_idx %arg6[%broadcast_in_dim3A_811, %get3A_803] : memref<32x512xf32, #tpu.memory_space<vmem>>[vector<16xi32>, vector<16xi32>], vector<16xf32>,
          %broadcast_in_dim3A_813 = arith.constant 3 : i32
          %broadcast_in_dim3A_814 = vector.broadcast %broadcast_in_dim3A_813 : i32 to vector<16xi32>
          %gather3A_815 = tpu.vector_load_idx %arg6[%broadcast_in_dim3A_814, %get3A_803] : memref<32x512xf32, #tpu.memory_space<vmem>>[vector<16xi32>, vector<16xi32>], vector<16xf32>,
          %broadcast_in_dim3A_816 = arith.constant 4 : i32
          %broadcast_in_dim3A_817 = vector.broadcast %broadcast_in_dim3A_816 : i32 to vector<16xi32>
          %gather3A_818 = tpu.vector_load_idx %arg6[%broadcast_in_dim3A_817, %get3A_803] : memref<32x512xf32, #tpu.memory_space<vmem>>[vector<16xi32>, vector<16xi32>], vector<16xf32>,
          %broadcast_in_dim3A_819 = arith.constant 5 : i32
          %broadcast_in_dim3A_820 = vector.broadcast %broadcast_in_dim3A_819 : i32 to vector<16xi32>
          %gather3A_821 = tpu.vector_load_idx %arg6[%broadcast_in_dim3A_820, %get3A_803] : memref<32x512xf32, #tpu.memory_space<vmem>>[vector<16xi32>, vector<16xi32>], vector<16xf32>,
          %broadcast_in_dim3A_822 = arith.constant 6 : i32
          %broadcast_in_dim3A_823 = vector.broadcast %broadcast_in_dim3A_822 : i32 to vector<16xi32>
          %gather3A_824 = tpu.vector_load_idx %arg6[%broadcast_in_dim3A_823, %get3A_803] : memref<32x512xf32, #tpu.memory_space<vmem>>[vector<16xi32>, vector<16xi32>], vector<16xf32>,
          %broadcast_in_dim3A_825 = arith.constant 7 : i32
          %broadcast_in_dim3A_826 = vector.broadcast %broadcast_in_dim3A_825 : i32 to vector<16xi32>
          %gather3A_827 = tpu.vector_load_idx %arg6[%broadcast_in_dim3A_826, %get3A_803] : memref<32x512xf32, #tpu.memory_space<vmem>>[vector<16xi32>, vector<16xi32>], vector<16xf32>,
          %mul3A_828 = arith.constant 16 : i32
          %mul3A_829 = arith.muli %add3A_798, %mul3A_828 : i32
          %swap3A_830 = arith.constant 0 : i32
          %swap3A_831 = arith.index_cast %swap3A_830 : i32 to index
          %swap3A_832 = arith.index_cast %mul3A_829 : i32 to index
          %swap3A_833 = tpu.vector_load %arg8[%swap3A_831, %swap3A_832] {strides = array<i32>} : memref<32x512xf32, #tpu.memory_space<vmem>>, vector<16xf32>,
          tpu.vector_store %arg8[%swap3A_831, %swap3A_832], %gather3A_806 {strides = array<i32>} : memref<32x512xf32, #tpu.memory_space<vmem>>, vector<16xf32>,
          %mul3A_834 = arith.constant 16 : i32
          %mul3A_835 = arith.muli %add3A_798, %mul3A_834 : i32
          %swap3A_836 = arith.constant 1 : i32
          %swap3A_837 = arith.index_cast %swap3A_836 : i32 to index
          %swap3A_838 = arith.index_cast %mul3A_835 : i32 to index
          %swap3A_839 = tpu.vector_load %arg8[%swap3A_837, %swap3A_838] {strides = array<i32>} : memref<32x512xf32, #tpu.memory_space<vmem>>, vector<16xf32>,
          tpu.vector_store %arg8[%swap3A_837, %swap3A_838], %gather3A_809 {strides = array<i32>} : memref<32x512xf32, #tpu.memory_space<vmem>>, vector<16xf32>,
          %mul3A_840 = arith.constant 16 : i32
          %mul3A_841 = arith.muli %add3A_798, %mul3A_840 : i32
          %swap3A_842 = arith.constant 2 : i32
          %swap3A_843 = arith.index_cast %swap3A_842 : i32 to index
          %swap3A_844 = arith.index_cast %mul3A_841 : i32 to index
          %swap3A_845 = tpu.vector_load %arg8[%swap3A_843, %swap3A_844] {strides = array<i32>} : memref<32x512xf32, #tpu.memory_space<vmem>>, vector<16xf32>,
          tpu.vector_store %arg8[%swap3A_843, %swap3A_844], %gather3A_812 {strides = array<i32>} : memref<32x512xf32, #tpu.memory_space<vmem>>, vector<16xf32>,
          %mul3A_846 = arith.constant 16 : i32
          %mul3A_847 = arith.muli %add3A_798, %mul3A_846 : i32
          %swap3A_848 = arith.constant 3 : i32
          %swap3A_849 = arith.index_cast %swap3A_848 : i32 to index
          %swap3A_850 = arith.index_cast %mul3A_847 : i32 to index
          %swap3A_851 = tpu.vector_load %arg8[%swap3A_849, %swap3A_850] {strides = array<i32>} : memref<32x512xf32, #tpu.memory_space<vmem>>, vector<16xf32>,
          tpu.vector_store %arg8[%swap3A_849, %swap3A_850], %gather3A_815 {strides = array<i32>} : memref<32x512xf32, #tpu.memory_space<vmem>>, vector<16xf32>,
          %mul3A_852 = arith.constant 16 : i32
          %mul3A_853 = arith.muli %add3A_798, %mul3A_852 : i32
          %swap3A_854 = arith.constant 4 : i32
          %swap3A_855 = arith.index_cast %swap3A_854 : i32 to index
          %swap3A_856 = arith.index_cast %mul3A_853 : i32 to index
          %swap3A_857 = tpu.vector_load %arg8[%swap3A_855, %swap3A_856] {strides = array<i32>} : memref<32x512xf32, #tpu.memory_space<vmem>>, vector<16xf32>,
          tpu.vector_store %arg8[%swap3A_855, %swap3A_856], %gather3A_818 {strides = array<i32>} : memref<32x512xf32, #tpu.memory_space<vmem>>, vector<16xf32>,
          %mul3A_858 = arith.constant 16 : i32
          %mul3A_859 = arith.muli %add3A_798, %mul3A_858 : i32
          %swap3A_860 = arith.constant 5 : i32
          %swap3A_861 = arith.index_cast %swap3A_860 : i32 to index
          %swap3A_862 = arith.index_cast %mul3A_859 : i32 to index
          %swap3A_863 = tpu.vector_load %arg8[%swap3A_861, %swap3A_862] {strides = array<i32>} : memref<32x512xf32, #tpu.memory_space<vmem>>, vector<16xf32>,
          tpu.vector_store %arg8[%swap3A_861, %swap3A_862], %gather3A_821 {strides = array<i32>} : memref<32x512xf32, #tpu.memory_space<vmem>>, vector<16xf32>,
          %mul3A_864 = arith.constant 16 : i32
          %mul3A_865 = arith.muli %add3A_798, %mul3A_864 : i32
          %swap3A_866 = arith.constant 6 : i32
          %swap3A_867 = arith.index_cast %swap3A_866 : i32 to index
          %swap3A_868 = arith.index_cast %mul3A_865 : i32 to index
          %swap3A_869 = tpu.vector_load %arg8[%swap3A_867, %swap3A_868] {strides = array<i32>} : memref<32x512xf32, #tpu.memory_space<vmem>>, vector<16xf32>,
          tpu.vector_store %arg8[%swap3A_867, %swap3A_868], %gather3A_824 {strides = array<i32>} : memref<32x512xf32, #tpu.memory_space<vmem>>, vector<16xf32>,
          %mul3A_870 = arith.constant 16 : i32
          %mul3A_871 = arith.muli %add3A_798, %mul3A_870 : i32
          %swap3A_872 = arith.constant 7 : i32
          %swap3A_873 = arith.index_cast %swap3A_872 : i32 to index
          %swap3A_874 = arith.index_cast %mul3A_871 : i32 to index
          %swap3A_875 = tpu.vector_load %arg8[%swap3A_873, %swap3A_874] {strides = array<i32>} : memref<32x512xf32, #tpu.memory_space<vmem>>, vector<16xf32>,
          tpu.vector_store %arg8[%swap3A_873, %swap3A_874], %gather3A_827 {strides = array<i32>} : memref<32x512xf32, #tpu.memory_space<vmem>>, vector<16xf32>,
          %broadcast_in_dim3A_876 = arith.constant 8 : i32
          %broadcast_in_dim3A_877 = vector.broadcast %broadcast_in_dim3A_876 : i32 to vector<16xi32>
          %gather3A_878 = tpu.vector_load_idx %arg6[%broadcast_in_dim3A_877, %get3A_803] : memref<32x512xf32, #tpu.memory_space<vmem>>[vector<16xi32>, vector<16xi32>], vector<16xf32>,
          %broadcast_in_dim3A_879 = arith.constant 9 : i32
          %broadcast_in_dim3A_880 = vector.broadcast %broadcast_in_dim3A_879 : i32 to vector<16xi32>
          %gather3A_881 = tpu.vector_load_idx %arg6[%broadcast_in_dim3A_880, %get3A_803] : memref<32x512xf32, #tpu.memory_space<vmem>>[vector<16xi32>, vector<16xi32>], vector<16xf32>,
          %broadcast_in_dim3A_882 = arith.constant 10 : i32
          %broadcast_in_dim3A_883 = vector.broadcast %broadcast_in_dim3A_882 : i32 to vector<16xi32>
          %gather3A_884 = tpu.vector_load_idx %arg6[%broadcast_in_dim3A_883, %get3A_803] : memref<32x512xf32, #tpu.memory_space<vmem>>[vector<16xi32>, vector<16xi32>], vector<16xf32>,
          %broadcast_in_dim3A_885 = arith.constant 11 : i32
          %broadcast_in_dim3A_886 = vector.broadcast %broadcast_in_dim3A_885 : i32 to vector<16xi32>
          %gather3A_887 = tpu.vector_load_idx %arg6[%broadcast_in_dim3A_886, %get3A_803] : memref<32x512xf32, #tpu.memory_space<vmem>>[vector<16xi32>, vector<16xi32>], vector<16xf32>,
          %broadcast_in_dim3A_888 = arith.constant 12 : i32
          %broadcast_in_dim3A_889 = vector.broadcast %broadcast_in_dim3A_888 : i32 to vector<16xi32>
          %gather3A_890 = tpu.vector_load_idx %arg6[%broadcast_in_dim3A_889, %get3A_803] : memref<32x512xf32, #tpu.memory_space<vmem>>[vector<16xi32>, vector<16xi32>], vector<16xf32>,
          %broadcast_in_dim3A_891 = arith.constant 13 : i32
          %broadcast_in_dim3A_892 = vector.broadcast %broadcast_in_dim3A_891 : i32 to vector<16xi32>
          %gather3A_893 = tpu.vector_load_idx %arg6[%broadcast_in_dim3A_892, %get3A_803] : memref<32x512xf32, #tpu.memory_space<vmem>>[vector<16xi32>, vector<16xi32>], vector<16xf32>,
          %broadcast_in_dim3A_894 = arith.constant 14 : i32
          %broadcast_in_dim3A_895 = vector.broadcast %broadcast_in_dim3A_894 : i32 to vector<16xi32>
          %gather3A_896 = tpu.vector_load_idx %arg6[%broadcast_in_dim3A_895, %get3A_803] : memref<32x512xf32, #tpu.memory_space<vmem>>[vector<16xi32>, vector<16xi32>], vector<16xf32>,
          %broadcast_in_dim3A_897 = arith.constant 15 : i32
          %broadcast_in_dim3A_898 = vector.broadcast %broadcast_in_dim3A_897 : i32 to vector<16xi32>
          %gather3A_899 = tpu.vector_load_idx %arg6[%broadcast_in_dim3A_898, %get3A_803] : memref<32x512xf32, #tpu.memory_space<vmem>>[vector<16xi32>, vector<16xi32>], vector<16xf32>,
          %mul3A_900 = arith.constant 16 : i32
          %mul3A_901 = arith.muli %add3A_798, %mul3A_900 : i32
          %swap3A_902 = arith.constant 8 : i32
          %swap3A_903 = arith.index_cast %swap3A_902 : i32 to index
          %swap3A_904 = arith.index_cast %mul3A_901 : i32 to index
          %swap3A_905 = tpu.vector_load %arg8[%swap3A_903, %swap3A_904] {strides = array<i32>} : memref<32x512xf32, #tpu.memory_space<vmem>>, vector<16xf32>,
          tpu.vector_store %arg8[%swap3A_903, %swap3A_904], %gather3A_878 {strides = array<i32>} : memref<32x512xf32, #tpu.memory_space<vmem>>, vector<16xf32>,
          %mul3A_906 = arith.constant 16 : i32
          %mul3A_907 = arith.muli %add3A_798, %mul3A_906 : i32
          %swap3A_908 = arith.constant 9 : i32
          %swap3A_909 = arith.index_cast %swap3A_908 : i32 to index
          %swap3A_910 = arith.index_cast %mul3A_907 : i32 to index
          %swap3A_911 = tpu.vector_load %arg8[%swap3A_909, %swap3A_910] {strides = array<i32>} : memref<32x512xf32, #tpu.memory_space<vmem>>, vector<16xf32>,
          tpu.vector_store %arg8[%swap3A_909, %swap3A_910], %gather3A_881 {strides = array<i32>} : memref<32x512xf32, #tpu.memory_space<vmem>>, vector<16xf32>,
          %mul3A_912 = arith.constant 16 : i32
          %mul3A_913 = arith.muli %add3A_798, %mul3A_912 : i32
          %swap3A_914 = arith.constant 10 : i32
          %swap3A_915 = arith.index_cast %swap3A_914 : i32 to index
          %swap3A_916 = arith.index_cast %mul3A_913 : i32 to index
          %swap3A_917 = tpu.vector_load %arg8[%swap3A_915, %swap3A_916] {strides = array<i32>} : memref<32x512xf32, #tpu.memory_space<vmem>>, vector<16xf32>,
          tpu.vector_store %arg8[%swap3A_915, %swap3A_916], %gather3A_884 {strides = array<i32>} : memref<32x512xf32, #tpu.memory_space<vmem>>, vector<16xf32>,
          %mul3A_918 = arith.constant 16 : i32
          %mul3A_919 = arith.muli %add3A_798, %mul3A_918 : i32
          %swap3A_920 = arith.constant 11 : i32
          %swap3A_921 = arith.index_cast %swap3A_920 : i32 to index
          %swap3A_922 = arith.index_cast %mul3A_919 : i32 to index
          %swap3A_923 = tpu.vector_load %arg8[%swap3A_921, %swap3A_922] {strides = array<i32>} : memref<32x512xf32, #tpu.memory_space<vmem>>, vector<16xf32>,
          tpu.vector_store %arg8[%swap3A_921, %swap3A_922], %gather3A_887 {strides = array<i32>} : memref<32x512xf32, #tpu.memory_space<vmem>>, vector<16xf32>,
          %mul3A_924 = arith.constant 16 : i32
          %mul3A_925 = arith.muli %add3A_798, %mul3A_924 : i32
          %swap3A_926 = arith.constant 12 : i32
          %swap3A_927 = arith.index_cast %swap3A_926 : i32 to index
          %swap3A_928 = arith.index_cast %mul3A_925 : i32 to index
          %swap3A_929 = tpu.vector_load %arg8[%swap3A_927, %swap3A_928] {strides = array<i32>} : memref<32x512xf32, #tpu.memory_space<vmem>>, vector<16xf32>,
          tpu.vector_store %arg8[%swap3A_927, %swap3A_928], %gather3A_890 {strides = array<i32>} : memref<32x512xf32, #tpu.memory_space<vmem>>, vector<16xf32>,
          %mul3A_930 = arith.constant 16 : i32
          %mul3A_931 = arith.muli %add3A_798, %mul3A_930 : i32
          %swap3A_932 = arith.constant 13 : i32
          %swap3A_933 = arith.index_cast %swap3A_932 : i32 to index
          %swap3A_934 = arith.index_cast %mul3A_931 : i32 to index
          %swap3A_935 = tpu.vector_load %arg8[%swap3A_933, %swap3A_934] {strides = array<i32>} : memref<32x512xf32, #tpu.memory_space<vmem>>, vector<16xf32>,
          tpu.vector_store %arg8[%swap3A_933, %swap3A_934], %gather3A_893 {strides = array<i32>} : memref<32x512xf32, #tpu.memory_space<vmem>>, vector<16xf32>,
          %mul3A_936 = arith.constant 16 : i32
          %mul3A_937 = arith.muli %add3A_798, %mul3A_936 : i32
          %swap3A_938 = arith.constant 14 : i32
          %swap3A_939 = arith.index_cast %swap3A_938 : i32 to index
          %swap3A_940 = arith.index_cast %mul3A_937 : i32 to index
          %swap3A_941 = tpu.vector_load %arg8[%swap3A_939, %swap3A_940] {strides = array<i32>} : memref<32x512xf32, #tpu.memory_space<vmem>>, vector<16xf32>,
          tpu.vector_store %arg8[%swap3A_939, %swap3A_940], %gather3A_896 {strides = array<i32>} : memref<32x512xf32, #tpu.memory_space<vmem>>, vector<16xf32>,
          %mul3A_942 = arith.constant 16 : i32
          %mul3A_943 = arith.muli %add3A_798, %mul3A_942 : i32
          %swap3A_944 = arith.constant 15 : i32
          %swap3A_945 = arith.index_cast %swap3A_944 : i32 to index
          %swap3A_946 = arith.index_cast %mul3A_943 : i32 to index
          %swap3A_947 = tpu.vector_load %arg8[%swap3A_945, %swap3A_946] {strides = array<i32>} : memref<32x512xf32, #tpu.memory_space<vmem>>, vector<16xf32>,
          tpu.vector_store %arg8[%swap3A_945, %swap3A_946], %gather3A_899 {strides = array<i32>} : memref<32x512xf32, #tpu.memory_space<vmem>>, vector<16xf32>,
          %broadcast_in_dim3A_948 = arith.constant 16 : i32
          %broadcast_in_dim3A_949 = vector.broadcast %broadcast_in_dim3A_948 : i32 to vector<16xi32>
          %gather3A_950 = tpu.vector_load_idx %arg6[%broadcast_in_dim3A_949, %get3A_803] : memref<32x512xf32, #tpu.memory_space<vmem>>[vector<16xi32>, vector<16xi32>], vector<16xf32>,
          %broadcast_in_dim3A_951 = arith.constant 17 : i32
          %broadcast_in_dim3A_952 = vector.broadcast %broadcast_in_dim3A_951 : i32 to vector<16xi32>
          %gather3A_953 = tpu.vector_load_idx %arg6[%broadcast_in_dim3A_952, %get3A_803] : memref<32x512xf32, #tpu.memory_space<vmem>>[vector<16xi32>, vector<16xi32>], vector<16xf32>,
          %broadcast_in_dim3A_954 = arith.constant 18 : i32
          %broadcast_in_dim3A_955 = vector.broadcast %broadcast_in_dim3A_954 : i32 to vector<16xi32>
          %gather3A_956 = tpu.vector_load_idx %arg6[%broadcast_in_dim3A_955, %get3A_803] : memref<32x512xf32, #tpu.memory_space<vmem>>[vector<16xi32>, vector<16xi32>], vector<16xf32>,
          %broadcast_in_dim3A_957 = arith.constant 19 : i32
          %broadcast_in_dim3A_958 = vector.broadcast %broadcast_in_dim3A_957 : i32 to vector<16xi32>
          %gather3A_959 = tpu.vector_load_idx %arg6[%broadcast_in_dim3A_958, %get3A_803] : memref<32x512xf32, #tpu.memory_space<vmem>>[vector<16xi32>, vector<16xi32>], vector<16xf32>,
          %broadcast_in_dim3A_960 = arith.constant 20 : i32
          %broadcast_in_dim3A_961 = vector.broadcast %broadcast_in_dim3A_960 : i32 to vector<16xi32>
          %gather3A_962 = tpu.vector_load_idx %arg6[%broadcast_in_dim3A_961, %get3A_803] : memref<32x512xf32, #tpu.memory_space<vmem>>[vector<16xi32>, vector<16xi32>], vector<16xf32>,
          %broadcast_in_dim3A_963 = arith.constant 21 : i32
          %broadcast_in_dim3A_964 = vector.broadcast %broadcast_in_dim3A_963 : i32 to vector<16xi32>
          %gather3A_965 = tpu.vector_load_idx %arg6[%broadcast_in_dim3A_964, %get3A_803] : memref<32x512xf32, #tpu.memory_space<vmem>>[vector<16xi32>, vector<16xi32>], vector<16xf32>,
          %broadcast_in_dim3A_966 = arith.constant 22 : i32
          %broadcast_in_dim3A_967 = vector.broadcast %broadcast_in_dim3A_966 : i32 to vector<16xi32>
          %gather3A_968 = tpu.vector_load_idx %arg6[%broadcast_in_dim3A_967, %get3A_803] : memref<32x512xf32, #tpu.memory_space<vmem>>[vector<16xi32>, vector<16xi32>], vector<16xf32>,
          %broadcast_in_dim3A_969 = arith.constant 23 : i32
          %broadcast_in_dim3A_970 = vector.broadcast %broadcast_in_dim3A_969 : i32 to vector<16xi32>
          %gather3A_971 = tpu.vector_load_idx %arg6[%broadcast_in_dim3A_970, %get3A_803] : memref<32x512xf32, #tpu.memory_space<vmem>>[vector<16xi32>, vector<16xi32>], vector<16xf32>,
          %mul3A_972 = arith.constant 16 : i32
          %mul3A_973 = arith.muli %add3A_798, %mul3A_972 : i32
          %swap3A_974 = arith.constant 16 : i32
          %swap3A_975 = arith.index_cast %swap3A_974 : i32 to index
          %swap3A_976 = arith.index_cast %mul3A_973 : i32 to index
          %swap3A_977 = tpu.vector_load %arg8[%swap3A_975, %swap3A_976] {strides = array<i32>} : memref<32x512xf32, #tpu.memory_space<vmem>>, vector<16xf32>,
          tpu.vector_store %arg8[%swap3A_975, %swap3A_976], %gather3A_950 {strides = array<i32>} : memref<32x512xf32, #tpu.memory_space<vmem>>, vector<16xf32>,
          %mul3A_978 = arith.constant 16 : i32
          %mul3A_979 = arith.muli %add3A_798, %mul3A_978 : i32
          %swap3A_980 = arith.constant 17 : i32
          %swap3A_981 = arith.index_cast %swap3A_980 : i32 to index
          %swap3A_982 = arith.index_cast %mul3A_979 : i32 to index
          %swap3A_983 = tpu.vector_load %arg8[%swap3A_981, %swap3A_982] {strides = array<i32>} : memref<32x512xf32, #tpu.memory_space<vmem>>, vector<16xf32>,
          tpu.vector_store %arg8[%swap3A_981, %swap3A_982], %gather3A_953 {strides = array<i32>} : memref<32x512xf32, #tpu.memory_space<vmem>>, vector<16xf32>,
          %mul3A_984 = arith.constant 16 : i32
          %mul3A_985 = arith.muli %add3A_798, %mul3A_984 : i32
          %swap3A_986 = arith.constant 18 : i32
          %swap3A_987 = arith.index_cast %swap3A_986 : i32 to index
          %swap3A_988 = arith.index_cast %mul3A_985 : i32 to index
          %swap3A_989 = tpu.vector_load %arg8[%swap3A_987, %swap3A_988] {strides = array<i32>} : memref<32x512xf32, #tpu.memory_space<vmem>>, vector<16xf32>,
          tpu.vector_store %arg8[%swap3A_987, %swap3A_988], %gather3A_956 {strides = array<i32>} : memref<32x512xf32, #tpu.memory_space<vmem>>, vector<16xf32>,
          %mul3A_990 = arith.constant 16 : i32
          %mul3A_991 = arith.muli %add3A_798, %mul3A_990 : i32
          %swap3A_992 = arith.constant 19 : i32
          %swap3A_993 = arith.index_cast %swap3A_992 : i32 to index
          %swap3A_994 = arith.index_cast %mul3A_991 : i32 to index
          %swap3A_995 = tpu.vector_load %arg8[%swap3A_993, %swap3A_994] {strides = array<i32>} : memref<32x512xf32, #tpu.memory_space<vmem>>, vector<16xf32>,
          tpu.vector_store %arg8[%swap3A_993, %swap3A_994], %gather3A_959 {strides = array<i32>} : memref<32x512xf32, #tpu.memory_space<vmem>>, vector<16xf32>,
          %mul3A_996 = arith.constant 16 : i32
          %mul3A_997 = arith.muli %add3A_798, %mul3A_996 : i32
          %swap3A_998 = arith.constant 20 : i32
          %swap3A_999 = arith.index_cast %swap3A_998 : i32 to index
          %swap3A_1000 = arith.index_cast %mul3A_997 : i32 to index
          %swap3A_1001 = tpu.vector_load %arg8[%swap3A_999, %swap3A_1000] {strides = array<i32>} : memref<32x512xf32, #tpu.memory_space<vmem>>, vector<16xf32>,
          tpu.vector_store %arg8[%swap3A_999, %swap3A_1000], %gather3A_962 {strides = array<i32>} : memref<32x512xf32, #tpu.memory_space<vmem>>, vector<16xf32>,
          %mul3A_1002 = arith.constant 16 : i32
          %mul3A_1003 = arith.muli %add3A_798, %mul3A_1002 : i32
          %swap3A_1004 = arith.constant 21 : i32
          %swap3A_1005 = arith.index_cast %swap3A_1004 : i32 to index
          %swap3A_1006 = arith.index_cast %mul3A_1003 : i32 to index
          %swap3A_1007 = tpu.vector_load %arg8[%swap3A_1005, %swap3A_1006] {strides = array<i32>} : memref<32x512xf32, #tpu.memory_space<vmem>>, vector<16xf32>,
          tpu.vector_store %arg8[%swap3A_1005, %swap3A_1006], %gather3A_965 {strides = array<i32>} : memref<32x512xf32, #tpu.memory_space<vmem>>, vector<16xf32>,
          %mul3A_1008 = arith.constant 16 : i32
          %mul3A_1009 = arith.muli %add3A_798, %mul3A_1008 : i32
          %swap3A_1010 = arith.constant 22 : i32
          %swap3A_1011 = arith.index_cast %swap3A_1010 : i32 to index
          %swap3A_1012 = arith.index_cast %mul3A_1009 : i32 to index
          %swap3A_1013 = tpu.vector_load %arg8[%swap3A_1011, %swap3A_1012] {strides = array<i32>} : memref<32x512xf32, #tpu.memory_space<vmem>>, vector<16xf32>,
          tpu.vector_store %arg8[%swap3A_1011, %swap3A_1012], %gather3A_968 {strides = array<i32>} : memref<32x512xf32, #tpu.memory_space<vmem>>, vector<16xf32>,
          %mul3A_1014 = arith.constant 16 : i32
          %mul3A_1015 = arith.muli %add3A_798, %mul3A_1014 : i32
          %swap3A_1016 = arith.constant 23 : i32
          %swap3A_1017 = arith.index_cast %swap3A_1016 : i32 to index
          %swap3A_1018 = arith.index_cast %mul3A_1015 : i32 to index
          %swap3A_1019 = tpu.vector_load %arg8[%swap3A_1017, %swap3A_1018] {strides = array<i32>} : memref<32x512xf32, #tpu.memory_space<vmem>>, vector<16xf32>,
          tpu.vector_store %arg8[%swap3A_1017, %swap3A_1018], %gather3A_971 {strides = array<i32>} : memref<32x512xf32, #tpu.memory_space<vmem>>, vector<16xf32>,
          %broadcast_in_dim3A_1020 = arith.constant 24 : i32
          %broadcast_in_dim3A_1021 = vector.broadcast %broadcast_in_dim3A_1020 : i32 to vector<16xi32>
          %gather3A_1022 = tpu.vector_load_idx %arg6[%broadcast_in_dim3A_1021, %get3A_803] : memref<32x512xf32, #tpu.memory_space<vmem>>[vector<16xi32>, vector<16xi32>], vector<16xf32>,
          %broadcast_in_dim3A_1023 = arith.constant 25 : i32
          %broadcast_in_dim3A_1024 = vector.broadcast %broadcast_in_dim3A_1023 : i32 to vector<16xi32>
          %gather3A_1025 = tpu.vector_load_idx %arg6[%broadcast_in_dim3A_1024, %get3A_803] : memref<32x512xf32, #tpu.memory_space<vmem>>[vector<16xi32>, vector<16xi32>], vector<16xf32>,
          %broadcast_in_dim3A_1026 = arith.constant 26 : i32
          %broadcast_in_dim3A_1027 = vector.broadcast %broadcast_in_dim3A_1026 : i32 to vector<16xi32>
          %gather3A_1028 = tpu.vector_load_idx %arg6[%broadcast_in_dim3A_1027, %get3A_803] : memref<32x512xf32, #tpu.memory_space<vmem>>[vector<16xi32>, vector<16xi32>], vector<16xf32>,
          %broadcast_in_dim3A_1029 = arith.constant 27 : i32
          %broadcast_in_dim3A_1030 = vector.broadcast %broadcast_in_dim3A_1029 : i32 to vector<16xi32>
          %gather3A_1031 = tpu.vector_load_idx %arg6[%broadcast_in_dim3A_1030, %get3A_803] : memref<32x512xf32, #tpu.memory_space<vmem>>[vector<16xi32>, vector<16xi32>], vector<16xf32>,
          %broadcast_in_dim3A_1032 = arith.constant 28 : i32
          %broadcast_in_dim3A_1033 = vector.broadcast %broadcast_in_dim3A_1032 : i32 to vector<16xi32>
          %gather3A_1034 = tpu.vector_load_idx %arg6[%broadcast_in_dim3A_1033, %get3A_803] : memref<32x512xf32, #tpu.memory_space<vmem>>[vector<16xi32>, vector<16xi32>], vector<16xf32>,
          %broadcast_in_dim3A_1035 = arith.constant 29 : i32
          %broadcast_in_dim3A_1036 = vector.broadcast %broadcast_in_dim3A_1035 : i32 to vector<16xi32>
          %gather3A_1037 = tpu.vector_load_idx %arg6[%broadcast_in_dim3A_1036, %get3A_803] : memref<32x512xf32, #tpu.memory_space<vmem>>[vector<16xi32>, vector<16xi32>], vector<16xf32>,
          %broadcast_in_dim3A_1038 = arith.constant 30 : i32
          %broadcast_in_dim3A_1039 = vector.broadcast %broadcast_in_dim3A_1038 : i32 to vector<16xi32>
          %gather3A_1040 = tpu.vector_load_idx %arg6[%broadcast_in_dim3A_1039, %get3A_803] : memref<32x512xf32, #tpu.memory_space<vmem>>[vector<16xi32>, vector<16xi32>], vector<16xf32>,
          %broadcast_in_dim3A_1041 = arith.constant 31 : i32
          %broadcast_in_dim3A_1042 = vector.broadcast %broadcast_in_dim3A_1041 : i32 to vector<16xi32>
          %gather3A_1043 = tpu.vector_load_idx %arg6[%broadcast_in_dim3A_1042, %get3A_803] : memref<32x512xf32, #tpu.memory_space<vmem>>[vector<16xi32>, vector<16xi32>], vector<16xf32>,
          %mul3A_1044 = arith.constant 16 : i32
          %mul3A_1045 = arith.muli %add3A_798, %mul3A_1044 : i32
          %swap3A_1046 = arith.constant 24 : i32
          %swap3A_1047 = arith.index_cast %swap3A_1046 : i32 to index
          %swap3A_1048 = arith.index_cast %mul3A_1045 : i32 to index
          %swap3A_1049 = tpu.vector_load %arg8[%swap3A_1047, %swap3A_1048] {strides = array<i32>} : memref<32x512xf32, #tpu.memory_space<vmem>>, vector<16xf32>,
          tpu.vector_store %arg8[%swap3A_1047, %swap3A_1048], %gather3A_1022 {strides = array<i32>} : memref<32x512xf32, #tpu.memory_space<vmem>>, vector<16xf32>,
          %mul3A_1050 = arith.constant 16 : i32
          %mul3A_1051 = arith.muli %add3A_798, %mul3A_1050 : i32
          %swap3A_1052 = arith.constant 25 : i32
          %swap3A_1053 = arith.index_cast %swap3A_1052 : i32 to index
          %swap3A_1054 = arith.index_cast %mul3A_1051 : i32 to index
          %swap3A_1055 = tpu.vector_load %arg8[%swap3A_1053, %swap3A_1054] {strides = array<i32>} : memref<32x512xf32, #tpu.memory_space<vmem>>, vector<16xf32>,
          tpu.vector_store %arg8[%swap3A_1053, %swap3A_1054], %gather3A_1025 {strides = array<i32>} : memref<32x512xf32, #tpu.memory_space<vmem>>, vector<16xf32>,
          %mul3A_1056 = arith.constant 16 : i32
          %mul3A_1057 = arith.muli %add3A_798, %mul3A_1056 : i32
          %swap3A_1058 = arith.constant 26 : i32
          %swap3A_1059 = arith.index_cast %swap3A_1058 : i32 to index
          %swap3A_1060 = arith.index_cast %mul3A_1057 : i32 to index
          %swap3A_1061 = tpu.vector_load %arg8[%swap3A_1059, %swap3A_1060] {strides = array<i32>} : memref<32x512xf32, #tpu.memory_space<vmem>>, vector<16xf32>,
          tpu.vector_store %arg8[%swap3A_1059, %swap3A_1060], %gather3A_1028 {strides = array<i32>} : memref<32x512xf32, #tpu.memory_space<vmem>>, vector<16xf32>,
          %mul3A_1062 = arith.constant 16 : i32
          %mul3A_1063 = arith.muli %add3A_798, %mul3A_1062 : i32
          %swap3A_1064 = arith.constant 27 : i32
          %swap3A_1065 = arith.index_cast %swap3A_1064 : i32 to index
          %swap3A_1066 = arith.index_cast %mul3A_1063 : i32 to index
          %swap3A_1067 = tpu.vector_load %arg8[%swap3A_1065, %swap3A_1066] {strides = array<i32>} : memref<32x512xf32, #tpu.memory_space<vmem>>, vector<16xf32>,
          tpu.vector_store %arg8[%swap3A_1065, %swap3A_1066], %gather3A_1031 {strides = array<i32>} : memref<32x512xf32, #tpu.memory_space<vmem>>, vector<16xf32>,
          %mul3A_1068 = arith.constant 16 : i32
          %mul3A_1069 = arith.muli %add3A_798, %mul3A_1068 : i32
          %swap3A_1070 = arith.constant 28 : i32
          %swap3A_1071 = arith.index_cast %swap3A_1070 : i32 to index
          %swap3A_1072 = arith.index_cast %mul3A_1069 : i32 to index
          %swap3A_1073 = tpu.vector_load %arg8[%swap3A_1071, %swap3A_1072] {strides = array<i32>} : memref<32x512xf32, #tpu.memory_space<vmem>>, vector<16xf32>,
          tpu.vector_store %arg8[%swap3A_1071, %swap3A_1072], %gather3A_1034 {strides = array<i32>} : memref<32x512xf32, #tpu.memory_space<vmem>>, vector<16xf32>,
          %mul3A_1074 = arith.constant 16 : i32
          %mul3A_1075 = arith.muli %add3A_798, %mul3A_1074 : i32
          %swap3A_1076 = arith.constant 29 : i32
          %swap3A_1077 = arith.index_cast %swap3A_1076 : i32 to index
          %swap3A_1078 = arith.index_cast %mul3A_1075 : i32 to index
          %swap3A_1079 = tpu.vector_load %arg8[%swap3A_1077, %swap3A_1078] {strides = array<i32>} : memref<32x512xf32, #tpu.memory_space<vmem>>, vector<16xf32>,
          tpu.vector_store %arg8[%swap3A_1077, %swap3A_1078], %gather3A_1037 {strides = array<i32>} : memref<32x512xf32, #tpu.memory_space<vmem>>, vector<16xf32>,
          %mul3A_1080 = arith.constant 16 : i32
          %mul3A_1081 = arith.muli %add3A_798, %mul3A_1080 : i32
          %swap3A_1082 = arith.constant 30 : i32
          %swap3A_1083 = arith.index_cast %swap3A_1082 : i32 to index
          %swap3A_1084 = arith.index_cast %mul3A_1081 : i32 to index
          %swap3A_1085 = tpu.vector_load %arg8[%swap3A_1083, %swap3A_1084] {strides = array<i32>} : memref<32x512xf32, #tpu.memory_space<vmem>>, vector<16xf32>,
          tpu.vector_store %arg8[%swap3A_1083, %swap3A_1084], %gather3A_1040 {strides = array<i32>} : memref<32x512xf32, #tpu.memory_space<vmem>>, vector<16xf32>,
          %mul3A_1086 = arith.constant 16 : i32
          %mul3A_1087 = arith.muli %add3A_798, %mul3A_1086 : i32
          %swap3A_1088 = arith.constant 31 : i32
          %swap3A_1089 = arith.index_cast %swap3A_1088 : i32 to index
          %swap3A_1090 = arith.index_cast %mul3A_1087 : i32 to index
          %swap3A_1091 = tpu.vector_load %arg8[%swap3A_1089, %swap3A_1090] {strides = array<i32>} : memref<32x512xf32, #tpu.memory_space<vmem>>, vector<16xf32>,
          tpu.vector_store %arg8[%swap3A_1089, %swap3A_1090], %gather3A_1043 {strides = array<i32>} : memref<32x512xf32, #tpu.memory_space<vmem>>, vector<16xf32>,
          %mul3A_1092 = arith.constant 4 : i32
          %mul3A_1093 = arith.muli %scan3A_204, %mul3A_1092 : i32
          %add3A_1094 = arith.constant 3 : i32
          %add3A_1095 = arith.addi %mul3A_1093, %add3A_1094 : i32
          %mul3A_1096 = arith.constant 16 : i32
          %mul3A_1097 = arith.muli %add3A_1095, %mul3A_1096 : i32
          %add3A_1098 = arith.addi %mul3A_147, %mul3A_1097 : i32
          %get3A_1099 = arith.index_cast %add3A_1098 : i32 to index
          %get3A_1100 = tpu.vector_load %arg5[%get3A_1099] {strides = array<i32>} : memref<4096xi32, #tpu.memory_space<vmem>>, vector<16xi32>,
          %broadcast_in_dim3A_1101 = arith.constant 0 : i32
          %broadcast_in_dim3A_1102 = vector.broadcast %broadcast_in_dim3A_1101 : i32 to vector<16xi32>
          %gather3A_1103 = tpu.vector_load_idx %arg6[%broadcast_in_dim3A_1102, %get3A_1100] : memref<32x512xf32, #tpu.memory_space<vmem>>[vector<16xi32>, vector<16xi32>], vector<16xf32>,
          %broadcast_in_dim3A_1104 = arith.constant 1 : i32
          %broadcast_in_dim3A_1105 = vector.broadcast %broadcast_in_dim3A_1104 : i32 to vector<16xi32>
          %gather3A_1106 = tpu.vector_load_idx %arg6[%broadcast_in_dim3A_1105, %get3A_1100] : memref<32x512xf32, #tpu.memory_space<vmem>>[vector<16xi32>, vector<16xi32>], vector<16xf32>,
          %broadcast_in_dim3A_1107 = arith.constant 2 : i32
          %broadcast_in_dim3A_1108 = vector.broadcast %broadcast_in_dim3A_1107 : i32 to vector<16xi32>
          %gather3A_1109 = tpu.vector_load_idx %arg6[%broadcast_in_dim3A_1108, %get3A_1100] : memref<32x512xf32, #tpu.memory_space<vmem>>[vector<16xi32>, vector<16xi32>], vector<16xf32>,
          %broadcast_in_dim3A_1110 = arith.constant 3 : i32
          %broadcast_in_dim3A_1111 = vector.broadcast %broadcast_in_dim3A_1110 : i32 to vector<16xi32>
          %gather3A_1112 = tpu.vector_load_idx %arg6[%broadcast_in_dim3A_1111, %get3A_1100] : memref<32x512xf32, #tpu.memory_space<vmem>>[vector<16xi32>, vector<16xi32>], vector<16xf32>,
          %broadcast_in_dim3A_1113 = arith.constant 4 : i32
          %broadcast_in_dim3A_1114 = vector.broadcast %broadcast_in_dim3A_1113 : i32 to vector<16xi32>
          %gather3A_1115 = tpu.vector_load_idx %arg6[%broadcast_in_dim3A_1114, %get3A_1100] : memref<32x512xf32, #tpu.memory_space<vmem>>[vector<16xi32>, vector<16xi32>], vector<16xf32>,
          %broadcast_in_dim3A_1116 = arith.constant 5 : i32
          %broadcast_in_dim3A_1117 = vector.broadcast %broadcast_in_dim3A_1116 : i32 to vector<16xi32>
          %gather3A_1118 = tpu.vector_load_idx %arg6[%broadcast_in_dim3A_1117, %get3A_1100] : memref<32x512xf32, #tpu.memory_space<vmem>>[vector<16xi32>, vector<16xi32>], vector<16xf32>,
          %broadcast_in_dim3A_1119 = arith.constant 6 : i32
          %broadcast_in_dim3A_1120 = vector.broadcast %broadcast_in_dim3A_1119 : i32 to vector<16xi32>
          %gather3A_1121 = tpu.vector_load_idx %arg6[%broadcast_in_dim3A_1120, %get3A_1100] : memref<32x512xf32, #tpu.memory_space<vmem>>[vector<16xi32>, vector<16xi32>], vector<16xf32>,
          %broadcast_in_dim3A_1122 = arith.constant 7 : i32
          %broadcast_in_dim3A_1123 = vector.broadcast %broadcast_in_dim3A_1122 : i32 to vector<16xi32>
          %gather3A_1124 = tpu.vector_load_idx %arg6[%broadcast_in_dim3A_1123, %get3A_1100] : memref<32x512xf32, #tpu.memory_space<vmem>>[vector<16xi32>, vector<16xi32>], vector<16xf32>,
          %mul3A_1125 = arith.constant 16 : i32
          %mul3A_1126 = arith.muli %add3A_1095, %mul3A_1125 : i32
          %swap3A_1127 = arith.constant 0 : i32
          %swap3A_1128 = arith.index_cast %swap3A_1127 : i32 to index
          %swap3A_1129 = arith.index_cast %mul3A_1126 : i32 to index
          %swap3A_1130 = tpu.vector_load %arg8[%swap3A_1128, %swap3A_1129] {strides = array<i32>} : memref<32x512xf32, #tpu.memory_space<vmem>>, vector<16xf32>,
          tpu.vector_store %arg8[%swap3A_1128, %swap3A_1129], %gather3A_1103 {strides = array<i32>} : memref<32x512xf32, #tpu.memory_space<vmem>>, vector<16xf32>,
          %mul3A_1131 = arith.constant 16 : i32
          %mul3A_1132 = arith.muli %add3A_1095, %mul3A_1131 : i32
          %swap3A_1133 = arith.constant 1 : i32
          %swap3A_1134 = arith.index_cast %swap3A_1133 : i32 to index
          %swap3A_1135 = arith.index_cast %mul3A_1132 : i32 to index
          %swap3A_1136 = tpu.vector_load %arg8[%swap3A_1134, %swap3A_1135] {strides = array<i32>} : memref<32x512xf32, #tpu.memory_space<vmem>>, vector<16xf32>,
          tpu.vector_store %arg8[%swap3A_1134, %swap3A_1135], %gather3A_1106 {strides = array<i32>} : memref<32x512xf32, #tpu.memory_space<vmem>>, vector<16xf32>,
          %mul3A_1137 = arith.constant 16 : i32
          %mul3A_1138 = arith.muli %add3A_1095, %mul3A_1137 : i32
          %swap3A_1139 = arith.constant 2 : i32
          %swap3A_1140 = arith.index_cast %swap3A_1139 : i32 to index
          %swap3A_1141 = arith.index_cast %mul3A_1138 : i32 to index
          %swap3A_1142 = tpu.vector_load %arg8[%swap3A_1140, %swap3A_1141] {strides = array<i32>} : memref<32x512xf32, #tpu.memory_space<vmem>>, vector<16xf32>,
          tpu.vector_store %arg8[%swap3A_1140, %swap3A_1141], %gather3A_1109 {strides = array<i32>} : memref<32x512xf32, #tpu.memory_space<vmem>>, vector<16xf32>,
          %mul3A_1143 = arith.constant 16 : i32
          %mul3A_1144 = arith.muli %add3A_1095, %mul3A_1143 : i32
          %swap3A_1145 = arith.constant 3 : i32
          %swap3A_1146 = arith.index_cast %swap3A_1145 : i32 to index
          %swap3A_1147 = arith.index_cast %mul3A_1144 : i32 to index
          %swap3A_1148 = tpu.vector_load %arg8[%swap3A_1146, %swap3A_1147] {strides = array<i32>} : memref<32x512xf32, #tpu.memory_space<vmem>>, vector<16xf32>,
          tpu.vector_store %arg8[%swap3A_1146, %swap3A_1147], %gather3A_1112 {strides = array<i32>} : memref<32x512xf32, #tpu.memory_space<vmem>>, vector<16xf32>,
          %mul3A_1149 = arith.constant 16 : i32
          %mul3A_1150 = arith.muli %add3A_1095, %mul3A_1149 : i32
          %swap3A_1151 = arith.constant 4 : i32
          %swap3A_1152 = arith.index_cast %swap3A_1151 : i32 to index
          %swap3A_1153 = arith.index_cast %mul3A_1150 : i32 to index
          %swap3A_1154 = tpu.vector_load %arg8[%swap3A_1152, %swap3A_1153] {strides = array<i32>} : memref<32x512xf32, #tpu.memory_space<vmem>>, vector<16xf32>,
          tpu.vector_store %arg8[%swap3A_1152, %swap3A_1153], %gather3A_1115 {strides = array<i32>} : memref<32x512xf32, #tpu.memory_space<vmem>>, vector<16xf32>,
          %mul3A_1155 = arith.constant 16 : i32
          %mul3A_1156 = arith.muli %add3A_1095, %mul3A_1155 : i32
          %swap3A_1157 = arith.constant 5 : i32
          %swap3A_1158 = arith.index_cast %swap3A_1157 : i32 to index
          %swap3A_1159 = arith.index_cast %mul3A_1156 : i32 to index
          %swap3A_1160 = tpu.vector_load %arg8[%swap3A_1158, %swap3A_1159] {strides = array<i32>} : memref<32x512xf32, #tpu.memory_space<vmem>>, vector<16xf32>,
          tpu.vector_store %arg8[%swap3A_1158, %swap3A_1159], %gather3A_1118 {strides = array<i32>} : memref<32x512xf32, #tpu.memory_space<vmem>>, vector<16xf32>,
          %mul3A_1161 = arith.constant 16 : i32
          %mul3A_1162 = arith.muli %add3A_1095, %mul3A_1161 : i32
          %swap3A_1163 = arith.constant 6 : i32
          %swap3A_1164 = arith.index_cast %swap3A_1163 : i32 to index
          %swap3A_1165 = arith.index_cast %mul3A_1162 : i32 to index
          %swap3A_1166 = tpu.vector_load %arg8[%swap3A_1164, %swap3A_1165] {strides = array<i32>} : memref<32x512xf32, #tpu.memory_space<vmem>>, vector<16xf32>,
          tpu.vector_store %arg8[%swap3A_1164, %swap3A_1165], %gather3A_1121 {strides = array<i32>} : memref<32x512xf32, #tpu.memory_space<vmem>>, vector<16xf32>,
          %mul3A_1167 = arith.constant 16 : i32
          %mul3A_1168 = arith.muli %add3A_1095, %mul3A_1167 : i32
          %swap3A_1169 = arith.constant 7 : i32
          %swap3A_1170 = arith.index_cast %swap3A_1169 : i32 to index
          %swap3A_1171 = arith.index_cast %mul3A_1168 : i32 to index
          %swap3A_1172 = tpu.vector_load %arg8[%swap3A_1170, %swap3A_1171] {strides = array<i32>} : memref<32x512xf32, #tpu.memory_space<vmem>>, vector<16xf32>,
          tpu.vector_store %arg8[%swap3A_1170, %swap3A_1171], %gather3A_1124 {strides = array<i32>} : memref<32x512xf32, #tpu.memory_space<vmem>>, vector<16xf32>,
          %broadcast_in_dim3A_1173 = arith.constant 8 : i32
          %broadcast_in_dim3A_1174 = vector.broadcast %broadcast_in_dim3A_1173 : i32 to vector<16xi32>
          %gather3A_1175 = tpu.vector_load_idx %arg6[%broadcast_in_dim3A_1174, %get3A_1100] : memref<32x512xf32, #tpu.memory_space<vmem>>[vector<16xi32>, vector<16xi32>], vector<16xf32>,
          %broadcast_in_dim3A_1176 = arith.constant 9 : i32
          %broadcast_in_dim3A_1177 = vector.broadcast %broadcast_in_dim3A_1176 : i32 to vector<16xi32>
          %gather3A_1178 = tpu.vector_load_idx %arg6[%broadcast_in_dim3A_1177, %get3A_1100] : memref<32x512xf32, #tpu.memory_space<vmem>>[vector<16xi32>, vector<16xi32>], vector<16xf32>,
          %broadcast_in_dim3A_1179 = arith.constant 10 : i32
          %broadcast_in_dim3A_1180 = vector.broadcast %broadcast_in_dim3A_1179 : i32 to vector<16xi32>
          %gather3A_1181 = tpu.vector_load_idx %arg6[%broadcast_in_dim3A_1180, %get3A_1100] : memref<32x512xf32, #tpu.memory_space<vmem>>[vector<16xi32>, vector<16xi32>], vector<16xf32>,
          %broadcast_in_dim3A_1182 = arith.constant 11 : i32
          %broadcast_in_dim3A_1183 = vector.broadcast %broadcast_in_dim3A_1182 : i32 to vector<16xi32>
          %gather3A_1184 = tpu.vector_load_idx %arg6[%broadcast_in_dim3A_1183, %get3A_1100] : memref<32x512xf32, #tpu.memory_space<vmem>>[vector<16xi32>, vector<16xi32>], vector<16xf32>,
          %broadcast_in_dim3A_1185 = arith.constant 12 : i32
          %broadcast_in_dim3A_1186 = vector.broadcast %broadcast_in_dim3A_1185 : i32 to vector<16xi32>
          %gather3A_1187 = tpu.vector_load_idx %arg6[%broadcast_in_dim3A_1186, %get3A_1100] : memref<32x512xf32, #tpu.memory_space<vmem>>[vector<16xi32>, vector<16xi32>], vector<16xf32>,
          %broadcast_in_dim3A_1188 = arith.constant 13 : i32
          %broadcast_in_dim3A_1189 = vector.broadcast %broadcast_in_dim3A_1188 : i32 to vector<16xi32>
          %gather3A_1190 = tpu.vector_load_idx %arg6[%broadcast_in_dim3A_1189, %get3A_1100] : memref<32x512xf32, #tpu.memory_space<vmem>>[vector<16xi32>, vector<16xi32>], vector<16xf32>,
          %broadcast_in_dim3A_1191 = arith.constant 14 : i32
          %broadcast_in_dim3A_1192 = vector.broadcast %broadcast_in_dim3A_1191 : i32 to vector<16xi32>
          %gather3A_1193 = tpu.vector_load_idx %arg6[%broadcast_in_dim3A_1192, %get3A_1100] : memref<32x512xf32, #tpu.memory_space<vmem>>[vector<16xi32>, vector<16xi32>], vector<16xf32>,
          %broadcast_in_dim3A_1194 = arith.constant 15 : i32
          %broadcast_in_dim3A_1195 = vector.broadcast %broadcast_in_dim3A_1194 : i32 to vector<16xi32>
          %gather3A_1196 = tpu.vector_load_idx %arg6[%broadcast_in_dim3A_1195, %get3A_1100] : memref<32x512xf32, #tpu.memory_space<vmem>>[vector<16xi32>, vector<16xi32>], vector<16xf32>,
          %mul3A_1197 = arith.constant 16 : i32
          %mul3A_1198 = arith.muli %add3A_1095, %mul3A_1197 : i32
          %swap3A_1199 = arith.constant 8 : i32
          %swap3A_1200 = arith.index_cast %swap3A_1199 : i32 to index
          %swap3A_1201 = arith.index_cast %mul3A_1198 : i32 to index
          %swap3A_1202 = tpu.vector_load %arg8[%swap3A_1200, %swap3A_1201] {strides = array<i32>} : memref<32x512xf32, #tpu.memory_space<vmem>>, vector<16xf32>,
          tpu.vector_store %arg8[%swap3A_1200, %swap3A_1201], %gather3A_1175 {strides = array<i32>} : memref<32x512xf32, #tpu.memory_space<vmem>>, vector<16xf32>,
          %mul3A_1203 = arith.constant 16 : i32
          %mul3A_1204 = arith.muli %add3A_1095, %mul3A_1203 : i32
          %swap3A_1205 = arith.constant 9 : i32
          %swap3A_1206 = arith.index_cast %swap3A_1205 : i32 to index
          %swap3A_1207 = arith.index_cast %mul3A_1204 : i32 to index
          %swap3A_1208 = tpu.vector_load %arg8[%swap3A_1206, %swap3A_1207] {strides = array<i32>} : memref<32x512xf32, #tpu.memory_space<vmem>>, vector<16xf32>,
          tpu.vector_store %arg8[%swap3A_1206, %swap3A_1207], %gather3A_1178 {strides = array<i32>} : memref<32x512xf32, #tpu.memory_space<vmem>>, vector<16xf32>,
          %mul3A_1209 = arith.constant 16 : i32
          %mul3A_1210 = arith.muli %add3A_1095, %mul3A_1209 : i32
          %swap3A_1211 = arith.constant 10 : i32
          %swap3A_1212 = arith.index_cast %swap3A_1211 : i32 to index
          %swap3A_1213 = arith.index_cast %mul3A_1210 : i32 to index
          %swap3A_1214 = tpu.vector_load %arg8[%swap3A_1212, %swap3A_1213] {strides = array<i32>} : memref<32x512xf32, #tpu.memory_space<vmem>>, vector<16xf32>,
          tpu.vector_store %arg8[%swap3A_1212, %swap3A_1213], %gather3A_1181 {strides = array<i32>} : memref<32x512xf32, #tpu.memory_space<vmem>>, vector<16xf32>,
          %mul3A_1215 = arith.constant 16 : i32
          %mul3A_1216 = arith.muli %add3A_1095, %mul3A_1215 : i32
          %swap3A_1217 = arith.constant 11 : i32
          %swap3A_1218 = arith.index_cast %swap3A_1217 : i32 to index
          %swap3A_1219 = arith.index_cast %mul3A_1216 : i32 to index
          %swap3A_1220 = tpu.vector_load %arg8[%swap3A_1218, %swap3A_1219] {strides = array<i32>} : memref<32x512xf32, #tpu.memory_space<vmem>>, vector<16xf32>,
          tpu.vector_store %arg8[%swap3A_1218, %swap3A_1219], %gather3A_1184 {strides = array<i32>} : memref<32x512xf32, #tpu.memory_space<vmem>>, vector<16xf32>,
          %mul3A_1221 = arith.constant 16 : i32
          %mul3A_1222 = arith.muli %add3A_1095, %mul3A_1221 : i32
          %swap3A_1223 = arith.constant 12 : i32
          %swap3A_1224 = arith.index_cast %swap3A_1223 : i32 to index
          %swap3A_1225 = arith.index_cast %mul3A_1222 : i32 to index
          %swap3A_1226 = tpu.vector_load %arg8[%swap3A_1224, %swap3A_1225] {strides = array<i32>} : memref<32x512xf32, #tpu.memory_space<vmem>>, vector<16xf32>,
          tpu.vector_store %arg8[%swap3A_1224, %swap3A_1225], %gather3A_1187 {strides = array<i32>} : memref<32x512xf32, #tpu.memory_space<vmem>>, vector<16xf32>,
          %mul3A_1227 = arith.constant 16 : i32
          %mul3A_1228 = arith.muli %add3A_1095, %mul3A_1227 : i32
          %swap3A_1229 = arith.constant 13 : i32
          %swap3A_1230 = arith.index_cast %swap3A_1229 : i32 to index
          %swap3A_1231 = arith.index_cast %mul3A_1228 : i32 to index
          %swap3A_1232 = tpu.vector_load %arg8[%swap3A_1230, %swap3A_1231] {strides = array<i32>} : memref<32x512xf32, #tpu.memory_space<vmem>>, vector<16xf32>,
          tpu.vector_store %arg8[%swap3A_1230, %swap3A_1231], %gather3A_1190 {strides = array<i32>} : memref<32x512xf32, #tpu.memory_space<vmem>>, vector<16xf32>,
          %mul3A_1233 = arith.constant 16 : i32
          %mul3A_1234 = arith.muli %add3A_1095, %mul3A_1233 : i32
          %swap3A_1235 = arith.constant 14 : i32
          %swap3A_1236 = arith.index_cast %swap3A_1235 : i32 to index
          %swap3A_1237 = arith.index_cast %mul3A_1234 : i32 to index
          %swap3A_1238 = tpu.vector_load %arg8[%swap3A_1236, %swap3A_1237] {strides = array<i32>} : memref<32x512xf32, #tpu.memory_space<vmem>>, vector<16xf32>,
          tpu.vector_store %arg8[%swap3A_1236, %swap3A_1237], %gather3A_1193 {strides = array<i32>} : memref<32x512xf32, #tpu.memory_space<vmem>>, vector<16xf32>,
          %mul3A_1239 = arith.constant 16 : i32
          %mul3A_1240 = arith.muli %add3A_1095, %mul3A_1239 : i32
          %swap3A_1241 = arith.constant 15 : i32
          %swap3A_1242 = arith.index_cast %swap3A_1241 : i32 to index
          %swap3A_1243 = arith.index_cast %mul3A_1240 : i32 to index
          %swap3A_1244 = tpu.vector_load %arg8[%swap3A_1242, %swap3A_1243] {strides = array<i32>} : memref<32x512xf32, #tpu.memory_space<vmem>>, vector<16xf32>,
          tpu.vector_store %arg8[%swap3A_1242, %swap3A_1243], %gather3A_1196 {strides = array<i32>} : memref<32x512xf32, #tpu.memory_space<vmem>>, vector<16xf32>,
          %broadcast_in_dim3A_1245 = arith.constant 16 : i32
          %broadcast_in_dim3A_1246 = vector.broadcast %broadcast_in_dim3A_1245 : i32 to vector<16xi32>
          %gather3A_1247 = tpu.vector_load_idx %arg6[%broadcast_in_dim3A_1246, %get3A_1100] : memref<32x512xf32, #tpu.memory_space<vmem>>[vector<16xi32>, vector<16xi32>], vector<16xf32>,
          %broadcast_in_dim3A_1248 = arith.constant 17 : i32
          %broadcast_in_dim3A_1249 = vector.broadcast %broadcast_in_dim3A_1248 : i32 to vector<16xi32>
          %gather3A_1250 = tpu.vector_load_idx %arg6[%broadcast_in_dim3A_1249, %get3A_1100] : memref<32x512xf32, #tpu.memory_space<vmem>>[vector<16xi32>, vector<16xi32>], vector<16xf32>,
          %broadcast_in_dim3A_1251 = arith.constant 18 : i32
          %broadcast_in_dim3A_1252 = vector.broadcast %broadcast_in_dim3A_1251 : i32 to vector<16xi32>
          %gather3A_1253 = tpu.vector_load_idx %arg6[%broadcast_in_dim3A_1252, %get3A_1100] : memref<32x512xf32, #tpu.memory_space<vmem>>[vector<16xi32>, vector<16xi32>], vector<16xf32>,
          %broadcast_in_dim3A_1254 = arith.constant 19 : i32
          %broadcast_in_dim3A_1255 = vector.broadcast %broadcast_in_dim3A_1254 : i32 to vector<16xi32>
          %gather3A_1256 = tpu.vector_load_idx %arg6[%broadcast_in_dim3A_1255, %get3A_1100] : memref<32x512xf32, #tpu.memory_space<vmem>>[vector<16xi32>, vector<16xi32>], vector<16xf32>,
          %broadcast_in_dim3A_1257 = arith.constant 20 : i32
          %broadcast_in_dim3A_1258 = vector.broadcast %broadcast_in_dim3A_1257 : i32 to vector<16xi32>
          %gather3A_1259 = tpu.vector_load_idx %arg6[%broadcast_in_dim3A_1258, %get3A_1100] : memref<32x512xf32, #tpu.memory_space<vmem>>[vector<16xi32>, vector<16xi32>], vector<16xf32>,
          %broadcast_in_dim3A_1260 = arith.constant 21 : i32
          %broadcast_in_dim3A_1261 = vector.broadcast %broadcast_in_dim3A_1260 : i32 to vector<16xi32>
          %gather3A_1262 = tpu.vector_load_idx %arg6[%broadcast_in_dim3A_1261, %get3A_1100] : memref<32x512xf32, #tpu.memory_space<vmem>>[vector<16xi32>, vector<16xi32>], vector<16xf32>,
          %broadcast_in_dim3A_1263 = arith.constant 22 : i32
          %broadcast_in_dim3A_1264 = vector.broadcast %broadcast_in_dim3A_1263 : i32 to vector<16xi32>
          %gather3A_1265 = tpu.vector_load_idx %arg6[%broadcast_in_dim3A_1264, %get3A_1100] : memref<32x512xf32, #tpu.memory_space<vmem>>[vector<16xi32>, vector<16xi32>], vector<16xf32>,
          %broadcast_in_dim3A_1266 = arith.constant 23 : i32
          %broadcast_in_dim3A_1267 = vector.broadcast %broadcast_in_dim3A_1266 : i32 to vector<16xi32>
          %gather3A_1268 = tpu.vector_load_idx %arg6[%broadcast_in_dim3A_1267, %get3A_1100] : memref<32x512xf32, #tpu.memory_space<vmem>>[vector<16xi32>, vector<16xi32>], vector<16xf32>,
          %mul3A_1269 = arith.constant 16 : i32
          %mul3A_1270 = arith.muli %add3A_1095, %mul3A_1269 : i32
          %swap3A_1271 = arith.constant 16 : i32
          %swap3A_1272 = arith.index_cast %swap3A_1271 : i32 to index
          %swap3A_1273 = arith.index_cast %mul3A_1270 : i32 to index
          %swap3A_1274 = tpu.vector_load %arg8[%swap3A_1272, %swap3A_1273] {strides = array<i32>} : memref<32x512xf32, #tpu.memory_space<vmem>>, vector<16xf32>,
          tpu.vector_store %arg8[%swap3A_1272, %swap3A_1273], %gather3A_1247 {strides = array<i32>} : memref<32x512xf32, #tpu.memory_space<vmem>>, vector<16xf32>,
          %mul3A_1275 = arith.constant 16 : i32
          %mul3A_1276 = arith.muli %add3A_1095, %mul3A_1275 : i32
          %swap3A_1277 = arith.constant 17 : i32
          %swap3A_1278 = arith.index_cast %swap3A_1277 : i32 to index
          %swap3A_1279 = arith.index_cast %mul3A_1276 : i32 to index
          %swap3A_1280 = tpu.vector_load %arg8[%swap3A_1278, %swap3A_1279] {strides = array<i32>} : memref<32x512xf32, #tpu.memory_space<vmem>>, vector<16xf32>,
          tpu.vector_store %arg8[%swap3A_1278, %swap3A_1279], %gather3A_1250 {strides = array<i32>} : memref<32x512xf32, #tpu.memory_space<vmem>>, vector<16xf32>,
          %mul3A_1281 = arith.constant 16 : i32
          %mul3A_1282 = arith.muli %add3A_1095, %mul3A_1281 : i32
          %swap3A_1283 = arith.constant 18 : i32
          %swap3A_1284 = arith.index_cast %swap3A_1283 : i32 to index
          %swap3A_1285 = arith.index_cast %mul3A_1282 : i32 to index
          %swap3A_1286 = tpu.vector_load %arg8[%swap3A_1284, %swap3A_1285] {strides = array<i32>} : memref<32x512xf32, #tpu.memory_space<vmem>>, vector<16xf32>,
          tpu.vector_store %arg8[%swap3A_1284, %swap3A_1285], %gather3A_1253 {strides = array<i32>} : memref<32x512xf32, #tpu.memory_space<vmem>>, vector<16xf32>,
          %mul3A_1287 = arith.constant 16 : i32
          %mul3A_1288 = arith.muli %add3A_1095, %mul3A_1287 : i32
          %swap3A_1289 = arith.constant 19 : i32
          %swap3A_1290 = arith.index_cast %swap3A_1289 : i32 to index
          %swap3A_1291 = arith.index_cast %mul3A_1288 : i32 to index
          %swap3A_1292 = tpu.vector_load %arg8[%swap3A_1290, %swap3A_1291] {strides = array<i32>} : memref<32x512xf32, #tpu.memory_space<vmem>>, vector<16xf32>,
          tpu.vector_store %arg8[%swap3A_1290, %swap3A_1291], %gather3A_1256 {strides = array<i32>} : memref<32x512xf32, #tpu.memory_space<vmem>>, vector<16xf32>,
          %mul3A_1293 = arith.constant 16 : i32
          %mul3A_1294 = arith.muli %add3A_1095, %mul3A_1293 : i32
          %swap3A_1295 = arith.constant 20 : i32
          %swap3A_1296 = arith.index_cast %swap3A_1295 : i32 to index
          %swap3A_1297 = arith.index_cast %mul3A_1294 : i32 to index
          %swap3A_1298 = tpu.vector_load %arg8[%swap3A_1296, %swap3A_1297] {strides = array<i32>} : memref<32x512xf32, #tpu.memory_space<vmem>>, vector<16xf32>,
          tpu.vector_store %arg8[%swap3A_1296, %swap3A_1297], %gather3A_1259 {strides = array<i32>} : memref<32x512xf32, #tpu.memory_space<vmem>>, vector<16xf32>,
          %mul3A_1299 = arith.constant 16 : i32
          %mul3A_1300 = arith.muli %add3A_1095, %mul3A_1299 : i32
          %swap3A_1301 = arith.constant 21 : i32
          %swap3A_1302 = arith.index_cast %swap3A_1301 : i32 to index
          %swap3A_1303 = arith.index_cast %mul3A_1300 : i32 to index
          %swap3A_1304 = tpu.vector_load %arg8[%swap3A_1302, %swap3A_1303] {strides = array<i32>} : memref<32x512xf32, #tpu.memory_space<vmem>>, vector<16xf32>,
          tpu.vector_store %arg8[%swap3A_1302, %swap3A_1303], %gather3A_1262 {strides = array<i32>} : memref<32x512xf32, #tpu.memory_space<vmem>>, vector<16xf32>,
          %mul3A_1305 = arith.constant 16 : i32
          %mul3A_1306 = arith.muli %add3A_1095, %mul3A_1305 : i32
          %swap3A_1307 = arith.constant 22 : i32
          %swap3A_1308 = arith.index_cast %swap3A_1307 : i32 to index
          %swap3A_1309 = arith.index_cast %mul3A_1306 : i32 to index
          %swap3A_1310 = tpu.vector_load %arg8[%swap3A_1308, %swap3A_1309] {strides = array<i32>} : memref<32x512xf32, #tpu.memory_space<vmem>>, vector<16xf32>,
          tpu.vector_store %arg8[%swap3A_1308, %swap3A_1309], %gather3A_1265 {strides = array<i32>} : memref<32x512xf32, #tpu.memory_space<vmem>>, vector<16xf32>,
          %mul3A_1311 = arith.constant 16 : i32
          %mul3A_1312 = arith.muli %add3A_1095, %mul3A_1311 : i32
          %swap3A_1313 = arith.constant 23 : i32
          %swap3A_1314 = arith.index_cast %swap3A_1313 : i32 to index
          %swap3A_1315 = arith.index_cast %mul3A_1312 : i32 to index
          %swap3A_1316 = tpu.vector_load %arg8[%swap3A_1314, %swap3A_1315] {strides = array<i32>} : memref<32x512xf32, #tpu.memory_space<vmem>>, vector<16xf32>,
          tpu.vector_store %arg8[%swap3A_1314, %swap3A_1315], %gather3A_1268 {strides = array<i32>} : memref<32x512xf32, #tpu.memory_space<vmem>>, vector<16xf32>,
          %broadcast_in_dim3A_1317 = arith.constant 24 : i32
          %broadcast_in_dim3A_1318 = vector.broadcast %broadcast_in_dim3A_1317 : i32 to vector<16xi32>
          %gather3A_1319 = tpu.vector_load_idx %arg6[%broadcast_in_dim3A_1318, %get3A_1100] : memref<32x512xf32, #tpu.memory_space<vmem>>[vector<16xi32>, vector<16xi32>], vector<16xf32>,
          %broadcast_in_dim3A_1320 = arith.constant 25 : i32
          %broadcast_in_dim3A_1321 = vector.broadcast %broadcast_in_dim3A_1320 : i32 to vector<16xi32>
          %gather3A_1322 = tpu.vector_load_idx %arg6[%broadcast_in_dim3A_1321, %get3A_1100] : memref<32x512xf32, #tpu.memory_space<vmem>>[vector<16xi32>, vector<16xi32>], vector<16xf32>,
          %broadcast_in_dim3A_1323 = arith.constant 26 : i32
          %broadcast_in_dim3A_1324 = vector.broadcast %broadcast_in_dim3A_1323 : i32 to vector<16xi32>
          %gather3A_1325 = tpu.vector_load_idx %arg6[%broadcast_in_dim3A_1324, %get3A_1100] : memref<32x512xf32, #tpu.memory_space<vmem>>[vector<16xi32>, vector<16xi32>], vector<16xf32>,
          %broadcast_in_dim3A_1326 = arith.constant 27 : i32
          %broadcast_in_dim3A_1327 = vector.broadcast %broadcast_in_dim3A_1326 : i32 to vector<16xi32>
          %gather3A_1328 = tpu.vector_load_idx %arg6[%broadcast_in_dim3A_1327, %get3A_1100] : memref<32x512xf32, #tpu.memory_space<vmem>>[vector<16xi32>, vector<16xi32>], vector<16xf32>,
          %broadcast_in_dim3A_1329 = arith.constant 28 : i32
          %broadcast_in_dim3A_1330 = vector.broadcast %broadcast_in_dim3A_1329 : i32 to vector<16xi32>
          %gather3A_1331 = tpu.vector_load_idx %arg6[%broadcast_in_dim3A_1330, %get3A_1100] : memref<32x512xf32, #tpu.memory_space<vmem>>[vector<16xi32>, vector<16xi32>], vector<16xf32>,
          %broadcast_in_dim3A_1332 = arith.constant 29 : i32
          %broadcast_in_dim3A_1333 = vector.broadcast %broadcast_in_dim3A_1332 : i32 to vector<16xi32>
          %gather3A_1334 = tpu.vector_load_idx %arg6[%broadcast_in_dim3A_1333, %get3A_1100] : memref<32x512xf32, #tpu.memory_space<vmem>>[vector<16xi32>, vector<16xi32>], vector<16xf32>,
          %broadcast_in_dim3A_1335 = arith.constant 30 : i32
          %broadcast_in_dim3A_1336 = vector.broadcast %broadcast_in_dim3A_1335 : i32 to vector<16xi32>
          %gather3A_1337 = tpu.vector_load_idx %arg6[%broadcast_in_dim3A_1336, %get3A_1100] : memref<32x512xf32, #tpu.memory_space<vmem>>[vector<16xi32>, vector<16xi32>], vector<16xf32>,
          %broadcast_in_dim3A_1338 = arith.constant 31 : i32
          %broadcast_in_dim3A_1339 = vector.broadcast %broadcast_in_dim3A_1338 : i32 to vector<16xi32>
          %gather3A_1340 = tpu.vector_load_idx %arg6[%broadcast_in_dim3A_1339, %get3A_1100] : memref<32x512xf32, #tpu.memory_space<vmem>>[vector<16xi32>, vector<16xi32>], vector<16xf32>,
          %mul3A_1341 = arith.constant 16 : i32
          %mul3A_1342 = arith.muli %add3A_1095, %mul3A_1341 : i32
          %swap3A_1343 = arith.constant 24 : i32
          %swap3A_1344 = arith.index_cast %swap3A_1343 : i32 to index
          %swap3A_1345 = arith.index_cast %mul3A_1342 : i32 to index
          %swap3A_1346 = tpu.vector_load %arg8[%swap3A_1344, %swap3A_1345] {strides = array<i32>} : memref<32x512xf32, #tpu.memory_space<vmem>>, vector<16xf32>,
          tpu.vector_store %arg8[%swap3A_1344, %swap3A_1345], %gather3A_1319 {strides = array<i32>} : memref<32x512xf32, #tpu.memory_space<vmem>>, vector<16xf32>,
          %mul3A_1347 = arith.constant 16 : i32
          %mul3A_1348 = arith.muli %add3A_1095, %mul3A_1347 : i32
          %swap3A_1349 = arith.constant 25 : i32
          %swap3A_1350 = arith.index_cast %swap3A_1349 : i32 to index
          %swap3A_1351 = arith.index_cast %mul3A_1348 : i32 to index
          %swap3A_1352 = tpu.vector_load %arg8[%swap3A_1350, %swap3A_1351] {strides = array<i32>} : memref<32x512xf32, #tpu.memory_space<vmem>>, vector<16xf32>,
          tpu.vector_store %arg8[%swap3A_1350, %swap3A_1351], %gather3A_1322 {strides = array<i32>} : memref<32x512xf32, #tpu.memory_space<vmem>>, vector<16xf32>,
          %mul3A_1353 = arith.constant 16 : i32
          %mul3A_1354 = arith.muli %add3A_1095, %mul3A_1353 : i32
          %swap3A_1355 = arith.constant 26 : i32
          %swap3A_1356 = arith.index_cast %swap3A_1355 : i32 to index
          %swap3A_1357 = arith.index_cast %mul3A_1354 : i32 to index
          %swap3A_1358 = tpu.vector_load %arg8[%swap3A_1356, %swap3A_1357] {strides = array<i32>} : memref<32x512xf32, #tpu.memory_space<vmem>>, vector<16xf32>,
          tpu.vector_store %arg8[%swap3A_1356, %swap3A_1357], %gather3A_1325 {strides = array<i32>} : memref<32x512xf32, #tpu.memory_space<vmem>>, vector<16xf32>,
          %mul3A_1359 = arith.constant 16 : i32
          %mul3A_1360 = arith.muli %add3A_1095, %mul3A_1359 : i32
          %swap3A_1361 = arith.constant 27 : i32
          %swap3A_1362 = arith.index_cast %swap3A_1361 : i32 to index
          %swap3A_1363 = arith.index_cast %mul3A_1360 : i32 to index
          %swap3A_1364 = tpu.vector_load %arg8[%swap3A_1362, %swap3A_1363] {strides = array<i32>} : memref<32x512xf32, #tpu.memory_space<vmem>>, vector<16xf32>,
          tpu.vector_store %arg8[%swap3A_1362, %swap3A_1363], %gather3A_1328 {strides = array<i32>} : memref<32x512xf32, #tpu.memory_space<vmem>>, vector<16xf32>,
          %mul3A_1365 = arith.constant 16 : i32
          %mul3A_1366 = arith.muli %add3A_1095, %mul3A_1365 : i32
          %swap3A_1367 = arith.constant 28 : i32
          %swap3A_1368 = arith.index_cast %swap3A_1367 : i32 to index
          %swap3A_1369 = arith.index_cast %mul3A_1366 : i32 to index
          %swap3A_1370 = tpu.vector_load %arg8[%swap3A_1368, %swap3A_1369] {strides = array<i32>} : memref<32x512xf32, #tpu.memory_space<vmem>>, vector<16xf32>,
          tpu.vector_store %arg8[%swap3A_1368, %swap3A_1369], %gather3A_1331 {strides = array<i32>} : memref<32x512xf32, #tpu.memory_space<vmem>>, vector<16xf32>,
          %mul3A_1371 = arith.constant 16 : i32
          %mul3A_1372 = arith.muli %add3A_1095, %mul3A_1371 : i32
          %swap3A_1373 = arith.constant 29 : i32
          %swap3A_1374 = arith.index_cast %swap3A_1373 : i32 to index
          %swap3A_1375 = arith.index_cast %mul3A_1372 : i32 to index
          %swap3A_1376 = tpu.vector_load %arg8[%swap3A_1374, %swap3A_1375] {strides = array<i32>} : memref<32x512xf32, #tpu.memory_space<vmem>>, vector<16xf32>,
          tpu.vector_store %arg8[%swap3A_1374, %swap3A_1375], %gather3A_1334 {strides = array<i32>} : memref<32x512xf32, #tpu.memory_space<vmem>>, vector<16xf32>,
          %mul3A_1377 = arith.constant 16 : i32
          %mul3A_1378 = arith.muli %add3A_1095, %mul3A_1377 : i32
          %swap3A_1379 = arith.constant 30 : i32
          %swap3A_1380 = arith.index_cast %swap3A_1379 : i32 to index
          %swap3A_1381 = arith.index_cast %mul3A_1378 : i32 to index
          %swap3A_1382 = tpu.vector_load %arg8[%swap3A_1380, %swap3A_1381] {strides = array<i32>} : memref<32x512xf32, #tpu.memory_space<vmem>>, vector<16xf32>,
          tpu.vector_store %arg8[%swap3A_1380, %swap3A_1381], %gather3A_1337 {strides = array<i32>} : memref<32x512xf32, #tpu.memory_space<vmem>>, vector<16xf32>,
          %mul3A_1383 = arith.constant 16 : i32
          %mul3A_1384 = arith.muli %add3A_1095, %mul3A_1383 : i32
          %swap3A_1385 = arith.constant 31 : i32
          %swap3A_1386 = arith.index_cast %swap3A_1385 : i32 to index
          %swap3A_1387 = arith.index_cast %mul3A_1384 : i32 to index
          %swap3A_1388 = tpu.vector_load %arg8[%swap3A_1386, %swap3A_1387] {strides = array<i32>} : memref<32x512xf32, #tpu.memory_space<vmem>>, vector<16xf32>,
          tpu.vector_store %arg8[%swap3A_1386, %swap3A_1387], %gather3A_1340 {strides = array<i32>} : memref<32x512xf32, #tpu.memory_space<vmem>>, vector<16xf32>,
        }
        %scan3A_153 = arith.constant 8 : i32
        %jit3A_154 = arith.constant 4 : i32
        %div3A_155 = arith.divsi %scan3A_30, %jit3A_154 : i32
        %sign3A_156 = arith.constant 0 : i32
        %sign3A_157 = arith.cmpi sgt, %scan3A_30, %sign3A_156 : i32
        %sign3A_158 = arith.extui %sign3A_157 : i1 to i32
        %sign3A_159 = arith.constant 0 : i32
        %sign3A_160 = arith.cmpi slt, %scan3A_30, %sign3A_159 : i32
        %sign3A_161 = arith.extui %sign3A_160 : i1 to i32
        %sign3A_162 = arith.subi %sign3A_158, %sign3A_161 : i32
        %sign3A_163 = arith.constant 0 : i32
        %sign3A_164 = arith.cmpi sgt, %jit3A_154, %sign3A_163 : i32
        %sign3A_165 = arith.extui %sign3A_164 : i1 to i32
        %sign3A_166 = arith.constant 0 : i32
        %sign3A_167 = arith.cmpi slt, %jit3A_154, %sign3A_166 : i32
        %sign3A_168 = arith.extui %sign3A_167 : i1 to i32
        %sign3A_169 = arith.subi %sign3A_165, %sign3A_168 : i32
        %ne3A_170 = arith.cmpi ne, %sign3A_162, %sign3A_169 : i32
        %rem3A_171 = arith.remsi %scan3A_30, %jit3A_154 : i32
        %ne3A_172 = arith.constant 0 : i32
        %ne3A_173 = arith.cmpi ne, %rem3A_171, %ne3A_172 : i32
        %and3A_174 = arith.andi %ne3A_170, %ne3A_173 : i1
        %sub3A_175 = arith.constant 1 : i32
        %sub3A_176 = arith.subi %div3A_155, %sub3A_175 : i32
        %select_n3A_177 = arith.select %and3A_174, %sub3A_176, %div3A_155 : i32
        %jit3A_178 = arith.constant 4 : i32
        %eq3A_179 = arith.constant 0 : i32
        %eq3A_180 = arith.cmpi eq, %jit3A_178, %eq3A_179 : i32
        %jit3A_181 = arith.constant 1 : i32
        %select_n3A_182 = arith.select %eq3A_180, %jit3A_181, %jit3A_178 : i32
        %rem3A_183 = arith.remsi %scan3A_30, %select_n3A_182 : i32
        %ne3A_184 = arith.constant 0 : i32
        %ne3A_185 = arith.cmpi ne, %rem3A_183, %ne3A_184 : i32
        %lt3A_186 = arith.constant 0 : i32
        %lt3A_187 = arith.cmpi slt, %rem3A_183, %lt3A_186 : i32
        %lt3A_188 = arith.constant 0 : i32
        %lt3A_189 = arith.cmpi slt, %select_n3A_182, %lt3A_188 : i32
        %ne3A_190 = arith.xori %lt3A_187, %lt3A_189 : i1
        %and3A_191 = arith.andi %ne3A_190, %ne3A_185 : i1
        %add3A_192 = arith.addi %rem3A_183, %select_n3A_182 : i32
        %select_n3A_193 = arith.select %and3A_191, %add3A_192, %rem3A_183 : i32
        %mul3A_194 = arith.constant 4096 : i32
        %mul3A_195 = arith.muli %select_n3A_177, %mul3A_194 : i32
        %add3A_196 = arith.addi %mul3A_195, %mul3A_2 : i32
        %mul3A_197 = arith.constant 32 : i32
        %mul3A_198 = arith.muli %select_n3A_193, %mul3A_197 : i32
        %add3A_199 = arith.addi %add3A_196, %mul3A_198 : i32
        %dma_start3A_200 = arith.constant 0 : i32
        %dma_start3A_201 = tpu.memref_slice %arg4[%add3A_199, %dma_start3A_200] : memref<32768x512xf32, #tpu.memory_space<hbm>> -> memref<32x512xf32, #tpu.memory_space<hbm>>
        %dma_start3A_202 = arith.constant 0 : i32
        %dma_start3A_203 = tpu.memref_slice %arg4[%add3A_199, %dma_start3A_202] : memref<32768x512xf32, #tpu.memory_space<hbm>> -> memref<32x512xf32, #tpu.memory_space<hbm>>
        tpu.enqueue_dma source(%arg8 : memref<32x512xf32, #tpu.memory_space<vmem>>) target(%dma_start3A_203 : memref<32x512xf32, #tpu.memory_space<hbm>>) target_semaphore(%arg12 : memref<!tpu.dma_semaphore, #tpu.memory_space<semaphore_mem>>)
      } else {
      }
      %jit3A_43 = arith.constant 2 : i32
      %eq3A_44 = arith.constant 0 : i32
      %eq3A_45 = arith.cmpi eq, %jit3A_43, %eq3A_44 : i32
      %jit3A_46 = arith.constant 1 : i32
      %select_n3A_47 = arith.select %eq3A_45, %jit3A_46, %jit3A_43 : i32
      %rem3A_48 = arith.remsi %scan3A_30, %select_n3A_47 : i32
      %ne3A_49 = arith.constant 0 : i32
      %ne3A_50 = arith.cmpi ne, %rem3A_48, %ne3A_49 : i32
      %lt3A_51 = arith.constant 0 : i32
      %lt3A_52 = arith.cmpi slt, %rem3A_48, %lt3A_51 : i32
      %lt3A_53 = arith.constant 0 : i32
      %lt3A_54 = arith.cmpi slt, %select_n3A_47, %lt3A_53 : i32
      %ne3A_55 = arith.xori %lt3A_52, %lt3A_54 : i1
      %and3A_56 = arith.andi %ne3A_55, %ne3A_50 : i1
      %add3A_57 = arith.addi %rem3A_48, %select_n3A_47 : i32
      %select_n3A_58 = arith.select %and3A_56, %add3A_57, %rem3A_48 : i32
      %eq3A_59 = arith.constant 1 : i32
      %eq3A_60 = arith.cmpi eq, %select_n3A_58, %eq3A_59 : i32
      %convert_element_type3A_61 = arith.extui %eq3A_60 : i1 to i32
      %cond3A_62 = arith.constant 0 : i32
      %cond3A_63 = arith.cmpi ne, %convert_element_type3A_61, %cond3A_62 : i32
      scf.if %cond3A_63 {
        %ge3A = arith.constant 2 : i32
        %ge3A_64 = arith.cmpi sge, %scan3A_30, %ge3A : i32
        %convert_element_type3A_65 = arith.extui %ge3A_64 : i1 to i32
        %cond3A_66 = arith.constant 0 : i32
        %cond3A_67 = arith.cmpi ne, %convert_element_type3A_65, %cond3A_66 : i32
        scf.if %cond3A_67 {
          %sub3A_204 = arith.constant 2 : i32
          %sub3A_205 = arith.subi %scan3A_30, %sub3A_204 : i32
          %jit3A_206 = arith.constant 4 : i32
          %div3A_207 = arith.divsi %sub3A_205, %jit3A_206 : i32
          %sign3A_208 = arith.constant 0 : i32
          %sign3A_209 = arith.cmpi sgt, %sub3A_205, %sign3A_208 : i32
          %sign3A_210 = arith.extui %sign3A_209 : i1 to i32
          %sign3A_211 = arith.constant 0 : i32
          %sign3A_212 = arith.cmpi slt, %sub3A_205, %sign3A_211 : i32
          %sign3A_213 = arith.extui %sign3A_212 : i1 to i32
          %sign3A_214 = arith.subi %sign3A_210, %sign3A_213 : i32
          %sign3A_215 = arith.constant 0 : i32
          %sign3A_216 = arith.cmpi sgt, %jit3A_206, %sign3A_215 : i32
          %sign3A_217 = arith.extui %sign3A_216 : i1 to i32
          %sign3A_218 = arith.constant 0 : i32
          %sign3A_219 = arith.cmpi slt, %jit3A_206, %sign3A_218 : i32
          %sign3A_220 = arith.extui %sign3A_219 : i1 to i32
          %sign3A_221 = arith.subi %sign3A_217, %sign3A_220 : i32
          %ne3A_222 = arith.cmpi ne, %sign3A_214, %sign3A_221 : i32
          %rem3A_223 = arith.remsi %sub3A_205, %jit3A_206 : i32
          %ne3A_224 = arith.constant 0 : i32
          %ne3A_225 = arith.cmpi ne, %rem3A_223, %ne3A_224 : i32
          %and3A_226 = arith.andi %ne3A_222, %ne3A_225 : i1
          %sub3A_227 = arith.constant 1 : i32
          %sub3A_228 = arith.subi %div3A_207, %sub3A_227 : i32
          %select_n3A_229 = arith.select %and3A_226, %sub3A_228, %div3A_207 : i32
          %jit3A_230 = arith.constant 4 : i32
          %eq3A_231 = arith.constant 0 : i32
          %eq3A_232 = arith.cmpi eq, %jit3A_230, %eq3A_231 : i32
          %jit3A_233 = arith.constant 1 : i32
          %select_n3A_234 = arith.select %eq3A_232, %jit3A_233, %jit3A_230 : i32
          %rem3A_235 = arith.remsi %sub3A_205, %select_n3A_234 : i32
          %ne3A_236 = arith.constant 0 : i32
          %ne3A_237 = arith.cmpi ne, %rem3A_235, %ne3A_236 : i32
          %lt3A_238 = arith.constant 0 : i32
          %lt3A_239 = arith.cmpi slt, %rem3A_235, %lt3A_238 : i32
          %lt3A_240 = arith.constant 0 : i32
          %lt3A_241 = arith.cmpi slt, %select_n3A_234, %lt3A_240 : i32
          %ne3A_242 = arith.xori %lt3A_239, %lt3A_241 : i1
          %and3A_243 = arith.andi %ne3A_242, %ne3A_237 : i1
          %add3A_244 = arith.addi %rem3A_235, %select_n3A_234 : i32
          %select_n3A_245 = arith.select %and3A_243, %add3A_244, %rem3A_235 : i32
          %mul3A_246 = arith.constant 4096 : i32
          %mul3A_247 = arith.muli %select_n3A_229, %mul3A_246 : i32
          %add3A_248 = arith.addi %mul3A_247, %mul3A_2 : i32
          %mul3A_249 = arith.constant 32 : i32
          %mul3A_250 = arith.muli %select_n3A_245, %mul3A_249 : i32
          %add3A_251 = arith.addi %add3A_248, %mul3A_250 : i32
          %dma_wait3A_252 = arith.constant 0 : i32
          %dma_wait3A_253 = tpu.memref_slice %arg4[%add3A_251, %dma_wait3A_252] : memref<32768x512xf32, #tpu.memory_space<hbm>> -> memref<32x512xf32, #tpu.memory_space<hbm>>
          %dma_wait3A_254 = arith.constant 0 : i32
          %dma_wait3A_255 = tpu.memref_slice %arg4[%add3A_251, %dma_wait3A_254] : memref<32768x512xf32, #tpu.memory_space<hbm>> -> memref<32x512xf32, #tpu.memory_space<hbm>>
          tpu.wait_dma2 semaphore(%arg13 : memref<!tpu.dma_semaphore, #tpu.memory_space<semaphore_mem>>) src(%arg9 : memref<32x512xf32, #tpu.memory_space<vmem>>) dst(%dma_wait3A_255 : memref<32x512xf32, #tpu.memory_space<hbm>>)
        } else {
        }
        %add3A_68 = arith.constant 1 : i32
        %add3A_69 = arith.addi %scan3A_30, %add3A_68 : i32
        %lt3A_70 = arith.constant 32 : i32
        %lt3A_71 = arith.cmpi slt, %add3A_69, %lt3A_70 : i32
        %convert_element_type3A_72 = arith.extui %lt3A_71 : i1 to i32
        %cond3A_73 = arith.constant 0 : i32
        %cond3A_74 = arith.cmpi ne, %convert_element_type3A_72, %cond3A_73 : i32
        scf.if %cond3A_74 {
          %add3A_204 = arith.constant 1 : i32
          %add3A_205 = arith.addi %scan3A_30, %add3A_204 : i32
          %jit3A_206 = arith.constant 4 : i32
          %div3A_207 = arith.divsi %add3A_205, %jit3A_206 : i32
          %sign3A_208 = arith.constant 0 : i32
          %sign3A_209 = arith.cmpi sgt, %add3A_205, %sign3A_208 : i32
          %sign3A_210 = arith.extui %sign3A_209 : i1 to i32
          %sign3A_211 = arith.constant 0 : i32
          %sign3A_212 = arith.cmpi slt, %add3A_205, %sign3A_211 : i32
          %sign3A_213 = arith.extui %sign3A_212 : i1 to i32
          %sign3A_214 = arith.subi %sign3A_210, %sign3A_213 : i32
          %sign3A_215 = arith.constant 0 : i32
          %sign3A_216 = arith.cmpi sgt, %jit3A_206, %sign3A_215 : i32
          %sign3A_217 = arith.extui %sign3A_216 : i1 to i32
          %sign3A_218 = arith.constant 0 : i32
          %sign3A_219 = arith.cmpi slt, %jit3A_206, %sign3A_218 : i32
          %sign3A_220 = arith.extui %sign3A_219 : i1 to i32
          %sign3A_221 = arith.subi %sign3A_217, %sign3A_220 : i32
          %ne3A_222 = arith.cmpi ne, %sign3A_214, %sign3A_221 : i32
          %rem3A_223 = arith.remsi %add3A_205, %jit3A_206 : i32
          %ne3A_224 = arith.constant 0 : i32
          %ne3A_225 = arith.cmpi ne, %rem3A_223, %ne3A_224 : i32
          %and3A_226 = arith.andi %ne3A_222, %ne3A_225 : i1
          %sub3A_227 = arith.constant 1 : i32
          %sub3A_228 = arith.subi %div3A_207, %sub3A_227 : i32
          %select_n3A_229 = arith.select %and3A_226, %sub3A_228, %div3A_207 : i32
          %jit3A_230 = arith.constant 4 : i32
          %eq3A_231 = arith.constant 0 : i32
          %eq3A_232 = arith.cmpi eq, %jit3A_230, %eq3A_231 : i32
          %jit3A_233 = arith.constant 1 : i32
          %select_n3A_234 = arith.select %eq3A_232, %jit3A_233, %jit3A_230 : i32
          %rem3A_235 = arith.remsi %add3A_205, %select_n3A_234 : i32
          %ne3A_236 = arith.constant 0 : i32
          %ne3A_237 = arith.cmpi ne, %rem3A_235, %ne3A_236 : i32
          %lt3A_238 = arith.constant 0 : i32
          %lt3A_239 = arith.cmpi slt, %rem3A_235, %lt3A_238 : i32
          %lt3A_240 = arith.constant 0 : i32
          %lt3A_241 = arith.cmpi slt, %select_n3A_234, %lt3A_240 : i32
          %ne3A_242 = arith.xori %lt3A_239, %lt3A_241 : i1
          %and3A_243 = arith.andi %ne3A_242, %ne3A_237 : i1
          %add3A_244 = arith.addi %rem3A_235, %select_n3A_234 : i32
          %select_n3A_245 = arith.select %and3A_243, %add3A_244, %rem3A_235 : i32
          %mul3A_246 = arith.constant 4096 : i32
          %mul3A_247 = arith.muli %select_n3A_229, %mul3A_246 : i32
          %add3A_248 = arith.addi %mul3A_247, %mul3A_2 : i32
          %mul3A_249 = arith.constant 32 : i32
          %mul3A_250 = arith.muli %select_n3A_245, %mul3A_249 : i32
          %add3A_251 = arith.addi %add3A_248, %mul3A_250 : i32
          %dma_start3A_252 = arith.constant 0 : i32
          %dma_start3A_253 = tpu.memref_slice %arg2[%add3A_251, %dma_start3A_252] : memref<32768x512xf32, #tpu.memory_space<hbm>> -> memref<32x512xf32, #tpu.memory_space<hbm>>
          %dma_start3A_254 = arith.constant 0 : i32
          %dma_start3A_255 = tpu.memref_slice %arg2[%add3A_251, %dma_start3A_254] : memref<32768x512xf32, #tpu.memory_space<hbm>> -> memref<32x512xf32, #tpu.memory_space<hbm>>
          tpu.enqueue_dma source(%dma_start3A_255 : memref<32x512xf32, #tpu.memory_space<hbm>>) target(%arg6 : memref<32x512xf32, #tpu.memory_space<vmem>>) target_semaphore(%arg10 : memref<!tpu.dma_semaphore, #tpu.memory_space<semaphore_mem>>)
        } else {
        }
        %jit3A_75 = arith.constant 4 : i32
        %div3A = arith.divsi %scan3A_30, %jit3A_75 : i32
        %sign3A = arith.constant 0 : i32
        %sign3A_76 = arith.cmpi sgt, %scan3A_30, %sign3A : i32
        %sign3A_77 = arith.extui %sign3A_76 : i1 to i32
        %sign3A_78 = arith.constant 0 : i32
        %sign3A_79 = arith.cmpi slt, %scan3A_30, %sign3A_78 : i32
        %sign3A_80 = arith.extui %sign3A_79 : i1 to i32
        %sign3A_81 = arith.subi %sign3A_77, %sign3A_80 : i32
        %sign3A_82 = arith.constant 0 : i32
        %sign3A_83 = arith.cmpi sgt, %jit3A_75, %sign3A_82 : i32
        %sign3A_84 = arith.extui %sign3A_83 : i1 to i32
        %sign3A_85 = arith.constant 0 : i32
        %sign3A_86 = arith.cmpi slt, %jit3A_75, %sign3A_85 : i32
        %sign3A_87 = arith.extui %sign3A_86 : i1 to i32
        %sign3A_88 = arith.subi %sign3A_84, %sign3A_87 : i32
        %ne3A_89 = arith.cmpi ne, %sign3A_81, %sign3A_88 : i32
        %rem3A_90 = arith.remsi %scan3A_30, %jit3A_75 : i32
        %ne3A_91 = arith.constant 0 : i32
        %ne3A_92 = arith.cmpi ne, %rem3A_90, %ne3A_91 : i32
        %and3A_93 = arith.andi %ne3A_89, %ne3A_92 : i1
        %sub3A = arith.constant 1 : i32
        %sub3A_94 = arith.subi %div3A, %sub3A : i32
        %select_n3A_95 = arith.select %and3A_93, %sub3A_94, %div3A : i32
        %jit3A_96 = arith.constant 4 : i32
        %eq3A_97 = arith.constant 0 : i32
        %eq3A_98 = arith.cmpi eq, %jit3A_96, %eq3A_97 : i32
        %jit3A_99 = arith.constant 1 : i32
        %select_n3A_100 = arith.select %eq3A_98, %jit3A_99, %jit3A_96 : i32
        %rem3A_101 = arith.remsi %scan3A_30, %select_n3A_100 : i32
        %ne3A_102 = arith.constant 0 : i32
        %ne3A_103 = arith.cmpi ne, %rem3A_101, %ne3A_102 : i32
        %lt3A_104 = arith.constant 0 : i32
        %lt3A_105 = arith.cmpi slt, %rem3A_101, %lt3A_104 : i32
        %lt3A_106 = arith.constant 0 : i32
        %lt3A_107 = arith.cmpi slt, %select_n3A_100, %lt3A_106 : i32
        %ne3A_108 = arith.xori %lt3A_105, %lt3A_107 : i1
        %and3A_109 = arith.andi %ne3A_108, %ne3A_103 : i1
        %add3A_110 = arith.addi %rem3A_101, %select_n3A_100 : i32
        %select_n3A_111 = arith.select %and3A_109, %add3A_110, %rem3A_101 : i32
        %mul3A_112 = arith.constant 4096 : i32
        %mul3A_113 = arith.muli %select_n3A_95, %mul3A_112 : i32
        %add3A_114 = arith.addi %mul3A_113, %mul3A_2 : i32
        %mul3A_115 = arith.constant 32 : i32
        %mul3A_116 = arith.muli %select_n3A_111, %mul3A_115 : i32
        %add3A_117 = arith.addi %add3A_114, %mul3A_116 : i32
        %dma_wait3A_118 = arith.constant 0 : i32
        %dma_wait3A_119 = tpu.memref_slice %arg2[%add3A_117, %dma_wait3A_118] : memref<32768x512xf32, #tpu.memory_space<hbm>> -> memref<32x512xf32, #tpu.memory_space<hbm>>
        %dma_wait3A_120 = arith.constant 0 : i32
        %dma_wait3A_121 = tpu.memref_slice %arg2[%add3A_117, %dma_wait3A_120] : memref<32768x512xf32, #tpu.memory_space<hbm>> -> memref<32x512xf32, #tpu.memory_space<hbm>>
        tpu.wait_dma2 semaphore(%arg11 : memref<!tpu.dma_semaphore, #tpu.memory_space<semaphore_mem>>) src(%dma_wait3A_121 : memref<32x512xf32, #tpu.memory_space<hbm>>) dst(%arg7 : memref<32x512xf32, #tpu.memory_space<vmem>>)
        %jit3A_122 = arith.constant 4 : i32
        %div3A_123 = arith.divsi %scan3A_30, %jit3A_122 : i32
        %sign3A_124 = arith.constant 0 : i32
        %sign3A_125 = arith.cmpi sgt, %scan3A_30, %sign3A_124 : i32
        %sign3A_126 = arith.extui %sign3A_125 : i1 to i32
        %sign3A_127 = arith.constant 0 : i32
        %sign3A_128 = arith.cmpi slt, %scan3A_30, %sign3A_127 : i32
        %sign3A_129 = arith.extui %sign3A_128 : i1 to i32
        %sign3A_130 = arith.subi %sign3A_126, %sign3A_129 : i32
        %sign3A_131 = arith.constant 0 : i32
        %sign3A_132 = arith.cmpi sgt, %jit3A_122, %sign3A_131 : i32
        %sign3A_133 = arith.extui %sign3A_132 : i1 to i32
        %sign3A_134 = arith.constant 0 : i32
        %sign3A_135 = arith.cmpi slt, %jit3A_122, %sign3A_134 : i32
        %sign3A_136 = arith.extui %sign3A_135 : i1 to i32
        %sign3A_137 = arith.subi %sign3A_133, %sign3A_136 : i32
        %ne3A_138 = arith.cmpi ne, %sign3A_130, %sign3A_137 : i32
        %rem3A_139 = arith.remsi %scan3A_30, %jit3A_122 : i32
        %ne3A_140 = arith.constant 0 : i32
        %ne3A_141 = arith.cmpi ne, %rem3A_139, %ne3A_140 : i32
        %and3A_142 = arith.andi %ne3A_138, %ne3A_141 : i1
        %sub3A_143 = arith.constant 1 : i32
        %sub3A_144 = arith.subi %div3A_123, %sub3A_143 : i32
        %select_n3A_145 = arith.select %and3A_142, %sub3A_144, %div3A_123 : i32
        %mul3A_146 = arith.constant 512 : i32
        %mul3A_147 = arith.muli %select_n3A_145, %mul3A_146 : i32
        %scan3A_148 = arith.constant 0 : i32
        %scan3A_149 = arith.constant 0 : i32
        %scan3A_150 = arith.constant 8 : i32
        %scan3A_151 = arith.addi %scan3A_149, %scan3A_150 : i32
        %scan3A_152 = arith.constant 1 : i32
        scf.for %scan3A_204 = %scan3A_149 to %scan3A_151 step %scan3A_152  : i32 {
          %mul3A_205 = arith.constant 4 : i32
          %mul3A_206 = arith.muli %scan3A_204, %mul3A_205 : i32
          %add3A_207 = arith.constant 0 : i32
          %add3A_208 = arith.addi %mul3A_206, %add3A_207 : i32
          %mul3A_209 = arith.constant 16 : i32
          %mul3A_210 = arith.muli %add3A_208, %mul3A_209 : i32
          %add3A_211 = arith.addi %mul3A_147, %mul3A_210 : i32
          %get3A = arith.index_cast %add3A_211 : i32 to index
          %get3A_212 = tpu.vector_load %arg5[%get3A] {strides = array<i32>} : memref<4096xi32, #tpu.memory_space<vmem>>, vector<16xi32>,
          %broadcast_in_dim3A = arith.constant 0 : i32
          %broadcast_in_dim3A_213 = vector.broadcast %broadcast_in_dim3A : i32 to vector<16xi32>
          %gather3A = tpu.vector_load_idx %arg7[%broadcast_in_dim3A_213, %get3A_212] : memref<32x512xf32, #tpu.memory_space<vmem>>[vector<16xi32>, vector<16xi32>], vector<16xf32>,
          %broadcast_in_dim3A_214 = arith.constant 1 : i32
          %broadcast_in_dim3A_215 = vector.broadcast %broadcast_in_dim3A_214 : i32 to vector<16xi32>
          %gather3A_216 = tpu.vector_load_idx %arg7[%broadcast_in_dim3A_215, %get3A_212] : memref<32x512xf32, #tpu.memory_space<vmem>>[vector<16xi32>, vector<16xi32>], vector<16xf32>,
          %broadcast_in_dim3A_217 = arith.constant 2 : i32
          %broadcast_in_dim3A_218 = vector.broadcast %broadcast_in_dim3A_217 : i32 to vector<16xi32>
          %gather3A_219 = tpu.vector_load_idx %arg7[%broadcast_in_dim3A_218, %get3A_212] : memref<32x512xf32, #tpu.memory_space<vmem>>[vector<16xi32>, vector<16xi32>], vector<16xf32>,
          %broadcast_in_dim3A_220 = arith.constant 3 : i32
          %broadcast_in_dim3A_221 = vector.broadcast %broadcast_in_dim3A_220 : i32 to vector<16xi32>
          %gather3A_222 = tpu.vector_load_idx %arg7[%broadcast_in_dim3A_221, %get3A_212] : memref<32x512xf32, #tpu.memory_space<vmem>>[vector<16xi32>, vector<16xi32>], vector<16xf32>,
          %broadcast_in_dim3A_223 = arith.constant 4 : i32
          %broadcast_in_dim3A_224 = vector.broadcast %broadcast_in_dim3A_223 : i32 to vector<16xi32>
          %gather3A_225 = tpu.vector_load_idx %arg7[%broadcast_in_dim3A_224, %get3A_212] : memref<32x512xf32, #tpu.memory_space<vmem>>[vector<16xi32>, vector<16xi32>], vector<16xf32>,
          %broadcast_in_dim3A_226 = arith.constant 5 : i32
          %broadcast_in_dim3A_227 = vector.broadcast %broadcast_in_dim3A_226 : i32 to vector<16xi32>
          %gather3A_228 = tpu.vector_load_idx %arg7[%broadcast_in_dim3A_227, %get3A_212] : memref<32x512xf32, #tpu.memory_space<vmem>>[vector<16xi32>, vector<16xi32>], vector<16xf32>,
          %broadcast_in_dim3A_229 = arith.constant 6 : i32
          %broadcast_in_dim3A_230 = vector.broadcast %broadcast_in_dim3A_229 : i32 to vector<16xi32>
          %gather3A_231 = tpu.vector_load_idx %arg7[%broadcast_in_dim3A_230, %get3A_212] : memref<32x512xf32, #tpu.memory_space<vmem>>[vector<16xi32>, vector<16xi32>], vector<16xf32>,
          %broadcast_in_dim3A_232 = arith.constant 7 : i32
          %broadcast_in_dim3A_233 = vector.broadcast %broadcast_in_dim3A_232 : i32 to vector<16xi32>
          %gather3A_234 = tpu.vector_load_idx %arg7[%broadcast_in_dim3A_233, %get3A_212] : memref<32x512xf32, #tpu.memory_space<vmem>>[vector<16xi32>, vector<16xi32>], vector<16xf32>,
          %mul3A_235 = arith.constant 16 : i32
          %mul3A_236 = arith.muli %add3A_208, %mul3A_235 : i32
          %swap3A = arith.constant 0 : i32
          %swap3A_237 = arith.index_cast %swap3A : i32 to index
          %swap3A_238 = arith.index_cast %mul3A_236 : i32 to index
          %swap3A_239 = tpu.vector_load %arg9[%swap3A_237, %swap3A_238] {strides = array<i32>} : memref<32x512xf32, #tpu.memory_space<vmem>>, vector<16xf32>,
          tpu.vector_store %arg9[%swap3A_237, %swap3A_238], %gather3A {strides = array<i32>} : memref<32x512xf32, #tpu.memory_space<vmem>>, vector<16xf32>,
          %mul3A_240 = arith.constant 16 : i32
          %mul3A_241 = arith.muli %add3A_208, %mul3A_240 : i32
          %swap3A_242 = arith.constant 1 : i32
          %swap3A_243 = arith.index_cast %swap3A_242 : i32 to index
          %swap3A_244 = arith.index_cast %mul3A_241 : i32 to index
          %swap3A_245 = tpu.vector_load %arg9[%swap3A_243, %swap3A_244] {strides = array<i32>} : memref<32x512xf32, #tpu.memory_space<vmem>>, vector<16xf32>,
          tpu.vector_store %arg9[%swap3A_243, %swap3A_244], %gather3A_216 {strides = array<i32>} : memref<32x512xf32, #tpu.memory_space<vmem>>, vector<16xf32>,
          %mul3A_246 = arith.constant 16 : i32
          %mul3A_247 = arith.muli %add3A_208, %mul3A_246 : i32
          %swap3A_248 = arith.constant 2 : i32
          %swap3A_249 = arith.index_cast %swap3A_248 : i32 to index
          %swap3A_250 = arith.index_cast %mul3A_247 : i32 to index
          %swap3A_251 = tpu.vector_load %arg9[%swap3A_249, %swap3A_250] {strides = array<i32>} : memref<32x512xf32, #tpu.memory_space<vmem>>, vector<16xf32>,
          tpu.vector_store %arg9[%swap3A_249, %swap3A_250], %gather3A_219 {strides = array<i32>} : memref<32x512xf32, #tpu.memory_space<vmem>>, vector<16xf32>,
          %mul3A_252 = arith.constant 16 : i32
          %mul3A_253 = arith.muli %add3A_208, %mul3A_252 : i32
          %swap3A_254 = arith.constant 3 : i32
          %swap3A_255 = arith.index_cast %swap3A_254 : i32 to index
          %swap3A_256 = arith.index_cast %mul3A_253 : i32 to index
          %swap3A_257 = tpu.vector_load %arg9[%swap3A_255, %swap3A_256] {strides = array<i32>} : memref<32x512xf32, #tpu.memory_space<vmem>>, vector<16xf32>,
          tpu.vector_store %arg9[%swap3A_255, %swap3A_256], %gather3A_222 {strides = array<i32>} : memref<32x512xf32, #tpu.memory_space<vmem>>, vector<16xf32>,
          %mul3A_258 = arith.constant 16 : i32
          %mul3A_259 = arith.muli %add3A_208, %mul3A_258 : i32
          %swap3A_260 = arith.constant 4 : i32
          %swap3A_261 = arith.index_cast %swap3A_260 : i32 to index
          %swap3A_262 = arith.index_cast %mul3A_259 : i32 to index
          %swap3A_263 = tpu.vector_load %arg9[%swap3A_261, %swap3A_262] {strides = array<i32>} : memref<32x512xf32, #tpu.memory_space<vmem>>, vector<16xf32>,
          tpu.vector_store %arg9[%swap3A_261, %swap3A_262], %gather3A_225 {strides = array<i32>} : memref<32x512xf32, #tpu.memory_space<vmem>>, vector<16xf32>,
          %mul3A_264 = arith.constant 16 : i32
          %mul3A_265 = arith.muli %add3A_208, %mul3A_264 : i32
          %swap3A_266 = arith.constant 5 : i32
          %swap3A_267 = arith.index_cast %swap3A_266 : i32 to index
          %swap3A_268 = arith.index_cast %mul3A_265 : i32 to index
          %swap3A_269 = tpu.vector_load %arg9[%swap3A_267, %swap3A_268] {strides = array<i32>} : memref<32x512xf32, #tpu.memory_space<vmem>>, vector<16xf32>,
          tpu.vector_store %arg9[%swap3A_267, %swap3A_268], %gather3A_228 {strides = array<i32>} : memref<32x512xf32, #tpu.memory_space<vmem>>, vector<16xf32>,
          %mul3A_270 = arith.constant 16 : i32
          %mul3A_271 = arith.muli %add3A_208, %mul3A_270 : i32
          %swap3A_272 = arith.constant 6 : i32
          %swap3A_273 = arith.index_cast %swap3A_272 : i32 to index
          %swap3A_274 = arith.index_cast %mul3A_271 : i32 to index
          %swap3A_275 = tpu.vector_load %arg9[%swap3A_273, %swap3A_274] {strides = array<i32>} : memref<32x512xf32, #tpu.memory_space<vmem>>, vector<16xf32>,
          tpu.vector_store %arg9[%swap3A_273, %swap3A_274], %gather3A_231 {strides = array<i32>} : memref<32x512xf32, #tpu.memory_space<vmem>>, vector<16xf32>,
          %mul3A_276 = arith.constant 16 : i32
          %mul3A_277 = arith.muli %add3A_208, %mul3A_276 : i32
          %swap3A_278 = arith.constant 7 : i32
          %swap3A_279 = arith.index_cast %swap3A_278 : i32 to index
          %swap3A_280 = arith.index_cast %mul3A_277 : i32 to index
          %swap3A_281 = tpu.vector_load %arg9[%swap3A_279, %swap3A_280] {strides = array<i32>} : memref<32x512xf32, #tpu.memory_space<vmem>>, vector<16xf32>,
          tpu.vector_store %arg9[%swap3A_279, %swap3A_280], %gather3A_234 {strides = array<i32>} : memref<32x512xf32, #tpu.memory_space<vmem>>, vector<16xf32>,
          %broadcast_in_dim3A_282 = arith.constant 8 : i32
          %broadcast_in_dim3A_283 = vector.broadcast %broadcast_in_dim3A_282 : i32 to vector<16xi32>
          %gather3A_284 = tpu.vector_load_idx %arg7[%broadcast_in_dim3A_283, %get3A_212] : memref<32x512xf32, #tpu.memory_space<vmem>>[vector<16xi32>, vector<16xi32>], vector<16xf32>,
          %broadcast_in_dim3A_285 = arith.constant 9 : i32
          %broadcast_in_dim3A_286 = vector.broadcast %broadcast_in_dim3A_285 : i32 to vector<16xi32>
          %gather3A_287 = tpu.vector_load_idx %arg7[%broadcast_in_dim3A_286, %get3A_212] : memref<32x512xf32, #tpu.memory_space<vmem>>[vector<16xi32>, vector<16xi32>], vector<16xf32>,
          %broadcast_in_dim3A_288 = arith.constant 10 : i32
          %broadcast_in_dim3A_289 = vector.broadcast %broadcast_in_dim3A_288 : i32 to vector<16xi32>
          %gather3A_290 = tpu.vector_load_idx %arg7[%broadcast_in_dim3A_289, %get3A_212] : memref<32x512xf32, #tpu.memory_space<vmem>>[vector<16xi32>, vector<16xi32>], vector<16xf32>,
          %broadcast_in_dim3A_291 = arith.constant 11 : i32
          %broadcast_in_dim3A_292 = vector.broadcast %broadcast_in_dim3A_291 : i32 to vector<16xi32>
          %gather3A_293 = tpu.vector_load_idx %arg7[%broadcast_in_dim3A_292, %get3A_212] : memref<32x512xf32, #tpu.memory_space<vmem>>[vector<16xi32>, vector<16xi32>], vector<16xf32>,
          %broadcast_in_dim3A_294 = arith.constant 12 : i32
          %broadcast_in_dim3A_295 = vector.broadcast %broadcast_in_dim3A_294 : i32 to vector<16xi32>
          %gather3A_296 = tpu.vector_load_idx %arg7[%broadcast_in_dim3A_295, %get3A_212] : memref<32x512xf32, #tpu.memory_space<vmem>>[vector<16xi32>, vector<16xi32>], vector<16xf32>,
          %broadcast_in_dim3A_297 = arith.constant 13 : i32
          %broadcast_in_dim3A_298 = vector.broadcast %broadcast_in_dim3A_297 : i32 to vector<16xi32>
          %gather3A_299 = tpu.vector_load_idx %arg7[%broadcast_in_dim3A_298, %get3A_212] : memref<32x512xf32, #tpu.memory_space<vmem>>[vector<16xi32>, vector<16xi32>], vector<16xf32>,
          %broadcast_in_dim3A_300 = arith.constant 14 : i32
          %broadcast_in_dim3A_301 = vector.broadcast %broadcast_in_dim3A_300 : i32 to vector<16xi32>
          %gather3A_302 = tpu.vector_load_idx %arg7[%broadcast_in_dim3A_301, %get3A_212] : memref<32x512xf32, #tpu.memory_space<vmem>>[vector<16xi32>, vector<16xi32>], vector<16xf32>,
          %broadcast_in_dim3A_303 = arith.constant 15 : i32
          %broadcast_in_dim3A_304 = vector.broadcast %broadcast_in_dim3A_303 : i32 to vector<16xi32>
          %gather3A_305 = tpu.vector_load_idx %arg7[%broadcast_in_dim3A_304, %get3A_212] : memref<32x512xf32, #tpu.memory_space<vmem>>[vector<16xi32>, vector<16xi32>], vector<16xf32>,
          %mul3A_306 = arith.constant 16 : i32
          %mul3A_307 = arith.muli %add3A_208, %mul3A_306 : i32
          %swap3A_308 = arith.constant 8 : i32
          %swap3A_309 = arith.index_cast %swap3A_308 : i32 to index
          %swap3A_310 = arith.index_cast %mul3A_307 : i32 to index
          %swap3A_311 = tpu.vector_load %arg9[%swap3A_309, %swap3A_310] {strides = array<i32>} : memref<32x512xf32, #tpu.memory_space<vmem>>, vector<16xf32>,
          tpu.vector_store %arg9[%swap3A_309, %swap3A_310], %gather3A_284 {strides = array<i32>} : memref<32x512xf32, #tpu.memory_space<vmem>>, vector<16xf32>,
          %mul3A_312 = arith.constant 16 : i32
          %mul3A_313 = arith.muli %add3A_208, %mul3A_312 : i32
          %swap3A_314 = arith.constant 9 : i32
          %swap3A_315 = arith.index_cast %swap3A_314 : i32 to index
          %swap3A_316 = arith.index_cast %mul3A_313 : i32 to index
          %swap3A_317 = tpu.vector_load %arg9[%swap3A_315, %swap3A_316] {strides = array<i32>} : memref<32x512xf32, #tpu.memory_space<vmem>>, vector<16xf32>,
          tpu.vector_store %arg9[%swap3A_315, %swap3A_316], %gather3A_287 {strides = array<i32>} : memref<32x512xf32, #tpu.memory_space<vmem>>, vector<16xf32>,
          %mul3A_318 = arith.constant 16 : i32
          %mul3A_319 = arith.muli %add3A_208, %mul3A_318 : i32
          %swap3A_320 = arith.constant 10 : i32
          %swap3A_321 = arith.index_cast %swap3A_320 : i32 to index
          %swap3A_322 = arith.index_cast %mul3A_319 : i32 to index
          %swap3A_323 = tpu.vector_load %arg9[%swap3A_321, %swap3A_322] {strides = array<i32>} : memref<32x512xf32, #tpu.memory_space<vmem>>, vector<16xf32>,
          tpu.vector_store %arg9[%swap3A_321, %swap3A_322], %gather3A_290 {strides = array<i32>} : memref<32x512xf32, #tpu.memory_space<vmem>>, vector<16xf32>,
          %mul3A_324 = arith.constant 16 : i32
          %mul3A_325 = arith.muli %add3A_208, %mul3A_324 : i32
          %swap3A_326 = arith.constant 11 : i32
          %swap3A_327 = arith.index_cast %swap3A_326 : i32 to index
          %swap3A_328 = arith.index_cast %mul3A_325 : i32 to index
          %swap3A_329 = tpu.vector_load %arg9[%swap3A_327, %swap3A_328] {strides = array<i32>} : memref<32x512xf32, #tpu.memory_space<vmem>>, vector<16xf32>,
          tpu.vector_store %arg9[%swap3A_327, %swap3A_328], %gather3A_293 {strides = array<i32>} : memref<32x512xf32, #tpu.memory_space<vmem>>, vector<16xf32>,
          %mul3A_330 = arith.constant 16 : i32
          %mul3A_331 = arith.muli %add3A_208, %mul3A_330 : i32
          %swap3A_332 = arith.constant 12 : i32
          %swap3A_333 = arith.index_cast %swap3A_332 : i32 to index
          %swap3A_334 = arith.index_cast %mul3A_331 : i32 to index
          %swap3A_335 = tpu.vector_load %arg9[%swap3A_333, %swap3A_334] {strides = array<i32>} : memref<32x512xf32, #tpu.memory_space<vmem>>, vector<16xf32>,
          tpu.vector_store %arg9[%swap3A_333, %swap3A_334], %gather3A_296 {strides = array<i32>} : memref<32x512xf32, #tpu.memory_space<vmem>>, vector<16xf32>,
          %mul3A_336 = arith.constant 16 : i32
          %mul3A_337 = arith.muli %add3A_208, %mul3A_336 : i32
          %swap3A_338 = arith.constant 13 : i32
          %swap3A_339 = arith.index_cast %swap3A_338 : i32 to index
          %swap3A_340 = arith.index_cast %mul3A_337 : i32 to index
          %swap3A_341 = tpu.vector_load %arg9[%swap3A_339, %swap3A_340] {strides = array<i32>} : memref<32x512xf32, #tpu.memory_space<vmem>>, vector<16xf32>,
          tpu.vector_store %arg9[%swap3A_339, %swap3A_340], %gather3A_299 {strides = array<i32>} : memref<32x512xf32, #tpu.memory_space<vmem>>, vector<16xf32>,
          %mul3A_342 = arith.constant 16 : i32
          %mul3A_343 = arith.muli %add3A_208, %mul3A_342 : i32
          %swap3A_344 = arith.constant 14 : i32
          %swap3A_345 = arith.index_cast %swap3A_344 : i32 to index
          %swap3A_346 = arith.index_cast %mul3A_343 : i32 to index
          %swap3A_347 = tpu.vector_load %arg9[%swap3A_345, %swap3A_346] {strides = array<i32>} : memref<32x512xf32, #tpu.memory_space<vmem>>, vector<16xf32>,
          tpu.vector_store %arg9[%swap3A_345, %swap3A_346], %gather3A_302 {strides = array<i32>} : memref<32x512xf32, #tpu.memory_space<vmem>>, vector<16xf32>,
          %mul3A_348 = arith.constant 16 : i32
          %mul3A_349 = arith.muli %add3A_208, %mul3A_348 : i32
          %swap3A_350 = arith.constant 15 : i32
          %swap3A_351 = arith.index_cast %swap3A_350 : i32 to index
          %swap3A_352 = arith.index_cast %mul3A_349 : i32 to index
          %swap3A_353 = tpu.vector_load %arg9[%swap3A_351, %swap3A_352] {strides = array<i32>} : memref<32x512xf32, #tpu.memory_space<vmem>>, vector<16xf32>,
          tpu.vector_store %arg9[%swap3A_351, %swap3A_352], %gather3A_305 {strides = array<i32>} : memref<32x512xf32, #tpu.memory_space<vmem>>, vector<16xf32>,
          %broadcast_in_dim3A_354 = arith.constant 16 : i32
          %broadcast_in_dim3A_355 = vector.broadcast %broadcast_in_dim3A_354 : i32 to vector<16xi32>
          %gather3A_356 = tpu.vector_load_idx %arg7[%broadcast_in_dim3A_355, %get3A_212] : memref<32x512xf32, #tpu.memory_space<vmem>>[vector<16xi32>, vector<16xi32>], vector<16xf32>,
          %broadcast_in_dim3A_357 = arith.constant 17 : i32
          %broadcast_in_dim3A_358 = vector.broadcast %broadcast_in_dim3A_357 : i32 to vector<16xi32>
          %gather3A_359 = tpu.vector_load_idx %arg7[%broadcast_in_dim3A_358, %get3A_212] : memref<32x512xf32, #tpu.memory_space<vmem>>[vector<16xi32>, vector<16xi32>], vector<16xf32>,
          %broadcast_in_dim3A_360 = arith.constant 18 : i32
          %broadcast_in_dim3A_361 = vector.broadcast %broadcast_in_dim3A_360 : i32 to vector<16xi32>
          %gather3A_362 = tpu.vector_load_idx %arg7[%broadcast_in_dim3A_361, %get3A_212] : memref<32x512xf32, #tpu.memory_space<vmem>>[vector<16xi32>, vector<16xi32>], vector<16xf32>,
          %broadcast_in_dim3A_363 = arith.constant 19 : i32
          %broadcast_in_dim3A_364 = vector.broadcast %broadcast_in_dim3A_363 : i32 to vector<16xi32>
          %gather3A_365 = tpu.vector_load_idx %arg7[%broadcast_in_dim3A_364, %get3A_212] : memref<32x512xf32, #tpu.memory_space<vmem>>[vector<16xi32>, vector<16xi32>], vector<16xf32>,
          %broadcast_in_dim3A_366 = arith.constant 20 : i32
          %broadcast_in_dim3A_367 = vector.broadcast %broadcast_in_dim3A_366 : i32 to vector<16xi32>
          %gather3A_368 = tpu.vector_load_idx %arg7[%broadcast_in_dim3A_367, %get3A_212] : memref<32x512xf32, #tpu.memory_space<vmem>>[vector<16xi32>, vector<16xi32>], vector<16xf32>,
          %broadcast_in_dim3A_369 = arith.constant 21 : i32
          %broadcast_in_dim3A_370 = vector.broadcast %broadcast_in_dim3A_369 : i32 to vector<16xi32>
          %gather3A_371 = tpu.vector_load_idx %arg7[%broadcast_in_dim3A_370, %get3A_212] : memref<32x512xf32, #tpu.memory_space<vmem>>[vector<16xi32>, vector<16xi32>], vector<16xf32>,
          %broadcast_in_dim3A_372 = arith.constant 22 : i32
          %broadcast_in_dim3A_373 = vector.broadcast %broadcast_in_dim3A_372 : i32 to vector<16xi32>
          %gather3A_374 = tpu.vector_load_idx %arg7[%broadcast_in_dim3A_373, %get3A_212] : memref<32x512xf32, #tpu.memory_space<vmem>>[vector<16xi32>, vector<16xi32>], vector<16xf32>,
          %broadcast_in_dim3A_375 = arith.constant 23 : i32
          %broadcast_in_dim3A_376 = vector.broadcast %broadcast_in_dim3A_375 : i32 to vector<16xi32>
          %gather3A_377 = tpu.vector_load_idx %arg7[%broadcast_in_dim3A_376, %get3A_212] : memref<32x512xf32, #tpu.memory_space<vmem>>[vector<16xi32>, vector<16xi32>], vector<16xf32>,
          %mul3A_378 = arith.constant 16 : i32
          %mul3A_379 = arith.muli %add3A_208, %mul3A_378 : i32
          %swap3A_380 = arith.constant 16 : i32
          %swap3A_381 = arith.index_cast %swap3A_380 : i32 to index
          %swap3A_382 = arith.index_cast %mul3A_379 : i32 to index
          %swap3A_383 = tpu.vector_load %arg9[%swap3A_381, %swap3A_382] {strides = array<i32>} : memref<32x512xf32, #tpu.memory_space<vmem>>, vector<16xf32>,
          tpu.vector_store %arg9[%swap3A_381, %swap3A_382], %gather3A_356 {strides = array<i32>} : memref<32x512xf32, #tpu.memory_space<vmem>>, vector<16xf32>,
          %mul3A_384 = arith.constant 16 : i32
          %mul3A_385 = arith.muli %add3A_208, %mul3A_384 : i32
          %swap3A_386 = arith.constant 17 : i32
          %swap3A_387 = arith.index_cast %swap3A_386 : i32 to index
          %swap3A_388 = arith.index_cast %mul3A_385 : i32 to index
          %swap3A_389 = tpu.vector_load %arg9[%swap3A_387, %swap3A_388] {strides = array<i32>} : memref<32x512xf32, #tpu.memory_space<vmem>>, vector<16xf32>,
          tpu.vector_store %arg9[%swap3A_387, %swap3A_388], %gather3A_359 {strides = array<i32>} : memref<32x512xf32, #tpu.memory_space<vmem>>, vector<16xf32>,
          %mul3A_390 = arith.constant 16 : i32
          %mul3A_391 = arith.muli %add3A_208, %mul3A_390 : i32
          %swap3A_392 = arith.constant 18 : i32
          %swap3A_393 = arith.index_cast %swap3A_392 : i32 to index
          %swap3A_394 = arith.index_cast %mul3A_391 : i32 to index
          %swap3A_395 = tpu.vector_load %arg9[%swap3A_393, %swap3A_394] {strides = array<i32>} : memref<32x512xf32, #tpu.memory_space<vmem>>, vector<16xf32>,
          tpu.vector_store %arg9[%swap3A_393, %swap3A_394], %gather3A_362 {strides = array<i32>} : memref<32x512xf32, #tpu.memory_space<vmem>>, vector<16xf32>,
          %mul3A_396 = arith.constant 16 : i32
          %mul3A_397 = arith.muli %add3A_208, %mul3A_396 : i32
          %swap3A_398 = arith.constant 19 : i32
          %swap3A_399 = arith.index_cast %swap3A_398 : i32 to index
          %swap3A_400 = arith.index_cast %mul3A_397 : i32 to index
          %swap3A_401 = tpu.vector_load %arg9[%swap3A_399, %swap3A_400] {strides = array<i32>} : memref<32x512xf32, #tpu.memory_space<vmem>>, vector<16xf32>,
          tpu.vector_store %arg9[%swap3A_399, %swap3A_400], %gather3A_365 {strides = array<i32>} : memref<32x512xf32, #tpu.memory_space<vmem>>, vector<16xf32>,
          %mul3A_402 = arith.constant 16 : i32
          %mul3A_403 = arith.muli %add3A_208, %mul3A_402 : i32
          %swap3A_404 = arith.constant 20 : i32
          %swap3A_405 = arith.index_cast %swap3A_404 : i32 to index
          %swap3A_406 = arith.index_cast %mul3A_403 : i32 to index
          %swap3A_407 = tpu.vector_load %arg9[%swap3A_405, %swap3A_406] {strides = array<i32>} : memref<32x512xf32, #tpu.memory_space<vmem>>, vector<16xf32>,
          tpu.vector_store %arg9[%swap3A_405, %swap3A_406], %gather3A_368 {strides = array<i32>} : memref<32x512xf32, #tpu.memory_space<vmem>>, vector<16xf32>,
          %mul3A_408 = arith.constant 16 : i32
          %mul3A_409 = arith.muli %add3A_208, %mul3A_408 : i32
          %swap3A_410 = arith.constant 21 : i32
          %swap3A_411 = arith.index_cast %swap3A_410 : i32 to index
          %swap3A_412 = arith.index_cast %mul3A_409 : i32 to index
          %swap3A_413 = tpu.vector_load %arg9[%swap3A_411, %swap3A_412] {strides = array<i32>} : memref<32x512xf32, #tpu.memory_space<vmem>>, vector<16xf32>,
          tpu.vector_store %arg9[%swap3A_411, %swap3A_412], %gather3A_371 {strides = array<i32>} : memref<32x512xf32, #tpu.memory_space<vmem>>, vector<16xf32>,
          %mul3A_414 = arith.constant 16 : i32
          %mul3A_415 = arith.muli %add3A_208, %mul3A_414 : i32
          %swap3A_416 = arith.constant 22 : i32
          %swap3A_417 = arith.index_cast %swap3A_416 : i32 to index
          %swap3A_418 = arith.index_cast %mul3A_415 : i32 to index
          %swap3A_419 = tpu.vector_load %arg9[%swap3A_417, %swap3A_418] {strides = array<i32>} : memref<32x512xf32, #tpu.memory_space<vmem>>, vector<16xf32>,
          tpu.vector_store %arg9[%swap3A_417, %swap3A_418], %gather3A_374 {strides = array<i32>} : memref<32x512xf32, #tpu.memory_space<vmem>>, vector<16xf32>,
          %mul3A_420 = arith.constant 16 : i32
          %mul3A_421 = arith.muli %add3A_208, %mul3A_420 : i32
          %swap3A_422 = arith.constant 23 : i32
          %swap3A_423 = arith.index_cast %swap3A_422 : i32 to index
          %swap3A_424 = arith.index_cast %mul3A_421 : i32 to index
          %swap3A_425 = tpu.vector_load %arg9[%swap3A_423, %swap3A_424] {strides = array<i32>} : memref<32x512xf32, #tpu.memory_space<vmem>>, vector<16xf32>,
          tpu.vector_store %arg9[%swap3A_423, %swap3A_424], %gather3A_377 {strides = array<i32>} : memref<32x512xf32, #tpu.memory_space<vmem>>, vector<16xf32>,
          %broadcast_in_dim3A_426 = arith.constant 24 : i32
          %broadcast_in_dim3A_427 = vector.broadcast %broadcast_in_dim3A_426 : i32 to vector<16xi32>
          %gather3A_428 = tpu.vector_load_idx %arg7[%broadcast_in_dim3A_427, %get3A_212] : memref<32x512xf32, #tpu.memory_space<vmem>>[vector<16xi32>, vector<16xi32>], vector<16xf32>,
          %broadcast_in_dim3A_429 = arith.constant 25 : i32
          %broadcast_in_dim3A_430 = vector.broadcast %broadcast_in_dim3A_429 : i32 to vector<16xi32>
          %gather3A_431 = tpu.vector_load_idx %arg7[%broadcast_in_dim3A_430, %get3A_212] : memref<32x512xf32, #tpu.memory_space<vmem>>[vector<16xi32>, vector<16xi32>], vector<16xf32>,
          %broadcast_in_dim3A_432 = arith.constant 26 : i32
          %broadcast_in_dim3A_433 = vector.broadcast %broadcast_in_dim3A_432 : i32 to vector<16xi32>
          %gather3A_434 = tpu.vector_load_idx %arg7[%broadcast_in_dim3A_433, %get3A_212] : memref<32x512xf32, #tpu.memory_space<vmem>>[vector<16xi32>, vector<16xi32>], vector<16xf32>,
          %broadcast_in_dim3A_435 = arith.constant 27 : i32
          %broadcast_in_dim3A_436 = vector.broadcast %broadcast_in_dim3A_435 : i32 to vector<16xi32>
          %gather3A_437 = tpu.vector_load_idx %arg7[%broadcast_in_dim3A_436, %get3A_212] : memref<32x512xf32, #tpu.memory_space<vmem>>[vector<16xi32>, vector<16xi32>], vector<16xf32>,
          %broadcast_in_dim3A_438 = arith.constant 28 : i32
          %broadcast_in_dim3A_439 = vector.broadcast %broadcast_in_dim3A_438 : i32 to vector<16xi32>
          %gather3A_440 = tpu.vector_load_idx %arg7[%broadcast_in_dim3A_439, %get3A_212] : memref<32x512xf32, #tpu.memory_space<vmem>>[vector<16xi32>, vector<16xi32>], vector<16xf32>,
          %broadcast_in_dim3A_441 = arith.constant 29 : i32
          %broadcast_in_dim3A_442 = vector.broadcast %broadcast_in_dim3A_441 : i32 to vector<16xi32>
          %gather3A_443 = tpu.vector_load_idx %arg7[%broadcast_in_dim3A_442, %get3A_212] : memref<32x512xf32, #tpu.memory_space<vmem>>[vector<16xi32>, vector<16xi32>], vector<16xf32>,
          %broadcast_in_dim3A_444 = arith.constant 30 : i32
          %broadcast_in_dim3A_445 = vector.broadcast %broadcast_in_dim3A_444 : i32 to vector<16xi32>
          %gather3A_446 = tpu.vector_load_idx %arg7[%broadcast_in_dim3A_445, %get3A_212] : memref<32x512xf32, #tpu.memory_space<vmem>>[vector<16xi32>, vector<16xi32>], vector<16xf32>,
          %broadcast_in_dim3A_447 = arith.constant 31 : i32
          %broadcast_in_dim3A_448 = vector.broadcast %broadcast_in_dim3A_447 : i32 to vector<16xi32>
          %gather3A_449 = tpu.vector_load_idx %arg7[%broadcast_in_dim3A_448, %get3A_212] : memref<32x512xf32, #tpu.memory_space<vmem>>[vector<16xi32>, vector<16xi32>], vector<16xf32>,
          %mul3A_450 = arith.constant 16 : i32
          %mul3A_451 = arith.muli %add3A_208, %mul3A_450 : i32
          %swap3A_452 = arith.constant 24 : i32
          %swap3A_453 = arith.index_cast %swap3A_452 : i32 to index
          %swap3A_454 = arith.index_cast %mul3A_451 : i32 to index
          %swap3A_455 = tpu.vector_load %arg9[%swap3A_453, %swap3A_454] {strides = array<i32>} : memref<32x512xf32, #tpu.memory_space<vmem>>, vector<16xf32>,
          tpu.vector_store %arg9[%swap3A_453, %swap3A_454], %gather3A_428 {strides = array<i32>} : memref<32x512xf32, #tpu.memory_space<vmem>>, vector<16xf32>,
          %mul3A_456 = arith.constant 16 : i32
          %mul3A_457 = arith.muli %add3A_208, %mul3A_456 : i32
          %swap3A_458 = arith.constant 25 : i32
          %swap3A_459 = arith.index_cast %swap3A_458 : i32 to index
          %swap3A_460 = arith.index_cast %mul3A_457 : i32 to index
          %swap3A_461 = tpu.vector_load %arg9[%swap3A_459, %swap3A_460] {strides = array<i32>} : memref<32x512xf32, #tpu.memory_space<vmem>>, vector<16xf32>,
          tpu.vector_store %arg9[%swap3A_459, %swap3A_460], %gather3A_431 {strides = array<i32>} : memref<32x512xf32, #tpu.memory_space<vmem>>, vector<16xf32>,
          %mul3A_462 = arith.constant 16 : i32
          %mul3A_463 = arith.muli %add3A_208, %mul3A_462 : i32
          %swap3A_464 = arith.constant 26 : i32
          %swap3A_465 = arith.index_cast %swap3A_464 : i32 to index
          %swap3A_466 = arith.index_cast %mul3A_463 : i32 to index
          %swap3A_467 = tpu.vector_load %arg9[%swap3A_465, %swap3A_466] {strides = array<i32>} : memref<32x512xf32, #tpu.memory_space<vmem>>, vector<16xf32>,
          tpu.vector_store %arg9[%swap3A_465, %swap3A_466], %gather3A_434 {strides = array<i32>} : memref<32x512xf32, #tpu.memory_space<vmem>>, vector<16xf32>,
          %mul3A_468 = arith.constant 16 : i32
          %mul3A_469 = arith.muli %add3A_208, %mul3A_468 : i32
          %swap3A_470 = arith.constant 27 : i32
          %swap3A_471 = arith.index_cast %swap3A_470 : i32 to index
          %swap3A_472 = arith.index_cast %mul3A_469 : i32 to index
          %swap3A_473 = tpu.vector_load %arg9[%swap3A_471, %swap3A_472] {strides = array<i32>} : memref<32x512xf32, #tpu.memory_space<vmem>>, vector<16xf32>,
          tpu.vector_store %arg9[%swap3A_471, %swap3A_472], %gather3A_437 {strides = array<i32>} : memref<32x512xf32, #tpu.memory_space<vmem>>, vector<16xf32>,
          %mul3A_474 = arith.constant 16 : i32
          %mul3A_475 = arith.muli %add3A_208, %mul3A_474 : i32
          %swap3A_476 = arith.constant 28 : i32
          %swap3A_477 = arith.index_cast %swap3A_476 : i32 to index
          %swap3A_478 = arith.index_cast %mul3A_475 : i32 to index
          %swap3A_479 = tpu.vector_load %arg9[%swap3A_477, %swap3A_478] {strides = array<i32>} : memref<32x512xf32, #tpu.memory_space<vmem>>, vector<16xf32>,
          tpu.vector_store %arg9[%swap3A_477, %swap3A_478], %gather3A_440 {strides = array<i32>} : memref<32x512xf32, #tpu.memory_space<vmem>>, vector<16xf32>,
          %mul3A_480 = arith.constant 16 : i32
          %mul3A_481 = arith.muli %add3A_208, %mul3A_480 : i32
          %swap3A_482 = arith.constant 29 : i32
          %swap3A_483 = arith.index_cast %swap3A_482 : i32 to index
          %swap3A_484 = arith.index_cast %mul3A_481 : i32 to index
          %swap3A_485 = tpu.vector_load %arg9[%swap3A_483, %swap3A_484] {strides = array<i32>} : memref<32x512xf32, #tpu.memory_space<vmem>>, vector<16xf32>,
          tpu.vector_store %arg9[%swap3A_483, %swap3A_484], %gather3A_443 {strides = array<i32>} : memref<32x512xf32, #tpu.memory_space<vmem>>, vector<16xf32>,
          %mul3A_486 = arith.constant 16 : i32
          %mul3A_487 = arith.muli %add3A_208, %mul3A_486 : i32
          %swap3A_488 = arith.constant 30 : i32
          %swap3A_489 = arith.index_cast %swap3A_488 : i32 to index
          %swap3A_490 = arith.index_cast %mul3A_487 : i32 to index
          %swap3A_491 = tpu.vector_load %arg9[%swap3A_489, %swap3A_490] {strides = array<i32>} : memref<32x512xf32, #tpu.memory_space<vmem>>, vector<16xf32>,
          tpu.vector_store %arg9[%swap3A_489, %swap3A_490], %gather3A_446 {strides = array<i32>} : memref<32x512xf32, #tpu.memory_space<vmem>>, vector<16xf32>,
          %mul3A_492 = arith.constant 16 : i32
          %mul3A_493 = arith.muli %add3A_208, %mul3A_492 : i32
          %swap3A_494 = arith.constant 31 : i32
          %swap3A_495 = arith.index_cast %swap3A_494 : i32 to index
          %swap3A_496 = arith.index_cast %mul3A_493 : i32 to index
          %swap3A_497 = tpu.vector_load %arg9[%swap3A_495, %swap3A_496] {strides = array<i32>} : memref<32x512xf32, #tpu.memory_space<vmem>>, vector<16xf32>,
          tpu.vector_store %arg9[%swap3A_495, %swap3A_496], %gather3A_449 {strides = array<i32>} : memref<32x512xf32, #tpu.memory_space<vmem>>, vector<16xf32>,
          %mul3A_498 = arith.constant 4 : i32
          %mul3A_499 = arith.muli %scan3A_204, %mul3A_498 : i32
          %add3A_500 = arith.constant 1 : i32
          %add3A_501 = arith.addi %mul3A_499, %add3A_500 : i32
          %mul3A_502 = arith.constant 16 : i32
          %mul3A_503 = arith.muli %add3A_501, %mul3A_502 : i32
          %add3A_504 = arith.addi %mul3A_147, %mul3A_503 : i32
          %get3A_505 = arith.index_cast %add3A_504 : i32 to index
          %get3A_506 = tpu.vector_load %arg5[%get3A_505] {strides = array<i32>} : memref<4096xi32, #tpu.memory_space<vmem>>, vector<16xi32>,
          %broadcast_in_dim3A_507 = arith.constant 0 : i32
          %broadcast_in_dim3A_508 = vector.broadcast %broadcast_in_dim3A_507 : i32 to vector<16xi32>
          %gather3A_509 = tpu.vector_load_idx %arg7[%broadcast_in_dim3A_508, %get3A_506] : memref<32x512xf32, #tpu.memory_space<vmem>>[vector<16xi32>, vector<16xi32>], vector<16xf32>,
          %broadcast_in_dim3A_510 = arith.constant 1 : i32
          %broadcast_in_dim3A_511 = vector.broadcast %broadcast_in_dim3A_510 : i32 to vector<16xi32>
          %gather3A_512 = tpu.vector_load_idx %arg7[%broadcast_in_dim3A_511, %get3A_506] : memref<32x512xf32, #tpu.memory_space<vmem>>[vector<16xi32>, vector<16xi32>], vector<16xf32>,
          %broadcast_in_dim3A_513 = arith.constant 2 : i32
          %broadcast_in_dim3A_514 = vector.broadcast %broadcast_in_dim3A_513 : i32 to vector<16xi32>
          %gather3A_515 = tpu.vector_load_idx %arg7[%broadcast_in_dim3A_514, %get3A_506] : memref<32x512xf32, #tpu.memory_space<vmem>>[vector<16xi32>, vector<16xi32>], vector<16xf32>,
          %broadcast_in_dim3A_516 = arith.constant 3 : i32
          %broadcast_in_dim3A_517 = vector.broadcast %broadcast_in_dim3A_516 : i32 to vector<16xi32>
          %gather3A_518 = tpu.vector_load_idx %arg7[%broadcast_in_dim3A_517, %get3A_506] : memref<32x512xf32, #tpu.memory_space<vmem>>[vector<16xi32>, vector<16xi32>], vector<16xf32>,
          %broadcast_in_dim3A_519 = arith.constant 4 : i32
          %broadcast_in_dim3A_520 = vector.broadcast %broadcast_in_dim3A_519 : i32 to vector<16xi32>
          %gather3A_521 = tpu.vector_load_idx %arg7[%broadcast_in_dim3A_520, %get3A_506] : memref<32x512xf32, #tpu.memory_space<vmem>>[vector<16xi32>, vector<16xi32>], vector<16xf32>,
          %broadcast_in_dim3A_522 = arith.constant 5 : i32
          %broadcast_in_dim3A_523 = vector.broadcast %broadcast_in_dim3A_522 : i32 to vector<16xi32>
          %gather3A_524 = tpu.vector_load_idx %arg7[%broadcast_in_dim3A_523, %get3A_506] : memref<32x512xf32, #tpu.memory_space<vmem>>[vector<16xi32>, vector<16xi32>], vector<16xf32>,
          %broadcast_in_dim3A_525 = arith.constant 6 : i32
          %broadcast_in_dim3A_526 = vector.broadcast %broadcast_in_dim3A_525 : i32 to vector<16xi32>
          %gather3A_527 = tpu.vector_load_idx %arg7[%broadcast_in_dim3A_526, %get3A_506] : memref<32x512xf32, #tpu.memory_space<vmem>>[vector<16xi32>, vector<16xi32>], vector<16xf32>,
          %broadcast_in_dim3A_528 = arith.constant 7 : i32
          %broadcast_in_dim3A_529 = vector.broadcast %broadcast_in_dim3A_528 : i32 to vector<16xi32>
          %gather3A_530 = tpu.vector_load_idx %arg7[%broadcast_in_dim3A_529, %get3A_506] : memref<32x512xf32, #tpu.memory_space<vmem>>[vector<16xi32>, vector<16xi32>], vector<16xf32>,
          %mul3A_531 = arith.constant 16 : i32
          %mul3A_532 = arith.muli %add3A_501, %mul3A_531 : i32
          %swap3A_533 = arith.constant 0 : i32
          %swap3A_534 = arith.index_cast %swap3A_533 : i32 to index
          %swap3A_535 = arith.index_cast %mul3A_532 : i32 to index
          %swap3A_536 = tpu.vector_load %arg9[%swap3A_534, %swap3A_535] {strides = array<i32>} : memref<32x512xf32, #tpu.memory_space<vmem>>, vector<16xf32>,
          tpu.vector_store %arg9[%swap3A_534, %swap3A_535], %gather3A_509 {strides = array<i32>} : memref<32x512xf32, #tpu.memory_space<vmem>>, vector<16xf32>,
          %mul3A_537 = arith.constant 16 : i32
          %mul3A_538 = arith.muli %add3A_501, %mul3A_537 : i32
          %swap3A_539 = arith.constant 1 : i32
          %swap3A_540 = arith.index_cast %swap3A_539 : i32 to index
          %swap3A_541 = arith.index_cast %mul3A_538 : i32 to index
          %swap3A_542 = tpu.vector_load %arg9[%swap3A_540, %swap3A_541] {strides = array<i32>} : memref<32x512xf32, #tpu.memory_space<vmem>>, vector<16xf32>,
          tpu.vector_store %arg9[%swap3A_540, %swap3A_541], %gather3A_512 {strides = array<i32>} : memref<32x512xf32, #tpu.memory_space<vmem>>, vector<16xf32>,
          %mul3A_543 = arith.constant 16 : i32
          %mul3A_544 = arith.muli %add3A_501, %mul3A_543 : i32
          %swap3A_545 = arith.constant 2 : i32
          %swap3A_546 = arith.index_cast %swap3A_545 : i32 to index
          %swap3A_547 = arith.index_cast %mul3A_544 : i32 to index
          %swap3A_548 = tpu.vector_load %arg9[%swap3A_546, %swap3A_547] {strides = array<i32>} : memref<32x512xf32, #tpu.memory_space<vmem>>, vector<16xf32>,
          tpu.vector_store %arg9[%swap3A_546, %swap3A_547], %gather3A_515 {strides = array<i32>} : memref<32x512xf32, #tpu.memory_space<vmem>>, vector<16xf32>,
          %mul3A_549 = arith.constant 16 : i32
          %mul3A_550 = arith.muli %add3A_501, %mul3A_549 : i32
          %swap3A_551 = arith.constant 3 : i32
          %swap3A_552 = arith.index_cast %swap3A_551 : i32 to index
          %swap3A_553 = arith.index_cast %mul3A_550 : i32 to index
          %swap3A_554 = tpu.vector_load %arg9[%swap3A_552, %swap3A_553] {strides = array<i32>} : memref<32x512xf32, #tpu.memory_space<vmem>>, vector<16xf32>,
          tpu.vector_store %arg9[%swap3A_552, %swap3A_553], %gather3A_518 {strides = array<i32>} : memref<32x512xf32, #tpu.memory_space<vmem>>, vector<16xf32>,
          %mul3A_555 = arith.constant 16 : i32
          %mul3A_556 = arith.muli %add3A_501, %mul3A_555 : i32
          %swap3A_557 = arith.constant 4 : i32
          %swap3A_558 = arith.index_cast %swap3A_557 : i32 to index
          %swap3A_559 = arith.index_cast %mul3A_556 : i32 to index
          %swap3A_560 = tpu.vector_load %arg9[%swap3A_558, %swap3A_559] {strides = array<i32>} : memref<32x512xf32, #tpu.memory_space<vmem>>, vector<16xf32>,
          tpu.vector_store %arg9[%swap3A_558, %swap3A_559], %gather3A_521 {strides = array<i32>} : memref<32x512xf32, #tpu.memory_space<vmem>>, vector<16xf32>,
          %mul3A_561 = arith.constant 16 : i32
          %mul3A_562 = arith.muli %add3A_501, %mul3A_561 : i32
          %swap3A_563 = arith.constant 5 : i32
          %swap3A_564 = arith.index_cast %swap3A_563 : i32 to index
          %swap3A_565 = arith.index_cast %mul3A_562 : i32 to index
          %swap3A_566 = tpu.vector_load %arg9[%swap3A_564, %swap3A_565] {strides = array<i32>} : memref<32x512xf32, #tpu.memory_space<vmem>>, vector<16xf32>,
          tpu.vector_store %arg9[%swap3A_564, %swap3A_565], %gather3A_524 {strides = array<i32>} : memref<32x512xf32, #tpu.memory_space<vmem>>, vector<16xf32>,
          %mul3A_567 = arith.constant 16 : i32
          %mul3A_568 = arith.muli %add3A_501, %mul3A_567 : i32
          %swap3A_569 = arith.constant 6 : i32
          %swap3A_570 = arith.index_cast %swap3A_569 : i32 to index
          %swap3A_571 = arith.index_cast %mul3A_568 : i32 to index
          %swap3A_572 = tpu.vector_load %arg9[%swap3A_570, %swap3A_571] {strides = array<i32>} : memref<32x512xf32, #tpu.memory_space<vmem>>, vector<16xf32>,
          tpu.vector_store %arg9[%swap3A_570, %swap3A_571], %gather3A_527 {strides = array<i32>} : memref<32x512xf32, #tpu.memory_space<vmem>>, vector<16xf32>,
          %mul3A_573 = arith.constant 16 : i32
          %mul3A_574 = arith.muli %add3A_501, %mul3A_573 : i32
          %swap3A_575 = arith.constant 7 : i32
          %swap3A_576 = arith.index_cast %swap3A_575 : i32 to index
          %swap3A_577 = arith.index_cast %mul3A_574 : i32 to index
          %swap3A_578 = tpu.vector_load %arg9[%swap3A_576, %swap3A_577] {strides = array<i32>} : memref<32x512xf32, #tpu.memory_space<vmem>>, vector<16xf32>,
          tpu.vector_store %arg9[%swap3A_576, %swap3A_577], %gather3A_530 {strides = array<i32>} : memref<32x512xf32, #tpu.memory_space<vmem>>, vector<16xf32>,
          %broadcast_in_dim3A_579 = arith.constant 8 : i32
          %broadcast_in_dim3A_580 = vector.broadcast %broadcast_in_dim3A_579 : i32 to vector<16xi32>
          %gather3A_581 = tpu.vector_load_idx %arg7[%broadcast_in_dim3A_580, %get3A_506] : memref<32x512xf32, #tpu.memory_space<vmem>>[vector<16xi32>, vector<16xi32>], vector<16xf32>,
          %broadcast_in_dim3A_582 = arith.constant 9 : i32
          %broadcast_in_dim3A_583 = vector.broadcast %broadcast_in_dim3A_582 : i32 to vector<16xi32>
          %gather3A_584 = tpu.vector_load_idx %arg7[%broadcast_in_dim3A_583, %get3A_506] : memref<32x512xf32, #tpu.memory_space<vmem>>[vector<16xi32>, vector<16xi32>], vector<16xf32>,
          %broadcast_in_dim3A_585 = arith.constant 10 : i32
          %broadcast_in_dim3A_586 = vector.broadcast %broadcast_in_dim3A_585 : i32 to vector<16xi32>
          %gather3A_587 = tpu.vector_load_idx %arg7[%broadcast_in_dim3A_586, %get3A_506] : memref<32x512xf32, #tpu.memory_space<vmem>>[vector<16xi32>, vector<16xi32>], vector<16xf32>,
          %broadcast_in_dim3A_588 = arith.constant 11 : i32
          %broadcast_in_dim3A_589 = vector.broadcast %broadcast_in_dim3A_588 : i32 to vector<16xi32>
          %gather3A_590 = tpu.vector_load_idx %arg7[%broadcast_in_dim3A_589, %get3A_506] : memref<32x512xf32, #tpu.memory_space<vmem>>[vector<16xi32>, vector<16xi32>], vector<16xf32>,
          %broadcast_in_dim3A_591 = arith.constant 12 : i32
          %broadcast_in_dim3A_592 = vector.broadcast %broadcast_in_dim3A_591 : i32 to vector<16xi32>
          %gather3A_593 = tpu.vector_load_idx %arg7[%broadcast_in_dim3A_592, %get3A_506] : memref<32x512xf32, #tpu.memory_space<vmem>>[vector<16xi32>, vector<16xi32>], vector<16xf32>,
          %broadcast_in_dim3A_594 = arith.constant 13 : i32
          %broadcast_in_dim3A_595 = vector.broadcast %broadcast_in_dim3A_594 : i32 to vector<16xi32>
          %gather3A_596 = tpu.vector_load_idx %arg7[%broadcast_in_dim3A_595, %get3A_506] : memref<32x512xf32, #tpu.memory_space<vmem>>[vector<16xi32>, vector<16xi32>], vector<16xf32>,
          %broadcast_in_dim3A_597 = arith.constant 14 : i32
          %broadcast_in_dim3A_598 = vector.broadcast %broadcast_in_dim3A_597 : i32 to vector<16xi32>
          %gather3A_599 = tpu.vector_load_idx %arg7[%broadcast_in_dim3A_598, %get3A_506] : memref<32x512xf32, #tpu.memory_space<vmem>>[vector<16xi32>, vector<16xi32>], vector<16xf32>,
          %broadcast_in_dim3A_600 = arith.constant 15 : i32
          %broadcast_in_dim3A_601 = vector.broadcast %broadcast_in_dim3A_600 : i32 to vector<16xi32>
          %gather3A_602 = tpu.vector_load_idx %arg7[%broadcast_in_dim3A_601, %get3A_506] : memref<32x512xf32, #tpu.memory_space<vmem>>[vector<16xi32>, vector<16xi32>], vector<16xf32>,
          %mul3A_603 = arith.constant 16 : i32
          %mul3A_604 = arith.muli %add3A_501, %mul3A_603 : i32
          %swap3A_605 = arith.constant 8 : i32
          %swap3A_606 = arith.index_cast %swap3A_605 : i32 to index
          %swap3A_607 = arith.index_cast %mul3A_604 : i32 to index
          %swap3A_608 = tpu.vector_load %arg9[%swap3A_606, %swap3A_607] {strides = array<i32>} : memref<32x512xf32, #tpu.memory_space<vmem>>, vector<16xf32>,
          tpu.vector_store %arg9[%swap3A_606, %swap3A_607], %gather3A_581 {strides = array<i32>} : memref<32x512xf32, #tpu.memory_space<vmem>>, vector<16xf32>,
          %mul3A_609 = arith.constant 16 : i32
          %mul3A_610 = arith.muli %add3A_501, %mul3A_609 : i32
          %swap3A_611 = arith.constant 9 : i32
          %swap3A_612 = arith.index_cast %swap3A_611 : i32 to index
          %swap3A_613 = arith.index_cast %mul3A_610 : i32 to index
          %swap3A_614 = tpu.vector_load %arg9[%swap3A_612, %swap3A_613] {strides = array<i32>} : memref<32x512xf32, #tpu.memory_space<vmem>>, vector<16xf32>,
          tpu.vector_store %arg9[%swap3A_612, %swap3A_613], %gather3A_584 {strides = array<i32>} : memref<32x512xf32, #tpu.memory_space<vmem>>, vector<16xf32>,
          %mul3A_615 = arith.constant 16 : i32
          %mul3A_616 = arith.muli %add3A_501, %mul3A_615 : i32
          %swap3A_617 = arith.constant 10 : i32
          %swap3A_618 = arith.index_cast %swap3A_617 : i32 to index
          %swap3A_619 = arith.index_cast %mul3A_616 : i32 to index
          %swap3A_620 = tpu.vector_load %arg9[%swap3A_618, %swap3A_619] {strides = array<i32>} : memref<32x512xf32, #tpu.memory_space<vmem>>, vector<16xf32>,
          tpu.vector_store %arg9[%swap3A_618, %swap3A_619], %gather3A_587 {strides = array<i32>} : memref<32x512xf32, #tpu.memory_space<vmem>>, vector<16xf32>,
          %mul3A_621 = arith.constant 16 : i32
          %mul3A_622 = arith.muli %add3A_501, %mul3A_621 : i32
          %swap3A_623 = arith.constant 11 : i32
          %swap3A_624 = arith.index_cast %swap3A_623 : i32 to index
          %swap3A_625 = arith.index_cast %mul3A_622 : i32 to index
          %swap3A_626 = tpu.vector_load %arg9[%swap3A_624, %swap3A_625] {strides = array<i32>} : memref<32x512xf32, #tpu.memory_space<vmem>>, vector<16xf32>,
          tpu.vector_store %arg9[%swap3A_624, %swap3A_625], %gather3A_590 {strides = array<i32>} : memref<32x512xf32, #tpu.memory_space<vmem>>, vector<16xf32>,
          %mul3A_627 = arith.constant 16 : i32
          %mul3A_628 = arith.muli %add3A_501, %mul3A_627 : i32
          %swap3A_629 = arith.constant 12 : i32
          %swap3A_630 = arith.index_cast %swap3A_629 : i32 to index
          %swap3A_631 = arith.index_cast %mul3A_628 : i32 to index
          %swap3A_632 = tpu.vector_load %arg9[%swap3A_630, %swap3A_631] {strides = array<i32>} : memref<32x512xf32, #tpu.memory_space<vmem>>, vector<16xf32>,
          tpu.vector_store %arg9[%swap3A_630, %swap3A_631], %gather3A_593 {strides = array<i32>} : memref<32x512xf32, #tpu.memory_space<vmem>>, vector<16xf32>,
          %mul3A_633 = arith.constant 16 : i32
          %mul3A_634 = arith.muli %add3A_501, %mul3A_633 : i32
          %swap3A_635 = arith.constant 13 : i32
          %swap3A_636 = arith.index_cast %swap3A_635 : i32 to index
          %swap3A_637 = arith.index_cast %mul3A_634 : i32 to index
          %swap3A_638 = tpu.vector_load %arg9[%swap3A_636, %swap3A_637] {strides = array<i32>} : memref<32x512xf32, #tpu.memory_space<vmem>>, vector<16xf32>,
          tpu.vector_store %arg9[%swap3A_636, %swap3A_637], %gather3A_596 {strides = array<i32>} : memref<32x512xf32, #tpu.memory_space<vmem>>, vector<16xf32>,
          %mul3A_639 = arith.constant 16 : i32
          %mul3A_640 = arith.muli %add3A_501, %mul3A_639 : i32
          %swap3A_641 = arith.constant 14 : i32
          %swap3A_642 = arith.index_cast %swap3A_641 : i32 to index
          %swap3A_643 = arith.index_cast %mul3A_640 : i32 to index
          %swap3A_644 = tpu.vector_load %arg9[%swap3A_642, %swap3A_643] {strides = array<i32>} : memref<32x512xf32, #tpu.memory_space<vmem>>, vector<16xf32>,
          tpu.vector_store %arg9[%swap3A_642, %swap3A_643], %gather3A_599 {strides = array<i32>} : memref<32x512xf32, #tpu.memory_space<vmem>>, vector<16xf32>,
          %mul3A_645 = arith.constant 16 : i32
          %mul3A_646 = arith.muli %add3A_501, %mul3A_645 : i32
          %swap3A_647 = arith.constant 15 : i32
          %swap3A_648 = arith.index_cast %swap3A_647 : i32 to index
          %swap3A_649 = arith.index_cast %mul3A_646 : i32 to index
          %swap3A_650 = tpu.vector_load %arg9[%swap3A_648, %swap3A_649] {strides = array<i32>} : memref<32x512xf32, #tpu.memory_space<vmem>>, vector<16xf32>,
          tpu.vector_store %arg9[%swap3A_648, %swap3A_649], %gather3A_602 {strides = array<i32>} : memref<32x512xf32, #tpu.memory_space<vmem>>, vector<16xf32>,
          %broadcast_in_dim3A_651 = arith.constant 16 : i32
          %broadcast_in_dim3A_652 = vector.broadcast %broadcast_in_dim3A_651 : i32 to vector<16xi32>
          %gather3A_653 = tpu.vector_load_idx %arg7[%broadcast_in_dim3A_652, %get3A_506] : memref<32x512xf32, #tpu.memory_space<vmem>>[vector<16xi32>, vector<16xi32>], vector<16xf32>,
          %broadcast_in_dim3A_654 = arith.constant 17 : i32
          %broadcast_in_dim3A_655 = vector.broadcast %broadcast_in_dim3A_654 : i32 to vector<16xi32>
          %gather3A_656 = tpu.vector_load_idx %arg7[%broadcast_in_dim3A_655, %get3A_506] : memref<32x512xf32, #tpu.memory_space<vmem>>[vector<16xi32>, vector<16xi32>], vector<16xf32>,
          %broadcast_in_dim3A_657 = arith.constant 18 : i32
          %broadcast_in_dim3A_658 = vector.broadcast %broadcast_in_dim3A_657 : i32 to vector<16xi32>
          %gather3A_659 = tpu.vector_load_idx %arg7[%broadcast_in_dim3A_658, %get3A_506] : memref<32x512xf32, #tpu.memory_space<vmem>>[vector<16xi32>, vector<16xi32>], vector<16xf32>,
          %broadcast_in_dim3A_660 = arith.constant 19 : i32
          %broadcast_in_dim3A_661 = vector.broadcast %broadcast_in_dim3A_660 : i32 to vector<16xi32>
          %gather3A_662 = tpu.vector_load_idx %arg7[%broadcast_in_dim3A_661, %get3A_506] : memref<32x512xf32, #tpu.memory_space<vmem>>[vector<16xi32>, vector<16xi32>], vector<16xf32>,
          %broadcast_in_dim3A_663 = arith.constant 20 : i32
          %broadcast_in_dim3A_664 = vector.broadcast %broadcast_in_dim3A_663 : i32 to vector<16xi32>
          %gather3A_665 = tpu.vector_load_idx %arg7[%broadcast_in_dim3A_664, %get3A_506] : memref<32x512xf32, #tpu.memory_space<vmem>>[vector<16xi32>, vector<16xi32>], vector<16xf32>,
          %broadcast_in_dim3A_666 = arith.constant 21 : i32
          %broadcast_in_dim3A_667 = vector.broadcast %broadcast_in_dim3A_666 : i32 to vector<16xi32>
          %gather3A_668 = tpu.vector_load_idx %arg7[%broadcast_in_dim3A_667, %get3A_506] : memref<32x512xf32, #tpu.memory_space<vmem>>[vector<16xi32>, vector<16xi32>], vector<16xf32>,
          %broadcast_in_dim3A_669 = arith.constant 22 : i32
          %broadcast_in_dim3A_670 = vector.broadcast %broadcast_in_dim3A_669 : i32 to vector<16xi32>
          %gather3A_671 = tpu.vector_load_idx %arg7[%broadcast_in_dim3A_670, %get3A_506] : memref<32x512xf32, #tpu.memory_space<vmem>>[vector<16xi32>, vector<16xi32>], vector<16xf32>,
          %broadcast_in_dim3A_672 = arith.constant 23 : i32
          %broadcast_in_dim3A_673 = vector.broadcast %broadcast_in_dim3A_672 : i32 to vector<16xi32>
          %gather3A_674 = tpu.vector_load_idx %arg7[%broadcast_in_dim3A_673, %get3A_506] : memref<32x512xf32, #tpu.memory_space<vmem>>[vector<16xi32>, vector<16xi32>], vector<16xf32>,
          %mul3A_675 = arith.constant 16 : i32
          %mul3A_676 = arith.muli %add3A_501, %mul3A_675 : i32
          %swap3A_677 = arith.constant 16 : i32
          %swap3A_678 = arith.index_cast %swap3A_677 : i32 to index
          %swap3A_679 = arith.index_cast %mul3A_676 : i32 to index
          %swap3A_680 = tpu.vector_load %arg9[%swap3A_678, %swap3A_679] {strides = array<i32>} : memref<32x512xf32, #tpu.memory_space<vmem>>, vector<16xf32>,
          tpu.vector_store %arg9[%swap3A_678, %swap3A_679], %gather3A_653 {strides = array<i32>} : memref<32x512xf32, #tpu.memory_space<vmem>>, vector<16xf32>,
          %mul3A_681 = arith.constant 16 : i32
          %mul3A_682 = arith.muli %add3A_501, %mul3A_681 : i32
          %swap3A_683 = arith.constant 17 : i32
          %swap3A_684 = arith.index_cast %swap3A_683 : i32 to index
          %swap3A_685 = arith.index_cast %mul3A_682 : i32 to index
          %swap3A_686 = tpu.vector_load %arg9[%swap3A_684, %swap3A_685] {strides = array<i32>} : memref<32x512xf32, #tpu.memory_space<vmem>>, vector<16xf32>,
          tpu.vector_store %arg9[%swap3A_684, %swap3A_685], %gather3A_656 {strides = array<i32>} : memref<32x512xf32, #tpu.memory_space<vmem>>, vector<16xf32>,
          %mul3A_687 = arith.constant 16 : i32
          %mul3A_688 = arith.muli %add3A_501, %mul3A_687 : i32
          %swap3A_689 = arith.constant 18 : i32
          %swap3A_690 = arith.index_cast %swap3A_689 : i32 to index
          %swap3A_691 = arith.index_cast %mul3A_688 : i32 to index
          %swap3A_692 = tpu.vector_load %arg9[%swap3A_690, %swap3A_691] {strides = array<i32>} : memref<32x512xf32, #tpu.memory_space<vmem>>, vector<16xf32>,
          tpu.vector_store %arg9[%swap3A_690, %swap3A_691], %gather3A_659 {strides = array<i32>} : memref<32x512xf32, #tpu.memory_space<vmem>>, vector<16xf32>,
          %mul3A_693 = arith.constant 16 : i32
          %mul3A_694 = arith.muli %add3A_501, %mul3A_693 : i32
          %swap3A_695 = arith.constant 19 : i32
          %swap3A_696 = arith.index_cast %swap3A_695 : i32 to index
          %swap3A_697 = arith.index_cast %mul3A_694 : i32 to index
          %swap3A_698 = tpu.vector_load %arg9[%swap3A_696, %swap3A_697] {strides = array<i32>} : memref<32x512xf32, #tpu.memory_space<vmem>>, vector<16xf32>,
          tpu.vector_store %arg9[%swap3A_696, %swap3A_697], %gather3A_662 {strides = array<i32>} : memref<32x512xf32, #tpu.memory_space<vmem>>, vector<16xf32>,
          %mul3A_699 = arith.constant 16 : i32
          %mul3A_700 = arith.muli %add3A_501, %mul3A_699 : i32
          %swap3A_701 = arith.constant 20 : i32
          %swap3A_702 = arith.index_cast %swap3A_701 : i32 to index
          %swap3A_703 = arith.index_cast %mul3A_700 : i32 to index
          %swap3A_704 = tpu.vector_load %arg9[%swap3A_702, %swap3A_703] {strides = array<i32>} : memref<32x512xf32, #tpu.memory_space<vmem>>, vector<16xf32>,
          tpu.vector_store %arg9[%swap3A_702, %swap3A_703], %gather3A_665 {strides = array<i32>} : memref<32x512xf32, #tpu.memory_space<vmem>>, vector<16xf32>,
          %mul3A_705 = arith.constant 16 : i32
          %mul3A_706 = arith.muli %add3A_501, %mul3A_705 : i32
          %swap3A_707 = arith.constant 21 : i32
          %swap3A_708 = arith.index_cast %swap3A_707 : i32 to index
          %swap3A_709 = arith.index_cast %mul3A_706 : i32 to index
          %swap3A_710 = tpu.vector_load %arg9[%swap3A_708, %swap3A_709] {strides = array<i32>} : memref<32x512xf32, #tpu.memory_space<vmem>>, vector<16xf32>,
          tpu.vector_store %arg9[%swap3A_708, %swap3A_709], %gather3A_668 {strides = array<i32>} : memref<32x512xf32, #tpu.memory_space<vmem>>, vector<16xf32>,
          %mul3A_711 = arith.constant 16 : i32
          %mul3A_712 = arith.muli %add3A_501, %mul3A_711 : i32
          %swap3A_713 = arith.constant 22 : i32
          %swap3A_714 = arith.index_cast %swap3A_713 : i32 to index
          %swap3A_715 = arith.index_cast %mul3A_712 : i32 to index
          %swap3A_716 = tpu.vector_load %arg9[%swap3A_714, %swap3A_715] {strides = array<i32>} : memref<32x512xf32, #tpu.memory_space<vmem>>, vector<16xf32>,
          tpu.vector_store %arg9[%swap3A_714, %swap3A_715], %gather3A_671 {strides = array<i32>} : memref<32x512xf32, #tpu.memory_space<vmem>>, vector<16xf32>,
          %mul3A_717 = arith.constant 16 : i32
          %mul3A_718 = arith.muli %add3A_501, %mul3A_717 : i32
          %swap3A_719 = arith.constant 23 : i32
          %swap3A_720 = arith.index_cast %swap3A_719 : i32 to index
          %swap3A_721 = arith.index_cast %mul3A_718 : i32 to index
          %swap3A_722 = tpu.vector_load %arg9[%swap3A_720, %swap3A_721] {strides = array<i32>} : memref<32x512xf32, #tpu.memory_space<vmem>>, vector<16xf32>,
          tpu.vector_store %arg9[%swap3A_720, %swap3A_721], %gather3A_674 {strides = array<i32>} : memref<32x512xf32, #tpu.memory_space<vmem>>, vector<16xf32>,
          %broadcast_in_dim3A_723 = arith.constant 24 : i32
          %broadcast_in_dim3A_724 = vector.broadcast %broadcast_in_dim3A_723 : i32 to vector<16xi32>
          %gather3A_725 = tpu.vector_load_idx %arg7[%broadcast_in_dim3A_724, %get3A_506] : memref<32x512xf32, #tpu.memory_space<vmem>>[vector<16xi32>, vector<16xi32>], vector<16xf32>,
          %broadcast_in_dim3A_726 = arith.constant 25 : i32
          %broadcast_in_dim3A_727 = vector.broadcast %broadcast_in_dim3A_726 : i32 to vector<16xi32>
          %gather3A_728 = tpu.vector_load_idx %arg7[%broadcast_in_dim3A_727, %get3A_506] : memref<32x512xf32, #tpu.memory_space<vmem>>[vector<16xi32>, vector<16xi32>], vector<16xf32>,
          %broadcast_in_dim3A_729 = arith.constant 26 : i32
          %broadcast_in_dim3A_730 = vector.broadcast %broadcast_in_dim3A_729 : i32 to vector<16xi32>
          %gather3A_731 = tpu.vector_load_idx %arg7[%broadcast_in_dim3A_730, %get3A_506] : memref<32x512xf32, #tpu.memory_space<vmem>>[vector<16xi32>, vector<16xi32>], vector<16xf32>,
          %broadcast_in_dim3A_732 = arith.constant 27 : i32
          %broadcast_in_dim3A_733 = vector.broadcast %broadcast_in_dim3A_732 : i32 to vector<16xi32>
          %gather3A_734 = tpu.vector_load_idx %arg7[%broadcast_in_dim3A_733, %get3A_506] : memref<32x512xf32, #tpu.memory_space<vmem>>[vector<16xi32>, vector<16xi32>], vector<16xf32>,
          %broadcast_in_dim3A_735 = arith.constant 28 : i32
          %broadcast_in_dim3A_736 = vector.broadcast %broadcast_in_dim3A_735 : i32 to vector<16xi32>
          %gather3A_737 = tpu.vector_load_idx %arg7[%broadcast_in_dim3A_736, %get3A_506] : memref<32x512xf32, #tpu.memory_space<vmem>>[vector<16xi32>, vector<16xi32>], vector<16xf32>,
          %broadcast_in_dim3A_738 = arith.constant 29 : i32
          %broadcast_in_dim3A_739 = vector.broadcast %broadcast_in_dim3A_738 : i32 to vector<16xi32>
          %gather3A_740 = tpu.vector_load_idx %arg7[%broadcast_in_dim3A_739, %get3A_506] : memref<32x512xf32, #tpu.memory_space<vmem>>[vector<16xi32>, vector<16xi32>], vector<16xf32>,
          %broadcast_in_dim3A_741 = arith.constant 30 : i32
          %broadcast_in_dim3A_742 = vector.broadcast %broadcast_in_dim3A_741 : i32 to vector<16xi32>
          %gather3A_743 = tpu.vector_load_idx %arg7[%broadcast_in_dim3A_742, %get3A_506] : memref<32x512xf32, #tpu.memory_space<vmem>>[vector<16xi32>, vector<16xi32>], vector<16xf32>,
          %broadcast_in_dim3A_744 = arith.constant 31 : i32
          %broadcast_in_dim3A_745 = vector.broadcast %broadcast_in_dim3A_744 : i32 to vector<16xi32>
          %gather3A_746 = tpu.vector_load_idx %arg7[%broadcast_in_dim3A_745, %get3A_506] : memref<32x512xf32, #tpu.memory_space<vmem>>[vector<16xi32>, vector<16xi32>], vector<16xf32>,
          %mul3A_747 = arith.constant 16 : i32
          %mul3A_748 = arith.muli %add3A_501, %mul3A_747 : i32
          %swap3A_749 = arith.constant 24 : i32
          %swap3A_750 = arith.index_cast %swap3A_749 : i32 to index
          %swap3A_751 = arith.index_cast %mul3A_748 : i32 to index
          %swap3A_752 = tpu.vector_load %arg9[%swap3A_750, %swap3A_751] {strides = array<i32>} : memref<32x512xf32, #tpu.memory_space<vmem>>, vector<16xf32>,
          tpu.vector_store %arg9[%swap3A_750, %swap3A_751], %gather3A_725 {strides = array<i32>} : memref<32x512xf32, #tpu.memory_space<vmem>>, vector<16xf32>,
          %mul3A_753 = arith.constant 16 : i32
          %mul3A_754 = arith.muli %add3A_501, %mul3A_753 : i32
          %swap3A_755 = arith.constant 25 : i32
          %swap3A_756 = arith.index_cast %swap3A_755 : i32 to index
          %swap3A_757 = arith.index_cast %mul3A_754 : i32 to index
          %swap3A_758 = tpu.vector_load %arg9[%swap3A_756, %swap3A_757] {strides = array<i32>} : memref<32x512xf32, #tpu.memory_space<vmem>>, vector<16xf32>,
          tpu.vector_store %arg9[%swap3A_756, %swap3A_757], %gather3A_728 {strides = array<i32>} : memref<32x512xf32, #tpu.memory_space<vmem>>, vector<16xf32>,
          %mul3A_759 = arith.constant 16 : i32
          %mul3A_760 = arith.muli %add3A_501, %mul3A_759 : i32
          %swap3A_761 = arith.constant 26 : i32
          %swap3A_762 = arith.index_cast %swap3A_761 : i32 to index
          %swap3A_763 = arith.index_cast %mul3A_760 : i32 to index
          %swap3A_764 = tpu.vector_load %arg9[%swap3A_762, %swap3A_763] {strides = array<i32>} : memref<32x512xf32, #tpu.memory_space<vmem>>, vector<16xf32>,
          tpu.vector_store %arg9[%swap3A_762, %swap3A_763], %gather3A_731 {strides = array<i32>} : memref<32x512xf32, #tpu.memory_space<vmem>>, vector<16xf32>,
          %mul3A_765 = arith.constant 16 : i32
          %mul3A_766 = arith.muli %add3A_501, %mul3A_765 : i32
          %swap3A_767 = arith.constant 27 : i32
          %swap3A_768 = arith.index_cast %swap3A_767 : i32 to index
          %swap3A_769 = arith.index_cast %mul3A_766 : i32 to index
          %swap3A_770 = tpu.vector_load %arg9[%swap3A_768, %swap3A_769] {strides = array<i32>} : memref<32x512xf32, #tpu.memory_space<vmem>>, vector<16xf32>,
          tpu.vector_store %arg9[%swap3A_768, %swap3A_769], %gather3A_734 {strides = array<i32>} : memref<32x512xf32, #tpu.memory_space<vmem>>, vector<16xf32>,
          %mul3A_771 = arith.constant 16 : i32
          %mul3A_772 = arith.muli %add3A_501, %mul3A_771 : i32
          %swap3A_773 = arith.constant 28 : i32
          %swap3A_774 = arith.index_cast %swap3A_773 : i32 to index
          %swap3A_775 = arith.index_cast %mul3A_772 : i32 to index
          %swap3A_776 = tpu.vector_load %arg9[%swap3A_774, %swap3A_775] {strides = array<i32>} : memref<32x512xf32, #tpu.memory_space<vmem>>, vector<16xf32>,
          tpu.vector_store %arg9[%swap3A_774, %swap3A_775], %gather3A_737 {strides = array<i32>} : memref<32x512xf32, #tpu.memory_space<vmem>>, vector<16xf32>,
          %mul3A_777 = arith.constant 16 : i32
          %mul3A_778 = arith.muli %add3A_501, %mul3A_777 : i32
          %swap3A_779 = arith.constant 29 : i32
          %swap3A_780 = arith.index_cast %swap3A_779 : i32 to index
          %swap3A_781 = arith.index_cast %mul3A_778 : i32 to index
          %swap3A_782 = tpu.vector_load %arg9[%swap3A_780, %swap3A_781] {strides = array<i32>} : memref<32x512xf32, #tpu.memory_space<vmem>>, vector<16xf32>,
          tpu.vector_store %arg9[%swap3A_780, %swap3A_781], %gather3A_740 {strides = array<i32>} : memref<32x512xf32, #tpu.memory_space<vmem>>, vector<16xf32>,
          %mul3A_783 = arith.constant 16 : i32
          %mul3A_784 = arith.muli %add3A_501, %mul3A_783 : i32
          %swap3A_785 = arith.constant 30 : i32
          %swap3A_786 = arith.index_cast %swap3A_785 : i32 to index
          %swap3A_787 = arith.index_cast %mul3A_784 : i32 to index
          %swap3A_788 = tpu.vector_load %arg9[%swap3A_786, %swap3A_787] {strides = array<i32>} : memref<32x512xf32, #tpu.memory_space<vmem>>, vector<16xf32>,
          tpu.vector_store %arg9[%swap3A_786, %swap3A_787], %gather3A_743 {strides = array<i32>} : memref<32x512xf32, #tpu.memory_space<vmem>>, vector<16xf32>,
          %mul3A_789 = arith.constant 16 : i32
          %mul3A_790 = arith.muli %add3A_501, %mul3A_789 : i32
          %swap3A_791 = arith.constant 31 : i32
          %swap3A_792 = arith.index_cast %swap3A_791 : i32 to index
          %swap3A_793 = arith.index_cast %mul3A_790 : i32 to index
          %swap3A_794 = tpu.vector_load %arg9[%swap3A_792, %swap3A_793] {strides = array<i32>} : memref<32x512xf32, #tpu.memory_space<vmem>>, vector<16xf32>,
          tpu.vector_store %arg9[%swap3A_792, %swap3A_793], %gather3A_746 {strides = array<i32>} : memref<32x512xf32, #tpu.memory_space<vmem>>, vector<16xf32>,
          %mul3A_795 = arith.constant 4 : i32
          %mul3A_796 = arith.muli %scan3A_204, %mul3A_795 : i32
          %add3A_797 = arith.constant 2 : i32
          %add3A_798 = arith.addi %mul3A_796, %add3A_797 : i32
          %mul3A_799 = arith.constant 16 : i32
          %mul3A_800 = arith.muli %add3A_798, %mul3A_799 : i32
          %add3A_801 = arith.addi %mul3A_147, %mul3A_800 : i32
          %get3A_802 = arith.index_cast %add3A_801 : i32 to index
          %get3A_803 = tpu.vector_load %arg5[%get3A_802] {strides = array<i32>} : memref<4096xi32, #tpu.memory_space<vmem>>, vector<16xi32>,
          %broadcast_in_dim3A_804 = arith.constant 0 : i32
          %broadcast_in_dim3A_805 = vector.broadcast %broadcast_in_dim3A_804 : i32 to vector<16xi32>
          %gather3A_806 = tpu.vector_load_idx %arg7[%broadcast_in_dim3A_805, %get3A_803] : memref<32x512xf32, #tpu.memory_space<vmem>>[vector<16xi32>, vector<16xi32>], vector<16xf32>,
          %broadcast_in_dim3A_807 = arith.constant 1 : i32
          %broadcast_in_dim3A_808 = vector.broadcast %broadcast_in_dim3A_807 : i32 to vector<16xi32>
          %gather3A_809 = tpu.vector_load_idx %arg7[%broadcast_in_dim3A_808, %get3A_803] : memref<32x512xf32, #tpu.memory_space<vmem>>[vector<16xi32>, vector<16xi32>], vector<16xf32>,
          %broadcast_in_dim3A_810 = arith.constant 2 : i32
          %broadcast_in_dim3A_811 = vector.broadcast %broadcast_in_dim3A_810 : i32 to vector<16xi32>
          %gather3A_812 = tpu.vector_load_idx %arg7[%broadcast_in_dim3A_811, %get3A_803] : memref<32x512xf32, #tpu.memory_space<vmem>>[vector<16xi32>, vector<16xi32>], vector<16xf32>,
          %broadcast_in_dim3A_813 = arith.constant 3 : i32
          %broadcast_in_dim3A_814 = vector.broadcast %broadcast_in_dim3A_813 : i32 to vector<16xi32>
          %gather3A_815 = tpu.vector_load_idx %arg7[%broadcast_in_dim3A_814, %get3A_803] : memref<32x512xf32, #tpu.memory_space<vmem>>[vector<16xi32>, vector<16xi32>], vector<16xf32>,
          %broadcast_in_dim3A_816 = arith.constant 4 : i32
          %broadcast_in_dim3A_817 = vector.broadcast %broadcast_in_dim3A_816 : i32 to vector<16xi32>
          %gather3A_818 = tpu.vector_load_idx %arg7[%broadcast_in_dim3A_817, %get3A_803] : memref<32x512xf32, #tpu.memory_space<vmem>>[vector<16xi32>, vector<16xi32>], vector<16xf32>,
          %broadcast_in_dim3A_819 = arith.constant 5 : i32
          %broadcast_in_dim3A_820 = vector.broadcast %broadcast_in_dim3A_819 : i32 to vector<16xi32>
          %gather3A_821 = tpu.vector_load_idx %arg7[%broadcast_in_dim3A_820, %get3A_803] : memref<32x512xf32, #tpu.memory_space<vmem>>[vector<16xi32>, vector<16xi32>], vector<16xf32>,
          %broadcast_in_dim3A_822 = arith.constant 6 : i32
          %broadcast_in_dim3A_823 = vector.broadcast %broadcast_in_dim3A_822 : i32 to vector<16xi32>
          %gather3A_824 = tpu.vector_load_idx %arg7[%broadcast_in_dim3A_823, %get3A_803] : memref<32x512xf32, #tpu.memory_space<vmem>>[vector<16xi32>, vector<16xi32>], vector<16xf32>,
          %broadcast_in_dim3A_825 = arith.constant 7 : i32
          %broadcast_in_dim3A_826 = vector.broadcast %broadcast_in_dim3A_825 : i32 to vector<16xi32>
          %gather3A_827 = tpu.vector_load_idx %arg7[%broadcast_in_dim3A_826, %get3A_803] : memref<32x512xf32, #tpu.memory_space<vmem>>[vector<16xi32>, vector<16xi32>], vector<16xf32>,
          %mul3A_828 = arith.constant 16 : i32
          %mul3A_829 = arith.muli %add3A_798, %mul3A_828 : i32
          %swap3A_830 = arith.constant 0 : i32
          %swap3A_831 = arith.index_cast %swap3A_830 : i32 to index
          %swap3A_832 = arith.index_cast %mul3A_829 : i32 to index
          %swap3A_833 = tpu.vector_load %arg9[%swap3A_831, %swap3A_832] {strides = array<i32>} : memref<32x512xf32, #tpu.memory_space<vmem>>, vector<16xf32>,
          tpu.vector_store %arg9[%swap3A_831, %swap3A_832], %gather3A_806 {strides = array<i32>} : memref<32x512xf32, #tpu.memory_space<vmem>>, vector<16xf32>,
          %mul3A_834 = arith.constant 16 : i32
          %mul3A_835 = arith.muli %add3A_798, %mul3A_834 : i32
          %swap3A_836 = arith.constant 1 : i32
          %swap3A_837 = arith.index_cast %swap3A_836 : i32 to index
          %swap3A_838 = arith.index_cast %mul3A_835 : i32 to index
          %swap3A_839 = tpu.vector_load %arg9[%swap3A_837, %swap3A_838] {strides = array<i32>} : memref<32x512xf32, #tpu.memory_space<vmem>>, vector<16xf32>,
          tpu.vector_store %arg9[%swap3A_837, %swap3A_838], %gather3A_809 {strides = array<i32>} : memref<32x512xf32, #tpu.memory_space<vmem>>, vector<16xf32>,
          %mul3A_840 = arith.constant 16 : i32
          %mul3A_841 = arith.muli %add3A_798, %mul3A_840 : i32
          %swap3A_842 = arith.constant 2 : i32
          %swap3A_843 = arith.index_cast %swap3A_842 : i32 to index
          %swap3A_844 = arith.index_cast %mul3A_841 : i32 to index
          %swap3A_845 = tpu.vector_load %arg9[%swap3A_843, %swap3A_844] {strides = array<i32>} : memref<32x512xf32, #tpu.memory_space<vmem>>, vector<16xf32>,
          tpu.vector_store %arg9[%swap3A_843, %swap3A_844], %gather3A_812 {strides = array<i32>} : memref<32x512xf32, #tpu.memory_space<vmem>>, vector<16xf32>,
          %mul3A_846 = arith.constant 16 : i32
          %mul3A_847 = arith.muli %add3A_798, %mul3A_846 : i32
          %swap3A_848 = arith.constant 3 : i32
          %swap3A_849 = arith.index_cast %swap3A_848 : i32 to index
          %swap3A_850 = arith.index_cast %mul3A_847 : i32 to index
          %swap3A_851 = tpu.vector_load %arg9[%swap3A_849, %swap3A_850] {strides = array<i32>} : memref<32x512xf32, #tpu.memory_space<vmem>>, vector<16xf32>,
          tpu.vector_store %arg9[%swap3A_849, %swap3A_850], %gather3A_815 {strides = array<i32>} : memref<32x512xf32, #tpu.memory_space<vmem>>, vector<16xf32>,
          %mul3A_852 = arith.constant 16 : i32
          %mul3A_853 = arith.muli %add3A_798, %mul3A_852 : i32
          %swap3A_854 = arith.constant 4 : i32
          %swap3A_855 = arith.index_cast %swap3A_854 : i32 to index
          %swap3A_856 = arith.index_cast %mul3A_853 : i32 to index
          %swap3A_857 = tpu.vector_load %arg9[%swap3A_855, %swap3A_856] {strides = array<i32>} : memref<32x512xf32, #tpu.memory_space<vmem>>, vector<16xf32>,
          tpu.vector_store %arg9[%swap3A_855, %swap3A_856], %gather3A_818 {strides = array<i32>} : memref<32x512xf32, #tpu.memory_space<vmem>>, vector<16xf32>,
          %mul3A_858 = arith.constant 16 : i32
          %mul3A_859 = arith.muli %add3A_798, %mul3A_858 : i32
          %swap3A_860 = arith.constant 5 : i32
          %swap3A_861 = arith.index_cast %swap3A_860 : i32 to index
          %swap3A_862 = arith.index_cast %mul3A_859 : i32 to index
          %swap3A_863 = tpu.vector_load %arg9[%swap3A_861, %swap3A_862] {strides = array<i32>} : memref<32x512xf32, #tpu.memory_space<vmem>>, vector<16xf32>,
          tpu.vector_store %arg9[%swap3A_861, %swap3A_862], %gather3A_821 {strides = array<i32>} : memref<32x512xf32, #tpu.memory_space<vmem>>, vector<16xf32>,
          %mul3A_864 = arith.constant 16 : i32
          %mul3A_865 = arith.muli %add3A_798, %mul3A_864 : i32
          %swap3A_866 = arith.constant 6 : i32
          %swap3A_867 = arith.index_cast %swap3A_866 : i32 to index
          %swap3A_868 = arith.index_cast %mul3A_865 : i32 to index
          %swap3A_869 = tpu.vector_load %arg9[%swap3A_867, %swap3A_868] {strides = array<i32>} : memref<32x512xf32, #tpu.memory_space<vmem>>, vector<16xf32>,
          tpu.vector_store %arg9[%swap3A_867, %swap3A_868], %gather3A_824 {strides = array<i32>} : memref<32x512xf32, #tpu.memory_space<vmem>>, vector<16xf32>,
          %mul3A_870 = arith.constant 16 : i32
          %mul3A_871 = arith.muli %add3A_798, %mul3A_870 : i32
          %swap3A_872 = arith.constant 7 : i32
          %swap3A_873 = arith.index_cast %swap3A_872 : i32 to index
          %swap3A_874 = arith.index_cast %mul3A_871 : i32 to index
          %swap3A_875 = tpu.vector_load %arg9[%swap3A_873, %swap3A_874] {strides = array<i32>} : memref<32x512xf32, #tpu.memory_space<vmem>>, vector<16xf32>,
          tpu.vector_store %arg9[%swap3A_873, %swap3A_874], %gather3A_827 {strides = array<i32>} : memref<32x512xf32, #tpu.memory_space<vmem>>, vector<16xf32>,
          %broadcast_in_dim3A_876 = arith.constant 8 : i32
          %broadcast_in_dim3A_877 = vector.broadcast %broadcast_in_dim3A_876 : i32 to vector<16xi32>
          %gather3A_878 = tpu.vector_load_idx %arg7[%broadcast_in_dim3A_877, %get3A_803] : memref<32x512xf32, #tpu.memory_space<vmem>>[vector<16xi32>, vector<16xi32>], vector<16xf32>,
          %broadcast_in_dim3A_879 = arith.constant 9 : i32
          %broadcast_in_dim3A_880 = vector.broadcast %broadcast_in_dim3A_879 : i32 to vector<16xi32>
          %gather3A_881 = tpu.vector_load_idx %arg7[%broadcast_in_dim3A_880, %get3A_803] : memref<32x512xf32, #tpu.memory_space<vmem>>[vector<16xi32>, vector<16xi32>], vector<16xf32>,
          %broadcast_in_dim3A_882 = arith.constant 10 : i32
          %broadcast_in_dim3A_883 = vector.broadcast %broadcast_in_dim3A_882 : i32 to vector<16xi32>
          %gather3A_884 = tpu.vector_load_idx %arg7[%broadcast_in_dim3A_883, %get3A_803] : memref<32x512xf32, #tpu.memory_space<vmem>>[vector<16xi32>, vector<16xi32>], vector<16xf32>,
          %broadcast_in_dim3A_885 = arith.constant 11 : i32
          %broadcast_in_dim3A_886 = vector.broadcast %broadcast_in_dim3A_885 : i32 to vector<16xi32>
          %gather3A_887 = tpu.vector_load_idx %arg7[%broadcast_in_dim3A_886, %get3A_803] : memref<32x512xf32, #tpu.memory_space<vmem>>[vector<16xi32>, vector<16xi32>], vector<16xf32>,
          %broadcast_in_dim3A_888 = arith.constant 12 : i32
          %broadcast_in_dim3A_889 = vector.broadcast %broadcast_in_dim3A_888 : i32 to vector<16xi32>
          %gather3A_890 = tpu.vector_load_idx %arg7[%broadcast_in_dim3A_889, %get3A_803] : memref<32x512xf32, #tpu.memory_space<vmem>>[vector<16xi32>, vector<16xi32>], vector<16xf32>,
          %broadcast_in_dim3A_891 = arith.constant 13 : i32
          %broadcast_in_dim3A_892 = vector.broadcast %broadcast_in_dim3A_891 : i32 to vector<16xi32>
          %gather3A_893 = tpu.vector_load_idx %arg7[%broadcast_in_dim3A_892, %get3A_803] : memref<32x512xf32, #tpu.memory_space<vmem>>[vector<16xi32>, vector<16xi32>], vector<16xf32>,
          %broadcast_in_dim3A_894 = arith.constant 14 : i32
          %broadcast_in_dim3A_895 = vector.broadcast %broadcast_in_dim3A_894 : i32 to vector<16xi32>
          %gather3A_896 = tpu.vector_load_idx %arg7[%broadcast_in_dim3A_895, %get3A_803] : memref<32x512xf32, #tpu.memory_space<vmem>>[vector<16xi32>, vector<16xi32>], vector<16xf32>,
          %broadcast_in_dim3A_897 = arith.constant 15 : i32
          %broadcast_in_dim3A_898 = vector.broadcast %broadcast_in_dim3A_897 : i32 to vector<16xi32>
          %gather3A_899 = tpu.vector_load_idx %arg7[%broadcast_in_dim3A_898, %get3A_803] : memref<32x512xf32, #tpu.memory_space<vmem>>[vector<16xi32>, vector<16xi32>], vector<16xf32>,
          %mul3A_900 = arith.constant 16 : i32
          %mul3A_901 = arith.muli %add3A_798, %mul3A_900 : i32
          %swap3A_902 = arith.constant 8 : i32
          %swap3A_903 = arith.index_cast %swap3A_902 : i32 to index
          %swap3A_904 = arith.index_cast %mul3A_901 : i32 to index
          %swap3A_905 = tpu.vector_load %arg9[%swap3A_903, %swap3A_904] {strides = array<i32>} : memref<32x512xf32, #tpu.memory_space<vmem>>, vector<16xf32>,
          tpu.vector_store %arg9[%swap3A_903, %swap3A_904], %gather3A_878 {strides = array<i32>} : memref<32x512xf32, #tpu.memory_space<vmem>>, vector<16xf32>,
          %mul3A_906 = arith.constant 16 : i32
          %mul3A_907 = arith.muli %add3A_798, %mul3A_906 : i32
          %swap3A_908 = arith.constant 9 : i32
          %swap3A_909 = arith.index_cast %swap3A_908 : i32 to index
          %swap3A_910 = arith.index_cast %mul3A_907 : i32 to index
          %swap3A_911 = tpu.vector_load %arg9[%swap3A_909, %swap3A_910] {strides = array<i32>} : memref<32x512xf32, #tpu.memory_space<vmem>>, vector<16xf32>,
          tpu.vector_store %arg9[%swap3A_909, %swap3A_910], %gather3A_881 {strides = array<i32>} : memref<32x512xf32, #tpu.memory_space<vmem>>, vector<16xf32>,
          %mul3A_912 = arith.constant 16 : i32
          %mul3A_913 = arith.muli %add3A_798, %mul3A_912 : i32
          %swap3A_914 = arith.constant 10 : i32
          %swap3A_915 = arith.index_cast %swap3A_914 : i32 to index
          %swap3A_916 = arith.index_cast %mul3A_913 : i32 to index
          %swap3A_917 = tpu.vector_load %arg9[%swap3A_915, %swap3A_916] {strides = array<i32>} : memref<32x512xf32, #tpu.memory_space<vmem>>, vector<16xf32>,
          tpu.vector_store %arg9[%swap3A_915, %swap3A_916], %gather3A_884 {strides = array<i32>} : memref<32x512xf32, #tpu.memory_space<vmem>>, vector<16xf32>,
          %mul3A_918 = arith.constant 16 : i32
          %mul3A_919 = arith.muli %add3A_798, %mul3A_918 : i32
          %swap3A_920 = arith.constant 11 : i32
          %swap3A_921 = arith.index_cast %swap3A_920 : i32 to index
          %swap3A_922 = arith.index_cast %mul3A_919 : i32 to index
          %swap3A_923 = tpu.vector_load %arg9[%swap3A_921, %swap3A_922] {strides = array<i32>} : memref<32x512xf32, #tpu.memory_space<vmem>>, vector<16xf32>,
          tpu.vector_store %arg9[%swap3A_921, %swap3A_922], %gather3A_887 {strides = array<i32>} : memref<32x512xf32, #tpu.memory_space<vmem>>, vector<16xf32>,
          %mul3A_924 = arith.constant 16 : i32
          %mul3A_925 = arith.muli %add3A_798, %mul3A_924 : i32
          %swap3A_926 = arith.constant 12 : i32
          %swap3A_927 = arith.index_cast %swap3A_926 : i32 to index
          %swap3A_928 = arith.index_cast %mul3A_925 : i32 to index
          %swap3A_929 = tpu.vector_load %arg9[%swap3A_927, %swap3A_928] {strides = array<i32>} : memref<32x512xf32, #tpu.memory_space<vmem>>, vector<16xf32>,
          tpu.vector_store %arg9[%swap3A_927, %swap3A_928], %gather3A_890 {strides = array<i32>} : memref<32x512xf32, #tpu.memory_space<vmem>>, vector<16xf32>,
          %mul3A_930 = arith.constant 16 : i32
          %mul3A_931 = arith.muli %add3A_798, %mul3A_930 : i32
          %swap3A_932 = arith.constant 13 : i32
          %swap3A_933 = arith.index_cast %swap3A_932 : i32 to index
          %swap3A_934 = arith.index_cast %mul3A_931 : i32 to index
          %swap3A_935 = tpu.vector_load %arg9[%swap3A_933, %swap3A_934] {strides = array<i32>} : memref<32x512xf32, #tpu.memory_space<vmem>>, vector<16xf32>,
          tpu.vector_store %arg9[%swap3A_933, %swap3A_934], %gather3A_893 {strides = array<i32>} : memref<32x512xf32, #tpu.memory_space<vmem>>, vector<16xf32>,
          %mul3A_936 = arith.constant 16 : i32
          %mul3A_937 = arith.muli %add3A_798, %mul3A_936 : i32
          %swap3A_938 = arith.constant 14 : i32
          %swap3A_939 = arith.index_cast %swap3A_938 : i32 to index
          %swap3A_940 = arith.index_cast %mul3A_937 : i32 to index
          %swap3A_941 = tpu.vector_load %arg9[%swap3A_939, %swap3A_940] {strides = array<i32>} : memref<32x512xf32, #tpu.memory_space<vmem>>, vector<16xf32>,
          tpu.vector_store %arg9[%swap3A_939, %swap3A_940], %gather3A_896 {strides = array<i32>} : memref<32x512xf32, #tpu.memory_space<vmem>>, vector<16xf32>,
          %mul3A_942 = arith.constant 16 : i32
          %mul3A_943 = arith.muli %add3A_798, %mul3A_942 : i32
          %swap3A_944 = arith.constant 15 : i32
          %swap3A_945 = arith.index_cast %swap3A_944 : i32 to index
          %swap3A_946 = arith.index_cast %mul3A_943 : i32 to index
          %swap3A_947 = tpu.vector_load %arg9[%swap3A_945, %swap3A_946] {strides = array<i32>} : memref<32x512xf32, #tpu.memory_space<vmem>>, vector<16xf32>,
          tpu.vector_store %arg9[%swap3A_945, %swap3A_946], %gather3A_899 {strides = array<i32>} : memref<32x512xf32, #tpu.memory_space<vmem>>, vector<16xf32>,
          %broadcast_in_dim3A_948 = arith.constant 16 : i32
          %broadcast_in_dim3A_949 = vector.broadcast %broadcast_in_dim3A_948 : i32 to vector<16xi32>
          %gather3A_950 = tpu.vector_load_idx %arg7[%broadcast_in_dim3A_949, %get3A_803] : memref<32x512xf32, #tpu.memory_space<vmem>>[vector<16xi32>, vector<16xi32>], vector<16xf32>,
          %broadcast_in_dim3A_951 = arith.constant 17 : i32
          %broadcast_in_dim3A_952 = vector.broadcast %broadcast_in_dim3A_951 : i32 to vector<16xi32>
          %gather3A_953 = tpu.vector_load_idx %arg7[%broadcast_in_dim3A_952, %get3A_803] : memref<32x512xf32, #tpu.memory_space<vmem>>[vector<16xi32>, vector<16xi32>], vector<16xf32>,
          %broadcast_in_dim3A_954 = arith.constant 18 : i32
          %broadcast_in_dim3A_955 = vector.broadcast %broadcast_in_dim3A_954 : i32 to vector<16xi32>
          %gather3A_956 = tpu.vector_load_idx %arg7[%broadcast_in_dim3A_955, %get3A_803] : memref<32x512xf32, #tpu.memory_space<vmem>>[vector<16xi32>, vector<16xi32>], vector<16xf32>,
          %broadcast_in_dim3A_957 = arith.constant 19 : i32
          %broadcast_in_dim3A_958 = vector.broadcast %broadcast_in_dim3A_957 : i32 to vector<16xi32>
          %gather3A_959 = tpu.vector_load_idx %arg7[%broadcast_in_dim3A_958, %get3A_803] : memref<32x512xf32, #tpu.memory_space<vmem>>[vector<16xi32>, vector<16xi32>], vector<16xf32>,
          %broadcast_in_dim3A_960 = arith.constant 20 : i32
          %broadcast_in_dim3A_961 = vector.broadcast %broadcast_in_dim3A_960 : i32 to vector<16xi32>
          %gather3A_962 = tpu.vector_load_idx %arg7[%broadcast_in_dim3A_961, %get3A_803] : memref<32x512xf32, #tpu.memory_space<vmem>>[vector<16xi32>, vector<16xi32>], vector<16xf32>,
          %broadcast_in_dim3A_963 = arith.constant 21 : i32
          %broadcast_in_dim3A_964 = vector.broadcast %broadcast_in_dim3A_963 : i32 to vector<16xi32>
          %gather3A_965 = tpu.vector_load_idx %arg7[%broadcast_in_dim3A_964, %get3A_803] : memref<32x512xf32, #tpu.memory_space<vmem>>[vector<16xi32>, vector<16xi32>], vector<16xf32>,
          %broadcast_in_dim3A_966 = arith.constant 22 : i32
          %broadcast_in_dim3A_967 = vector.broadcast %broadcast_in_dim3A_966 : i32 to vector<16xi32>
          %gather3A_968 = tpu.vector_load_idx %arg7[%broadcast_in_dim3A_967, %get3A_803] : memref<32x512xf32, #tpu.memory_space<vmem>>[vector<16xi32>, vector<16xi32>], vector<16xf32>,
          %broadcast_in_dim3A_969 = arith.constant 23 : i32
          %broadcast_in_dim3A_970 = vector.broadcast %broadcast_in_dim3A_969 : i32 to vector<16xi32>
          %gather3A_971 = tpu.vector_load_idx %arg7[%broadcast_in_dim3A_970, %get3A_803] : memref<32x512xf32, #tpu.memory_space<vmem>>[vector<16xi32>, vector<16xi32>], vector<16xf32>,
          %mul3A_972 = arith.constant 16 : i32
          %mul3A_973 = arith.muli %add3A_798, %mul3A_972 : i32
          %swap3A_974 = arith.constant 16 : i32
          %swap3A_975 = arith.index_cast %swap3A_974 : i32 to index
          %swap3A_976 = arith.index_cast %mul3A_973 : i32 to index
          %swap3A_977 = tpu.vector_load %arg9[%swap3A_975, %swap3A_976] {strides = array<i32>} : memref<32x512xf32, #tpu.memory_space<vmem>>, vector<16xf32>,
          tpu.vector_store %arg9[%swap3A_975, %swap3A_976], %gather3A_950 {strides = array<i32>} : memref<32x512xf32, #tpu.memory_space<vmem>>, vector<16xf32>,
          %mul3A_978 = arith.constant 16 : i32
          %mul3A_979 = arith.muli %add3A_798, %mul3A_978 : i32
          %swap3A_980 = arith.constant 17 : i32
          %swap3A_981 = arith.index_cast %swap3A_980 : i32 to index
          %swap3A_982 = arith.index_cast %mul3A_979 : i32 to index
          %swap3A_983 = tpu.vector_load %arg9[%swap3A_981, %swap3A_982] {strides = array<i32>} : memref<32x512xf32, #tpu.memory_space<vmem>>, vector<16xf32>,
          tpu.vector_store %arg9[%swap3A_981, %swap3A_982], %gather3A_953 {strides = array<i32>} : memref<32x512xf32, #tpu.memory_space<vmem>>, vector<16xf32>,
          %mul3A_984 = arith.constant 16 : i32
          %mul3A_985 = arith.muli %add3A_798, %mul3A_984 : i32
          %swap3A_986 = arith.constant 18 : i32
          %swap3A_987 = arith.index_cast %swap3A_986 : i32 to index
          %swap3A_988 = arith.index_cast %mul3A_985 : i32 to index
          %swap3A_989 = tpu.vector_load %arg9[%swap3A_987, %swap3A_988] {strides = array<i32>} : memref<32x512xf32, #tpu.memory_space<vmem>>, vector<16xf32>,
          tpu.vector_store %arg9[%swap3A_987, %swap3A_988], %gather3A_956 {strides = array<i32>} : memref<32x512xf32, #tpu.memory_space<vmem>>, vector<16xf32>,
          %mul3A_990 = arith.constant 16 : i32
          %mul3A_991 = arith.muli %add3A_798, %mul3A_990 : i32
          %swap3A_992 = arith.constant 19 : i32
          %swap3A_993 = arith.index_cast %swap3A_992 : i32 to index
          %swap3A_994 = arith.index_cast %mul3A_991 : i32 to index
          %swap3A_995 = tpu.vector_load %arg9[%swap3A_993, %swap3A_994] {strides = array<i32>} : memref<32x512xf32, #tpu.memory_space<vmem>>, vector<16xf32>,
          tpu.vector_store %arg9[%swap3A_993, %swap3A_994], %gather3A_959 {strides = array<i32>} : memref<32x512xf32, #tpu.memory_space<vmem>>, vector<16xf32>,
          %mul3A_996 = arith.constant 16 : i32
          %mul3A_997 = arith.muli %add3A_798, %mul3A_996 : i32
          %swap3A_998 = arith.constant 20 : i32
          %swap3A_999 = arith.index_cast %swap3A_998 : i32 to index
          %swap3A_1000 = arith.index_cast %mul3A_997 : i32 to index
          %swap3A_1001 = tpu.vector_load %arg9[%swap3A_999, %swap3A_1000] {strides = array<i32>} : memref<32x512xf32, #tpu.memory_space<vmem>>, vector<16xf32>,
          tpu.vector_store %arg9[%swap3A_999, %swap3A_1000], %gather3A_962 {strides = array<i32>} : memref<32x512xf32, #tpu.memory_space<vmem>>, vector<16xf32>,
          %mul3A_1002 = arith.constant 16 : i32
          %mul3A_1003 = arith.muli %add3A_798, %mul3A_1002 : i32
          %swap3A_1004 = arith.constant 21 : i32
          %swap3A_1005 = arith.index_cast %swap3A_1004 : i32 to index
          %swap3A_1006 = arith.index_cast %mul3A_1003 : i32 to index
          %swap3A_1007 = tpu.vector_load %arg9[%swap3A_1005, %swap3A_1006] {strides = array<i32>} : memref<32x512xf32, #tpu.memory_space<vmem>>, vector<16xf32>,
          tpu.vector_store %arg9[%swap3A_1005, %swap3A_1006], %gather3A_965 {strides = array<i32>} : memref<32x512xf32, #tpu.memory_space<vmem>>, vector<16xf32>,
          %mul3A_1008 = arith.constant 16 : i32
          %mul3A_1009 = arith.muli %add3A_798, %mul3A_1008 : i32
          %swap3A_1010 = arith.constant 22 : i32
          %swap3A_1011 = arith.index_cast %swap3A_1010 : i32 to index
          %swap3A_1012 = arith.index_cast %mul3A_1009 : i32 to index
          %swap3A_1013 = tpu.vector_load %arg9[%swap3A_1011, %swap3A_1012] {strides = array<i32>} : memref<32x512xf32, #tpu.memory_space<vmem>>, vector<16xf32>,
          tpu.vector_store %arg9[%swap3A_1011, %swap3A_1012], %gather3A_968 {strides = array<i32>} : memref<32x512xf32, #tpu.memory_space<vmem>>, vector<16xf32>,
          %mul3A_1014 = arith.constant 16 : i32
          %mul3A_1015 = arith.muli %add3A_798, %mul3A_1014 : i32
          %swap3A_1016 = arith.constant 23 : i32
          %swap3A_1017 = arith.index_cast %swap3A_1016 : i32 to index
          %swap3A_1018 = arith.index_cast %mul3A_1015 : i32 to index
          %swap3A_1019 = tpu.vector_load %arg9[%swap3A_1017, %swap3A_1018] {strides = array<i32>} : memref<32x512xf32, #tpu.memory_space<vmem>>, vector<16xf32>,
          tpu.vector_store %arg9[%swap3A_1017, %swap3A_1018], %gather3A_971 {strides = array<i32>} : memref<32x512xf32, #tpu.memory_space<vmem>>, vector<16xf32>,
          %broadcast_in_dim3A_1020 = arith.constant 24 : i32
          %broadcast_in_dim3A_1021 = vector.broadcast %broadcast_in_dim3A_1020 : i32 to vector<16xi32>
          %gather3A_1022 = tpu.vector_load_idx %arg7[%broadcast_in_dim3A_1021, %get3A_803] : memref<32x512xf32, #tpu.memory_space<vmem>>[vector<16xi32>, vector<16xi32>], vector<16xf32>,
          %broadcast_in_dim3A_1023 = arith.constant 25 : i32
          %broadcast_in_dim3A_1024 = vector.broadcast %broadcast_in_dim3A_1023 : i32 to vector<16xi32>
          %gather3A_1025 = tpu.vector_load_idx %arg7[%broadcast_in_dim3A_1024, %get3A_803] : memref<32x512xf32, #tpu.memory_space<vmem>>[vector<16xi32>, vector<16xi32>], vector<16xf32>,
          %broadcast_in_dim3A_1026 = arith.constant 26 : i32
          %broadcast_in_dim3A_1027 = vector.broadcast %broadcast_in_dim3A_1026 : i32 to vector<16xi32>
          %gather3A_1028 = tpu.vector_load_idx %arg7[%broadcast_in_dim3A_1027, %get3A_803] : memref<32x512xf32, #tpu.memory_space<vmem>>[vector<16xi32>, vector<16xi32>], vector<16xf32>,
          %broadcast_in_dim3A_1029 = arith.constant 27 : i32
          %broadcast_in_dim3A_1030 = vector.broadcast %broadcast_in_dim3A_1029 : i32 to vector<16xi32>
          %gather3A_1031 = tpu.vector_load_idx %arg7[%broadcast_in_dim3A_1030, %get3A_803] : memref<32x512xf32, #tpu.memory_space<vmem>>[vector<16xi32>, vector<16xi32>], vector<16xf32>,
          %broadcast_in_dim3A_1032 = arith.constant 28 : i32
          %broadcast_in_dim3A_1033 = vector.broadcast %broadcast_in_dim3A_1032 : i32 to vector<16xi32>
          %gather3A_1034 = tpu.vector_load_idx %arg7[%broadcast_in_dim3A_1033, %get3A_803] : memref<32x512xf32, #tpu.memory_space<vmem>>[vector<16xi32>, vector<16xi32>], vector<16xf32>,
          %broadcast_in_dim3A_1035 = arith.constant 29 : i32
          %broadcast_in_dim3A_1036 = vector.broadcast %broadcast_in_dim3A_1035 : i32 to vector<16xi32>
          %gather3A_1037 = tpu.vector_load_idx %arg7[%broadcast_in_dim3A_1036, %get3A_803] : memref<32x512xf32, #tpu.memory_space<vmem>>[vector<16xi32>, vector<16xi32>], vector<16xf32>,
          %broadcast_in_dim3A_1038 = arith.constant 30 : i32
          %broadcast_in_dim3A_1039 = vector.broadcast %broadcast_in_dim3A_1038 : i32 to vector<16xi32>
          %gather3A_1040 = tpu.vector_load_idx %arg7[%broadcast_in_dim3A_1039, %get3A_803] : memref<32x512xf32, #tpu.memory_space<vmem>>[vector<16xi32>, vector<16xi32>], vector<16xf32>,
          %broadcast_in_dim3A_1041 = arith.constant 31 : i32
          %broadcast_in_dim3A_1042 = vector.broadcast %broadcast_in_dim3A_1041 : i32 to vector<16xi32>
          %gather3A_1043 = tpu.vector_load_idx %arg7[%broadcast_in_dim3A_1042, %get3A_803] : memref<32x512xf32, #tpu.memory_space<vmem>>[vector<16xi32>, vector<16xi32>], vector<16xf32>,
          %mul3A_1044 = arith.constant 16 : i32
          %mul3A_1045 = arith.muli %add3A_798, %mul3A_1044 : i32
          %swap3A_1046 = arith.constant 24 : i32
          %swap3A_1047 = arith.index_cast %swap3A_1046 : i32 to index
          %swap3A_1048 = arith.index_cast %mul3A_1045 : i32 to index
          %swap3A_1049 = tpu.vector_load %arg9[%swap3A_1047, %swap3A_1048] {strides = array<i32>} : memref<32x512xf32, #tpu.memory_space<vmem>>, vector<16xf32>,
          tpu.vector_store %arg9[%swap3A_1047, %swap3A_1048], %gather3A_1022 {strides = array<i32>} : memref<32x512xf32, #tpu.memory_space<vmem>>, vector<16xf32>,
          %mul3A_1050 = arith.constant 16 : i32
          %mul3A_1051 = arith.muli %add3A_798, %mul3A_1050 : i32
          %swap3A_1052 = arith.constant 25 : i32
          %swap3A_1053 = arith.index_cast %swap3A_1052 : i32 to index
          %swap3A_1054 = arith.index_cast %mul3A_1051 : i32 to index
          %swap3A_1055 = tpu.vector_load %arg9[%swap3A_1053, %swap3A_1054] {strides = array<i32>} : memref<32x512xf32, #tpu.memory_space<vmem>>, vector<16xf32>,
          tpu.vector_store %arg9[%swap3A_1053, %swap3A_1054], %gather3A_1025 {strides = array<i32>} : memref<32x512xf32, #tpu.memory_space<vmem>>, vector<16xf32>,
          %mul3A_1056 = arith.constant 16 : i32
          %mul3A_1057 = arith.muli %add3A_798, %mul3A_1056 : i32
          %swap3A_1058 = arith.constant 26 : i32
          %swap3A_1059 = arith.index_cast %swap3A_1058 : i32 to index
          %swap3A_1060 = arith.index_cast %mul3A_1057 : i32 to index
          %swap3A_1061 = tpu.vector_load %arg9[%swap3A_1059, %swap3A_1060] {strides = array<i32>} : memref<32x512xf32, #tpu.memory_space<vmem>>, vector<16xf32>,
          tpu.vector_store %arg9[%swap3A_1059, %swap3A_1060], %gather3A_1028 {strides = array<i32>} : memref<32x512xf32, #tpu.memory_space<vmem>>, vector<16xf32>,
          %mul3A_1062 = arith.constant 16 : i32
          %mul3A_1063 = arith.muli %add3A_798, %mul3A_1062 : i32
          %swap3A_1064 = arith.constant 27 : i32
          %swap3A_1065 = arith.index_cast %swap3A_1064 : i32 to index
          %swap3A_1066 = arith.index_cast %mul3A_1063 : i32 to index
          %swap3A_1067 = tpu.vector_load %arg9[%swap3A_1065, %swap3A_1066] {strides = array<i32>} : memref<32x512xf32, #tpu.memory_space<vmem>>, vector<16xf32>,
          tpu.vector_store %arg9[%swap3A_1065, %swap3A_1066], %gather3A_1031 {strides = array<i32>} : memref<32x512xf32, #tpu.memory_space<vmem>>, vector<16xf32>,
          %mul3A_1068 = arith.constant 16 : i32
          %mul3A_1069 = arith.muli %add3A_798, %mul3A_1068 : i32
          %swap3A_1070 = arith.constant 28 : i32
          %swap3A_1071 = arith.index_cast %swap3A_1070 : i32 to index
          %swap3A_1072 = arith.index_cast %mul3A_1069 : i32 to index
          %swap3A_1073 = tpu.vector_load %arg9[%swap3A_1071, %swap3A_1072] {strides = array<i32>} : memref<32x512xf32, #tpu.memory_space<vmem>>, vector<16xf32>,
          tpu.vector_store %arg9[%swap3A_1071, %swap3A_1072], %gather3A_1034 {strides = array<i32>} : memref<32x512xf32, #tpu.memory_space<vmem>>, vector<16xf32>,
          %mul3A_1074 = arith.constant 16 : i32
          %mul3A_1075 = arith.muli %add3A_798, %mul3A_1074 : i32
          %swap3A_1076 = arith.constant 29 : i32
          %swap3A_1077 = arith.index_cast %swap3A_1076 : i32 to index
          %swap3A_1078 = arith.index_cast %mul3A_1075 : i32 to index
          %swap3A_1079 = tpu.vector_load %arg9[%swap3A_1077, %swap3A_1078] {strides = array<i32>} : memref<32x512xf32, #tpu.memory_space<vmem>>, vector<16xf32>,
          tpu.vector_store %arg9[%swap3A_1077, %swap3A_1078], %gather3A_1037 {strides = array<i32>} : memref<32x512xf32, #tpu.memory_space<vmem>>, vector<16xf32>,
          %mul3A_1080 = arith.constant 16 : i32
          %mul3A_1081 = arith.muli %add3A_798, %mul3A_1080 : i32
          %swap3A_1082 = arith.constant 30 : i32
          %swap3A_1083 = arith.index_cast %swap3A_1082 : i32 to index
          %swap3A_1084 = arith.index_cast %mul3A_1081 : i32 to index
          %swap3A_1085 = tpu.vector_load %arg9[%swap3A_1083, %swap3A_1084] {strides = array<i32>} : memref<32x512xf32, #tpu.memory_space<vmem>>, vector<16xf32>,
          tpu.vector_store %arg9[%swap3A_1083, %swap3A_1084], %gather3A_1040 {strides = array<i32>} : memref<32x512xf32, #tpu.memory_space<vmem>>, vector<16xf32>,
          %mul3A_1086 = arith.constant 16 : i32
          %mul3A_1087 = arith.muli %add3A_798, %mul3A_1086 : i32
          %swap3A_1088 = arith.constant 31 : i32
          %swap3A_1089 = arith.index_cast %swap3A_1088 : i32 to index
          %swap3A_1090 = arith.index_cast %mul3A_1087 : i32 to index
          %swap3A_1091 = tpu.vector_load %arg9[%swap3A_1089, %swap3A_1090] {strides = array<i32>} : memref<32x512xf32, #tpu.memory_space<vmem>>, vector<16xf32>,
          tpu.vector_store %arg9[%swap3A_1089, %swap3A_1090], %gather3A_1043 {strides = array<i32>} : memref<32x512xf32, #tpu.memory_space<vmem>>, vector<16xf32>,
          %mul3A_1092 = arith.constant 4 : i32
          %mul3A_1093 = arith.muli %scan3A_204, %mul3A_1092 : i32
          %add3A_1094 = arith.constant 3 : i32
          %add3A_1095 = arith.addi %mul3A_1093, %add3A_1094 : i32
          %mul3A_1096 = arith.constant 16 : i32
          %mul3A_1097 = arith.muli %add3A_1095, %mul3A_1096 : i32
          %add3A_1098 = arith.addi %mul3A_147, %mul3A_1097 : i32
          %get3A_1099 = arith.index_cast %add3A_1098 : i32 to index
          %get3A_1100 = tpu.vector_load %arg5[%get3A_1099] {strides = array<i32>} : memref<4096xi32, #tpu.memory_space<vmem>>, vector<16xi32>,
          %broadcast_in_dim3A_1101 = arith.constant 0 : i32
          %broadcast_in_dim3A_1102 = vector.broadcast %broadcast_in_dim3A_1101 : i32 to vector<16xi32>
          %gather3A_1103 = tpu.vector_load_idx %arg7[%broadcast_in_dim3A_1102, %get3A_1100] : memref<32x512xf32, #tpu.memory_space<vmem>>[vector<16xi32>, vector<16xi32>], vector<16xf32>,
          %broadcast_in_dim3A_1104 = arith.constant 1 : i32
          %broadcast_in_dim3A_1105 = vector.broadcast %broadcast_in_dim3A_1104 : i32 to vector<16xi32>
          %gather3A_1106 = tpu.vector_load_idx %arg7[%broadcast_in_dim3A_1105, %get3A_1100] : memref<32x512xf32, #tpu.memory_space<vmem>>[vector<16xi32>, vector<16xi32>], vector<16xf32>,
          %broadcast_in_dim3A_1107 = arith.constant 2 : i32
          %broadcast_in_dim3A_1108 = vector.broadcast %broadcast_in_dim3A_1107 : i32 to vector<16xi32>
          %gather3A_1109 = tpu.vector_load_idx %arg7[%broadcast_in_dim3A_1108, %get3A_1100] : memref<32x512xf32, #tpu.memory_space<vmem>>[vector<16xi32>, vector<16xi32>], vector<16xf32>,
          %broadcast_in_dim3A_1110 = arith.constant 3 : i32
          %broadcast_in_dim3A_1111 = vector.broadcast %broadcast_in_dim3A_1110 : i32 to vector<16xi32>
          %gather3A_1112 = tpu.vector_load_idx %arg7[%broadcast_in_dim3A_1111, %get3A_1100] : memref<32x512xf32, #tpu.memory_space<vmem>>[vector<16xi32>, vector<16xi32>], vector<16xf32>,
          %broadcast_in_dim3A_1113 = arith.constant 4 : i32
          %broadcast_in_dim3A_1114 = vector.broadcast %broadcast_in_dim3A_1113 : i32 to vector<16xi32>
          %gather3A_1115 = tpu.vector_load_idx %arg7[%broadcast_in_dim3A_1114, %get3A_1100] : memref<32x512xf32, #tpu.memory_space<vmem>>[vector<16xi32>, vector<16xi32>], vector<16xf32>,
          %broadcast_in_dim3A_1116 = arith.constant 5 : i32
          %broadcast_in_dim3A_1117 = vector.broadcast %broadcast_in_dim3A_1116 : i32 to vector<16xi32>
          %gather3A_1118 = tpu.vector_load_idx %arg7[%broadcast_in_dim3A_1117, %get3A_1100] : memref<32x512xf32, #tpu.memory_space<vmem>>[vector<16xi32>, vector<16xi32>], vector<16xf32>,
          %broadcast_in_dim3A_1119 = arith.constant 6 : i32
          %broadcast_in_dim3A_1120 = vector.broadcast %broadcast_in_dim3A_1119 : i32 to vector<16xi32>
          %gather3A_1121 = tpu.vector_load_idx %arg7[%broadcast_in_dim3A_1120, %get3A_1100] : memref<32x512xf32, #tpu.memory_space<vmem>>[vector<16xi32>, vector<16xi32>], vector<16xf32>,
          %broadcast_in_dim3A_1122 = arith.constant 7 : i32
          %broadcast_in_dim3A_1123 = vector.broadcast %broadcast_in_dim3A_1122 : i32 to vector<16xi32>
          %gather3A_1124 = tpu.vector_load_idx %arg7[%broadcast_in_dim3A_1123, %get3A_1100] : memref<32x512xf32, #tpu.memory_space<vmem>>[vector<16xi32>, vector<16xi32>], vector<16xf32>,
          %mul3A_1125 = arith.constant 16 : i32
          %mul3A_1126 = arith.muli %add3A_1095, %mul3A_1125 : i32
          %swap3A_1127 = arith.constant 0 : i32
          %swap3A_1128 = arith.index_cast %swap3A_1127 : i32 to index
          %swap3A_1129 = arith.index_cast %mul3A_1126 : i32 to index
          %swap3A_1130 = tpu.vector_load %arg9[%swap3A_1128, %swap3A_1129] {strides = array<i32>} : memref<32x512xf32, #tpu.memory_space<vmem>>, vector<16xf32>,
          tpu.vector_store %arg9[%swap3A_1128, %swap3A_1129], %gather3A_1103 {strides = array<i32>} : memref<32x512xf32, #tpu.memory_space<vmem>>, vector<16xf32>,
          %mul3A_1131 = arith.constant 16 : i32
          %mul3A_1132 = arith.muli %add3A_1095, %mul3A_1131 : i32
          %swap3A_1133 = arith.constant 1 : i32
          %swap3A_1134 = arith.index_cast %swap3A_1133 : i32 to index
          %swap3A_1135 = arith.index_cast %mul3A_1132 : i32 to index
          %swap3A_1136 = tpu.vector_load %arg9[%swap3A_1134, %swap3A_1135] {strides = array<i32>} : memref<32x512xf32, #tpu.memory_space<vmem>>, vector<16xf32>,
          tpu.vector_store %arg9[%swap3A_1134, %swap3A_1135], %gather3A_1106 {strides = array<i32>} : memref<32x512xf32, #tpu.memory_space<vmem>>, vector<16xf32>,
          %mul3A_1137 = arith.constant 16 : i32
          %mul3A_1138 = arith.muli %add3A_1095, %mul3A_1137 : i32
          %swap3A_1139 = arith.constant 2 : i32
          %swap3A_1140 = arith.index_cast %swap3A_1139 : i32 to index
          %swap3A_1141 = arith.index_cast %mul3A_1138 : i32 to index
          %swap3A_1142 = tpu.vector_load %arg9[%swap3A_1140, %swap3A_1141] {strides = array<i32>} : memref<32x512xf32, #tpu.memory_space<vmem>>, vector<16xf32>,
          tpu.vector_store %arg9[%swap3A_1140, %swap3A_1141], %gather3A_1109 {strides = array<i32>} : memref<32x512xf32, #tpu.memory_space<vmem>>, vector<16xf32>,
          %mul3A_1143 = arith.constant 16 : i32
          %mul3A_1144 = arith.muli %add3A_1095, %mul3A_1143 : i32
          %swap3A_1145 = arith.constant 3 : i32
          %swap3A_1146 = arith.index_cast %swap3A_1145 : i32 to index
          %swap3A_1147 = arith.index_cast %mul3A_1144 : i32 to index
          %swap3A_1148 = tpu.vector_load %arg9[%swap3A_1146, %swap3A_1147] {strides = array<i32>} : memref<32x512xf32, #tpu.memory_space<vmem>>, vector<16xf32>,
          tpu.vector_store %arg9[%swap3A_1146, %swap3A_1147], %gather3A_1112 {strides = array<i32>} : memref<32x512xf32, #tpu.memory_space<vmem>>, vector<16xf32>,
          %mul3A_1149 = arith.constant 16 : i32
          %mul3A_1150 = arith.muli %add3A_1095, %mul3A_1149 : i32
          %swap3A_1151 = arith.constant 4 : i32
          %swap3A_1152 = arith.index_cast %swap3A_1151 : i32 to index
          %swap3A_1153 = arith.index_cast %mul3A_1150 : i32 to index
          %swap3A_1154 = tpu.vector_load %arg9[%swap3A_1152, %swap3A_1153] {strides = array<i32>} : memref<32x512xf32, #tpu.memory_space<vmem>>, vector<16xf32>,
          tpu.vector_store %arg9[%swap3A_1152, %swap3A_1153], %gather3A_1115 {strides = array<i32>} : memref<32x512xf32, #tpu.memory_space<vmem>>, vector<16xf32>,
          %mul3A_1155 = arith.constant 16 : i32
          %mul3A_1156 = arith.muli %add3A_1095, %mul3A_1155 : i32
          %swap3A_1157 = arith.constant 5 : i32
          %swap3A_1158 = arith.index_cast %swap3A_1157 : i32 to index
          %swap3A_1159 = arith.index_cast %mul3A_1156 : i32 to index
          %swap3A_1160 = tpu.vector_load %arg9[%swap3A_1158, %swap3A_1159] {strides = array<i32>} : memref<32x512xf32, #tpu.memory_space<vmem>>, vector<16xf32>,
          tpu.vector_store %arg9[%swap3A_1158, %swap3A_1159], %gather3A_1118 {strides = array<i32>} : memref<32x512xf32, #tpu.memory_space<vmem>>, vector<16xf32>,
          %mul3A_1161 = arith.constant 16 : i32
          %mul3A_1162 = arith.muli %add3A_1095, %mul3A_1161 : i32
          %swap3A_1163 = arith.constant 6 : i32
          %swap3A_1164 = arith.index_cast %swap3A_1163 : i32 to index
          %swap3A_1165 = arith.index_cast %mul3A_1162 : i32 to index
          %swap3A_1166 = tpu.vector_load %arg9[%swap3A_1164, %swap3A_1165] {strides = array<i32>} : memref<32x512xf32, #tpu.memory_space<vmem>>, vector<16xf32>,
          tpu.vector_store %arg9[%swap3A_1164, %swap3A_1165], %gather3A_1121 {strides = array<i32>} : memref<32x512xf32, #tpu.memory_space<vmem>>, vector<16xf32>,
          %mul3A_1167 = arith.constant 16 : i32
          %mul3A_1168 = arith.muli %add3A_1095, %mul3A_1167 : i32
          %swap3A_1169 = arith.constant 7 : i32
          %swap3A_1170 = arith.index_cast %swap3A_1169 : i32 to index
          %swap3A_1171 = arith.index_cast %mul3A_1168 : i32 to index
          %swap3A_1172 = tpu.vector_load %arg9[%swap3A_1170, %swap3A_1171] {strides = array<i32>} : memref<32x512xf32, #tpu.memory_space<vmem>>, vector<16xf32>,
          tpu.vector_store %arg9[%swap3A_1170, %swap3A_1171], %gather3A_1124 {strides = array<i32>} : memref<32x512xf32, #tpu.memory_space<vmem>>, vector<16xf32>,
          %broadcast_in_dim3A_1173 = arith.constant 8 : i32
          %broadcast_in_dim3A_1174 = vector.broadcast %broadcast_in_dim3A_1173 : i32 to vector<16xi32>
          %gather3A_1175 = tpu.vector_load_idx %arg7[%broadcast_in_dim3A_1174, %get3A_1100] : memref<32x512xf32, #tpu.memory_space<vmem>>[vector<16xi32>, vector<16xi32>], vector<16xf32>,
          %broadcast_in_dim3A_1176 = arith.constant 9 : i32
          %broadcast_in_dim3A_1177 = vector.broadcast %broadcast_in_dim3A_1176 : i32 to vector<16xi32>
          %gather3A_1178 = tpu.vector_load_idx %arg7[%broadcast_in_dim3A_1177, %get3A_1100] : memref<32x512xf32, #tpu.memory_space<vmem>>[vector<16xi32>, vector<16xi32>], vector<16xf32>,
          %broadcast_in_dim3A_1179 = arith.constant 10 : i32
          %broadcast_in_dim3A_1180 = vector.broadcast %broadcast_in_dim3A_1179 : i32 to vector<16xi32>
          %gather3A_1181 = tpu.vector_load_idx %arg7[%broadcast_in_dim3A_1180, %get3A_1100] : memref<32x512xf32, #tpu.memory_space<vmem>>[vector<16xi32>, vector<16xi32>], vector<16xf32>,
          %broadcast_in_dim3A_1182 = arith.constant 11 : i32
          %broadcast_in_dim3A_1183 = vector.broadcast %broadcast_in_dim3A_1182 : i32 to vector<16xi32>
          %gather3A_1184 = tpu.vector_load_idx %arg7[%broadcast_in_dim3A_1183, %get3A_1100] : memref<32x512xf32, #tpu.memory_space<vmem>>[vector<16xi32>, vector<16xi32>], vector<16xf32>,
          %broadcast_in_dim3A_1185 = arith.constant 12 : i32
          %broadcast_in_dim3A_1186 = vector.broadcast %broadcast_in_dim3A_1185 : i32 to vector<16xi32>
          %gather3A_1187 = tpu.vector_load_idx %arg7[%broadcast_in_dim3A_1186, %get3A_1100] : memref<32x512xf32, #tpu.memory_space<vmem>>[vector<16xi32>, vector<16xi32>], vector<16xf32>,
          %broadcast_in_dim3A_1188 = arith.constant 13 : i32
          %broadcast_in_dim3A_1189 = vector.broadcast %broadcast_in_dim3A_1188 : i32 to vector<16xi32>
          %gather3A_1190 = tpu.vector_load_idx %arg7[%broadcast_in_dim3A_1189, %get3A_1100] : memref<32x512xf32, #tpu.memory_space<vmem>>[vector<16xi32>, vector<16xi32>], vector<16xf32>,
          %broadcast_in_dim3A_1191 = arith.constant 14 : i32
          %broadcast_in_dim3A_1192 = vector.broadcast %broadcast_in_dim3A_1191 : i32 to vector<16xi32>
          %gather3A_1193 = tpu.vector_load_idx %arg7[%broadcast_in_dim3A_1192, %get3A_1100] : memref<32x512xf32, #tpu.memory_space<vmem>>[vector<16xi32>, vector<16xi32>], vector<16xf32>,
          %broadcast_in_dim3A_1194 = arith.constant 15 : i32
          %broadcast_in_dim3A_1195 = vector.broadcast %broadcast_in_dim3A_1194 : i32 to vector<16xi32>
          %gather3A_1196 = tpu.vector_load_idx %arg7[%broadcast_in_dim3A_1195, %get3A_1100] : memref<32x512xf32, #tpu.memory_space<vmem>>[vector<16xi32>, vector<16xi32>], vector<16xf32>,
          %mul3A_1197 = arith.constant 16 : i32
          %mul3A_1198 = arith.muli %add3A_1095, %mul3A_1197 : i32
          %swap3A_1199 = arith.constant 8 : i32
          %swap3A_1200 = arith.index_cast %swap3A_1199 : i32 to index
          %swap3A_1201 = arith.index_cast %mul3A_1198 : i32 to index
          %swap3A_1202 = tpu.vector_load %arg9[%swap3A_1200, %swap3A_1201] {strides = array<i32>} : memref<32x512xf32, #tpu.memory_space<vmem>>, vector<16xf32>,
          tpu.vector_store %arg9[%swap3A_1200, %swap3A_1201], %gather3A_1175 {strides = array<i32>} : memref<32x512xf32, #tpu.memory_space<vmem>>, vector<16xf32>,
          %mul3A_1203 = arith.constant 16 : i32
          %mul3A_1204 = arith.muli %add3A_1095, %mul3A_1203 : i32
          %swap3A_1205 = arith.constant 9 : i32
          %swap3A_1206 = arith.index_cast %swap3A_1205 : i32 to index
          %swap3A_1207 = arith.index_cast %mul3A_1204 : i32 to index
          %swap3A_1208 = tpu.vector_load %arg9[%swap3A_1206, %swap3A_1207] {strides = array<i32>} : memref<32x512xf32, #tpu.memory_space<vmem>>, vector<16xf32>,
          tpu.vector_store %arg9[%swap3A_1206, %swap3A_1207], %gather3A_1178 {strides = array<i32>} : memref<32x512xf32, #tpu.memory_space<vmem>>, vector<16xf32>,
          %mul3A_1209 = arith.constant 16 : i32
          %mul3A_1210 = arith.muli %add3A_1095, %mul3A_1209 : i32
          %swap3A_1211 = arith.constant 10 : i32
          %swap3A_1212 = arith.index_cast %swap3A_1211 : i32 to index
          %swap3A_1213 = arith.index_cast %mul3A_1210 : i32 to index
          %swap3A_1214 = tpu.vector_load %arg9[%swap3A_1212, %swap3A_1213] {strides = array<i32>} : memref<32x512xf32, #tpu.memory_space<vmem>>, vector<16xf32>,
          tpu.vector_store %arg9[%swap3A_1212, %swap3A_1213], %gather3A_1181 {strides = array<i32>} : memref<32x512xf32, #tpu.memory_space<vmem>>, vector<16xf32>,
          %mul3A_1215 = arith.constant 16 : i32
          %mul3A_1216 = arith.muli %add3A_1095, %mul3A_1215 : i32
          %swap3A_1217 = arith.constant 11 : i32
          %swap3A_1218 = arith.index_cast %swap3A_1217 : i32 to index
          %swap3A_1219 = arith.index_cast %mul3A_1216 : i32 to index
          %swap3A_1220 = tpu.vector_load %arg9[%swap3A_1218, %swap3A_1219] {strides = array<i32>} : memref<32x512xf32, #tpu.memory_space<vmem>>, vector<16xf32>,
          tpu.vector_store %arg9[%swap3A_1218, %swap3A_1219], %gather3A_1184 {strides = array<i32>} : memref<32x512xf32, #tpu.memory_space<vmem>>, vector<16xf32>,
          %mul3A_1221 = arith.constant 16 : i32
          %mul3A_1222 = arith.muli %add3A_1095, %mul3A_1221 : i32
          %swap3A_1223 = arith.constant 12 : i32
          %swap3A_1224 = arith.index_cast %swap3A_1223 : i32 to index
          %swap3A_1225 = arith.index_cast %mul3A_1222 : i32 to index
          %swap3A_1226 = tpu.vector_load %arg9[%swap3A_1224, %swap3A_1225] {strides = array<i32>} : memref<32x512xf32, #tpu.memory_space<vmem>>, vector<16xf32>,
          tpu.vector_store %arg9[%swap3A_1224, %swap3A_1225], %gather3A_1187 {strides = array<i32>} : memref<32x512xf32, #tpu.memory_space<vmem>>, vector<16xf32>,
          %mul3A_1227 = arith.constant 16 : i32
          %mul3A_1228 = arith.muli %add3A_1095, %mul3A_1227 : i32
          %swap3A_1229 = arith.constant 13 : i32
          %swap3A_1230 = arith.index_cast %swap3A_1229 : i32 to index
          %swap3A_1231 = arith.index_cast %mul3A_1228 : i32 to index
          %swap3A_1232 = tpu.vector_load %arg9[%swap3A_1230, %swap3A_1231] {strides = array<i32>} : memref<32x512xf32, #tpu.memory_space<vmem>>, vector<16xf32>,
          tpu.vector_store %arg9[%swap3A_1230, %swap3A_1231], %gather3A_1190 {strides = array<i32>} : memref<32x512xf32, #tpu.memory_space<vmem>>, vector<16xf32>,
          %mul3A_1233 = arith.constant 16 : i32
          %mul3A_1234 = arith.muli %add3A_1095, %mul3A_1233 : i32
          %swap3A_1235 = arith.constant 14 : i32
          %swap3A_1236 = arith.index_cast %swap3A_1235 : i32 to index
          %swap3A_1237 = arith.index_cast %mul3A_1234 : i32 to index
          %swap3A_1238 = tpu.vector_load %arg9[%swap3A_1236, %swap3A_1237] {strides = array<i32>} : memref<32x512xf32, #tpu.memory_space<vmem>>, vector<16xf32>,
          tpu.vector_store %arg9[%swap3A_1236, %swap3A_1237], %gather3A_1193 {strides = array<i32>} : memref<32x512xf32, #tpu.memory_space<vmem>>, vector<16xf32>,
          %mul3A_1239 = arith.constant 16 : i32
          %mul3A_1240 = arith.muli %add3A_1095, %mul3A_1239 : i32
          %swap3A_1241 = arith.constant 15 : i32
          %swap3A_1242 = arith.index_cast %swap3A_1241 : i32 to index
          %swap3A_1243 = arith.index_cast %mul3A_1240 : i32 to index
          %swap3A_1244 = tpu.vector_load %arg9[%swap3A_1242, %swap3A_1243] {strides = array<i32>} : memref<32x512xf32, #tpu.memory_space<vmem>>, vector<16xf32>,
          tpu.vector_store %arg9[%swap3A_1242, %swap3A_1243], %gather3A_1196 {strides = array<i32>} : memref<32x512xf32, #tpu.memory_space<vmem>>, vector<16xf32>,
          %broadcast_in_dim3A_1245 = arith.constant 16 : i32
          %broadcast_in_dim3A_1246 = vector.broadcast %broadcast_in_dim3A_1245 : i32 to vector<16xi32>
          %gather3A_1247 = tpu.vector_load_idx %arg7[%broadcast_in_dim3A_1246, %get3A_1100] : memref<32x512xf32, #tpu.memory_space<vmem>>[vector<16xi32>, vector<16xi32>], vector<16xf32>,
          %broadcast_in_dim3A_1248 = arith.constant 17 : i32
          %broadcast_in_dim3A_1249 = vector.broadcast %broadcast_in_dim3A_1248 : i32 to vector<16xi32>
          %gather3A_1250 = tpu.vector_load_idx %arg7[%broadcast_in_dim3A_1249, %get3A_1100] : memref<32x512xf32, #tpu.memory_space<vmem>>[vector<16xi32>, vector<16xi32>], vector<16xf32>,
          %broadcast_in_dim3A_1251 = arith.constant 18 : i32
          %broadcast_in_dim3A_1252 = vector.broadcast %broadcast_in_dim3A_1251 : i32 to vector<16xi32>
          %gather3A_1253 = tpu.vector_load_idx %arg7[%broadcast_in_dim3A_1252, %get3A_1100] : memref<32x512xf32, #tpu.memory_space<vmem>>[vector<16xi32>, vector<16xi32>], vector<16xf32>,
          %broadcast_in_dim3A_1254 = arith.constant 19 : i32
          %broadcast_in_dim3A_1255 = vector.broadcast %broadcast_in_dim3A_1254 : i32 to vector<16xi32>
          %gather3A_1256 = tpu.vector_load_idx %arg7[%broadcast_in_dim3A_1255, %get3A_1100] : memref<32x512xf32, #tpu.memory_space<vmem>>[vector<16xi32>, vector<16xi32>], vector<16xf32>,
          %broadcast_in_dim3A_1257 = arith.constant 20 : i32
          %broadcast_in_dim3A_1258 = vector.broadcast %broadcast_in_dim3A_1257 : i32 to vector<16xi32>
          %gather3A_1259 = tpu.vector_load_idx %arg7[%broadcast_in_dim3A_1258, %get3A_1100] : memref<32x512xf32, #tpu.memory_space<vmem>>[vector<16xi32>, vector<16xi32>], vector<16xf32>,
          %broadcast_in_dim3A_1260 = arith.constant 21 : i32
          %broadcast_in_dim3A_1261 = vector.broadcast %broadcast_in_dim3A_1260 : i32 to vector<16xi32>
          %gather3A_1262 = tpu.vector_load_idx %arg7[%broadcast_in_dim3A_1261, %get3A_1100] : memref<32x512xf32, #tpu.memory_space<vmem>>[vector<16xi32>, vector<16xi32>], vector<16xf32>,
          %broadcast_in_dim3A_1263 = arith.constant 22 : i32
          %broadcast_in_dim3A_1264 = vector.broadcast %broadcast_in_dim3A_1263 : i32 to vector<16xi32>
          %gather3A_1265 = tpu.vector_load_idx %arg7[%broadcast_in_dim3A_1264, %get3A_1100] : memref<32x512xf32, #tpu.memory_space<vmem>>[vector<16xi32>, vector<16xi32>], vector<16xf32>,
          %broadcast_in_dim3A_1266 = arith.constant 23 : i32
          %broadcast_in_dim3A_1267 = vector.broadcast %broadcast_in_dim3A_1266 : i32 to vector<16xi32>
          %gather3A_1268 = tpu.vector_load_idx %arg7[%broadcast_in_dim3A_1267, %get3A_1100] : memref<32x512xf32, #tpu.memory_space<vmem>>[vector<16xi32>, vector<16xi32>], vector<16xf32>,
          %mul3A_1269 = arith.constant 16 : i32
          %mul3A_1270 = arith.muli %add3A_1095, %mul3A_1269 : i32
          %swap3A_1271 = arith.constant 16 : i32
          %swap3A_1272 = arith.index_cast %swap3A_1271 : i32 to index
          %swap3A_1273 = arith.index_cast %mul3A_1270 : i32 to index
          %swap3A_1274 = tpu.vector_load %arg9[%swap3A_1272, %swap3A_1273] {strides = array<i32>} : memref<32x512xf32, #tpu.memory_space<vmem>>, vector<16xf32>,
          tpu.vector_store %arg9[%swap3A_1272, %swap3A_1273], %gather3A_1247 {strides = array<i32>} : memref<32x512xf32, #tpu.memory_space<vmem>>, vector<16xf32>,
          %mul3A_1275 = arith.constant 16 : i32
          %mul3A_1276 = arith.muli %add3A_1095, %mul3A_1275 : i32
          %swap3A_1277 = arith.constant 17 : i32
          %swap3A_1278 = arith.index_cast %swap3A_1277 : i32 to index
          %swap3A_1279 = arith.index_cast %mul3A_1276 : i32 to index
          %swap3A_1280 = tpu.vector_load %arg9[%swap3A_1278, %swap3A_1279] {strides = array<i32>} : memref<32x512xf32, #tpu.memory_space<vmem>>, vector<16xf32>,
          tpu.vector_store %arg9[%swap3A_1278, %swap3A_1279], %gather3A_1250 {strides = array<i32>} : memref<32x512xf32, #tpu.memory_space<vmem>>, vector<16xf32>,
          %mul3A_1281 = arith.constant 16 : i32
          %mul3A_1282 = arith.muli %add3A_1095, %mul3A_1281 : i32
          %swap3A_1283 = arith.constant 18 : i32
          %swap3A_1284 = arith.index_cast %swap3A_1283 : i32 to index
          %swap3A_1285 = arith.index_cast %mul3A_1282 : i32 to index
          %swap3A_1286 = tpu.vector_load %arg9[%swap3A_1284, %swap3A_1285] {strides = array<i32>} : memref<32x512xf32, #tpu.memory_space<vmem>>, vector<16xf32>,
          tpu.vector_store %arg9[%swap3A_1284, %swap3A_1285], %gather3A_1253 {strides = array<i32>} : memref<32x512xf32, #tpu.memory_space<vmem>>, vector<16xf32>,
          %mul3A_1287 = arith.constant 16 : i32
          %mul3A_1288 = arith.muli %add3A_1095, %mul3A_1287 : i32
          %swap3A_1289 = arith.constant 19 : i32
          %swap3A_1290 = arith.index_cast %swap3A_1289 : i32 to index
          %swap3A_1291 = arith.index_cast %mul3A_1288 : i32 to index
          %swap3A_1292 = tpu.vector_load %arg9[%swap3A_1290, %swap3A_1291] {strides = array<i32>} : memref<32x512xf32, #tpu.memory_space<vmem>>, vector<16xf32>,
          tpu.vector_store %arg9[%swap3A_1290, %swap3A_1291], %gather3A_1256 {strides = array<i32>} : memref<32x512xf32, #tpu.memory_space<vmem>>, vector<16xf32>,
          %mul3A_1293 = arith.constant 16 : i32
          %mul3A_1294 = arith.muli %add3A_1095, %mul3A_1293 : i32
          %swap3A_1295 = arith.constant 20 : i32
          %swap3A_1296 = arith.index_cast %swap3A_1295 : i32 to index
          %swap3A_1297 = arith.index_cast %mul3A_1294 : i32 to index
          %swap3A_1298 = tpu.vector_load %arg9[%swap3A_1296, %swap3A_1297] {strides = array<i32>} : memref<32x512xf32, #tpu.memory_space<vmem>>, vector<16xf32>,
          tpu.vector_store %arg9[%swap3A_1296, %swap3A_1297], %gather3A_1259 {strides = array<i32>} : memref<32x512xf32, #tpu.memory_space<vmem>>, vector<16xf32>,
          %mul3A_1299 = arith.constant 16 : i32
          %mul3A_1300 = arith.muli %add3A_1095, %mul3A_1299 : i32
          %swap3A_1301 = arith.constant 21 : i32
          %swap3A_1302 = arith.index_cast %swap3A_1301 : i32 to index
          %swap3A_1303 = arith.index_cast %mul3A_1300 : i32 to index
          %swap3A_1304 = tpu.vector_load %arg9[%swap3A_1302, %swap3A_1303] {strides = array<i32>} : memref<32x512xf32, #tpu.memory_space<vmem>>, vector<16xf32>,
          tpu.vector_store %arg9[%swap3A_1302, %swap3A_1303], %gather3A_1262 {strides = array<i32>} : memref<32x512xf32, #tpu.memory_space<vmem>>, vector<16xf32>,
          %mul3A_1305 = arith.constant 16 : i32
          %mul3A_1306 = arith.muli %add3A_1095, %mul3A_1305 : i32
          %swap3A_1307 = arith.constant 22 : i32
          %swap3A_1308 = arith.index_cast %swap3A_1307 : i32 to index
          %swap3A_1309 = arith.index_cast %mul3A_1306 : i32 to index
          %swap3A_1310 = tpu.vector_load %arg9[%swap3A_1308, %swap3A_1309] {strides = array<i32>} : memref<32x512xf32, #tpu.memory_space<vmem>>, vector<16xf32>,
          tpu.vector_store %arg9[%swap3A_1308, %swap3A_1309], %gather3A_1265 {strides = array<i32>} : memref<32x512xf32, #tpu.memory_space<vmem>>, vector<16xf32>,
          %mul3A_1311 = arith.constant 16 : i32
          %mul3A_1312 = arith.muli %add3A_1095, %mul3A_1311 : i32
          %swap3A_1313 = arith.constant 23 : i32
          %swap3A_1314 = arith.index_cast %swap3A_1313 : i32 to index
          %swap3A_1315 = arith.index_cast %mul3A_1312 : i32 to index
          %swap3A_1316 = tpu.vector_load %arg9[%swap3A_1314, %swap3A_1315] {strides = array<i32>} : memref<32x512xf32, #tpu.memory_space<vmem>>, vector<16xf32>,
          tpu.vector_store %arg9[%swap3A_1314, %swap3A_1315], %gather3A_1268 {strides = array<i32>} : memref<32x512xf32, #tpu.memory_space<vmem>>, vector<16xf32>,
          %broadcast_in_dim3A_1317 = arith.constant 24 : i32
          %broadcast_in_dim3A_1318 = vector.broadcast %broadcast_in_dim3A_1317 : i32 to vector<16xi32>
          %gather3A_1319 = tpu.vector_load_idx %arg7[%broadcast_in_dim3A_1318, %get3A_1100] : memref<32x512xf32, #tpu.memory_space<vmem>>[vector<16xi32>, vector<16xi32>], vector<16xf32>,
          %broadcast_in_dim3A_1320 = arith.constant 25 : i32
          %broadcast_in_dim3A_1321 = vector.broadcast %broadcast_in_dim3A_1320 : i32 to vector<16xi32>
          %gather3A_1322 = tpu.vector_load_idx %arg7[%broadcast_in_dim3A_1321, %get3A_1100] : memref<32x512xf32, #tpu.memory_space<vmem>>[vector<16xi32>, vector<16xi32>], vector<16xf32>,
          %broadcast_in_dim3A_1323 = arith.constant 26 : i32
          %broadcast_in_dim3A_1324 = vector.broadcast %broadcast_in_dim3A_1323 : i32 to vector<16xi32>
          %gather3A_1325 = tpu.vector_load_idx %arg7[%broadcast_in_dim3A_1324, %get3A_1100] : memref<32x512xf32, #tpu.memory_space<vmem>>[vector<16xi32>, vector<16xi32>], vector<16xf32>,
          %broadcast_in_dim3A_1326 = arith.constant 27 : i32
          %broadcast_in_dim3A_1327 = vector.broadcast %broadcast_in_dim3A_1326 : i32 to vector<16xi32>
          %gather3A_1328 = tpu.vector_load_idx %arg7[%broadcast_in_dim3A_1327, %get3A_1100] : memref<32x512xf32, #tpu.memory_space<vmem>>[vector<16xi32>, vector<16xi32>], vector<16xf32>,
          %broadcast_in_dim3A_1329 = arith.constant 28 : i32
          %broadcast_in_dim3A_1330 = vector.broadcast %broadcast_in_dim3A_1329 : i32 to vector<16xi32>
          %gather3A_1331 = tpu.vector_load_idx %arg7[%broadcast_in_dim3A_1330, %get3A_1100] : memref<32x512xf32, #tpu.memory_space<vmem>>[vector<16xi32>, vector<16xi32>], vector<16xf32>,
          %broadcast_in_dim3A_1332 = arith.constant 29 : i32
          %broadcast_in_dim3A_1333 = vector.broadcast %broadcast_in_dim3A_1332 : i32 to vector<16xi32>
          %gather3A_1334 = tpu.vector_load_idx %arg7[%broadcast_in_dim3A_1333, %get3A_1100] : memref<32x512xf32, #tpu.memory_space<vmem>>[vector<16xi32>, vector<16xi32>], vector<16xf32>,
          %broadcast_in_dim3A_1335 = arith.constant 30 : i32
          %broadcast_in_dim3A_1336 = vector.broadcast %broadcast_in_dim3A_1335 : i32 to vector<16xi32>
          %gather3A_1337 = tpu.vector_load_idx %arg7[%broadcast_in_dim3A_1336, %get3A_1100] : memref<32x512xf32, #tpu.memory_space<vmem>>[vector<16xi32>, vector<16xi32>], vector<16xf32>,
          %broadcast_in_dim3A_1338 = arith.constant 31 : i32
          %broadcast_in_dim3A_1339 = vector.broadcast %broadcast_in_dim3A_1338 : i32 to vector<16xi32>
          %gather3A_1340 = tpu.vector_load_idx %arg7[%broadcast_in_dim3A_1339, %get3A_1100] : memref<32x512xf32, #tpu.memory_space<vmem>>[vector<16xi32>, vector<16xi32>], vector<16xf32>,
          %mul3A_1341 = arith.constant 16 : i32
          %mul3A_1342 = arith.muli %add3A_1095, %mul3A_1341 : i32
          %swap3A_1343 = arith.constant 24 : i32
          %swap3A_1344 = arith.index_cast %swap3A_1343 : i32 to index
          %swap3A_1345 = arith.index_cast %mul3A_1342 : i32 to index
          %swap3A_1346 = tpu.vector_load %arg9[%swap3A_1344, %swap3A_1345] {strides = array<i32>} : memref<32x512xf32, #tpu.memory_space<vmem>>, vector<16xf32>,
          tpu.vector_store %arg9[%swap3A_1344, %swap3A_1345], %gather3A_1319 {strides = array<i32>} : memref<32x512xf32, #tpu.memory_space<vmem>>, vector<16xf32>,
          %mul3A_1347 = arith.constant 16 : i32
          %mul3A_1348 = arith.muli %add3A_1095, %mul3A_1347 : i32
          %swap3A_1349 = arith.constant 25 : i32
          %swap3A_1350 = arith.index_cast %swap3A_1349 : i32 to index
          %swap3A_1351 = arith.index_cast %mul3A_1348 : i32 to index
          %swap3A_1352 = tpu.vector_load %arg9[%swap3A_1350, %swap3A_1351] {strides = array<i32>} : memref<32x512xf32, #tpu.memory_space<vmem>>, vector<16xf32>,
          tpu.vector_store %arg9[%swap3A_1350, %swap3A_1351], %gather3A_1322 {strides = array<i32>} : memref<32x512xf32, #tpu.memory_space<vmem>>, vector<16xf32>,
          %mul3A_1353 = arith.constant 16 : i32
          %mul3A_1354 = arith.muli %add3A_1095, %mul3A_1353 : i32
          %swap3A_1355 = arith.constant 26 : i32
          %swap3A_1356 = arith.index_cast %swap3A_1355 : i32 to index
          %swap3A_1357 = arith.index_cast %mul3A_1354 : i32 to index
          %swap3A_1358 = tpu.vector_load %arg9[%swap3A_1356, %swap3A_1357] {strides = array<i32>} : memref<32x512xf32, #tpu.memory_space<vmem>>, vector<16xf32>,
          tpu.vector_store %arg9[%swap3A_1356, %swap3A_1357], %gather3A_1325 {strides = array<i32>} : memref<32x512xf32, #tpu.memory_space<vmem>>, vector<16xf32>,
          %mul3A_1359 = arith.constant 16 : i32
          %mul3A_1360 = arith.muli %add3A_1095, %mul3A_1359 : i32
          %swap3A_1361 = arith.constant 27 : i32
          %swap3A_1362 = arith.index_cast %swap3A_1361 : i32 to index
          %swap3A_1363 = arith.index_cast %mul3A_1360 : i32 to index
          %swap3A_1364 = tpu.vector_load %arg9[%swap3A_1362, %swap3A_1363] {strides = array<i32>} : memref<32x512xf32, #tpu.memory_space<vmem>>, vector<16xf32>,
          tpu.vector_store %arg9[%swap3A_1362, %swap3A_1363], %gather3A_1328 {strides = array<i32>} : memref<32x512xf32, #tpu.memory_space<vmem>>, vector<16xf32>,
          %mul3A_1365 = arith.constant 16 : i32
          %mul3A_1366 = arith.muli %add3A_1095, %mul3A_1365 : i32
          %swap3A_1367 = arith.constant 28 : i32
          %swap3A_1368 = arith.index_cast %swap3A_1367 : i32 to index
          %swap3A_1369 = arith.index_cast %mul3A_1366 : i32 to index
          %swap3A_1370 = tpu.vector_load %arg9[%swap3A_1368, %swap3A_1369] {strides = array<i32>} : memref<32x512xf32, #tpu.memory_space<vmem>>, vector<16xf32>,
          tpu.vector_store %arg9[%swap3A_1368, %swap3A_1369], %gather3A_1331 {strides = array<i32>} : memref<32x512xf32, #tpu.memory_space<vmem>>, vector<16xf32>,
          %mul3A_1371 = arith.constant 16 : i32
          %mul3A_1372 = arith.muli %add3A_1095, %mul3A_1371 : i32
          %swap3A_1373 = arith.constant 29 : i32
          %swap3A_1374 = arith.index_cast %swap3A_1373 : i32 to index
          %swap3A_1375 = arith.index_cast %mul3A_1372 : i32 to index
          %swap3A_1376 = tpu.vector_load %arg9[%swap3A_1374, %swap3A_1375] {strides = array<i32>} : memref<32x512xf32, #tpu.memory_space<vmem>>, vector<16xf32>,
          tpu.vector_store %arg9[%swap3A_1374, %swap3A_1375], %gather3A_1334 {strides = array<i32>} : memref<32x512xf32, #tpu.memory_space<vmem>>, vector<16xf32>,
          %mul3A_1377 = arith.constant 16 : i32
          %mul3A_1378 = arith.muli %add3A_1095, %mul3A_1377 : i32
          %swap3A_1379 = arith.constant 30 : i32
          %swap3A_1380 = arith.index_cast %swap3A_1379 : i32 to index
          %swap3A_1381 = arith.index_cast %mul3A_1378 : i32 to index
          %swap3A_1382 = tpu.vector_load %arg9[%swap3A_1380, %swap3A_1381] {strides = array<i32>} : memref<32x512xf32, #tpu.memory_space<vmem>>, vector<16xf32>,
          tpu.vector_store %arg9[%swap3A_1380, %swap3A_1381], %gather3A_1337 {strides = array<i32>} : memref<32x512xf32, #tpu.memory_space<vmem>>, vector<16xf32>,
          %mul3A_1383 = arith.constant 16 : i32
          %mul3A_1384 = arith.muli %add3A_1095, %mul3A_1383 : i32
          %swap3A_1385 = arith.constant 31 : i32
          %swap3A_1386 = arith.index_cast %swap3A_1385 : i32 to index
          %swap3A_1387 = arith.index_cast %mul3A_1384 : i32 to index
          %swap3A_1388 = tpu.vector_load %arg9[%swap3A_1386, %swap3A_1387] {strides = array<i32>} : memref<32x512xf32, #tpu.memory_space<vmem>>, vector<16xf32>,
          tpu.vector_store %arg9[%swap3A_1386, %swap3A_1387], %gather3A_1340 {strides = array<i32>} : memref<32x512xf32, #tpu.memory_space<vmem>>, vector<16xf32>,
        }
        %scan3A_153 = arith.constant 8 : i32
        %jit3A_154 = arith.constant 4 : i32
        %div3A_155 = arith.divsi %scan3A_30, %jit3A_154 : i32
        %sign3A_156 = arith.constant 0 : i32
        %sign3A_157 = arith.cmpi sgt, %scan3A_30, %sign3A_156 : i32
        %sign3A_158 = arith.extui %sign3A_157 : i1 to i32
        %sign3A_159 = arith.constant 0 : i32
        %sign3A_160 = arith.cmpi slt, %scan3A_30, %sign3A_159 : i32
        %sign3A_161 = arith.extui %sign3A_160 : i1 to i32
        %sign3A_162 = arith.subi %sign3A_158, %sign3A_161 : i32
        %sign3A_163 = arith.constant 0 : i32
        %sign3A_164 = arith.cmpi sgt, %jit3A_154, %sign3A_163 : i32
        %sign3A_165 = arith.extui %sign3A_164 : i1 to i32
        %sign3A_166 = arith.constant 0 : i32
        %sign3A_167 = arith.cmpi slt, %jit3A_154, %sign3A_166 : i32
        %sign3A_168 = arith.extui %sign3A_167 : i1 to i32
        %sign3A_169 = arith.subi %sign3A_165, %sign3A_168 : i32
        %ne3A_170 = arith.cmpi ne, %sign3A_162, %sign3A_169 : i32
        %rem3A_171 = arith.remsi %scan3A_30, %jit3A_154 : i32
        %ne3A_172 = arith.constant 0 : i32
        %ne3A_173 = arith.cmpi ne, %rem3A_171, %ne3A_172 : i32
        %and3A_174 = arith.andi %ne3A_170, %ne3A_173 : i1
        %sub3A_175 = arith.constant 1 : i32
        %sub3A_176 = arith.subi %div3A_155, %sub3A_175 : i32
        %select_n3A_177 = arith.select %and3A_174, %sub3A_176, %div3A_155 : i32
        %jit3A_178 = arith.constant 4 : i32
        %eq3A_179 = arith.constant 0 : i32
        %eq3A_180 = arith.cmpi eq, %jit3A_178, %eq3A_179 : i32
        %jit3A_181 = arith.constant 1 : i32
        %select_n3A_182 = arith.select %eq3A_180, %jit3A_181, %jit3A_178 : i32
        %rem3A_183 = arith.remsi %scan3A_30, %select_n3A_182 : i32
        %ne3A_184 = arith.constant 0 : i32
        %ne3A_185 = arith.cmpi ne, %rem3A_183, %ne3A_184 : i32
        %lt3A_186 = arith.constant 0 : i32
        %lt3A_187 = arith.cmpi slt, %rem3A_183, %lt3A_186 : i32
        %lt3A_188 = arith.constant 0 : i32
        %lt3A_189 = arith.cmpi slt, %select_n3A_182, %lt3A_188 : i32
        %ne3A_190 = arith.xori %lt3A_187, %lt3A_189 : i1
        %and3A_191 = arith.andi %ne3A_190, %ne3A_185 : i1
        %add3A_192 = arith.addi %rem3A_183, %select_n3A_182 : i32
        %select_n3A_193 = arith.select %and3A_191, %add3A_192, %rem3A_183 : i32
        %mul3A_194 = arith.constant 4096 : i32
        %mul3A_195 = arith.muli %select_n3A_177, %mul3A_194 : i32
        %add3A_196 = arith.addi %mul3A_195, %mul3A_2 : i32
        %mul3A_197 = arith.constant 32 : i32
        %mul3A_198 = arith.muli %select_n3A_193, %mul3A_197 : i32
        %add3A_199 = arith.addi %add3A_196, %mul3A_198 : i32
        %dma_start3A_200 = arith.constant 0 : i32
        %dma_start3A_201 = tpu.memref_slice %arg4[%add3A_199, %dma_start3A_200] : memref<32768x512xf32, #tpu.memory_space<hbm>> -> memref<32x512xf32, #tpu.memory_space<hbm>>
        %dma_start3A_202 = arith.constant 0 : i32
        %dma_start3A_203 = tpu.memref_slice %arg4[%add3A_199, %dma_start3A_202] : memref<32768x512xf32, #tpu.memory_space<hbm>> -> memref<32x512xf32, #tpu.memory_space<hbm>>
        tpu.enqueue_dma source(%arg9 : memref<32x512xf32, #tpu.memory_space<vmem>>) target(%dma_start3A_203 : memref<32x512xf32, #tpu.memory_space<hbm>>) target_semaphore(%arg13 : memref<!tpu.dma_semaphore, #tpu.memory_space<semaphore_mem>>)
      } else {
      }
    }
    %scan3A_14 = arith.constant 32 : i32
    %add3A_15 = arith.constant 28672 : i32
    %add3A_16 = arith.addi %add3A_15, %mul3A_2 : i32
    %add3A_17 = arith.constant 64 : i32
    %add3A_18 = arith.addi %add3A_16, %add3A_17 : i32
    %dma_wait3A = arith.constant 0 : i32
    %dma_wait3A_19 = tpu.memref_slice %arg4[%add3A_18, %dma_wait3A] : memref<32768x512xf32, #tpu.memory_space<hbm>> -> memref<32x512xf32, #tpu.memory_space<hbm>>
    %dma_wait3A_20 = arith.constant 0 : i32
    %dma_wait3A_21 = tpu.memref_slice %arg4[%add3A_18, %dma_wait3A_20] : memref<32768x512xf32, #tpu.memory_space<hbm>> -> memref<32x512xf32, #tpu.memory_space<hbm>>
    tpu.wait_dma2 semaphore(%arg12 : memref<!tpu.dma_semaphore, #tpu.memory_space<semaphore_mem>>) src(%arg8 : memref<32x512xf32, #tpu.memory_space<vmem>>) dst(%dma_wait3A_21 : memref<32x512xf32, #tpu.memory_space<hbm>>)
    %add3A_22 = arith.constant 28672 : i32
    %add3A_23 = arith.addi %add3A_22, %mul3A_2 : i32
    %add3A_24 = arith.constant 96 : i32
    %add3A_25 = arith.addi %add3A_23, %add3A_24 : i32
    %dma_wait3A_26 = arith.constant 0 : i32
    %dma_wait3A_27 = tpu.memref_slice %arg4[%add3A_25, %dma_wait3A_26] : memref<32768x512xf32, #tpu.memory_space<hbm>> -> memref<32x512xf32, #tpu.memory_space<hbm>>
    %dma_wait3A_28 = arith.constant 0 : i32
    %dma_wait3A_29 = tpu.memref_slice %arg4[%add3A_25, %dma_wait3A_28] : memref<32768x512xf32, #tpu.memory_space<hbm>> -> memref<32x512xf32, #tpu.memory_space<hbm>>
    tpu.wait_dma2 semaphore(%arg13 : memref<!tpu.dma_semaphore, #tpu.memory_space<semaphore_mem>>) src(%arg9 : memref<32x512xf32, #tpu.memory_space<vmem>>) dst(%dma_wait3A_29 : memref<32x512xf32, #tpu.memory_space<hbm>>)
    return
  }
}

module attributes {stable_mosaic.version = 14 : i64} {
  func.func @_index_body(%arg0: i32, %arg1: memref<1x4096x512xf32, #tpu.memory_space<vmem>>, %arg2: memref<1x1x512xi32, #tpu.memory_space<vmem>>) attributes {dimension_semantics = [#tpu.dimension_semantics<arbitrary>], iteration_bounds = array<i64: 8>, scalar_prefetch = 0 : i64, scratch_operands = 0 : i64, tpu.core_type = #tpu.core_type<tc>, window_params = [{transform_indices = @transform_0, window_bounds = array<i64: 1, 4096, 512>}, {transform_indices = @transform_1, window_bounds = array<i64: 1, 1, 512>}]} {
    %get3A = arith.constant 0 : index
    %get3A_0 = arith.constant 0 : index
    %get3A_1 = arith.constant 0 : index
    %get3A_2 = vector.load %arg1[%get3A, %get3A_0, %get3A_1] : memref<1x4096x512xf32, #tpu.memory_space<vmem>>, vector<1x4096x512xf32>
    %get3A_3 = vector.shape_cast %get3A_2 : vector<1x4096x512xf32> to vector<4096x512xf32>
    %reduce_sum3A = arith.constant dense<0.000000e+00> : vector<512xf32>
    %reduce_sum3A_4 = vector.multi_reduction <add>, %get3A_3, %reduce_sum3A [0] : vector<4096x512xf32> to vector<512xf32>
    %broadcast_in_dim3A = vector.shape_cast %reduce_sum3A_4 : vector<512xf32> to vector<1x512xf32>
    %iota3A = tpu.iota {dimensions = array<i32: 1>} : vector<1x512xi32>
    %convert_element_type3A = arith.sitofp %iota3A : vector<1x512xi32> to vector<1x512xf32>
    %mul3A = arith.mulf %broadcast_in_dim3A, %convert_element_type3A : vector<1x512xf32>
    %reduce_sum3A_5 = vector.shape_cast %mul3A : vector<1x512xf32> to vector<1x1x512xf32>
    %reduce_sum3A_6 = arith.constant dense<0.000000e+00> : vector<1xf32>
    %reduce_sum3A_7 = vector.multi_reduction <add>, %reduce_sum3A_5, %reduce_sum3A_6 [1, 2] : vector<1x1x512xf32> to vector<1xf32>
    %reduce_sum3A_8 = vector.shape_cast %reduce_sum3A_7 : vector<1xf32> to vector<1x1x1xf32>
    %reduce_sum3A_9 = vector.extract %reduce_sum3A_8[0, 0, 0] : f32 from vector<1x1x1xf32>
    %reduce_sum3A_10 = vector.shape_cast %broadcast_in_dim3A : vector<1x512xf32> to vector<1x1x512xf32>
    %reduce_sum3A_11 = arith.constant dense<0.000000e+00> : vector<1xf32>
    %reduce_sum3A_12 = vector.multi_reduction <add>, %reduce_sum3A_10, %reduce_sum3A_11 [1, 2] : vector<1x1x512xf32> to vector<1xf32>
    %reduce_sum3A_13 = vector.shape_cast %reduce_sum3A_12 : vector<1xf32> to vector<1x1x1xf32>
    %reduce_sum3A_14 = vector.extract %reduce_sum3A_13[0, 0, 0] : f32 from vector<1x1x1xf32>
    %div3A = arith.divf %reduce_sum3A_9, %reduce_sum3A_14 : f32
    %div3A_15 = arith.constant 2.560000e+02 : f32
    %div3A_16 = arith.divf %div3A, %div3A_15 : f32
    %mul3A_17 = vector.broadcast %div3A_16 : f32 to vector<1x512xf32>
    %mul3A_18 = arith.mulf %mul3A_17, %convert_element_type3A : vector<1x512xf32>
    %convert_element_type3A_19 = arith.fptosi %mul3A_18 : vector<1x512xf32> to vector<1x512xi32>
    %jit3A = arith.constant 0 : i32
    %jit3A_20 = arith.constant 511 : i32
    %max3A = vector.broadcast %jit3A : i32 to vector<1x512xi32>
    %max3A_21 = arith.maxsi %max3A, %convert_element_type3A_19 : vector<1x512xi32>
    %min3A = vector.broadcast %jit3A_20 : i32 to vector<1x512xi32>
    %min3A_22 = arith.minsi %min3A, %max3A_21 : vector<1x512xi32>
    %swap3A = arith.constant 0 : index
    %swap3A_23 = arith.constant 0 : index
    %swap3A_24 = arith.constant 0 : index
    %swap3A_25 = vector.load %arg2[%swap3A, %swap3A_23, %swap3A_24] : memref<1x1x512xi32, #tpu.memory_space<vmem>>, vector<1x1x512xi32>
    %swap3A_26 = vector.shape_cast %swap3A_25 : vector<1x1x512xi32> to vector<1x512xi32>
    %swap3A_27 = vector.shape_cast %min3A_22 : vector<1x512xi32> to vector<1x1x512xi32>
    tpu.vector_store %arg2[%swap3A, %swap3A_23, %swap3A_24], %swap3A_27 {strides = array<i32>} : memref<1x1x512xi32, #tpu.memory_space<vmem>>, vector<1x1x512xi32>,
    return
  }
  func.func @transform_0(%arg0: i32) -> (i32, i32, i32) {
    %c0_i32 = arith.constant 0 : i32
    %c0_i32_0 = arith.constant 0 : i32
    %c0_i32_1 = arith.constant 0 : i32
    return %arg0, %c0_i32, %c0_i32_0 : i32, i32, i32
  }
  func.func @transform_1(%arg0: i32) -> (i32, i32, i32) {
    %c0_i32 = arith.constant 0 : i32
    %c0_i32_0 = arith.constant 0 : i32
    %c0_i32_1 = arith.constant 0 : i32
    return %arg0, %c0_i32, %c0_i32_0 : i32, i32, i32
  }
}

</mosaic_0001>

<sc_bundles>
// kernel: kernel.4.cloned.1.call-start
scs
__scs_entry_jumppad:
0x0: {  	(pc) =	sbr.rel $0x88, $3  }
0x1: {  	(tag) =	ssettag $0x0;
	lr =	simm.s32 $0x1  }
0x2: {  	[smem:$0x3FA0] =	sst lr;
	_ =	strace $0xD0000000  }
0x3: {  	_ = 	snop  }
0x4: {  	_ = 	snop  }
0x5: {  	_ = 	snop  }
0x6: {  	_ = 	snop  }
0x7: {  	_ = 	snop  }
__scs_overlays_trampoline_lowered:
0x8: {  	[smem:$0x3FAF] =	sst s0  }
0x9: {  	[smem:$0x3FB0] =	sst s1  }
0xa: {  	[smem:$0x3FB1] =	sst s2  }
0xb: {  	[smem:$0x3FB2] =	sst s3  }
0xc: {  	[smem:$0x3FB3] =	sst s4  }
0xd: {  	[smem:$0x3FB4] =	sst s5  }
0xe: {  	[smem:$0x3FB5] =	sst s6  }
0xf: {  	[smem:$0x3FB6] =	sst s7  }
0x10: {  	[smem:$0x3FB7] =	sst s8  }
0x11: {  	[smem:$0x3FB8] =	sst s9;
	s0 =	simm.s32 @!p0 $0x0  }
0x12: {  	s1 =	sld [smem:$0x3F9E];
	s0 =	simm.s32 @p0 $0x1  }
0x13: {  	[smem:$0x3FB9] =	sst s0;
	s0 =	simm.s32 @!p1 $0x0  }
0x14: {  	s2 =	sld [smem:$0x3F9D];
	s0 =	simm.s32 @p1 $0x1  }
0x15: {  	[smem:$0x3FBA] =	sst s0;
	s0 =	simm.s32 @!p2 $0x0  }
0x16: {  	s3 =	sld [smem:$0x3FDB];
	s0 =	simm.s32 @p2 $0x1  }
0x17: {  	s4 =	simm.s32 $0x1BF5;
	[smem:$0x3FBC] =	sst s0  }
0x18: {  	s0 =	sld [smem:$0x3F9F];
	_ =	swait.ge [sflag:s4], $0x0  }
0x19: {  	s7 =	sld [smem:$0x3FA0]  }
0x1a: {  	s8 =	sadd.s32 $0xFFFFE003, lr  }
0x1b: {  	s9 =	sadd.s32 $0xFFFFFEF7, lr;
	s5 =	simm.s32 $0xFFFFFFFF;
	p2 =	slt.u32 s8, $0xFFFFF086  }
0x1c: {  	p1 =	slt.u32 s9, $0xF7A;
	s5 =	simm.s32 @!p2 $0x0  }
0x1d: {  	s5 =	simm.s32 @p1 $0x1;
	p0 =	seq.s32 s7, s2  }
0x1e: {  	s7 =	smul.u32 @!p0 $0xF7A, s2;
	p2 =	seq.s32 @!p0 s5, $0x0  }
0x1f: {  	s9 =	smul.u32 $0xF7A, s1;
	s8 =	simm.s32 @!p0 $0x1BF5;
	p2 =	por !p2, p0  }
0x20: {  	[sflag:s8] =	ssyncset.s32 @!p0 $0xFFFFF086;
	s6 =	sadd.s32 @!p0 s3, s7;
	s7 =	simm.s32 @!p0 $0x108  }
0x21: {  	s3 =	sadd.s32 s3, s9;
	s6 =	sadd.s32 @!p0 $0x88, s6;
	s7 =	simm.s32 @p2 $0x1082  }
0x22: {  	[simem:s7], [sflag:s8] =	dma.local @!p0 [hbm:s6], $0xF7A  }
0x23: {  	s9 =	sor.u32 $0xD0000000, s2;
	s6 =	simm.s32 $0x108;
	_ =	swait.ge @!p0 [sflag:s8], $0x0  }
0x24: {  	s3 =	sadd.s32 $0x88, s3;
	s6 =	simm.s32 @!p1 $0x1082;
	[sflag:s4] =	ssyncset.s32 $0xFFFFF086  }
0x25: {  	[simem:s6], [sflag:s4] =	dma.local [hbm:s3], $0xF7A  }
0x26: {  	[smem:$0x3FA0] =	sst s1;
	(tag) =	ssettag s2;
	_ =	strace s9  }
0x27: {  	s1 =	sld [smem:$0x3FB0]  }
0x28: {  	s2 =	sld [smem:$0x3FB1]  }
0x29: {  	s4 =	sld [smem:$0x3FB3]  }
0x2a: {  	p0 =	seq.s32 s5, $0x0;
	s5 =	sld [smem:$0x3FB4]  }
0x2b: {  	s6 =	sld [smem:$0x3FB5]  }
0x2c: {  	s7 =	sld [smem:$0x3FB6]  }
0x2d: {  	s3 =	simm.s32 $0x108;
	s8 =	sld [smem:$0x3FB7]  }
0x2e: {  	s3 =	simm.s32 @!p0 $0x1082;
	s9 =	sld [smem:$0x3FB8]  }
0x2f: {  	lr =	sadd.s32 s0, s3;
	s0 =	sld [smem:$0x3FAF]  }
0x30: {  	s3 =	sld [smem:$0x3FB2]  }
0x31: {  	[smem:$0x3FBB] =	sst s10  }
0x32: {  	s10 =	sld [smem:$0x3FB9];
	_ =	sdelay $0x3  }
0x33: {  	p0 =	seq.s32 s10, $0x1;
	s10 =	sld [smem:$0x3FBB];
	_ =	sdelay $0x3  }
0x34: {  	[smem:$0x3FBB] =	sst s10  }
0x35: {  	s10 =	sld [smem:$0x3FBA];
	_ =	sdelay $0x3  }
0x36: {  	p1 =	seq.s32 s10, $0x1;
	s10 =	sld [smem:$0x3FBB];
	_ =	sdelay $0x3  }
0x37: {  	[smem:$0x3FBB] =	sst s10  }
0x38: {  	s10 =	sld [smem:$0x3FBC]  }
0x39: {  	_ = 	snop;
	(pc) =	sbr.ind lr, $3  }
0x3a: {  	_ = 	snop  }
0x3b: {  	_ = 	snop  }
0x3c: {  	p2 =	seq.s32 s10, $0x1;
	s10 =	sld [smem:$0x3FBB]  }
0x3d: {  	_ =	shalt  }
0x3e: {  	_ =	shalt  }
0x3f: {  	_ =	shalt  }
0x40: {  	_ =	shalt  }
0x41: {  	_ =	shalt  }
0x42: {  	_ =	shalt  }
0x43: {  	_ =	shalt  }
0x44: {  	_ =	shalt  }
0x45: {  	_ =	shalt  }
0x46: {  	_ =	shalt  }
0x47: {  	_ =	shalt  }
0x48: {  	_ =	shalt  }
0x49: {  	_ =	shalt  }
0x4a: {  	_ =	shalt  }
0x4b: {  	_ =	shalt  }
0x4c: {  	_ =	shalt  }
0x4d: {  	_ =	shalt  }
0x4e: {  	_ =	shalt  }
0x4f: {  	_ =	shalt  }
0x50: {  	_ =	shalt  }
0x51: {  	_ =	shalt  }
0x52: {  	_ =	shalt  }
0x53: {  	_ =	shalt  }
0x54: {  	_ =	shalt  }
0x55: {  	_ =	shalt  }
0x56: {  	_ =	shalt  }
0x57: {  	_ =	shalt  }
0x58: {  	_ =	shalt  }
0x59: {  	_ =	shalt  }
0x5a: {  	_ =	shalt  }
0x5b: {  	_ =	shalt  }
0x5c: {  	_ =	shalt  }
0x5d: {  	_ =	shalt  }
0x5e: {  	_ =	shalt  }
0x5f: {  	_ =	shalt  }
0x60: {  	_ =	shalt  }
0x61: {  	_ =	shalt  }
0x62: {  	_ =	shalt  }
0x63: {  	_ =	shalt  }
0x64: {  	_ =	shalt  }
0x65: {  	_ =	shalt  }
0x66: {  	_ =	shalt  }
0x67: {  	_ =	shalt  }
0x68: {  	_ =	shalt  }
0x69: {  	_ =	shalt  }
0x6a: {  	_ =	shalt  }
0x6b: {  	_ =	shalt  }
0x6c: {  	_ =	shalt  }
0x6d: {  	_ =	shalt  }
0x6e: {  	_ =	shalt  }
0x6f: {  	_ =	shalt  }
0x70: {  	_ =	shalt  }
0x71: {  	_ =	shalt  }
0x72: {  	_ =	shalt  }
0x73: {  	_ =	shalt  }
0x74: {  	_ =	shalt  }
0x75: {  	_ =	shalt  }
0x76: {  	_ =	shalt  }
0x77: {  	_ =	shalt  }
0x78: {  	_ =	shalt  }
0x79: {  	_ =	shalt  }
0x7a: {  	_ =	shalt  }
0x7b: {  	_ =	shalt  }
0x7c: {  	_ =	shalt  }
0x7d: {  	_ =	shalt  }
0x7e: {  	_ =	shalt  }
0x7f: {  	_ =	shalt  }
0x80: {  	_ =	shalt  }
0x81: {  	_ =	shalt  }
0x82: {  	_ =	shalt  }
0x83: {  	_ =	shalt  }
0x84: {  	_ =	shalt  }
0x85: {  	_ =	shalt  }
0x86: {  	_ =	shalt  }
0x87: {  	_ =	shalt  }
.Lfunc_end0:
.L_simem_size_0:
called_computation_lowered:
.L_overlay_start_0:
0x88: {  	s2 =	sld [smem:$0x3FD9]  }
0x89: {  	s3 =	sld [smem:$0x3FFE];
	_ =	sdelay $0x1  }
0x8a: {  	s1 =	srdreg.scid  }
0x8b: {  	s0 =	sand.u32 $0x1, s1  }
0x8c: {  	s17 =	sshll.u32 s0, $0xA;
	s2 =	sadd.s32 s3, s2  }
0x8d: {  	s2 =	sadd.s32 s2, s17  }
0x8e: {  	[smem:$0x3FC7] =	sst s2  }
0x8f: {  	_ = 	snop  }
0x90: {  	s2 =	sld [smem:$0x3FC9]  }
0x91: {  	s18 =	sld [smem:$0x3FD0];
	(tm) =	ssettm $0x1  }
0x92: {  	s4 =	sld [smem:$0x3FFB];
	_ =	sdelay $0x3  }
0x93: {  	_ =	strace s4  }
0x94: {  	s4 =	sld [smem:$0x3FFC];
	_ =	sdelay $0x3  }
0x95: {  	_ =	strace s4  }
0x96: {  	s4 =	sld [smem:$0x3FFD];
	_ =	sdelay $0x3  }
0x97: {  	_ =	strace s4  }
0x98: {  	_ =	strace $0x8FFFFFFF  }
0x99: {  	s19 =	sld [smem:$0x3FDB];
	_ =	sdelay $0x1  }
0x9a: {  	s5 =	simm.s32 $_scs_section_size  }
0x9b: {  	s6 =	simm.s32 $_size__tile_overlayer_lowered;
	s7 =	simm.s32 $_tile_overlayer_lowered  }
0x9c: {  	s22 =	simm.s32 $0x1BFF;
	s21 =	sshll.u32 s7, $0x1;
	s4 =	sadd.s32 s5, s19  }
0x9d: {  	s8 =	simm.s32 $0x0;
	s20 =	sshll.u32 s6, $0x1;
	s6 =	sadd.s32 s21, s4  }
0x9e: {  	[timem:s8], [sflag:s22] =	dma.local [hbm:s6], s20  }
0x9f: {  	_ =	swait.ge [sflag:s22], s20  }
0xa0: {  	s5 =	ssub.s32 $0x0, s20;
	[sflag:s22] =	ssyncset.done $0x0  }
0xa1: {  	[sflag:s22] =	ssyncadd.s32 s5;
	_ =	sdelay $0x1  }
0xa2: {  	s23 =	simm.s32 $0x1B8B  }
0xa3: {  	_ =	swait.ge [sflag:s23], $0x1  }
0xa4: {  	[sflag:s23] =	ssyncset.done $0x0  }
0xa5: {  	s25 =	simm.s32 $0x1B8E;
	s24 =	sld [smem:$0x3FFE];
	[sflag:s23] =	ssyncadd.s32 $0xFFFFFFFF  }
0xa6: {  	s26 =	simm.s32 $execute0_lowered;
	[smem:$0x3FD2] =	sst s25  }
0xa7: {  	s6 =	sshll.u32 s26, $0x1;
	_ =	strace $0x80000046;
	[dreg:$0x1] =	wrdreg $0xFFFFFFFF  }
0xa8: {  	s28 =	simm.s32 $_size_execute0_lowered;
	s4 =	sadd.s32 s4, s6;
	[dreg:$0x0] =	wrdreg $0x0  }
0xa9: {  	s6 =	sshll.u32 s28, $0x1;
	[dreg:$0x2] =	wrdreg s4  }
0xaa: {  	[dreg:$0x3] =	wrdreg s6  }
0xab: {  	[dreg:$0x4] =	wrdreg $0xC0  }
0xac: {  	_ =	task [dreg:s8], $0x5FFFF  }
0xad: {  	[dreg:$0x1] =	wrdreg $0xFFFFFFFF  }
0xae: {  	[dreg:$0x0] =	wrdreg $0x60  }
0xaf: {  	[dreg:$0x2] =	wrdreg s2  }
0xb0: {  	[dreg:$0x3] =	wrdreg s24  }
0xb1: {  	[dreg:$0x4] =	wrdreg s18  }
0xb2: {  	[dreg:$0x5] =	wrdreg $0x9  }
0xb3: {  	_ =	task.clear_ibuf [dreg:s8], $0x6FFFF;
	_ =	strace $0x90000046  }
0xb4: {  	s29 =	simm.s32 $0x9;
	_ =	strace $0x80000048  }
0xb5: {  	_ =	swait.ge [sflag:s29], $0x1  }
0xb6: {  	[sflag:s29] =	ssyncadd.s32 $0xFFFFFFFF  }
0xb7: {  	_ =	strace $0x90000048  }
0xb8: {  	_ =	sfence  }
0xb9: {  	s30 =	sld [smem:$0x0];
	_ =	sdelay $0x2  }
0xba: {  	s31 =	sshll.u32 s1, $0xD;
	s1 =	sshrl.u32 s1, $0x2  }
0xbb: {  	s3 =	sand.u32 $0x4000, s31;
	s1 =	sadd.s32 s1, s30  }
0xbc: {  	s0 =	sor.u32 s3, s0;
	s1 =	sshll.u32 s1, $0x11  }
0xbd: {  	s0 =	sor.u32 s1, s0  }
0xbe: {  	s0 =	sadd.s32 $0x8F2B, s0  }
0xbf: {  	[sflag:s0] =	ssyncadd.remote.s32 $0x1  }
0xc0: {  	_ =	sfence.sel $0xFFFF  }
0xc1: {  	[dreg:$0x0] =	wrdreg $0xFFFFFFFF;
	(pc) =	sbr.abs _section_cstart, $3  }
0xc2: {  	[dreg:$0x1] =	wrdreg $0xFFFFFFFF  }
0xc3: {  	_ =	task.clear_ibuf [dreg:s8], $0x2FFFF;
	_ =	strace $0x9FFFFFFF  }
0xc4: {  	(tm) =	ssettm $0x7FFFFFFF  }
0xc5: {  	_ =	shalt  }
tec
execute0_lowered:
.L_overlay_start_1:
0x0: {  	(tag) =	ssettag $0x1  }
0x1: {  	s5 =	rddreg [dreg:$0x0]  }
0x2: {  	s0 =	rddreg [dreg:$0x1];
	s2 =	simm.s32 $0x0;
	s1 =	srdreg.scid  }
0x3: {  	s3 =	stileid.u32;
	s31 =	simm.s32 $0x0;
	[smem:$0x7FF] =	sst s2  }
0x4: {  	s1 =	sand.u32 $0x1, s1;
	s3 =	sshll.u32 s3, $0x8;
	s0 =	sadd.s32 $0x600, s0  }
0x5: {  	s29 =	ssub.s32 $0x2, s1;
	s1 =	sshll.u32 s1, $0x7;
	_ =	strace $0x80000047  }
.Ltmp0:
0x6: {  	[dreg:$0x7] =	wrdreg s0;
	s1 =	sor.u32 s1, s3;
	(pc) =	sbr.rel .LBB2_1-.Ltmp0, $4  }
0x7: {  	s4 =	sshrl.u32 s29, $0x1;
	[dreg:$0x6] =	wrdreg s1;
	s1 =	sshll.u32 s1, $0x6  }
0x8: {  	[dreg:$0xa] =	wrdreg s31;
	s30 =	ssub.s32 s29, s4;
	s1 =	sadd.s32 s5, s1  }
0x9: {  	s0 =	smax.u32 s30, $0x1;
	[dreg:$0x8] =	wrdreg s1  }
0xa: {  	s10 =	simm.s32 $0x1000;
	s13 =	simm.s32 $0x5000;
	[dreg:$0x9] =	wrdreg s0  }
.LBB2_10:
0xb: {  	s0 =	simm.s32 $0x3  }
0xc: {  	_ =	swait.ge [sflag:s0], $0x4000  }
0xd: {  	[sflag:s0] =	ssyncset.done $0x0  }
0xe: {  	s1 =	simm.s32 $0x4;
	[sflag:s0] =	ssyncadd.s32 $0xFFFFC000  }
0xf: {  	_ =	swait.ge [sflag:s1], $0x4000  }
0x10: {  	s2 =	rddreg [dreg:$0xa]  }
0x11: {  	s31 =	rddreg [dreg:$0x9];
	s2 =	sadd.s32 $0x1, s2  }
0x12: {  	p0 =	sne.s32 s2, s31  }
.Ltmp1:
0x13: {  	_ = 	snop;
	(pc) =	sbr.rel @!p0 .LBB2_11-.Ltmp1, $3  }
0x14: {  	_ =	sdelay $0x1  }
0x15: {  	[sflag:s1] =	ssyncset.done $0x0  }
0x16: {  	[sflag:s1] =	ssyncadd.s32 $0xFFFFC000;
	[dreg:$0xa] =	wrdreg s2  }
.LBB2_1:
0x17: {  	s0 =	simm.s32 $0x0;
	s1 =	rddreg [dreg:$0x7]  }
0x18: {  	[tilespmem:s0], [sflag:$0x5] =	stream.linear.gather [hbm4b:s1+s0], $0x1000, $0x38;
	[tilespmem:$0x11000] =	vst v63  }
.Ltmp2:
0x19: {  	s30 =	simm.s32 $0x5;
	(pc) =	sbr.rel .LBB2_2-.Ltmp2, $4  }
0x1a: {  	_ =	swait.ge [sflag:s30], $0x1000  }
0x1b: {  	[sflag:s30] =	ssyncset.done $0x0  }
0x1c: {  	s3 =	simm.s32 $0x0;
	s31 =	rddreg [dreg:$0x8];
	[sflag:s30] =	ssyncadd.s32 $0xFFFFF000  }
0x1d: {  	[tilespmem:s10], [sflag:$0x1] =	stream.linear.gather [hbm4b:s31+s0], $0x4000, $0x38;
	[tilespmem:$0x11000] =	vst v63  }
.LBB2_9:
0x1e: {  	s3 =	sadd.s32 $0x1, s3  }
0x1f: {  	p0 =	sne.s32 s3, $0x20  }
.Ltmp3:
0x20: {  	_ = 	snop;
	(pc) =	sbr.rel @!p0 .LBB2_10-.Ltmp3, $1  }
0x21: {  	_ =	sdelay $0x3  }
.LBB2_2:
0x22: {  	s0 =	sand.u32 $0x1, s3  }
0x23: {  	p0 =	seq.s32 s0, $0x1  }
.Ltmp4:
0x24: {  	_ = 	snop;
	(pc) =	sbr.rel @p0 .LBB2_6-.Ltmp4, $2  }
0x25: {  	_ =	sdelay $0x2  }
0x26: {  	[dreg:$0xb] =	wrdreg s3  }
0x27: {  	[dreg:$0xc] =	wrdreg s0;
	s22 =	sshll.u32 s3, $0x5;
	s1 =	sshll.u32 s3, $0xA  }
0x28: {  	p0 =	slt.u32 s3, $0x2;
	s24 =	rddreg [dreg:$0x6];
	s2 =	sand.u32 $0x40, s22  }
0x29: {  	s23 =	sand.u32 $0x7000, s1;
	s1 =	simm.s32 @!p0 $0x3;
	[dreg:$0xd] =	wrdreg s2  }
0x2a: {  	s26 =	simm.s32 $0x1;
	s0 =	sor.u32 s23, s2;
	_ =	swait.ge @!p0 [sflag:s1], $0x4000  }
0x2b: {  	s28 =	sshll.u32 s3, $0x7;
	s0 =	sor.u32 s24, s0;
	[sflag:s1] =	ssyncset.done @!p0 $0x0  }
0x2c: {  	s30 =	sshrl.u32 s3, $0x2;
	s0 =	sshll.u32 s0, $0x6;
	s25 =	rddreg [dreg:$0x0]  }
0x2d: {  	s31 =	simm.s32 $0x0;
	s29 =	simm.s32 $0x0;
	s0 =	sadd.s32 s0, s25  }
0x2e: {  	s22 =	simm.s32 $0x0;
	[sflag:s1] =	ssyncadd.s32 @!p0 $0xFFFFC000;
	s0 =	sadd.s32 $0x800, s0  }
0x2f: {  	[tilespmem:s13], [sflag:$0x2] =	stream.linear.gather [hbm4b:s0+s22], $0x4000, $0x38;
	[tilespmem:$0x11000] =	vst v63  }
0x30: {  	s0 =	sand.u32 $0x3FFFFE00, s28;
	_ =	swait.ge [sflag:s26], $0x4000;
	[dreg:$0xf] =	wrdreg s30  }
0x31: {  	p0 =	por $0x0, $0x0;
	[dreg:$0x4] =	wrdreg s0;
	[sflag:s26] =	ssyncset.done $0x0  }
0x32: {  	[dreg:$0x10] =	wrdreg s31;
	[sflag:s26] =	ssyncadd.s32 $0xFFFFC000;
	s26 =	simm.s32 $0x0  }
.LBB2_4:
0x33: {  	s1 =	rddreg [dreg:$0x4];
	s2 =	sand.u32 $0x180, s22  }
0x34: {  	s0 =	sand.u32 $0x40, s22;
	s24 =	sadd.s32 s2, s1  }
0x35: {  	s1 =	sadd.s32 s0, s24  }
0x36: {  	v0 =	vld [tilespmem:s1+$0x0];
	_ =	sdelay $0x4  }
0x37: {  	v1 =	vshll.u32 v0, $0x3  }
0x38: {  	v0 =	vand.u32 $0x7F, v0;
	v1 =	vand.u32 $0xFFFFFC00, v1  }
0x39: {  	v0 =	vor.u32 v0, v1  }
0x3a: {  	v1 =	vor.u32 $0x80, v0  }
0x3b: {  	v2 =	vor.u32 $0x100, v0  }
0x3c: {  	v3 =	vor.u32 $0x180, v0  }
0x3d: {  	v4 =	vor.u32 $0x200, v0  }
0x3e: {  	v6 =	vor.u32 $0x280, v0;
	v5 =	vld.idx.msk [tilespmem:v0+s10+$0x0], $0xffff  }
0x3f: {  	v7 =	vor.u32 $0x300, v0;
	v1 =	vld.idx.msk [tilespmem:v1+s10+$0x0], $0xffff  }
0x40: {  	v8 =	vor.u32 $0x380, v0;
	v2 =	vld.idx.msk [tilespmem:v2+s10+$0x0], $0xffff  }
0x41: {  	v3 =	vld.idx.msk [tilespmem:v3+s10+$0x0], $0xffff  }
0x42: {  	s1 =	sand.u32 $0xC00, s26;
	v4 =	vld.idx.msk [tilespmem:v4+s10+$0x0], $0xffff  }
0x43: {  	s3 =	sor.u32 $0x9000, s1;
	v6 =	vld.idx.msk [tilespmem:v6+s10+$0x0], $0xffff  }
0x44: {  	s2 =	simm.s32 $0x1;
	[dreg:$0x1a] =	wrdreg s3;
	s3 =	sor.u32 s0, s3;
	v7 =	vld.idx.msk [tilespmem:v7+s10+$0x0], $0xffff  }
0x45: {  	s2 =	simm.s32 @!p0 $0x0;
	v8 =	vld.idx.msk [tilespmem:v8+s10+$0x0], $0xffff;
	[tilespmem:s3+$0x0] =	vst v5  }
0x46: {  	s2 =	sshll.u32 s2, $0x6;
	[tilespmem:s3+$0x80] =	vst v1  }
0x47: {  	s2 =	sadd.s32 s2, s26;
	[tilespmem:s3+$0x100] =	vst v2  }
0x48: {  	s28 =	sor.u32 $0x200, s2;
	v56 =	vadd.s32 $0x1000, v0;
	[tilespmem:s3+$0x180] =	vst v3  }
0x49: {  	s30 =	sor.u32 $0x280, s2;
	v57 =	vadd.s32 $0x1080, v0;
	[tilespmem:s28+$0x9000] =	vst v4  }
0x4a: {  	s31 =	sor.u32 s22, s26;
	s2 =	sor.u32 $0x300, s2;
	v58 =	vadd.s32 $0x1100, v0;
	[tilespmem:s30+$0x9000] =	vst v6  }
0x4b: {  	s4 =	sor.u32 $0x380, s31;
	v59 =	vadd.s32 $0x1180, v0;
	[tilespmem:s2+$0x9000] =	vst v7  }
0x4c: {  	v60 =	vadd.s32 $0x1200, v0;
	[tilespmem:s4+$0x9000] =	vst v8  }
0x4d: {  	v61 =	vadd.s32 $0x1280, v0;
	v1 =	vld.idx.msk [tilespmem:v56+s10+$0x0], $0xffff  }
0x4e: {  	v62 =	vadd.s32 $0x1300, v0;
	v2 =	vld.idx.msk [tilespmem:v57+s10+$0x0], $0xffff  }
0x4f: {  	v63 =	vadd.s32 $0x1380, v0;
	v3 =	vld.idx.msk [tilespmem:v58+s10+$0x0], $0xffff  }
0x50: {  	v4 =	vld.idx.msk [tilespmem:v59+s10+$0x0], $0xffff  }
0x51: {  	v5 =	vld.idx.msk [tilespmem:v60+s10+$0x0], $0xffff  }
0x52: {  	s5 =	sor.u32 $0xA000, s1;
	v6 =	vld.idx.msk [tilespmem:v61+s10+$0x0], $0xffff  }
0x53: {  	s6 =	sor.u32 $0xA080, s1;
	s2 =	sor.u32 s0, s5;
	v7 =	vld.idx.msk [tilespmem:v62+s10+$0x0], $0xffff  }
0x54: {  	s7 =	sor.u32 s0, s6;
	s28 =	sor.u32 $0xA100, s1;
	v8 =	vld.idx.msk [tilespmem:v63+s10+$0x0], $0xffff;
	[tilespmem:s2+$0x0] =	vst v1  }
0x55: {  	s15 =	sor.u32 $0xA180, s1;
	s8 =	sor.u32 s0, s28;
	[tilespmem:s7+$0x0] =	vst v2  }
0x56: {  	s16 =	sor.u32 $0xA200, s1;
	s9 =	sor.u32 s0, s15;
	[tilespmem:s8+$0x0] =	vst v3  }
0x57: {  	s11 =	sor.u32 s0, s16;
	v12 =	vadd.s32 $0x2000, v0;
	[tilespmem:s9+$0x0] =	vst v4;
	s9 =	sor.u32 $0xA280, s1  }
0x58: {  	v13 =	vadd.s32 $0x2080, v0;
	s8 =	sor.u32 $0xA300, s1;
	[tilespmem:s11+$0x0] =	vst v5;
	s12 =	sor.u32 s0, s9  }
0x59: {  	v14 =	vadd.s32 $0x2100, v0;
	s7 =	sor.u32 $0xA380, s1;
	s14 =	sor.u32 s0, s8;
	[tilespmem:s12+$0x0] =	vst v6  }
0x5a: {  	v15 =	vadd.s32 $0x2180, v0;
	s17 =	sor.u32 s0, s7;
	[tilespmem:s14+$0x0] =	vst v7  }
0x5b: {  	v16 =	vadd.s32 $0x2200, v0;
	[tilespmem:s17+$0x0] =	vst v8  }
0x5c: {  	v17 =	vadd.s32 $0x2280, v0;
	v1 =	vld.idx.msk [tilespmem:v12+s10+$0x0], $0xffff  }
0x5d: {  	v18 =	vadd.s32 $0x2300, v0;
	v2 =	vld.idx.msk [tilespmem:v13+s10+$0x0], $0xffff  }
0x5e: {  	v19 =	vadd.s32 $0x2380, v0;
	v3 =	vld.idx.msk [tilespmem:v14+s10+$0x0], $0xffff  }
0x5f: {  	v4 =	vld.idx.msk [tilespmem:v15+s10+$0x0], $0xffff  }
0x60: {  	v5 =	vld.idx.msk [tilespmem:v16+s10+$0x0], $0xffff  }
0x61: {  	[dreg:$0x1e] =	wrdreg s6;
	s6 =	sor.u32 $0xB000, s1;
	v6 =	vld.idx.msk [tilespmem:v17+s10+$0x0], $0xffff  }
0x62: {  	s18 =	sor.u32 s0, s6;
	s11 =	sor.u32 $0xB080, s1;
	v7 =	vld.idx.msk [tilespmem:v18+s10+$0x0], $0xffff  }
0x63: {  	s19 =	sor.u32 s0, s11;
	s12 =	sor.u32 $0xB100, s1;
	v8 =	vld.idx.msk [tilespmem:v19+s10+$0x0], $0xffff;
	[tilespmem:s18+$0x0] =	vst v1  }
0x64: {  	s20 =	sor.u32 s0, s12;
	s14 =	sor.u32 $0xB180, s1;
	[tilespmem:s19+$0x0] =	vst v2  }
0x65: {  	s21 =	sor.u32 s0, s14;
	s17 =	sor.u32 $0xB200, s1;
	[tilespmem:s20+$0x0] =	vst v3  }
0x66: {  	v20 =	vadd.s32 $0x3000, v0;
	s23 =	sor.u32 s0, s17;
	s18 =	sor.u32 $0xB280, s1;
	[tilespmem:s21+$0x0] =	vst v4  }
0x67: {  	v21 =	vadd.s32 $0x3080, v0;
	s4 =	sor.u32 s0, s18;
	s20 =	sor.u32 $0xB300, s1;
	[tilespmem:s23+$0x0] =	vst v5  }
0x68: {  	v22 =	vadd.s32 $0x3100, v0;
	s25 =	sor.u32 s0, s20;
	s21 =	sor.u32 $0xB380, s1;
	[tilespmem:s4+$0x0] =	vst v6  }
0x69: {  	v23 =	vadd.s32 $0x3180, v0;
	s30 =	sor.u32 s0, s21;
	[tilespmem:s25+$0x0] =	vst v7  }
0x6a: {  	v24 =	vadd.s32 $0x3200, v0;
	[tilespmem:s30+$0x0] =	vst v8  }
0x6b: {  	v25 =	vadd.s32 $0x3280, v0;
	v1 =	vld.idx.msk [tilespmem:v20+s10+$0x0], $0xffff  }
0x6c: {  	v26 =	vadd.s32 $0x3300, v0;
	v2 =	vld.idx.msk [tilespmem:v21+s10+$0x0], $0xffff  }
0x6d: {  	v0 =	vadd.s32 $0x3380, v0;
	v3 =	vld.idx.msk [tilespmem:v22+s10+$0x0], $0xffff  }
0x6e: {  	v4 =	vld.idx.msk [tilespmem:v23+s10+$0x0], $0xffff  }
0x6f: {  	v5 =	vld.idx.msk [tilespmem:v24+s10+$0x0], $0xffff  }
0x70: {  	s23 =	sor.u32 $0xC000, s1;
	v6 =	vld.idx.msk [tilespmem:v25+s10+$0x0], $0xffff  }
0x71: {  	s31 =	sor.u32 $0xC080, s1;
	[dreg:$0x1c] =	wrdreg s5;
	s5 =	sor.u32 s0, s23;
	v7 =	vld.idx.msk [tilespmem:v26+s10+$0x0], $0xffff  }
0x72: {  	s19 =	sor.u32 s0, s31;
	v0 =	vld.idx.msk [tilespmem:v0+s10+$0x0], $0xffff;
	[tilespmem:s5+$0x0] =	vst v1;
	s5 =	smov.u32 s31;
	s31 =	sor.u32 $0xC100, s1  }
0x73: {  	s30 =	sor.u32 $0xC180, s1;
	[tilespmem:s19+$0x0] =	vst v2;
	s2 =	sor.u32 s0, s31  }
0x74: {  	s25 =	sor.u32 $0xC200, s1;
	s3 =	sor.u32 s0, s30;
	[tilespmem:s2+$0x0] =	vst v3  }
0x75: {  	s4 =	sor.u32 s0, s25;
	s2 =	sor.u32 $0xC280, s1;
	[tilespmem:s3+$0x0] =	vst v4;
	s3 =	sor.u32 $0xC300, s1  }
0x76: {  	[tilespmem:s4+$0x0] =	vst v5;
	s4 =	sor.u32 s0, s2;
	[smem:$0x7FA] =	sst s3  }
0x77: {  	s3 =	sor.u32 s0, s3;
	[tilespmem:s4+$0x0] =	vst v6;
	s4 =	sor.u32 $0xC380, s1;
	s1 =	sadd.s32 $0x10, s22  }
0x78: {  	[tilespmem:s3+$0x0] =	vst v7;
	s3 =	sor.u32 s0, s4;
	s0 =	sand.u32 $0x50, s1  }
0x79: {  	[dreg:$0x16] =	wrdreg s4;
	[tilespmem:s3+$0x0] =	vst v0;
	s4 =	sadd.s32 s0, s24  }
0x7a: {  	v0 =	vld [tilespmem:s4+$0x0];
	_ =	sdelay $0x4  }
0x7b: {  	v27 =	vshll.u32 v0, $0x3  }
0x7c: {  	v0 =	vand.u32 $0x7F, v0;
	v1 =	vand.u32 $0xFFFFFC00, v27  }
0x7d: {  	v0 =	vor.u32 v0, v1  }
0x7e: {  	v1 =	vor.u32 $0x80, v0  }
0x7f: {  	v28 =	vor.u32 $0x100, v0  }
0x80: {  	v29 =	vor.u32 $0x180, v0  }
0x81: {  	v30 =	vor.u32 $0x200, v0  }
0x82: {  	v31 =	vor.u32 $0x280, v0;
	v5 =	vld.idx.msk [tilespmem:v0+s10+$0x0], $0xffff  }
0x83: {  	v32 =	vor.u32 $0x300, v0;
	v1 =	vld.idx.msk [tilespmem:v1+s10+$0x0], $0xffff  }
0x84: {  	v33 =	vor.u32 $0x380, v0;
	v2 =	vld.idx.msk [tilespmem:v28+s10+$0x0], $0xffff  }
0x85: {  	v3 =	vld.idx.msk [tilespmem:v29+s10+$0x0], $0xffff  }
0x86: {  	v4 =	vld.idx.msk [tilespmem:v30+s10+$0x0], $0xffff  }
0x87: {  	s3 =	rddreg [dreg:$0x1a];
	v6 =	vld.idx.msk [tilespmem:v31+s10+$0x0], $0xffff  }
0x88: {  	[dreg:$0x14] =	wrdreg s24;
	s24 =	sand.u32 $0x7, s29;
	s4 =	sor.u32 s0, s3;
	v7 =	vld.idx.msk [tilespmem:v32+s10+$0x0], $0xffff  }
0x89: {  	s19 =	smov.u32 s2;
	[smem:$0x7FC] =	sst s2;
	s2 =	sshll.u32 s24, $0x4;
	v8 =	vld.idx.msk [tilespmem:v33+s10+$0x0], $0xffff;
	[tilespmem:s4+$0x0] =	vst v5  }
0x8a: {  	s2 =	sadd.s32 s26, s2;
	[tilespmem:s4+$0x80] =	vst v1  }
0x8b: {  	[dreg:$0x18] =	wrdreg s2;
	s2 =	sadd.s32 $0x10, s2;
	[tilespmem:s4+$0x100] =	vst v2  }
0x8c: {  	v34 =	vadd.s32 $0x1000, v0;
	[tilespmem:s4+$0x180] =	vst v3;
	s4 =	sor.u32 $0x200, s2  }
0x8d: {  	v35 =	vadd.s32 $0x1080, v0;
	[tilespmem:s4+$0x9000] =	vst v4;
	s4 =	sor.u32 $0x280, s2  }
0x8e: {  	s1 =	sor.u32 s1, s26;
	v36 =	vadd.s32 $0x1100, v0;
	s2 =	sor.u32 $0x300, s2;
	[tilespmem:s4+$0x9000] =	vst v6  }
0x8f: {  	s1 =	sor.u32 $0x380, s1;
	v37 =	vadd.s32 $0x1180, v0;
	[tilespmem:s2+$0x9000] =	vst v7  }
0x90: {  	v38 =	vadd.s32 $0x1200, v0;
	[tilespmem:s1+$0x9000] =	vst v8  }
0x91: {  	v39 =	vadd.s32 $0x1280, v0;
	v1 =	vld.idx.msk [tilespmem:v34+s10+$0x0], $0xffff  }
0x92: {  	v40 =	vadd.s32 $0x1300, v0;
	v2 =	vld.idx.msk [tilespmem:v35+s10+$0x0], $0xffff  }
0x93: {  	v41 =	vadd.s32 $0x1380, v0;
	v3 =	vld.idx.msk [tilespmem:v36+s10+$0x0], $0xffff  }
0x94: {  	v4 =	vld.idx.msk [tilespmem:v37+s10+$0x0], $0xffff  }
0x95: {  	[dreg:$0x12] =	wrdreg s29;
	v5 =	vld.idx.msk [tilespmem:v38+s10+$0x0], $0xffff  }
0x96: {  	s4 =	rddreg [dreg:$0x1c];
	v6 =	vld.idx.msk [tilespmem:v39+s10+$0x0], $0xffff  }
0x97: {  	s29 =	rddreg [dreg:$0x1e];
	s2 =	sor.u32 s0, s4;
	v7 =	vld.idx.msk [tilespmem:v40+s10+$0x0], $0xffff  }
0x98: {  	s24 =	sor.u32 s0, s29;
	v8 =	vld.idx.msk [tilespmem:v41+s10+$0x0], $0xffff;
	[tilespmem:s2+$0x0] =	vst v1  }
0x99: {  	s2 =	sor.u32 s0, s28;
	[tilespmem:s24+$0x0] =	vst v2  }
0x9a: {  	s24 =	sor.u32 s0, s15;
	[tilespmem:s2+$0x0] =	vst v3  }
0x9b: {  	v42 =	vadd.s32 $0x2000, v0;
	s2 =	sor.u32 s0, s16;
	[tilespmem:s24+$0x0] =	vst v4  }
0x9c: {  	v43 =	vadd.s32 $0x2080, v0;
	s24 =	sor.u32 s0, s9;
	[tilespmem:s2+$0x0] =	vst v5  }
0x9d: {  	v44 =	vadd.s32 $0x2100, v0;
	s2 =	sor.u32 s0, s8;
	[tilespmem:s24+$0x0] =	vst v6  }
0x9e: {  	v45 =	vadd.s32 $0x2180, v0;
	s24 =	sor.u32 s0, s7;
	[tilespmem:s2+$0x0] =	vst v7  }
0x9f: {  	v46 =	vadd.s32 $0x2200, v0;
	[tilespmem:s24+$0x0] =	vst v8  }
0xa0: {  	v47 =	vadd.s32 $0x2280, v0;
	v1 =	vld.idx.msk [tilespmem:v42+s10+$0x0], $0xffff  }
0xa1: {  	v48 =	vadd.s32 $0x2300, v0;
	v2 =	vld.idx.msk [tilespmem:v43+s10+$0x0], $0xffff  }
0xa2: {  	v49 =	vadd.s32 $0x2380, v0;
	v3 =	vld.idx.msk [tilespmem:v44+s10+$0x0], $0xffff  }
0xa3: {  	v4 =	vld.idx.msk [tilespmem:v45+s10+$0x0], $0xffff  }
0xa4: {  	v5 =	vld.idx.msk [tilespmem:v46+s10+$0x0], $0xffff  }
0xa5: {  	v6 =	vld.idx.msk [tilespmem:v47+s10+$0x0], $0xffff  }
0xa6: {  	s2 =	sor.u32 s0, s6;
	v7 =	vld.idx.msk [tilespmem:v48+s10+$0x0], $0xffff  }
0xa7: {  	s24 =	sor.u32 s0, s11;
	v8 =	vld.idx.msk [tilespmem:v49+s10+$0x0], $0xffff;
	[tilespmem:s2+$0x0] =	vst v1  }
0xa8: {  	s2 =	sor.u32 s0, s12;
	[tilespmem:s24+$0x0] =	vst v2  }
0xa9: {  	s24 =	sor.u32 s0, s14;
	[tilespmem:s2+$0x0] =	vst v3  }
0xaa: {  	v50 =	vadd.s32 $0x3000, v0;
	s2 =	sor.u32 s0, s17;
	[tilespmem:s24+$0x0] =	vst v4  }
0xab: {  	v51 =	vadd.s32 $0x3080, v0;
	s24 =	sor.u32 s0, s18;
	[tilespmem:s2+$0x0] =	vst v5  }
0xac: {  	v52 =	vadd.s32 $0x3100, v0;
	s2 =	sor.u32 s0, s20;
	[tilespmem:s24+$0x0] =	vst v6  }
0xad: {  	v53 =	vadd.s32 $0x3180, v0;
	s24 =	sor.u32 s0, s21;
	[tilespmem:s2+$0x0] =	vst v7  }
0xae: {  	v54 =	vadd.s32 $0x3200, v0;
	[tilespmem:s24+$0x0] =	vst v8  }
0xaf: {  	v55 =	vadd.s32 $0x3280, v0;
	v1 =	vld.idx.msk [tilespmem:v50+s10+$0x0], $0xffff  }
0xb0: {  	v56 =	vadd.s32 $0x3300, v0;
	v2 =	vld.idx.msk [tilespmem:v51+s10+$0x0], $0xffff  }
0xb1: {  	v0 =	vadd.s32 $0x3380, v0;
	v3 =	vld.idx.msk [tilespmem:v52+s10+$0x0], $0xffff  }
0xb2: {  	v4 =	vld.idx.msk [tilespmem:v53+s10+$0x0], $0xffff  }
0xb3: {  	v5 =	vld.idx.msk [tilespmem:v54+s10+$0x0], $0xffff  }
0xb4: {  	v6 =	vld.idx.msk [tilespmem:v55+s10+$0x0], $0xffff  }
0xb5: {  	s2 =	sor.u32 s0, s23;
	v7 =	vld.idx.msk [tilespmem:v56+s10+$0x0], $0xffff  }
0xb6: {  	s24 =	sor.u32 s0, s5;
	v0 =	vld.idx.msk [tilespmem:v0+s10+$0x0], $0xffff;
	[tilespmem:s2+$0x0] =	vst v1  }
0xb7: {  	s2 =	sor.u32 s0, s31;
	[tilespmem:s24+$0x0] =	vst v2  }
0xb8: {  	s24 =	sor.u32 s0, s30;
	[tilespmem:s2+$0x0] =	vst v3  }
0xb9: {  	[tilespmem:s24+$0x0] =	vst v4;
	s24 =	sor.u32 s0, s19;
	s19 =	sld [smem:$0x7FA]  }
0xba: {  	s2 =	sor.u32 s0, s25  }
0xbb: {  	[smem:$0x7FB] =	sst s25;
	[tilespmem:s2+$0x0] =	vst v5  }
0xbc: {  	s2 =	sadd.s32 $0x20, s22;
	[tilespmem:s24+$0x0] =	vst v6;
	s24 =	rddreg [dreg:$0x16];
	s25 =	sor.u32 s0, s19  }
0xbd: {  	s1 =	sor.u32 s0, s24;
	s0 =	sand.u32 $0x60, s2;
	[tilespmem:s25+$0x0] =	vst v7;
	s25 =	rddreg [dreg:$0x14]  }
0xbe: {  	[tilespmem:s1+$0x0] =	vst v0;
	s1 =	sadd.s32 s0, s25  }
0xbf: {  	v0 =	vld [tilespmem:s1+$0x0];
	_ =	sdelay $0x4  }
0xc0: {  	v57 =	vshll.u32 v0, $0x3  }
0xc1: {  	v0 =	vand.u32 $0x7F, v0;
	v1 =	vand.u32 $0xFFFFFC00, v57  }
0xc2: {  	v0 =	vor.u32 v0, v1  }
0xc3: {  	v1 =	vor.u32 $0x80, v0  }
0xc4: {  	v58 =	vor.u32 $0x100, v0  }
0xc5: {  	v59 =	vor.u32 $0x180, v0  }
0xc6: {  	v60 =	vor.u32 $0x200, v0  }
0xc7: {  	v61 =	vor.u32 $0x280, v0;
	v5 =	vld.idx.msk [tilespmem:v0+s10+$0x0], $0xffff  }
0xc8: {  	v62 =	vor.u32 $0x300, v0;
	v1 =	vld.idx.msk [tilespmem:v1+s10+$0x0], $0xffff  }
0xc9: {  	v63 =	vor.u32 $0x380, v0;
	v2 =	vld.idx.msk [tilespmem:v58+s10+$0x0], $0xffff  }
0xca: {  	v3 =	vld.idx.msk [tilespmem:v59+s10+$0x0], $0xffff  }
0xcb: {  	v4 =	vld.idx.msk [tilespmem:v60+s10+$0x0], $0xffff  }
0xcc: {  	s25 =	rddreg [dreg:$0x10];
	v6 =	vld.idx.msk [tilespmem:v61+s10+$0x0], $0xffff  }
0xcd: {  	s3 =	sor.u32 s0, s3;
	s24 =	sand.u32 $0x3, s25;
	v7 =	vld.idx.msk [tilespmem:v62+s10+$0x0], $0xffff  }
0xce: {  	s1 =	sshll.u32 s24, $0x5;
	v8 =	vld.idx.msk [tilespmem:v63+s10+$0x0], $0xffff;
	[tilespmem:s3+$0x0] =	vst v5  }
0xcf: {  	s1 =	sadd.s32 s26, s1;
	[tilespmem:s3+$0x80] =	vst v1  }
0xd0: {  	s1 =	sadd.s32 $0x20, s1;
	[tilespmem:s3+$0x100] =	vst v2  }
0xd1: {  	v11 =	vadd.s32 $0x1000, v0;
	[tilespmem:s3+$0x180] =	vst v3;
	s3 =	sor.u32 $0x200, s1  }
0xd2: {  	v12 =	vadd.s32 $0x1080, v0;
	[tilespmem:s3+$0x9000] =	vst v4;
	s3 =	sor.u32 $0x280, s1  }
0xd3: {  	s2 =	sor.u32 s2, s26;
	v13 =	vadd.s32 $0x1100, v0;
	s1 =	sor.u32 $0x300, s1;
	[tilespmem:s3+$0x9000] =	vst v6  }
0xd4: {  	s24 =	sor.u32 $0x380, s2;
	v14 =	vadd.s32 $0x1180, v0;
	[tilespmem:s1+$0x9000] =	vst v7  }
0xd5: {  	v15 =	vadd.s32 $0x1200, v0;
	[tilespmem:s24+$0x9000] =	vst v8  }
0xd6: {  	v16 =	vadd.s32 $0x1280, v0;
	v1 =	vld.idx.msk [tilespmem:v11+s10+$0x0], $0xffff  }
0xd7: {  	v17 =	vadd.s32 $0x1300, v0;
	v2 =	vld.idx.msk [tilespmem:v12+s10+$0x0], $0xffff  }
0xd8: {  	v18 =	vadd.s32 $0x1380, v0;
	v3 =	vld.idx.msk [tilespmem:v13+s10+$0x0], $0xffff  }
0xd9: {  	v4 =	vld.idx.msk [tilespmem:v14+s10+$0x0], $0xffff  }
0xda: {  	v5 =	vld.idx.msk [tilespmem:v15+s10+$0x0], $0xffff  }
0xdb: {  	v6 =	vld.idx.msk [tilespmem:v16+s10+$0x0], $0xffff  }
0xdc: {  	s2 =	sor.u32 s0, s4;
	v7 =	vld.idx.msk [tilespmem:v17+s10+$0x0], $0xffff  }
0xdd: {  	s3 =	sor.u32 s0, s29;
	v8 =	vld.idx.msk [tilespmem:v18+s10+$0x0], $0xffff;
	[tilespmem:s2+$0x0] =	vst v1  }
0xde: {  	s4 =	sor.u32 s0, s28;
	[tilespmem:s3+$0x0] =	vst v2  }
0xdf: {  	s24 =	sor.u32 s0, s15;
	[tilespmem:s4+$0x0] =	vst v3  }
0xe0: {  	v19 =	vadd.s32 $0x2000, v0;
	s2 =	sor.u32 s0, s16;
	[tilespmem:s24+$0x0] =	vst v4  }
0xe1: {  	v20 =	vadd.s32 $0x2080, v0;
	s3 =	sor.u32 s0, s9;
	[tilespmem:s2+$0x0] =	vst v5  }
0xe2: {  	v21 =	vadd.s32 $0x2100, v0;
	s4 =	sor.u32 s0, s8;
	[tilespmem:s3+$0x0] =	vst v6  }
0xe3: {  	v22 =	vadd.s32 $0x2180, v0;
	s24 =	sor.u32 s0, s7;
	[tilespmem:s4+$0x0] =	vst v7  }
0xe4: {  	v23 =	vadd.s32 $0x2200, v0;
	[tilespmem:s24+$0x0] =	vst v8  }
0xe5: {  	v24 =	vadd.s32 $0x2280, v0;
	v1 =	vld.idx.msk [tilespmem:v19+s10+$0x0], $0xffff  }
0xe6: {  	v25 =	vadd.s32 $0x2300, v0;
	v2 =	vld.idx.msk [tilespmem:v20+s10+$0x0], $0xffff  }
0xe7: {  	v26 =	vadd.s32 $0x2380, v0;
	v3 =	vld.idx.msk [tilespmem:v21+s10+$0x0], $0xffff  }
0xe8: {  	v4 =	vld.idx.msk [tilespmem:v22+s10+$0x0], $0xffff  }
0xe9: {  	v5 =	vld.idx.msk [tilespmem:v23+s10+$0x0], $0xffff  }
0xea: {  	v6 =	vld.idx.msk [tilespmem:v24+s10+$0x0], $0xffff  }
0xeb: {  	s2 =	sor.u32 s0, s6;
	v7 =	vld.idx.msk [tilespmem:v25+s10+$0x0], $0xffff  }
0xec: {  	s3 =	sor.u32 s0, s11;
	v8 =	vld.idx.msk [tilespmem:v26+s10+$0x0], $0xffff;
	[tilespmem:s2+$0x0] =	vst v1  }
0xed: {  	s4 =	sor.u32 s0, s12;
	[tilespmem:s3+$0x0] =	vst v2  }
0xee: {  	s24 =	sor.u32 s0, s14;
	[tilespmem:s4+$0x0] =	vst v3  }
0xef: {  	v27 =	vadd.s32 $0x3000, v0;
	s2 =	sor.u32 s0, s17;
	[tilespmem:s24+$0x0] =	vst v4  }
0xf0: {  	v28 =	vadd.s32 $0x3080, v0;
	s3 =	sor.u32 s0, s18;
	[tilespmem:s2+$0x0] =	vst v5  }
0xf1: {  	v29 =	vadd.s32 $0x3100, v0;
	s4 =	sor.u32 s0, s20;
	[tilespmem:s3+$0x0] =	vst v6  }
0xf2: {  	v30 =	vadd.s32 $0x3180, v0;
	s24 =	sor.u32 s0, s21;
	[tilespmem:s4+$0x0] =	vst v7  }
0xf3: {  	v31 =	vadd.s32 $0x3200, v0;
	[tilespmem:s24+$0x0] =	vst v8  }
0xf4: {  	v32 =	vadd.s32 $0x3280, v0;
	v1 =	vld.idx.msk [tilespmem:v27+s10+$0x0], $0xffff  }
0xf5: {  	v33 =	vadd.s32 $0x3300, v0;
	v2 =	vld.idx.msk [tilespmem:v28+s10+$0x0], $0xffff  }
0xf6: {  	v0 =	vadd.s32 $0x3380, v0;
	v3 =	vld.idx.msk [tilespmem:v29+s10+$0x0], $0xffff  }
0xf7: {  	v4 =	vld.idx.msk [tilespmem:v30+s10+$0x0], $0xffff  }
0xf8: {  	v5 =	vld.idx.msk [tilespmem:v31+s10+$0x0], $0xffff  }
0xf9: {  	v6 =	vld.idx.msk [tilespmem:v32+s10+$0x0], $0xffff  }
0xfa: {  	s2 =	sor.u32 s0, s23;
	v7 =	vld.idx.msk [tilespmem:v33+s10+$0x0], $0xffff  }
0xfb: {  	s3 =	sor.u32 s0, s5;
	v0 =	vld.idx.msk [tilespmem:v0+s10+$0x0], $0xffff;
	[tilespmem:s2+$0x0] =	vst v1  }
0xfc: {  	[smem:$0x7FD] =	sst s5;
	s4 =	sor.u32 s0, s31;
	[tilespmem:s3+$0x0] =	vst v2  }
0xfd: {  	s5 =	sor.u32 s0, s30;
	[tilespmem:s4+$0x0] =	vst v3;
	s4 =	sld [smem:$0x7FB]  }
0xfe: {  	[tilespmem:s5+$0x0] =	vst v4;
	s5 =	sld [smem:$0x7FC];
	_ =	sdelay $0x1  }
0xff: {  	s24 =	sor.u32 s0, s4  }
0x100: {  	[tilespmem:s24+$0x0] =	vst v5;
	s2 =	sor.u32 s0, s5  }
0x101: {  	s3 =	sor.u32 s0, s19;
	[tilespmem:s2+$0x0] =	vst v6  }
0x102: {  	[tilespmem:s3+$0x0] =	vst v7;
	s3 =	rddreg [dreg:$0x16]  }
0x103: {  	s2 =	sadd.s32 $0x30, s22;
	s24 =	sor.u32 s0, s3  }
0x104: {  	s0 =	sand.u32 $0x70, s2;
	[tilespmem:s24+$0x0] =	vst v0;
	s24 =	rddreg [dreg:$0x14]  }
0x105: {  	s1 =	sadd.s32 s0, s24  }
0x106: {  	v0 =	vld [tilespmem:s1+$0x0];
	_ =	sdelay $0x4  }
0x107: {  	v34 =	vshll.u32 v0, $0x3  }
0x108: {  	v0 =	vand.u32 $0x7F, v0;
	v1 =	vand.u32 $0xFFFFFC00, v34  }
0x109: {  	v0 =	vor.u32 v0, v1  }
0x10a: {  	v1 =	vor.u32 $0x80, v0  }
0x10b: {  	v35 =	vor.u32 $0x100, v0  }
0x10c: {  	v36 =	vor.u32 $0x180, v0  }
0x10d: {  	v37 =	vor.u32 $0x200, v0  }
0x10e: {  	v38 =	vor.u32 $0x280, v0;
	v5 =	vld.idx.msk [tilespmem:v0+s10+$0x0], $0xffff  }
0x10f: {  	v39 =	vor.u32 $0x300, v0;
	v1 =	vld.idx.msk [tilespmem:v1+s10+$0x0], $0xffff  }
0x110: {  	v40 =	vor.u32 $0x380, v0;
	v2 =	vld.idx.msk [tilespmem:v35+s10+$0x0], $0xffff  }
0x111: {  	v3 =	vld.idx.msk [tilespmem:v36+s10+$0x0], $0xffff  }
0x112: {  	v4 =	vld.idx.msk [tilespmem:v37+s10+$0x0], $0xffff  }
0x113: {  	s24 =	rddreg [dreg:$0x1a];
	v6 =	vld.idx.msk [tilespmem:v38+s10+$0x0], $0xffff  }
0x114: {  	s1 =	sor.u32 s0, s24;
	v7 =	vld.idx.msk [tilespmem:v39+s10+$0x0], $0xffff  }
0x115: {  	v8 =	vld.idx.msk [tilespmem:v40+s10+$0x0], $0xffff;
	[tilespmem:s1+$0x0] =	vst v5  }
0x116: {  	s24 =	rddreg [dreg:$0x18];
	[tilespmem:s1+$0x80] =	vst v1  }
0x117: {  	s24 =	sadd.s32 $0x30, s24;
	[tilespmem:s1+$0x100] =	vst v2  }
0x118: {  	v41 =	vadd.s32 $0x1000, v0;
	[tilespmem:s1+$0x180] =	vst v3;
	s1 =	sor.u32 $0x200, s24  }
0x119: {  	v42 =	vadd.s32 $0x1080, v0;
	[tilespmem:s1+$0x9000] =	vst v4;
	s1 =	sor.u32 $0x280, s24  }
0x11a: {  	s2 =	sor.u32 s2, s26;
	v43 =	vadd.s32 $0x1100, v0;
	s24 =	sor.u32 $0x300, s24;
	[tilespmem:s1+$0x9000] =	vst v6  }
0x11b: {  	v44 =	vadd.s32 $0x1180, v0;
	[tilespmem:s24+$0x9000] =	vst v7;
	s24 =	sor.u32 $0x380, s2  }
0x11c: {  	v45 =	vadd.s32 $0x1200, v0;
	[tilespmem:s24+$0x9000] =	vst v8  }
0x11d: {  	v46 =	vadd.s32 $0x1280, v0;
	v1 =	vld.idx.msk [tilespmem:v41+s10+$0x0], $0xffff  }
0x11e: {  	v47 =	vadd.s32 $0x1300, v0;
	v2 =	vld.idx.msk [tilespmem:v42+s10+$0x0], $0xffff  }
0x11f: {  	v48 =	vadd.s32 $0x1380, v0;
	v3 =	vld.idx.msk [tilespmem:v43+s10+$0x0], $0xffff  }
0x120: {  	v4 =	vld.idx.msk [tilespmem:v44+s10+$0x0], $0xffff  }
0x121: {  	v5 =	vld.idx.msk [tilespmem:v45+s10+$0x0], $0xffff  }
0x122: {  	s2 =	rddreg [dreg:$0x1c];
	v6 =	vld.idx.msk [tilespmem:v46+s10+$0x0], $0xffff  }
0x123: {  	s1 =	sor.u32 s0, s2;
	v7 =	vld.idx.msk [tilespmem:v47+s10+$0x0], $0xffff  }
0x124: {  	s24 =	sor.u32 s0, s29;
	v8 =	vld.idx.msk [tilespmem:v48+s10+$0x0], $0xffff;
	[tilespmem:s1+$0x0] =	vst v1  }
0x125: {  	s2 =	sor.u32 s0, s28;
	[tilespmem:s24+$0x0] =	vst v2  }
0x126: {  	s15 =	sor.u32 s0, s15;
	[tilespmem:s2+$0x0] =	vst v3  }
0x127: {  	v49 =	vadd.s32 $0x2000, v0;
	s24 =	sor.u32 s0, s16;
	[tilespmem:s15+$0x0] =	vst v4  }
0x128: {  	v50 =	vadd.s32 $0x2080, v0;
	s28 =	sor.u32 s0, s9;
	[tilespmem:s24+$0x0] =	vst v5  }
0x129: {  	v51 =	vadd.s32 $0x2100, v0;
	s2 =	sor.u32 s0, s8;
	[tilespmem:s28+$0x0] =	vst v6  }
0x12a: {  	v52 =	vadd.s32 $0x2180, v0;
	s8 =	sor.u32 s0, s7;
	[tilespmem:s2+$0x0] =	vst v7  }
0x12b: {  	v53 =	vadd.s32 $0x2200, v0;
	[tilespmem:s8+$0x0] =	vst v8  }
0x12c: {  	v54 =	vadd.s32 $0x2280, v0;
	v1 =	vld.idx.msk [tilespmem:v49+s10+$0x0], $0xffff  }
0x12d: {  	v55 =	vadd.s32 $0x2300, v0;
	v2 =	vld.idx.msk [tilespmem:v50+s10+$0x0], $0xffff  }
0x12e: {  	v56 =	vadd.s32 $0x2380, v0;
	v3 =	vld.idx.msk [tilespmem:v51+s10+$0x0], $0xffff  }
0x12f: {  	v4 =	vld.idx.msk [tilespmem:v52+s10+$0x0], $0xffff  }
0x130: {  	v5 =	vld.idx.msk [tilespmem:v53+s10+$0x0], $0xffff  }
0x131: {  	v6 =	vld.idx.msk [tilespmem:v54+s10+$0x0], $0xffff  }
0x132: {  	s9 =	sor.u32 s0, s6;
	v7 =	vld.idx.msk [tilespmem:v55+s10+$0x0], $0xffff  }
0x133: {  	s11 =	sor.u32 s0, s11;
	v8 =	vld.idx.msk [tilespmem:v56+s10+$0x0], $0xffff;
	[tilespmem:s9+$0x0] =	vst v1  }
0x134: {  	s12 =	sor.u32 s0, s12;
	[tilespmem:s11+$0x0] =	vst v2  }
0x135: {  	s14 =	sor.u32 s0, s14;
	[tilespmem:s12+$0x0] =	vst v3  }
0x136: {  	v57 =	vadd.s32 $0x3000, v0;
	s15 =	sor.u32 s0, s17;
	[tilespmem:s14+$0x0] =	vst v4  }
0x137: {  	v58 =	vadd.s32 $0x3080, v0;
	s16 =	sor.u32 s0, s18;
	[tilespmem:s15+$0x0] =	vst v5  }
0x138: {  	v59 =	vadd.s32 $0x3100, v0;
	s17 =	sor.u32 s0, s20;
	[tilespmem:s16+$0x0] =	vst v6  }
0x139: {  	v60 =	vadd.s32 $0x3180, v0;
	s18 =	sor.u32 s0, s21;
	[tilespmem:s17+$0x0] =	vst v7  }
0x13a: {  	v61 =	vadd.s32 $0x3200, v0;
	[tilespmem:s18+$0x0] =	vst v8  }
0x13b: {  	v62 =	vadd.s32 $0x3280, v0;
	v1 =	vld.idx.msk [tilespmem:v57+s10+$0x0], $0xffff  }
0x13c: {  	v63 =	vadd.s32 $0x3300, v0;
	v2 =	vld.idx.msk [tilespmem:v58+s10+$0x0], $0xffff  }
0x13d: {  	v0 =	vadd.s32 $0x3380, v0;
	v3 =	vld.idx.msk [tilespmem:v59+s10+$0x0], $0xffff  }
0x13e: {  	v4 =	vld.idx.msk [tilespmem:v60+s10+$0x0], $0xffff  }
0x13f: {  	s21 =	sld [smem:$0x7FD];
	v5 =	vld.idx.msk [tilespmem:v61+s10+$0x0], $0xffff  }
0x140: {  	v6 =	vld.idx.msk [tilespmem:v62+s10+$0x0], $0xffff  }
0x141: {  	s20 =	sor.u32 s0, s23;
	v7 =	vld.idx.msk [tilespmem:v63+s10+$0x0], $0xffff  }
0x142: {  	s1 =	sor.u32 s0, s21;
	v0 =	vld.idx.msk [tilespmem:v0+s10+$0x0], $0xffff;
	[tilespmem:s20+$0x0] =	vst v1  }
0x143: {  	s23 =	sor.u32 s0, s31;
	[tilespmem:s1+$0x0] =	vst v2  }
0x144: {  	p1 =	sne.s32 s26, $0xE00;
	s24 =	sor.u32 s0, s30;
	[tilespmem:s23+$0x0] =	vst v3  }
.Ltmp5:
0x145: {  	s28 =	sor.u32 s0, s4;
	[tilespmem:s24+$0x0] =	vst v4;
	(pc) =	sbr.rel @p1 .LBB2_4-.Ltmp5, $4  }
0x146: {  	s25 =	sadd.s32 $0x2, s25;
	s30 =	sor.u32 s0, s5;
	[tilespmem:s28+$0x0] =	vst v5  }
0x147: {  	[dreg:$0x10] =	wrdreg s25;
	s31 =	sor.u32 s0, s19;
	[tilespmem:s30+$0x0] =	vst v6  }
0x148: {  	p0 =	por !p0, !p0;
	s29 =	rddreg [dreg:$0x12];
	s0 =	sor.u32 s0, s3;
	[tilespmem:s31+$0x0] =	vst v7  }
0x149: {  	s22 =	sadd.s32 $0x40, s22;
	s26 =	sadd.s32 $0x200, s26;
	s29 =	sadd.s32 $0x4, s29;
	[tilespmem:s0+$0x0] =	vst v0  }
0x14a: {  	s0 =	rddreg [dreg:$0xf]  }
0x14b: {  	s31 =	rddreg [dreg:$0xc]  }
0x14c: {  	s1 =	rddreg [dreg:$0xd];
	s0 =	sshll.u32 s0, $0xC;
	p0 =	seq.s32 s31, $0x0  }
.Ltmp6:
0x14d: {  	s28 =	rddreg [dreg:$0x6];
	s0 =	sor.u32 s1, s0;
	(pc) =	sbr.rel @p0 .LBB2_9-.Ltmp6, $4  }
0x14e: {  	s0 =	sor.u32 s28, s0  }
0x14f: {  	s29 =	rddreg [dreg:$0x2];
	s30 =	simm.s32 $0x0;
	s0 =	sshll.u32 s0, $0x6  }
0x150: {  	s2 =	simm.s32 $0x9000;
	s3 =	rddreg [dreg:$0xb];
	s0 =	sadd.s32 s29, s0  }
0x151: {  	[hbm4b:s0+s30] =	stream.linear.scatter [tilespmem:s2], [sflag:$0x3], $0x4000, $0x38;
	[tilespmem:$0x11000] =	vst v63  }
.LBB2_6:
0x152: {  	p0 =	slt.u32 s3, $0x2  }
0x153: {  	s0 =	simm.s32 @!p0 $0x4  }
0x154: {  	p1 =	seq.s32 @!p0 s3, $0x1F;
	_ =	swait.ge @!p0 [sflag:s0], $0x4000  }
0x155: {  	p1 =	por p0, !p1;
	[sflag:s0] =	ssyncset.done @!p0 $0x0  }
0x156: {  	[sflag:s0] =	ssyncadd.s32 @!p0 $0xFFFFC000;
	s0 =	sadd.s32 @p1 $0x1, s3  }
0x157: {  	s1 =	sshll.u32 @p1 s0, $0x5;
	s0 =	sshll.u32 @p1 s0, $0xA  }
0x158: {  	s29 =	simm.s32 $0x2;
	s1 =	sand.u32 @p1 $0x60, s1;
	s0 =	sand.u32 @p1 $0xF000, s0  }
0x159: {  	s30 =	sshll.u32 s3, $0x7;
	s0 =	sor.u32 @p1 s1, s0;
	s1 =	rddreg @p1 [dreg:$0x6]  }
0x15a: {  	s2 =	sshrl.u32 s3, $0x2;
	s21 =	simm.s32 $0x0;
	s0 =	sor.u32 @p1 s1, s0  }
0x15b: {  	s31 =	simm.s32 $0x0;
	s1 =	rddreg @p1 [dreg:$0x0];
	s0 =	sshll.u32 @p1 s0, $0x6  }
0x15c: {  	s26 =	simm.s32 $0x0;
	s0 =	sadd.s32 @p1 s1, s0;
	s1 =	simm.s32 @p1 $0x0  }
0x15d: {  	[tilespmem:s10], [sflag:$0x1] =	stream.linear.gather @p1 [hbm4b:s0+s1], $0x4000, $0x38;
	[tilespmem:$0x11000] =	vst v63  }
0x15e: {  	s0 =	sand.u32 $0x3FFFFE00, s30;
	_ =	swait.ge [sflag:s29], $0x4000;
	[dreg:$0xe] =	wrdreg s2  }
0x15f: {  	s24 =	simm.s32 $0x0;
	[dreg:$0x5] =	wrdreg s0;
	[sflag:s29] =	ssyncset.done $0x0  }
0x160: {  	p0 =	por $0x0, $0x0;
	[dreg:$0x11] =	wrdreg s31;
	[sflag:s29] =	ssyncadd.s32 $0xFFFFC000  }
.LBB2_7:
0x161: {  	s1 =	rddreg [dreg:$0x5];
	s2 =	sand.u32 $0x180, s21  }
0x162: {  	s0 =	sand.u32 $0x40, s21;
	s22 =	sadd.s32 s2, s1  }
0x163: {  	s1 =	sadd.s32 s0, s22  }
0x164: {  	v0 =	vld [tilespmem:s1+$0x0];
	_ =	sdelay $0x4  }
0x165: {  	v1 =	vshll.u32 v0, $0x3  }
0x166: {  	v0 =	vand.u32 $0x7F, v0;
	v1 =	vand.u32 $0xFFFFFC00, v1  }
0x167: {  	v0 =	vor.u32 v0, v1  }
0x168: {  	v1 =	vor.u32 $0x80, v0  }
0x169: {  	v2 =	vor.u32 $0x100, v0  }
0x16a: {  	v3 =	vor.u32 $0x180, v0  }
0x16b: {  	v4 =	vor.u32 $0x200, v0  }
0x16c: {  	v6 =	vor.u32 $0x280, v0;
	v5 =	vld.idx.msk [tilespmem:v0+s13+$0x0], $0xffff  }
0x16d: {  	v7 =	vor.u32 $0x300, v0;
	v1 =	vld.idx.msk [tilespmem:v1+s13+$0x0], $0xffff  }
0x16e: {  	v8 =	vor.u32 $0x380, v0;
	v2 =	vld.idx.msk [tilespmem:v2+s13+$0x0], $0xffff  }
0x16f: {  	v3 =	vld.idx.msk [tilespmem:v3+s13+$0x0], $0xffff  }
0x170: {  	s1 =	sand.u32 $0xC00, s24;
	v4 =	vld.idx.msk [tilespmem:v4+s13+$0x0], $0xffff  }
0x171: {  	s3 =	sor.u32 $0xD000, s1;
	v6 =	vld.idx.msk [tilespmem:v6+s13+$0x0], $0xffff  }
0x172: {  	s2 =	simm.s32 $0x1;
	[dreg:$0x1b] =	wrdreg s3;
	s3 =	sor.u32 s0, s3;
	v7 =	vld.idx.msk [tilespmem:v7+s13+$0x0], $0xffff  }
0x173: {  	s2 =	simm.s32 @!p0 $0x0;
	v8 =	vld.idx.msk [tilespmem:v8+s13+$0x0], $0xffff;
	[tilespmem:s3+$0x0] =	vst v5  }
0x174: {  	s2 =	sshll.u32 s2, $0x6;
	[tilespmem:s3+$0x80] =	vst v1  }
0x175: {  	s2 =	sadd.s32 s2, s24;
	[tilespmem:s3+$0x100] =	vst v2  }
0x176: {  	s28 =	sor.u32 $0x200, s2;
	v56 =	vadd.s32 $0x1000, v0;
	[tilespmem:s3+$0x180] =	vst v3  }
0x177: {  	s29 =	sor.u32 $0x280, s2;
	v57 =	vadd.s32 $0x1080, v0;
	[tilespmem:s28+$0xD000] =	vst v4  }
0x178: {  	s30 =	sor.u32 s21, s24;
	s2 =	sor.u32 $0x300, s2;
	v58 =	vadd.s32 $0x1100, v0;
	[tilespmem:s29+$0xD000] =	vst v6  }
0x179: {  	s31 =	sor.u32 $0x380, s30;
	v59 =	vadd.s32 $0x1180, v0;
	[tilespmem:s2+$0xD000] =	vst v7  }
0x17a: {  	v60 =	vadd.s32 $0x1200, v0;
	[tilespmem:s31+$0xD000] =	vst v8  }
0x17b: {  	v61 =	vadd.s32 $0x1280, v0;
	v1 =	vld.idx.msk [tilespmem:v56+s13+$0x0], $0xffff  }
0x17c: {  	v62 =	vadd.s32 $0x1300, v0;
	v2 =	vld.idx.msk [tilespmem:v57+s13+$0x0], $0xffff  }
0x17d: {  	v63 =	vadd.s32 $0x1380, v0;
	v3 =	vld.idx.msk [tilespmem:v58+s13+$0x0], $0xffff  }
0x17e: {  	v4 =	vld.idx.msk [tilespmem:v59+s13+$0x0], $0xffff  }
0x17f: {  	v5 =	vld.idx.msk [tilespmem:v60+s13+$0x0], $0xffff  }
0x180: {  	s3 =	sor.u32 $0xE000, s1;
	v6 =	vld.idx.msk [tilespmem:v61+s13+$0x0], $0xffff  }
0x181: {  	s4 =	sor.u32 $0xE080, s1;
	s2 =	sor.u32 s0, s3;
	v7 =	vld.idx.msk [tilespmem:v62+s13+$0x0], $0xffff  }
0x182: {  	s25 =	sor.u32 $0xE100, s1;
	s5 =	sor.u32 s0, s4;
	v8 =	vld.idx.msk [tilespmem:v63+s13+$0x0], $0xffff;
	[tilespmem:s2+$0x0] =	vst v1  }
0x183: {  	s15 =	sor.u32 $0xE180, s1;
	s6 =	sor.u32 s0, s25;
	[tilespmem:s5+$0x0] =	vst v2  }
0x184: {  	s16 =	sor.u32 $0xE200, s1;
	s7 =	sor.u32 s0, s15;
	[tilespmem:s6+$0x0] =	vst v3  }
0x185: {  	s9 =	sor.u32 $0xE280, s1;
	s8 =	sor.u32 s0, s16;
	v12 =	vadd.s32 $0x2000, v0;
	[tilespmem:s7+$0x0] =	vst v4  }
0x186: {  	s11 =	sor.u32 s0, s9;
	v13 =	vadd.s32 $0x2080, v0;
	[tilespmem:s8+$0x0] =	vst v5;
	s8 =	sor.u32 $0xE300, s1  }
0x187: {  	v14 =	vadd.s32 $0x2100, v0;
	s7 =	sor.u32 $0xE380, s1;
	[tilespmem:s11+$0x0] =	vst v6;
	s12 =	sor.u32 s0, s8  }
0x188: {  	v15 =	vadd.s32 $0x2180, v0;
	s14 =	sor.u32 s0, s7;
	[tilespmem:s12+$0x0] =	vst v7  }
0x189: {  	v16 =	vadd.s32 $0x2200, v0;
	[tilespmem:s14+$0x0] =	vst v8  }
0x18a: {  	v17 =	vadd.s32 $0x2280, v0;
	v1 =	vld.idx.msk [tilespmem:v12+s13+$0x0], $0xffff  }
0x18b: {  	v18 =	vadd.s32 $0x2300, v0;
	v2 =	vld.idx.msk [tilespmem:v13+s13+$0x0], $0xffff  }
0x18c: {  	v19 =	vadd.s32 $0x2380, v0;
	v3 =	vld.idx.msk [tilespmem:v14+s13+$0x0], $0xffff  }
0x18d: {  	v4 =	vld.idx.msk [tilespmem:v15+s13+$0x0], $0xffff  }
0x18e: {  	v5 =	vld.idx.msk [tilespmem:v16+s13+$0x0], $0xffff  }
0x18f: {  	s6 =	sor.u32 $0xF000, s1;
	v6 =	vld.idx.msk [tilespmem:v17+s13+$0x0], $0xffff  }
0x190: {  	s17 =	sor.u32 s0, s6;
	s11 =	sor.u32 $0xF080, s1;
	v7 =	vld.idx.msk [tilespmem:v18+s13+$0x0], $0xffff  }
0x191: {  	s18 =	sor.u32 s0, s11;
	s12 =	sor.u32 $0xF100, s1;
	v8 =	vld.idx.msk [tilespmem:v19+s13+$0x0], $0xffff;
	[tilespmem:s17+$0x0] =	vst v1  }
0x192: {  	s19 =	sor.u32 s0, s12;
	s14 =	sor.u32 $0xF180, s1;
	[tilespmem:s18+$0x0] =	vst v2  }
0x193: {  	s20 =	sor.u32 s0, s14;
	s17 =	sor.u32 $0xF200, s1;
	[tilespmem:s19+$0x0] =	vst v3  }
0x194: {  	v20 =	vadd.s32 $0x3000, v0;
	s23 =	sor.u32 s0, s17;
	s18 =	sor.u32 $0xF280, s1;
	[tilespmem:s20+$0x0] =	vst v4  }
0x195: {  	[dreg:$0x1f] =	wrdreg s4;
	v21 =	vadd.s32 $0x3080, v0;
	s4 =	sor.u32 s0, s18;
	s20 =	sor.u32 $0xF300, s1;
	[tilespmem:s23+$0x0] =	vst v5  }
0x196: {  	v22 =	vadd.s32 $0x3100, v0;
	s29 =	sor.u32 $0xF380, s1;
	s28 =	sor.u32 s0, s20;
	[tilespmem:s4+$0x0] =	vst v6  }
0x197: {  	v23 =	vadd.s32 $0x3180, v0;
	s30 =	sor.u32 s0, s29;
	[tilespmem:s28+$0x0] =	vst v7  }
0x198: {  	v24 =	vadd.s32 $0x3200, v0;
	[tilespmem:s30+$0x0] =	vst v8  }
0x199: {  	v25 =	vadd.s32 $0x3280, v0;
	v1 =	vld.idx.msk [tilespmem:v20+s13+$0x0], $0xffff  }
0x19a: {  	v26 =	vadd.s32 $0x3300, v0;
	v2 =	vld.idx.msk [tilespmem:v21+s13+$0x0], $0xffff  }
0x19b: {  	v0 =	vadd.s32 $0x3380, v0;
	v3 =	vld.idx.msk [tilespmem:v22+s13+$0x0], $0xffff  }
0x19c: {  	v4 =	vld.idx.msk [tilespmem:v23+s13+$0x0], $0xffff  }
0x19d: {  	v5 =	vld.idx.msk [tilespmem:v24+s13+$0x0], $0xffff  }
0x19e: {  	s30 =	sor.u32 $0x10000, s1;
	v6 =	vld.idx.msk [tilespmem:v25+s13+$0x0], $0xffff  }
0x19f: {  	s31 =	sor.u32 $0x10080, s1;
	v7 =	vld.idx.msk [tilespmem:v26+s13+$0x0], $0xffff;
	s5 =	sor.u32 s0, s30  }
0x1a0: {  	s19 =	sor.u32 s0, s31;
	v0 =	vld.idx.msk [tilespmem:v0+s13+$0x0], $0xffff;
	[tilespmem:s5+$0x0] =	vst v1;
	s5 =	smov.u32 s31;
	s31 =	sor.u32 $0x10100, s1  }
0x1a1: {  	s28 =	sor.u32 $0x10180, s1;
	[tilespmem:s19+$0x0] =	vst v2;
	s2 =	sor.u32 s0, s31  }
0x1a2: {  	[dreg:$0x1d] =	wrdreg s3;
	s23 =	sor.u32 $0x10200, s1;
	s3 =	sor.u32 s0, s28;
	[tilespmem:s2+$0x0] =	vst v3  }
0x1a3: {  	s4 =	sor.u32 s0, s23;
	s2 =	sor.u32 $0x10280, s1;
	[tilespmem:s3+$0x0] =	vst v4;
	s3 =	sor.u32 $0x10300, s1  }
0x1a4: {  	[tilespmem:s4+$0x0] =	vst v5;
	s4 =	sor.u32 s0, s2;
	[smem:$0x7F6] =	sst s3  }
0x1a5: {  	s3 =	sor.u32 s0, s3;
	[tilespmem:s4+$0x0] =	vst v6;
	s4 =	sor.u32 $0x10380, s1;
	s1 =	sadd.s32 $0x10, s21  }
0x1a6: {  	[tilespmem:s3+$0x0] =	vst v7;
	s3 =	sor.u32 s0, s4;
	s0 =	sand.u32 $0x50, s1  }
0x1a7: {  	[dreg:$0x17] =	wrdreg s4;
	[tilespmem:s3+$0x0] =	vst v0;
	s4 =	sadd.s32 s0, s22  }
0x1a8: {  	v0 =	vld [tilespmem:s4+$0x0];
	_ =	sdelay $0x4  }
0x1a9: {  	v27 =	vshll.u32 v0, $0x3  }
0x1aa: {  	v0 =	vand.u32 $0x7F, v0;
	v1 =	vand.u32 $0xFFFFFC00, v27  }
0x1ab: {  	v0 =	vor.u32 v0, v1  }
0x1ac: {  	v1 =	vor.u32 $0x80, v0  }
0x1ad: {  	v28 =	vor.u32 $0x100, v0  }
0x1ae: {  	v29 =	vor.u32 $0x180, v0  }
0x1af: {  	v30 =	vor.u32 $0x200, v0  }
0x1b0: {  	v31 =	vor.u32 $0x280, v0;
	v5 =	vld.idx.msk [tilespmem:v0+s13+$0x0], $0xffff  }
0x1b1: {  	v32 =	vor.u32 $0x300, v0;
	v1 =	vld.idx.msk [tilespmem:v1+s13+$0x0], $0xffff  }
0x1b2: {  	v33 =	vor.u32 $0x380, v0;
	v2 =	vld.idx.msk [tilespmem:v28+s13+$0x0], $0xffff  }
0x1b3: {  	v3 =	vld.idx.msk [tilespmem:v29+s13+$0x0], $0xffff  }
0x1b4: {  	[dreg:$0x13] =	wrdreg s26;
	v4 =	vld.idx.msk [tilespmem:v30+s13+$0x0], $0xffff  }
0x1b5: {  	s3 =	rddreg [dreg:$0x1b];
	v6 =	vld.idx.msk [tilespmem:v31+s13+$0x0], $0xffff  }
0x1b6: {  	[dreg:$0x15] =	wrdreg s22;
	s22 =	sand.u32 $0x7, s26;
	s26 =	sor.u32 s0, s3;
	v7 =	vld.idx.msk [tilespmem:v32+s13+$0x0], $0xffff  }
0x1b7: {  	s19 =	smov.u32 s2;
	[smem:$0x7F8] =	sst s2;
	s2 =	sshll.u32 s22, $0x4;
	v8 =	vld.idx.msk [tilespmem:v33+s13+$0x0], $0xffff;
	[tilespmem:s26+$0x0] =	vst v5  }
0x1b8: {  	s2 =	sadd.s32 s24, s2;
	[tilespmem:s26+$0x80] =	vst v1  }
0x1b9: {  	[dreg:$0x19] =	wrdreg s2;
	s2 =	sadd.s32 $0x10, s2;
	[tilespmem:s26+$0x100] =	vst v2  }
0x1ba: {  	s4 =	sor.u32 $0x200, s2;
	v34 =	vadd.s32 $0x1000, v0;
	[tilespmem:s26+$0x180] =	vst v3  }
0x1bb: {  	v35 =	vadd.s32 $0x1080, v0;
	s26 =	sor.u32 $0x280, s2;
	[tilespmem:s4+$0xD000] =	vst v4  }
0x1bc: {  	s1 =	sor.u32 s1, s24;
	v36 =	vadd.s32 $0x1100, v0;
	s2 =	sor.u32 $0x300, s2;
	[tilespmem:s26+$0xD000] =	vst v6  }
0x1bd: {  	s1 =	sor.u32 $0x380, s1;
	v37 =	vadd.s32 $0x1180, v0;
	[tilespmem:s2+$0xD000] =	vst v7  }
0x1be: {  	v38 =	vadd.s32 $0x1200, v0;
	[tilespmem:s1+$0xD000] =	vst v8  }
0x1bf: {  	v39 =	vadd.s32 $0x1280, v0;
	v1 =	vld.idx.msk [tilespmem:v34+s13+$0x0], $0xffff  }
0x1c0: {  	v40 =	vadd.s32 $0x1300, v0;
	v2 =	vld.idx.msk [tilespmem:v35+s13+$0x0], $0xffff  }
0x1c1: {  	v41 =	vadd.s32 $0x1380, v0;
	v3 =	vld.idx.msk [tilespmem:v36+s13+$0x0], $0xffff  }
0x1c2: {  	v4 =	vld.idx.msk [tilespmem:v37+s13+$0x0], $0xffff  }
0x1c3: {  	v5 =	vld.idx.msk [tilespmem:v38+s13+$0x0], $0xffff  }
0x1c4: {  	s4 =	rddreg [dreg:$0x1d];
	v6 =	vld.idx.msk [tilespmem:v39+s13+$0x0], $0xffff  }
0x1c5: {  	s26 =	rddreg [dreg:$0x1f];
	s2 =	sor.u32 s0, s4;
	v7 =	vld.idx.msk [tilespmem:v40+s13+$0x0], $0xffff  }
0x1c6: {  	s22 =	sor.u32 s0, s26;
	v8 =	vld.idx.msk [tilespmem:v41+s13+$0x0], $0xffff;
	[tilespmem:s2+$0x0] =	vst v1  }
0x1c7: {  	s2 =	sor.u32 s0, s25;
	[tilespmem:s22+$0x0] =	vst v2  }
0x1c8: {  	s22 =	sor.u32 s0, s15;
	[tilespmem:s2+$0x0] =	vst v3  }
0x1c9: {  	v42 =	vadd.s32 $0x2000, v0;
	s2 =	sor.u32 s0, s16;
	[tilespmem:s22+$0x0] =	vst v4  }
0x1ca: {  	v43 =	vadd.s32 $0x2080, v0;
	s22 =	sor.u32 s0, s9;
	[tilespmem:s2+$0x0] =	vst v5  }
0x1cb: {  	v44 =	vadd.s32 $0x2100, v0;
	s2 =	sor.u32 s0, s8;
	[tilespmem:s22+$0x0] =	vst v6  }
0x1cc: {  	v45 =	vadd.s32 $0x2180, v0;
	s22 =	sor.u32 s0, s7;
	[tilespmem:s2+$0x0] =	vst v7  }
0x1cd: {  	v46 =	vadd.s32 $0x2200, v0;
	[tilespmem:s22+$0x0] =	vst v8  }
0x1ce: {  	v47 =	vadd.s32 $0x2280, v0;
	v1 =	vld.idx.msk [tilespmem:v42+s13+$0x0], $0xffff  }
0x1cf: {  	v48 =	vadd.s32 $0x2300, v0;
	v2 =	vld.idx.msk [tilespmem:v43+s13+$0x0], $0xffff  }
0x1d0: {  	v49 =	vadd.s32 $0x2380, v0;
	v3 =	vld.idx.msk [tilespmem:v44+s13+$0x0], $0xffff  }
0x1d1: {  	v4 =	vld.idx.msk [tilespmem:v45+s13+$0x0], $0xffff  }
0x1d2: {  	v5 =	vld.idx.msk [tilespmem:v46+s13+$0x0], $0xffff  }
0x1d3: {  	v6 =	vld.idx.msk [tilespmem:v47+s13+$0x0], $0xffff  }
0x1d4: {  	s2 =	sor.u32 s0, s6;
	v7 =	vld.idx.msk [tilespmem:v48+s13+$0x0], $0xffff  }
0x1d5: {  	s22 =	sor.u32 s0, s11;
	v8 =	vld.idx.msk [tilespmem:v49+s13+$0x0], $0xffff;
	[tilespmem:s2+$0x0] =	vst v1  }
0x1d6: {  	s2 =	sor.u32 s0, s12;
	[tilespmem:s22+$0x0] =	vst v2  }
0x1d7: {  	s22 =	sor.u32 s0, s14;
	[tilespmem:s2+$0x0] =	vst v3  }
0x1d8: {  	v50 =	vadd.s32 $0x3000, v0;
	s2 =	sor.u32 s0, s17;
	[tilespmem:s22+$0x0] =	vst v4  }
0x1d9: {  	v51 =	vadd.s32 $0x3080, v0;
	s22 =	sor.u32 s0, s18;
	[tilespmem:s2+$0x0] =	vst v5  }
0x1da: {  	v52 =	vadd.s32 $0x3100, v0;
	s2 =	sor.u32 s0, s20;
	[tilespmem:s22+$0x0] =	vst v6  }
0x1db: {  	v53 =	vadd.s32 $0x3180, v0;
	s22 =	sor.u32 s0, s29;
	[tilespmem:s2+$0x0] =	vst v7  }
0x1dc: {  	v54 =	vadd.s32 $0x3200, v0;
	[tilespmem:s22+$0x0] =	vst v8  }
0x1dd: {  	v55 =	vadd.s32 $0x3280, v0;
	v1 =	vld.idx.msk [tilespmem:v50+s13+$0x0], $0xffff  }
0x1de: {  	v56 =	vadd.s32 $0x3300, v0;
	v2 =	vld.idx.msk [tilespmem:v51+s13+$0x0], $0xffff  }
0x1df: {  	v0 =	vadd.s32 $0x3380, v0;
	v3 =	vld.idx.msk [tilespmem:v52+s13+$0x0], $0xffff  }
0x1e0: {  	v4 =	vld.idx.msk [tilespmem:v53+s13+$0x0], $0xffff  }
0x1e1: {  	v5 =	vld.idx.msk [tilespmem:v54+s13+$0x0], $0xffff  }
0x1e2: {  	v6 =	vld.idx.msk [tilespmem:v55+s13+$0x0], $0xffff  }
0x1e3: {  	s2 =	sor.u32 s0, s30;
	v7 =	vld.idx.msk [tilespmem:v56+s13+$0x0], $0xffff  }
0x1e4: {  	s22 =	sor.u32 s0, s5;
	v0 =	vld.idx.msk [tilespmem:v0+s13+$0x0], $0xffff;
	[tilespmem:s2+$0x0] =	vst v1  }
0x1e5: {  	s2 =	sor.u32 s0, s31;
	[tilespmem:s22+$0x0] =	vst v2  }
0x1e6: {  	s22 =	sor.u32 s0, s28;
	[tilespmem:s2+$0x0] =	vst v3  }
0x1e7: {  	[tilespmem:s22+$0x0] =	vst v4;
	s22 =	sor.u32 s0, s19;
	s19 =	sld [smem:$0x7F6]  }
0x1e8: {  	s2 =	sor.u32 s0, s23  }
0x1e9: {  	[smem:$0x7F7] =	sst s23;
	[tilespmem:s2+$0x0] =	vst v5  }
0x1ea: {  	s2 =	sadd.s32 $0x20, s21;
	[tilespmem:s22+$0x0] =	vst v6;
	s22 =	rddreg [dreg:$0x17];
	s23 =	sor.u32 s0, s19  }
0x1eb: {  	s1 =	sor.u32 s0, s22;
	s0 =	sand.u32 $0x60, s2;
	[tilespmem:s23+$0x0] =	vst v7;
	s23 =	rddreg [dreg:$0x15]  }
0x1ec: {  	[tilespmem:s1+$0x0] =	vst v0;
	s1 =	sadd.s32 s0, s23  }
0x1ed: {  	v0 =	vld [tilespmem:s1+$0x0];
	_ =	sdelay $0x4  }
0x1ee: {  	v57 =	vshll.u32 v0, $0x3  }
0x1ef: {  	v0 =	vand.u32 $0x7F, v0;
	v1 =	vand.u32 $0xFFFFFC00, v57  }
0x1f0: {  	v0 =	vor.u32 v0, v1  }
0x1f1: {  	v1 =	vor.u32 $0x80, v0  }
0x1f2: {  	v58 =	vor.u32 $0x100, v0  }
0x1f3: {  	v59 =	vor.u32 $0x180, v0  }
0x1f4: {  	v60 =	vor.u32 $0x200, v0  }
0x1f5: {  	v61 =	vor.u32 $0x280, v0;
	v5 =	vld.idx.msk [tilespmem:v0+s13+$0x0], $0xffff  }
0x1f6: {  	v62 =	vor.u32 $0x300, v0;
	v1 =	vld.idx.msk [tilespmem:v1+s13+$0x0], $0xffff  }
0x1f7: {  	v63 =	vor.u32 $0x380, v0;
	v2 =	vld.idx.msk [tilespmem:v58+s13+$0x0], $0xffff  }
0x1f8: {  	v3 =	vld.idx.msk [tilespmem:v59+s13+$0x0], $0xffff  }
0x1f9: {  	v4 =	vld.idx.msk [tilespmem:v60+s13+$0x0], $0xffff  }
0x1fa: {  	s23 =	rddreg [dreg:$0x11];
	v6 =	vld.idx.msk [tilespmem:v61+s13+$0x0], $0xffff  }
0x1fb: {  	s3 =	sor.u32 s0, s3;
	s22 =	sand.u32 $0x3, s23;
	v7 =	vld.idx.msk [tilespmem:v62+s13+$0x0], $0xffff  }
0x1fc: {  	s1 =	sshll.u32 s22, $0x5;
	v8 =	vld.idx.msk [tilespmem:v63+s13+$0x0], $0xffff;
	[tilespmem:s3+$0x0] =	vst v5  }
0x1fd: {  	s1 =	sadd.s32 s24, s1;
	[tilespmem:s3+$0x80] =	vst v1  }
0x1fe: {  	s1 =	sadd.s32 $0x20, s1;
	[tilespmem:s3+$0x100] =	vst v2  }
0x1ff: {  	v11 =	vadd.s32 $0x1000, v0;
	[tilespmem:s3+$0x180] =	vst v3;
	s3 =	sor.u32 $0x200, s1  }
0x200: {  	v12 =	vadd.s32 $0x1080, v0;
	[tilespmem:s3+$0xD000] =	vst v4;
	s3 =	sor.u32 $0x280, s1  }
0x201: {  	s2 =	sor.u32 s2, s24;
	v13 =	vadd.s32 $0x1100, v0;
	s1 =	sor.u32 $0x300, s1;
	[tilespmem:s3+$0xD000] =	vst v6  }
0x202: {  	s22 =	sor.u32 $0x380, s2;
	v14 =	vadd.s32 $0x1180, v0;
	[tilespmem:s1+$0xD000] =	vst v7  }
0x203: {  	v15 =	vadd.s32 $0x1200, v0;
	[tilespmem:s22+$0xD000] =	vst v8  }
0x204: {  	v16 =	vadd.s32 $0x1280, v0;
	v1 =	vld.idx.msk [tilespmem:v11+s13+$0x0], $0xffff  }
0x205: {  	v17 =	vadd.s32 $0x1300, v0;
	v2 =	vld.idx.msk [tilespmem:v12+s13+$0x0], $0xffff  }
0x206: {  	v18 =	vadd.s32 $0x1380, v0;
	v3 =	vld.idx.msk [tilespmem:v13+s13+$0x0], $0xffff  }
0x207: {  	v4 =	vld.idx.msk [tilespmem:v14+s13+$0x0], $0xffff  }
0x208: {  	v5 =	vld.idx.msk [tilespmem:v15+s13+$0x0], $0xffff  }
0x209: {  	v6 =	vld.idx.msk [tilespmem:v16+s13+$0x0], $0xffff  }
0x20a: {  	s2 =	sor.u32 s0, s4;
	v7 =	vld.idx.msk [tilespmem:v17+s13+$0x0], $0xffff  }
0x20b: {  	s3 =	sor.u32 s0, s26;
	v8 =	vld.idx.msk [tilespmem:v18+s13+$0x0], $0xffff;
	[tilespmem:s2+$0x0] =	vst v1  }
0x20c: {  	s4 =	sor.u32 s0, s25;
	[tilespmem:s3+$0x0] =	vst v2  }
0x20d: {  	s22 =	sor.u32 s0, s15;
	[tilespmem:s4+$0x0] =	vst v3  }
0x20e: {  	v19 =	vadd.s32 $0x2000, v0;
	s2 =	sor.u32 s0, s16;
	[tilespmem:s22+$0x0] =	vst v4  }
0x20f: {  	v20 =	vadd.s32 $0x2080, v0;
	s3 =	sor.u32 s0, s9;
	[tilespmem:s2+$0x0] =	vst v5  }
0x210: {  	v21 =	vadd.s32 $0x2100, v0;
	s4 =	sor.u32 s0, s8;
	[tilespmem:s3+$0x0] =	vst v6  }
0x211: {  	v22 =	vadd.s32 $0x2180, v0;
	s22 =	sor.u32 s0, s7;
	[tilespmem:s4+$0x0] =	vst v7  }
0x212: {  	v23 =	vadd.s32 $0x2200, v0;
	[tilespmem:s22+$0x0] =	vst v8  }
0x213: {  	v24 =	vadd.s32 $0x2280, v0;
	v1 =	vld.idx.msk [tilespmem:v19+s13+$0x0], $0xffff  }
0x214: {  	v25 =	vadd.s32 $0x2300, v0;
	v2 =	vld.idx.msk [tilespmem:v20+s13+$0x0], $0xffff  }
0x215: {  	v26 =	vadd.s32 $0x2380, v0;
	v3 =	vld.idx.msk [tilespmem:v21+s13+$0x0], $0xffff  }
0x216: {  	v4 =	vld.idx.msk [tilespmem:v22+s13+$0x0], $0xffff  }
0x217: {  	v5 =	vld.idx.msk [tilespmem:v23+s13+$0x0], $0xffff  }
0x218: {  	v6 =	vld.idx.msk [tilespmem:v24+s13+$0x0], $0xffff  }
0x219: {  	s2 =	sor.u32 s0, s6;
	v7 =	vld.idx.msk [tilespmem:v25+s13+$0x0], $0xffff  }
0x21a: {  	s3 =	sor.u32 s0, s11;
	v8 =	vld.idx.msk [tilespmem:v26+s13+$0x0], $0xffff;
	[tilespmem:s2+$0x0] =	vst v1  }
0x21b: {  	s4 =	sor.u32 s0, s12;
	[tilespmem:s3+$0x0] =	vst v2  }
0x21c: {  	s22 =	sor.u32 s0, s14;
	[tilespmem:s4+$0x0] =	vst v3  }
0x21d: {  	v27 =	vadd.s32 $0x3000, v0;
	s2 =	sor.u32 s0, s17;
	[tilespmem:s22+$0x0] =	vst v4  }
0x21e: {  	v28 =	vadd.s32 $0x3080, v0;
	s3 =	sor.u32 s0, s18;
	[tilespmem:s2+$0x0] =	vst v5  }
0x21f: {  	v29 =	vadd.s32 $0x3100, v0;
	s4 =	sor.u32 s0, s20;
	[tilespmem:s3+$0x0] =	vst v6  }
0x220: {  	v30 =	vadd.s32 $0x3180, v0;
	s22 =	sor.u32 s0, s29;
	[tilespmem:s4+$0x0] =	vst v7  }
0x221: {  	v31 =	vadd.s32 $0x3200, v0;
	[tilespmem:s22+$0x0] =	vst v8  }
0x222: {  	v32 =	vadd.s32 $0x3280, v0;
	v1 =	vld.idx.msk [tilespmem:v27+s13+$0x0], $0xffff  }
0x223: {  	v33 =	vadd.s32 $0x3300, v0;
	v2 =	vld.idx.msk [tilespmem:v28+s13+$0x0], $0xffff  }
0x224: {  	v0 =	vadd.s32 $0x3380, v0;
	v3 =	vld.idx.msk [tilespmem:v29+s13+$0x0], $0xffff  }
0x225: {  	v4 =	vld.idx.msk [tilespmem:v30+s13+$0x0], $0xffff  }
0x226: {  	v5 =	vld.idx.msk [tilespmem:v31+s13+$0x0], $0xffff  }
0x227: {  	v6 =	vld.idx.msk [tilespmem:v32+s13+$0x0], $0xffff  }
0x228: {  	s2 =	sor.u32 s0, s30;
	v7 =	vld.idx.msk [tilespmem:v33+s13+$0x0], $0xffff  }
0x229: {  	s3 =	sor.u32 s0, s5;
	v0 =	vld.idx.msk [tilespmem:v0+s13+$0x0], $0xffff;
	[tilespmem:s2+$0x0] =	vst v1  }
0x22a: {  	[smem:$0x7F9] =	sst s5;
	s4 =	sor.u32 s0, s31;
	[tilespmem:s3+$0x0] =	vst v2  }
0x22b: {  	s5 =	sor.u32 s0, s28;
	[tilespmem:s4+$0x0] =	vst v3;
	s4 =	sld [smem:$0x7F7]  }
0x22c: {  	[tilespmem:s5+$0x0] =	vst v4;
	s5 =	sld [smem:$0x7F8];
	_ =	sdelay $0x1  }
0x22d: {  	s22 =	sor.u32 s0, s4  }
0x22e: {  	[tilespmem:s22+$0x0] =	vst v5;
	s2 =	sor.u32 s0, s5  }
0x22f: {  	s3 =	sor.u32 s0, s19;
	[tilespmem:s2+$0x0] =	vst v6  }
0x230: {  	[tilespmem:s3+$0x0] =	vst v7;
	s3 =	rddreg [dreg:$0x17]  }
0x231: {  	s2 =	sadd.s32 $0x30, s21;
	s22 =	sor.u32 s0, s3  }
0x232: {  	s0 =	sand.u32 $0x70, s2;
	[tilespmem:s22+$0x0] =	vst v0;
	s22 =	rddreg [dreg:$0x15]  }
0x233: {  	s1 =	sadd.s32 s0, s22  }
0x234: {  	v0 =	vld [tilespmem:s1+$0x0];
	_ =	sdelay $0x4  }
0x235: {  	v34 =	vshll.u32 v0, $0x3  }
0x236: {  	v0 =	vand.u32 $0x7F, v0;
	v1 =	vand.u32 $0xFFFFFC00, v34  }
0x237: {  	v0 =	vor.u32 v0, v1  }
0x238: {  	v1 =	vor.u32 $0x80, v0  }
0x239: {  	v35 =	vor.u32 $0x100, v0  }
0x23a: {  	v36 =	vor.u32 $0x180, v0  }
0x23b: {  	v37 =	vor.u32 $0x200, v0  }
0x23c: {  	v38 =	vor.u32 $0x280, v0;
	v5 =	vld.idx.msk [tilespmem:v0+s13+$0x0], $0xffff  }
0x23d: {  	v39 =	vor.u32 $0x300, v0;
	v1 =	vld.idx.msk [tilespmem:v1+s13+$0x0], $0xffff  }
0x23e: {  	v40 =	vor.u32 $0x380, v0;
	v2 =	vld.idx.msk [tilespmem:v35+s13+$0x0], $0xffff  }
0x23f: {  	v3 =	vld.idx.msk [tilespmem:v36+s13+$0x0], $0xffff  }
0x240: {  	v4 =	vld.idx.msk [tilespmem:v37+s13+$0x0], $0xffff  }
0x241: {  	s22 =	rddreg [dreg:$0x1b];
	v6 =	vld.idx.msk [tilespmem:v38+s13+$0x0], $0xffff  }
0x242: {  	s1 =	sor.u32 s0, s22;
	v7 =	vld.idx.msk [tilespmem:v39+s13+$0x0], $0xffff  }
0x243: {  	v8 =	vld.idx.msk [tilespmem:v40+s13+$0x0], $0xffff;
	[tilespmem:s1+$0x0] =	vst v5  }
0x244: {  	s22 =	rddreg [dreg:$0x19];
	[tilespmem:s1+$0x80] =	vst v1  }
0x245: {  	s22 =	sadd.s32 $0x30, s22;
	[tilespmem:s1+$0x100] =	vst v2  }
0x246: {  	v41 =	vadd.s32 $0x1000, v0;
	[tilespmem:s1+$0x180] =	vst v3;
	s1 =	sor.u32 $0x200, s22  }
0x247: {  	v42 =	vadd.s32 $0x1080, v0;
	[tilespmem:s1+$0xD000] =	vst v4;
	s1 =	sor.u32 $0x280, s22  }
0x248: {  	s2 =	sor.u32 s2, s24;
	v43 =	vadd.s32 $0x1100, v0;
	s22 =	sor.u32 $0x300, s22;
	[tilespmem:s1+$0xD000] =	vst v6  }
0x249: {  	s2 =	sor.u32 $0x380, s2;
	v44 =	vadd.s32 $0x1180, v0;
	[tilespmem:s22+$0xD000] =	vst v7  }
0x24a: {  	v45 =	vadd.s32 $0x1200, v0;
	[tilespmem:s2+$0xD000] =	vst v8  }
0x24b: {  	v46 =	vadd.s32 $0x1280, v0;
	v1 =	vld.idx.msk [tilespmem:v41+s13+$0x0], $0xffff  }
0x24c: {  	v47 =	vadd.s32 $0x1300, v0;
	v2 =	vld.idx.msk [tilespmem:v42+s13+$0x0], $0xffff  }
0x24d: {  	v48 =	vadd.s32 $0x1380, v0;
	v3 =	vld.idx.msk [tilespmem:v43+s13+$0x0], $0xffff  }
0x24e: {  	v4 =	vld.idx.msk [tilespmem:v44+s13+$0x0], $0xffff  }
0x24f: {  	v5 =	vld.idx.msk [tilespmem:v45+s13+$0x0], $0xffff  }
0x250: {  	s22 =	rddreg [dreg:$0x1d];
	v6 =	vld.idx.msk [tilespmem:v46+s13+$0x0], $0xffff  }
0x251: {  	s1 =	sor.u32 s0, s22;
	v7 =	vld.idx.msk [tilespmem:v47+s13+$0x0], $0xffff  }
0x252: {  	s26 =	sor.u32 s0, s26;
	v8 =	vld.idx.msk [tilespmem:v48+s13+$0x0], $0xffff;
	[tilespmem:s1+$0x0] =	vst v1  }
0x253: {  	s2 =	sor.u32 s0, s25;
	[tilespmem:s26+$0x0] =	vst v2  }
0x254: {  	s22 =	sor.u32 s0, s15;
	[tilespmem:s2+$0x0] =	vst v3  }
0x255: {  	v49 =	vadd.s32 $0x2000, v0;
	s25 =	sor.u32 s0, s16;
	[tilespmem:s22+$0x0] =	vst v4  }
0x256: {  	v50 =	vadd.s32 $0x2080, v0;
	s26 =	sor.u32 s0, s9;
	[tilespmem:s25+$0x0] =	vst v5  }
0x257: {  	v51 =	vadd.s32 $0x2100, v0;
	s2 =	sor.u32 s0, s8;
	[tilespmem:s26+$0x0] =	vst v6  }
0x258: {  	v52 =	vadd.s32 $0x2180, v0;
	s8 =	sor.u32 s0, s7;
	[tilespmem:s2+$0x0] =	vst v7  }
0x259: {  	v53 =	vadd.s32 $0x2200, v0;
	[tilespmem:s8+$0x0] =	vst v8  }
0x25a: {  	v54 =	vadd.s32 $0x2280, v0;
	v1 =	vld.idx.msk [tilespmem:v49+s13+$0x0], $0xffff  }
0x25b: {  	v55 =	vadd.s32 $0x2300, v0;
	v2 =	vld.idx.msk [tilespmem:v50+s13+$0x0], $0xffff  }
0x25c: {  	v56 =	vadd.s32 $0x2380, v0;
	v3 =	vld.idx.msk [tilespmem:v51+s13+$0x0], $0xffff  }
0x25d: {  	v4 =	vld.idx.msk [tilespmem:v52+s13+$0x0], $0xffff  }
0x25e: {  	v5 =	vld.idx.msk [tilespmem:v53+s13+$0x0], $0xffff  }
0x25f: {  	v6 =	vld.idx.msk [tilespmem:v54+s13+$0x0], $0xffff  }
0x260: {  	s9 =	sor.u32 s0, s6;
	v7 =	vld.idx.msk [tilespmem:v55+s13+$0x0], $0xffff  }
0x261: {  	s11 =	sor.u32 s0, s11;
	v8 =	vld.idx.msk [tilespmem:v56+s13+$0x0], $0xffff;
	[tilespmem:s9+$0x0] =	vst v1  }
0x262: {  	s12 =	sor.u32 s0, s12;
	[tilespmem:s11+$0x0] =	vst v2  }
0x263: {  	s14 =	sor.u32 s0, s14;
	[tilespmem:s12+$0x0] =	vst v3  }
0x264: {  	v57 =	vadd.s32 $0x3000, v0;
	s15 =	sor.u32 s0, s17;
	[tilespmem:s14+$0x0] =	vst v4  }
0x265: {  	v58 =	vadd.s32 $0x3080, v0;
	s16 =	sor.u32 s0, s18;
	[tilespmem:s15+$0x0] =	vst v5  }
0x266: {  	v59 =	vadd.s32 $0x3100, v0;
	s17 =	sor.u32 s0, s20;
	[tilespmem:s16+$0x0] =	vst v6  }
0x267: {  	v60 =	vadd.s32 $0x3180, v0;
	s18 =	sor.u32 s0, s29;
	[tilespmem:s17+$0x0] =	vst v7  }
0x268: {  	v61 =	vadd.s32 $0x3200, v0;
	[tilespmem:s18+$0x0] =	vst v8  }
0x269: {  	v62 =	vadd.s32 $0x3280, v0;
	v1 =	vld.idx.msk [tilespmem:v57+s13+$0x0], $0xffff  }
0x26a: {  	v63 =	vadd.s32 $0x3300, v0;
	v2 =	vld.idx.msk [tilespmem:v58+s13+$0x0], $0xffff  }
0x26b: {  	v0 =	vadd.s32 $0x3380, v0;
	v3 =	vld.idx.msk [tilespmem:v59+s13+$0x0], $0xffff  }
0x26c: {  	v4 =	vld.idx.msk [tilespmem:v60+s13+$0x0], $0xffff  }
0x26d: {  	s22 =	sld [smem:$0x7F9];
	v5 =	vld.idx.msk [tilespmem:v61+s13+$0x0], $0xffff  }
0x26e: {  	v6 =	vld.idx.msk [tilespmem:v62+s13+$0x0], $0xffff  }
0x26f: {  	s20 =	sor.u32 s0, s30;
	v7 =	vld.idx.msk [tilespmem:v63+s13+$0x0], $0xffff  }
0x270: {  	s1 =	sor.u32 s0, s22;
	v0 =	vld.idx.msk [tilespmem:v0+s13+$0x0], $0xffff;
	[tilespmem:s20+$0x0] =	vst v1  }
0x271: {  	s25 =	sor.u32 s0, s31;
	[tilespmem:s1+$0x0] =	vst v2  }
0x272: {  	p1 =	sne.s32 s24, $0xE00;
	s26 =	sor.u32 s0, s28;
	[tilespmem:s25+$0x0] =	vst v3  }
.Ltmp7:
0x273: {  	s28 =	sor.u32 s0, s4;
	[tilespmem:s26+$0x0] =	vst v4;
	(pc) =	sbr.rel @p1 .LBB2_7-.Ltmp7, $4  }
0x274: {  	s23 =	sadd.s32 $0x2, s23;
	s29 =	sor.u32 s0, s5;
	[tilespmem:s28+$0x0] =	vst v5  }
0x275: {  	[dreg:$0x11] =	wrdreg s23;
	s30 =	sor.u32 s0, s19;
	[tilespmem:s29+$0x0] =	vst v6  }
0x276: {  	p0 =	por !p0, !p0;
	s31 =	rddreg [dreg:$0x13];
	s0 =	sor.u32 s0, s3;
	[tilespmem:s30+$0x0] =	vst v7  }
0x277: {  	s21 =	sadd.s32 $0x40, s21;
	s24 =	sadd.s32 $0x200, s24;
	s26 =	sadd.s32 $0x4, s31;
	[tilespmem:s0+$0x0] =	vst v0  }
0x278: {  	s3 =	rddreg [dreg:$0xb]  }
0x279: {  	s1 =	rddreg [dreg:$0xe];
	s0 =	sshll.u32 s3, $0x5  }
0x27a: {  	s1 =	sshll.u32 s1, $0xC;
	s0 =	sand.u32 $0x60, s0  }
.Ltmp8:
0x27b: {  	s29 =	rddreg [dreg:$0x6];
	s0 =	sor.u32 s0, s1;
	(pc) =	sbr.rel .LBB2_9-.Ltmp8, $4  }
0x27c: {  	s0 =	sor.u32 s29, s0  }
0x27d: {  	s30 =	rddreg [dreg:$0x2];
	s0 =	sshll.u32 s0, $0x6  }
0x27e: {  	s31 =	simm.s32 $0x0;
	s2 =	simm.s32 $0xD000;
	s0 =	sadd.s32 s30, s0  }
0x27f: {  	[hbm4b:s0+s31] =	stream.linear.scatter [tilespmem:s2], [sflag:$0x4], $0x4000, $0x38;
	[tilespmem:$0x11000] =	vst v63  }
.LBB2_11:
0x280: {  	_ =	sfence.sel $0x180000  }
0x281: {  	[bflag:$0x0] =	sbarrier.arrive $0xFFFF  }
0x282: {  	_ =	strace $0x90000047  }
0x283: {  	s0 =	stileid.u32;
	[bflag:$0x2] =	sbarrier.arrive $0xFFFF  }
0x284: {  	p0 =	sne.s32 s0, $0x0;
	s0 =	rddreg [dreg:$0x3]  }
0x285: {  	s0 =	sadd.s32 @!p0 $0x100000, s0  }
0x286: {  	[sflag:s0] =	ssyncadd.tile.s32 @!p0 $0x1;
	_ =	shalt  }
.Lfunc_end2:
_tile_overlayer_lowered:
.L_overlay_start_2:
0x287: {  	(tag) =	ssettag $0x2  }
0x288: {  	s0 =	rddreg [dreg:$0x0];
	s2 =	stileid.u32  }
0x289: {  	s1 =	rddreg [dreg:$0x1];
	p0 =	sne.s32 s2, $0x0  }
0x28a: {  	s3 =	rddreg [dreg:$0x2];
	[bflag:$0x3] =	sbarrier.arrive $0xFFFF;
	s2 =	simm.s32 @!p0 $0x1C05  }
0x28b: {  	[timem:s3], [sflag:s2] =	dma.local @!p0 [hbm:s0], s1  }
0x28c: {  	s0 =	simm.s32 @!p0 $0x5  }
0x28d: {  	_ =	swait.ge @!p0 [sflag:s0], s1  }
0x28e: {  	s1 =	ssub.s32 @!p0 $0x0, s1;
	[sflag:s0] =	ssyncset.done @!p0 $0x0  }
0x28f: {  	[sflag:s0] =	ssyncadd.s32 @!p0 s1  }
0x290: {  	[bflag:$0x3] =	sbarrier.arrive $0xFFFF  }
0x291: {  	_ =	shalt  }

</sc_bundles>
